<compile_context>
chip_gen: v7x
topology: tpu7x:2x2x1
jax: 0.10.2.dev20260603
libtpu: 0.0.44.dev20260713+nightly
codegen_flags: <defaults>
</compile_context>

<pallas_src>
import jax
import jax.numpy as jnp
from jax import lax
from jax.experimental import pallas as pl
from jax.experimental.pallas import tpu as pltpu
from jax.experimental.pallas import tpu_sc as plsc

N = 20000
NP = 20480
NT = NP // 16
LANE = 16
CT = NT // LANE
UNROLL = 4
SB = CT // UNROLL
K = 100
KP = 128
KC = KP // LANE
SIGMA = 0.5
MIN_SCORE = 0.001
VOTING_THRESH = 0.75
NEG = -1e30
NEGINF = -3e38
BIGI = 2**30


def _nms_body(starts_h, ends_h, scores_h, cls_h,
              vox_h, voy_h, scout_h, clsout_h,
              s_v, e_v, ln_v, so_v, wk0, wk1, wk2, wk3, cl_v,
              pub_v, tmp_v, vote_v, vtmp_v,
              selsc_v, selcl_v, vx_v, vy_v, fsc_v,
              vox_st, voy_st, scout_st, clsout_st, rsem,
              shared_pub_a, shared_pub_b, shared_vote):
    c = lax.axis_index("c")
    s = lax.axis_index("s")
    base = s * NT
    lane = lax.broadcasted_iota(jnp.int32, (LANE,), 0)
    lane0 = lane == 0

    pltpu.sync_copy(starts_h.at[pl.ds(base, NT)], s_v)
    pltpu.sync_copy(ends_h.at[pl.ds(base, NT)], e_v)
    pltpu.sync_copy(scores_h.at[pl.ds(base, NT)], so_v)
    wks = (wk0, wk1, wk2, wk3)
    NSB = SB * LANE
    for u in range(UNROLL):
        pltpu.sync_copy(scores_h.at[pl.ds(base + u * NSB, NSB)], wks[u])
    pltpu.sync_copy(cls_h.at[pl.ds(base, NT)], cl_v)

    def len_body(ci, carry):
        ln_v[pl.ds(ci * LANE, LANE)] = (e_v[pl.ds(ci * LANE, LANE)]
                                        - s_v[pl.ds(ci * LANE, LANE)])
        return carry
    lax.fori_loop(0, CT, len_body, 0)

    def amax_body(ci, bc):
        out = []
        for u in range(UNROLL):
            bv0, bi0 = bc[u]
            v = wks[u][pl.ds(ci * LANE, LANE)]
            m = v > bv0
            out.append((jnp.where(m, v, bv0),
                        jnp.where(m, u * NSB + ci * LANE + lane, bi0)))
        return tuple(out)
    acc_init = lax.fori_loop(
        0, SB, amax_body,
        tuple((jnp.full((LANE,), NEGINF, jnp.float32),
               jnp.zeros((LANE,), jnp.int32)) for _ in range(UNROLL)))
    bvm, bim = acc_init[0]
    for u in range(1, UNROLL):
        bvu, biu = acc_init[u]
        gt0 = bvu > bvm
        eq0 = bvu == bvm
        bim = jnp.where(gt0, biu,
                        jnp.where(eq0, jnp.minimum(bim, biu), bim))
        bvm = jnp.where(gt0, bvu, bvm)
    def publish(bv, bi, pub_ref):
        lmax = jnp.max(bv)
        li = jnp.min(jnp.where(bv == lmax, bi, BIGI))
        liv = jnp.full((LANE,), li, jnp.int32)
        cst = plsc.load_gather(s_v, [liv])
        cen = plsc.load_gather(e_v, [liv])
        ccl = plsc.load_gather(cl_v, [liv])
        gi = li + base
        pv = jnp.where(
            lane == 0, plsc.bitcast(jnp.full((LANE,), lmax, jnp.float32),
                                    jnp.int32),
            jnp.where(lane == 1, jnp.full((LANE,), gi, jnp.int32),
            jnp.where(lane == 2, plsc.bitcast(cst, jnp.int32),
            jnp.where(lane == 3, plsc.bitcast(cen, jnp.int32),
            jnp.where(lane == 4, ccl, 0)))))
        pub_v[...] = pv
        pltpu.sync_copy(pub_v.at[pl.ds(0, 8)], pub_ref.at[s])

    publish(bvm, bim, shared_pub_a)
    plsc.subcore_barrier()

    def step_half(t, buf_read, buf_write, pending):
        cp = pltpu.async_copy(buf_read, tmp_v, rsem)
        aw_p, ax_p, ay_p = pending
        tvp = jnp.full((LANE,), jnp.maximum(t - 1, 0), jnp.int32)
        z16 = jnp.zeros((LANE,), jnp.int32)
        plsc.store_scatter(vote_v, [z16, tvp],
                           jnp.full((LANE,), jnp.sum(aw_p), jnp.float32),
                           mask=lane0)
        plsc.store_scatter(vote_v, [z16 + 1, tvp],
                           jnp.full((LANE,), jnp.sum(ax_p), jnp.float32),
                           mask=lane0)
        plsc.store_scatter(vote_v, [z16 + 2, tvp],
                           jnp.full((LANE,), jnp.sum(ay_p), jnp.float32),
                           mask=lane0)
        cp.wait()

        def col(rv, j):
            return plsc.load_gather(
                tmp_v, [rv, jnp.full((LANE,), j, jnp.int32)])
        vals = plsc.bitcast(col(lane, 0), jnp.float32)
        GV = jnp.max(vals)
        rv = plsc.all_reduce_ffs(vals == GV)
        GIv = col(rv, 1)
        SSv = plsc.bitcast(col(rv, 2), jnp.float32)
        SEv = plsc.bitcast(col(rv, 3), jnp.float32)
        SCLv = col(rv, 4)
        tv = jnp.full((LANE,), t, jnp.int32)
        plsc.store_scatter(selsc_v, [tv],
                           jnp.full((LANE,), GV, jnp.float32), mask=lane0)
        plsc.store_scatter(selcl_v, [tv], SCLv, mask=lane0)

        sel_lenv = SEv - SSv
        ownv = (GIv >= base) & (GIv < base + NT)
        jlv = GIv - base
        for u in range(UNROLL):
            mu = (lane0 & ownv & (jlv >= u * NSB)
                  & (jlv < (u + 1) * NSB))
            plsc.store_scatter(
                wks[u], [jnp.clip(jlv - u * NSB, 0, NSB - 1)],
                jnp.full((LANE,), NEG, jnp.float32), mask=mu)


        def dec_body(ci, acc):
            out = []
            for u in range(UNROLL):
                aw, ax, ay, nbv, nbi = acc[u]
                cc = u * SB + ci
                sv = s_v[pl.ds(cc * LANE, LANE)]
                ev = e_v[pl.ds(cc * LANE, LANE)]
                lv = ln_v[pl.ds(cc * LANE, LANE)]
                ov = so_v[pl.ds(cc * LANE, LANE)]
                wv = wks[u][pl.ds(ci * LANE, LANE)]
                left = jnp.maximum(SSv, sv)
                right = jnp.minimum(SEv, ev)
                inter = jnp.maximum(right - left, 0.0)
                uni = (sel_lenv + lv) - inter
                iou = inter / uni
                dec = jnp.exp(iou * iou * (-2.0))
                nw = wv * dec
                wks[u][pl.ds(ci * LANE, LANE)] = nw
                w = jnp.where(iou >= VOTING_THRESH, ov * iou, 0.0)
                m = nw > nbv
                out.append((aw + w, ax + w * sv, ay + w * ev,
                            jnp.where(m, nw, nbv), jnp.where(m, ci, nbi)))
            return tuple(out)
        z = jnp.zeros((LANE,), jnp.float32)
        acc0 = tuple(
            (z, z, z, jnp.full((LANE,), NEGINF, jnp.float32),
             jnp.zeros((LANE,), jnp.int32))
            for _ in range(UNROLL))
        accs = lax.fori_loop(0, SB, dec_body, acc0)
        aw, ax, ay, nbv, nbi = accs[0]
        nbi = nbi * LANE + lane
        for u in range(1, UNROLL):
            awu, axu, ayu, bvu, biu = accs[u]
            aw = aw + awu
            ax = ax + axu
            ay = ay + ayu
            biu = biu * LANE + (u * NSB) + lane
            gt = bvu > nbv
            eq = bvu == nbv
            nbi = jnp.where(gt, biu,
                            jnp.where(eq, jnp.minimum(nbi, biu), nbi))
            nbv = jnp.where(gt, bvu, nbv)

        publish(nbv, nbi, buf_write)
        plsc.subcore_barrier()
        return (aw, ax, ay)

    zf = jnp.zeros((LANE,), jnp.float32)

    def body2(i, pending):
        pending = step_half(2 * i, shared_pub_a, shared_pub_b, pending)
        pending = step_half(2 * i + 1, shared_pub_b, shared_pub_a, pending)
        return pending

    aw_l, ax_l, ay_l = lax.fori_loop(0, K // 2, body2, (zf, zf, zf))
    tvl = jnp.full((LANE,), K - 1, jnp.int32)
    z16l = jnp.zeros((LANE,), jnp.int32)
    plsc.store_scatter(vote_v, [z16l, tvl],
                       jnp.full((LANE,), jnp.sum(aw_l), jnp.float32),
                       mask=lane0)
    plsc.store_scatter(vote_v, [z16l + 1, tvl],
                       jnp.full((LANE,), jnp.sum(ax_l), jnp.float32),
                       mask=lane0)
    plsc.store_scatter(vote_v, [z16l + 2, tvl],
                       jnp.full((LANE,), jnp.sum(ay_l), jnp.float32),
                       mask=lane0)

    pltpu.sync_copy(vote_v, shared_vote.at[pl.ds(s * 3, 3)])
    plsc.subcore_barrier()
    writer = (c == 0) & (s == 0)

    @pl.when(writer)
    def _final():
        pltpu.sync_copy(shared_vote, vtmp_v)
        zf = jnp.zeros((LANE,), jnp.float32)
        zi = jnp.zeros((LANE,), jnp.int32)
        for cc in range(KC):
            accw = zf
            accx = zf
            accy = zf
            for r in range(16):
                accw = accw + vtmp_v[3 * r + 0, pl.ds(cc * LANE, LANE)]
                accx = accx + vtmp_v[3 * r + 1, pl.ds(cc * LANE, LANE)]
                accy = accy + vtmp_v[3 * r + 2, pl.ds(cc * LANE, LANE)]
            vx_v[pl.ds(cc * LANE, LANE)] = accx / accw
            vy_v[pl.ds(cc * LANE, LANE)] = accy / accw
            raw = selsc_v[pl.ds(cc * LANE, LANE)]
            filt = jnp.where(raw > MIN_SCORE, raw, 0.0)
            pos = cc * LANE + lane
            fsc_v[pl.ds(cc * LANE, LANE)] = jnp.where(pos < K, filt, NEGINF)
            vox_st[pl.ds(cc * LANE, LANE)] = zf
            voy_st[pl.ds(cc * LANE, LANE)] = zf
            scout_st[pl.ds(cc * LANE, LANE)] = zf
            clsout_st[pl.ds(cc * LANE, LANE)] = zi

        def sort_body(k, carry):
            bv = jnp.full((LANE,), NEGINF, jnp.float32)
            bt = jnp.zeros((LANE,), jnp.int32)
            for cc in range(KC):
                v = fsc_v[pl.ds(cc * LANE, LANE)]
                m = v > bv
                bv = jnp.where(m, v, bv)
                bt = jnp.where(m, cc * LANE + lane, bt)
            gm = jnp.max(bv)
            gt = jnp.min(jnp.where(bv == gm, bt, BIGI))
            gtv = jnp.full((LANE,), gt, jnp.int32)
            vx = plsc.load_gather(vx_v, [gtv])
            vy = plsc.load_gather(vy_v, [gtv])
            sv = plsc.load_gather(fsc_v, [gtv])
            cv = plsc.load_gather(selcl_v, [gtv])
            kv = jnp.full((LANE,), k, jnp.int32)
            plsc.store_scatter(vox_st, [kv], vx, mask=lane0)
            plsc.store_scatter(voy_st, [kv], vy, mask=lane0)
            plsc.store_scatter(scout_st, [kv], sv, mask=lane0)
            plsc.store_scatter(clsout_st, [kv], cv, mask=lane0)
            plsc.store_scatter(fsc_v, [gtv],
                               jnp.full((LANE,), NEGINF, jnp.float32),
                               mask=lane0)
            return carry
        lax.fori_loop(0, K, sort_body, 0)
        pltpu.sync_copy(vox_st, vox_h)
        pltpu.sync_copy(voy_st, voy_h)
        pltpu.sync_copy(scout_st, scout_h)
        pltpu.sync_copy(clsout_st, clsout_h)


_mesh = plsc.VectorSubcoreMesh(core_axis_name="c", subcore_axis_name="s")

_nms_call = pl.kernel(
    _nms_body,
    out_type=(
        jax.ShapeDtypeStruct((KP,), jnp.float32),
        jax.ShapeDtypeStruct((KP,), jnp.float32),
        jax.ShapeDtypeStruct((KP,), jnp.float32),
        jax.ShapeDtypeStruct((KP,), jnp.int32),
    ),
    mesh=_mesh,
    compiler_params=pltpu.CompilerParams(needs_layout_passes=False),
    scratch_types=[
        pltpu.VMEM((NT,), jnp.float32),
        pltpu.VMEM((NT,), jnp.float32),
        pltpu.VMEM((NT,), jnp.float32),
        pltpu.VMEM((NT,), jnp.float32),
        pltpu.VMEM((NT // UNROLL,), jnp.float32),
        pltpu.VMEM((NT // UNROLL,), jnp.float32),
        pltpu.VMEM((NT // UNROLL,), jnp.float32),
        pltpu.VMEM((NT // UNROLL,), jnp.float32),
        pltpu.VMEM((NT,), jnp.int32),
        pltpu.VMEM((LANE,), jnp.int32),
        pltpu.VMEM((16, 8), jnp.int32),
        pltpu.VMEM((3, KP), jnp.float32),
        pltpu.VMEM((48, KP), jnp.float32),
        pltpu.VMEM((KP,), jnp.float32),
        pltpu.VMEM((KP,), jnp.int32),
        pltpu.VMEM((KP,), jnp.float32),
        pltpu.VMEM((KP,), jnp.float32),
        pltpu.VMEM((KP,), jnp.float32),
        pltpu.VMEM((KP,), jnp.float32),
        pltpu.VMEM((KP,), jnp.float32),
        pltpu.VMEM((KP,), jnp.float32),
        pltpu.VMEM((KP,), jnp.int32),
        pltpu.SemaphoreType.DMA,
        pltpu.VMEM_SHARED((16, 8), jnp.int32),
        pltpu.VMEM_SHARED((16, 8), jnp.int32),
        pltpu.VMEM_SHARED((48, KP), jnp.float32),
    ],
)


def kernel(segs, scores, cls_idxs):
    pad = NP - N
    starts = jnp.concatenate(
        [segs[:, 0], jnp.full((pad,), -1e6 - 128.0, jnp.float32)])
    ends = jnp.concatenate(
        [segs[:, 1], jnp.full((pad,), -1e6, jnp.float32)])
    sc = jnp.concatenate([scores, jnp.full((pad,), NEG, jnp.float32)])
    cl = jnp.concatenate([cls_idxs, jnp.zeros((pad,), jnp.int32)])
    vox, voy, scout, clsout = _nms_call(starts, ends, sc, cl)
    voted = jnp.stack([vox[:K], voy[:K]], axis=1)
    return voted, scout[:K], clsout[:K]

# --- scband reference (transcript-rebuilt; emitter-appended) ---
"""Pipeline reference for scband-nlqhead-68135361183835 (READ-ONLY COPY).

The authoritative reference and input builder live on the scoring server;
editing this copy changes nothing except your own understanding.
"""

import jax, jax.numpy as jnp
import numpy as np

MAX_SEG_NUM = 100
MIN_SCORE = 0.001
SIGMA = 0.5
VOTING_THRESH = 0.75


def _iou_1d(seg, segs):
    left = jnp.maximum(seg[0], segs[:, 0])
    right = jnp.minimum(seg[1], segs[:, 1])
    inter = jnp.clip(right - left, 0.0, None)
    len_a = seg[1] - seg[0]
    len_b = segs[:, 1] - segs[:, 0]
    union = len_a + len_b - inter
    return inter / jnp.maximum(union, 1e-8)


def soft_nms(segs, scores, sigma, max_seg_num):
    # Gaussian soft-NMS (method=2), iterative select-and-decay via scan.
    def step(work, _):
        j = jnp.argmax(work)
        sel_score = work[j]
        sel_seg = segs[j]
        iou = _iou_1d(sel_seg, segs)
        decay = jnp.exp(-(iou * iou) / sigma)
        new_work = work * decay
        new_work = new_work.at[j].set(-1e30)  # remove selected (finite sentinel for grad safety)
        return new_work, (sel_seg, sel_score, j)

    _, (sel_segs, sel_scores, sel_idx) = jax.lax.scan(step, scores, None, length=max_seg_num)
    return sel_segs, sel_scores, sel_idx


def seg_voting(nms_segs, all_segs, all_scores, iou_threshold, score_offset=1.5):
    offset_scores = all_scores + score_offset  # computed (but unused) exactly as in the torch source
    left = jnp.maximum(nms_segs[:, None, 0], all_segs[None, :, 0])
    right = jnp.minimum(nms_segs[:, None, 1], all_segs[None, :, 1])
    inter = jnp.clip(right - left, 0.0, None)
    nms_lens = (nms_segs[:, 1] - nms_segs[:, 0])[:, None]
    all_lens = (all_segs[:, 1] - all_segs[:, 0])[None, :]
    iou = inter / (nms_lens + all_lens - inter)
    w = (iou >= iou_threshold).astype(all_scores.dtype) * all_scores[None, :] * iou
    w = w / jnp.sum(w, axis=1, keepdims=True)
    return w @ all_segs


def setup_inputs(seed: int = 0):
    key = jax.random.key(seed)
    k1, k2, k3 = jax.random.split(key, 3)
    N = 20000
    starts = jax.random.uniform(k1, (N,), dtype=jnp.float32) * 960.0
    lens = jax.random.uniform(k2, (N,), dtype=jnp.float32) * 63.0 + 1.0
    segs = jnp.stack([starts, starts + lens], axis=1)  # valid (start < end) 1D segments
    scores = jax.random.uniform(k3, (N,), dtype=jnp.float32)
    cls_idxs = jnp.zeros((N,), dtype=jnp.int32)
    return {"segs": segs, "scores": scores, "cls_idxs": cls_idxs}


def reference(segs, scores, cls_idxs):
    # single-class (multiclass=False) soft-NMS path + seg voting + final sort,
    # mirroring batched_nms(..., use_soft_nms=True, voting_thresh=0.75)
    sel_segs, sel_scores, sel_idx = soft_nms(segs, scores, SIGMA, MAX_SEG_NUM)
    sel_scores = jnp.where(sel_scores > MIN_SCORE, sel_scores, 0.0)  # min_score filter (masked, fixed shape)
    voted = seg_voting(sel_segs, segs, scores, VOTING_THRESH)
    order = jnp.argsort(-sel_scores)
    return voted[order], sel_scores[order], cls_idxs[sel_idx][order]

if __name__ == "__main__":
    import jax
    _d = setup_inputs()
    print(jax.jit(kernel)(*tuple(_d.values())))

</pallas_src>

<mosaic_0001>
#map = affine_map<(d0, d1) -> (0)>
module attributes {stable_mosaic.version = 14 : i64} {
  func.func @_nms_body(%arg0: i32, %arg1: i32, %arg2: memref<20480xf32, #tpu.memory_space<hbm>>, %arg3: memref<20480xf32, #tpu.memory_space<hbm>>, %arg4: memref<20480xf32, #tpu.memory_space<hbm>>, %arg5: memref<20480xi32, #tpu.memory_space<hbm>>, %arg6: memref<128xf32, #tpu.memory_space<hbm>>, %arg7: memref<128xf32, #tpu.memory_space<hbm>>, %arg8: memref<128xf32, #tpu.memory_space<hbm>>, %arg9: memref<128xi32, #tpu.memory_space<hbm>>, %arg10: memref<1280xf32, #tpu.memory_space<vmem>>, %arg11: memref<1280xf32, #tpu.memory_space<vmem>>, %arg12: memref<1280xf32, #tpu.memory_space<vmem>>, %arg13: memref<1280xf32, #tpu.memory_space<vmem>>, %arg14: memref<320xf32, #tpu.memory_space<vmem>>, %arg15: memref<320xf32, #tpu.memory_space<vmem>>, %arg16: memref<320xf32, #tpu.memory_space<vmem>>, %arg17: memref<320xf32, #tpu.memory_space<vmem>>, %arg18: memref<1280xi32, #tpu.memory_space<vmem>>, %arg19: memref<16xi32, #tpu.memory_space<vmem>>, %arg20: memref<16x8xi32, #tpu.memory_space<vmem>>, %arg21: memref<3x128xf32, #tpu.memory_space<vmem>>, %arg22: memref<48x128xf32, #tpu.memory_space<vmem>>, %arg23: memref<128xf32, #tpu.memory_space<vmem>>, %arg24: memref<128xi32, #tpu.memory_space<vmem>>, %arg25: memref<128xf32, #tpu.memory_space<vmem>>, %arg26: memref<128xf32, #tpu.memory_space<vmem>>, %arg27: memref<128xf32, #tpu.memory_space<vmem>>, %arg28: memref<128xf32, #tpu.memory_space<vmem>>, %arg29: memref<128xf32, #tpu.memory_space<vmem>>, %arg30: memref<128xf32, #tpu.memory_space<vmem>>, %arg31: memref<128xi32, #tpu.memory_space<vmem>>, %arg32: memref<!tpu.dma_semaphore, #tpu.memory_space<semaphore_mem>>, %arg33: memref<16x8xi32, #tpu.memory_space<vmem_shared>>, %arg34: memref<16x8xi32, #tpu.memory_space<vmem_shared>>, %arg35: memref<48x128xf32, #tpu.memory_space<vmem_shared>>) attributes {dimension_semantics = [#tpu.dimension_semantics<core_parallel>, #tpu.dimension_semantics<subcore_parallel>], iteration_bounds = array<i64: 2, 16>, scalar_prefetch = 0 : i64, scratch_operands = 26 : i64, tpu.core_type = #tpu.core_type<sc_vector_subcore>, window_params = [{transform_indices = #map}, {transform_indices = #map}, {transform_indices = #map}, {transform_indices = #map}, {transform_indices = #map}, {transform_indices = #map}, {transform_indices = #map}, {transform_indices = #map}]} {
    %mul3A = arith.constant 1280 : i32
    %mul3A_0 = arith.muli %arg1, %mul3A : i32
    %iota3A = tpu.iota {dimensions = array<i32: 0>} : vector<16xi32>
    %eq3A = arith.constant 0 : i32
    %eq3A_1 = vector.broadcast %eq3A : i32 to vector<16xi32>
    %eq3A_2 = arith.cmpi eq, %iota3A, %eq3A_1 : vector<16xi32>
    "tpu.region"() ({
      %run_scoped3A = tpu.sem_alloc : memref<!tpu.dma_semaphore, #tpu.memory_space<semaphore_mem>>
      %dma_start3A = tpu.memref_slice %arg2[%mul3A_0] : memref<20480xf32, #tpu.memory_space<hbm>> -> memref<1280xf32, #tpu.memory_space<hbm>>
      %dma_start3A_136 = tpu.memref_slice %arg2[%mul3A_0] : memref<20480xf32, #tpu.memory_space<hbm>> -> memref<1280xf32, #tpu.memory_space<hbm>>
      tpu.enqueue_dma source(%dma_start3A_136 : memref<1280xf32, #tpu.memory_space<hbm>>) target(%arg10 : memref<1280xf32, #tpu.memory_space<vmem>>) target_semaphore(%run_scoped3A : memref<!tpu.dma_semaphore, #tpu.memory_space<semaphore_mem>>)
      %dma_wait3A = tpu.memref_slice %arg2[%mul3A_0] : memref<20480xf32, #tpu.memory_space<hbm>> -> memref<1280xf32, #tpu.memory_space<hbm>>
      %dma_wait3A_137 = tpu.memref_slice %arg2[%mul3A_0] : memref<20480xf32, #tpu.memory_space<hbm>> -> memref<1280xf32, #tpu.memory_space<hbm>>
      tpu.wait_dma2 semaphore(%run_scoped3A : memref<!tpu.dma_semaphore, #tpu.memory_space<semaphore_mem>>) src(%dma_wait3A_137 : memref<1280xf32, #tpu.memory_space<hbm>>) dst(%arg10 : memref<1280xf32, #tpu.memory_space<vmem>>)
      tpu.yield
    }) : () -> ()
    "tpu.region"() ({
      %run_scoped3A = tpu.sem_alloc : memref<!tpu.dma_semaphore, #tpu.memory_space<semaphore_mem>>
      %dma_start3A = tpu.memref_slice %arg3[%mul3A_0] : memref<20480xf32, #tpu.memory_space<hbm>> -> memref<1280xf32, #tpu.memory_space<hbm>>
      %dma_start3A_136 = tpu.memref_slice %arg3[%mul3A_0] : memref<20480xf32, #tpu.memory_space<hbm>> -> memref<1280xf32, #tpu.memory_space<hbm>>
      tpu.enqueue_dma source(%dma_start3A_136 : memref<1280xf32, #tpu.memory_space<hbm>>) target(%arg11 : memref<1280xf32, #tpu.memory_space<vmem>>) target_semaphore(%run_scoped3A : memref<!tpu.dma_semaphore, #tpu.memory_space<semaphore_mem>>)
      %dma_wait3A = tpu.memref_slice %arg3[%mul3A_0] : memref<20480xf32, #tpu.memory_space<hbm>> -> memref<1280xf32, #tpu.memory_space<hbm>>
      %dma_wait3A_137 = tpu.memref_slice %arg3[%mul3A_0] : memref<20480xf32, #tpu.memory_space<hbm>> -> memref<1280xf32, #tpu.memory_space<hbm>>
      tpu.wait_dma2 semaphore(%run_scoped3A : memref<!tpu.dma_semaphore, #tpu.memory_space<semaphore_mem>>) src(%dma_wait3A_137 : memref<1280xf32, #tpu.memory_space<hbm>>) dst(%arg11 : memref<1280xf32, #tpu.memory_space<vmem>>)
      tpu.yield
    }) : () -> ()
    "tpu.region"() ({
      %run_scoped3A = tpu.sem_alloc : memref<!tpu.dma_semaphore, #tpu.memory_space<semaphore_mem>>
      %dma_start3A = tpu.memref_slice %arg4[%mul3A_0] : memref<20480xf32, #tpu.memory_space<hbm>> -> memref<1280xf32, #tpu.memory_space<hbm>>
      %dma_start3A_136 = tpu.memref_slice %arg4[%mul3A_0] : memref<20480xf32, #tpu.memory_space<hbm>> -> memref<1280xf32, #tpu.memory_space<hbm>>
      tpu.enqueue_dma source(%dma_start3A_136 : memref<1280xf32, #tpu.memory_space<hbm>>) target(%arg13 : memref<1280xf32, #tpu.memory_space<vmem>>) target_semaphore(%run_scoped3A : memref<!tpu.dma_semaphore, #tpu.memory_space<semaphore_mem>>)
      %dma_wait3A = tpu.memref_slice %arg4[%mul3A_0] : memref<20480xf32, #tpu.memory_space<hbm>> -> memref<1280xf32, #tpu.memory_space<hbm>>
      %dma_wait3A_137 = tpu.memref_slice %arg4[%mul3A_0] : memref<20480xf32, #tpu.memory_space<hbm>> -> memref<1280xf32, #tpu.memory_space<hbm>>
      tpu.wait_dma2 semaphore(%run_scoped3A : memref<!tpu.dma_semaphore, #tpu.memory_space<semaphore_mem>>) src(%dma_wait3A_137 : memref<1280xf32, #tpu.memory_space<hbm>>) dst(%arg13 : memref<1280xf32, #tpu.memory_space<vmem>>)
      tpu.yield
    }) : () -> ()
    %add3A = arith.constant 0 : i32
    %add3A_3 = arith.addi %mul3A_0, %add3A : i32
    "tpu.region"() ({
      %run_scoped3A = tpu.sem_alloc : memref<!tpu.dma_semaphore, #tpu.memory_space<semaphore_mem>>
      %dma_start3A = tpu.memref_slice %arg4[%add3A_3] : memref<20480xf32, #tpu.memory_space<hbm>> -> memref<320xf32, #tpu.memory_space<hbm>>
      %dma_start3A_136 = tpu.memref_slice %arg4[%add3A_3] : memref<20480xf32, #tpu.memory_space<hbm>> -> memref<320xf32, #tpu.memory_space<hbm>>
      tpu.enqueue_dma source(%dma_start3A_136 : memref<320xf32, #tpu.memory_space<hbm>>) target(%arg14 : memref<320xf32, #tpu.memory_space<vmem>>) target_semaphore(%run_scoped3A : memref<!tpu.dma_semaphore, #tpu.memory_space<semaphore_mem>>)
      %dma_wait3A = tpu.memref_slice %arg4[%add3A_3] : memref<20480xf32, #tpu.memory_space<hbm>> -> memref<320xf32, #tpu.memory_space<hbm>>
      %dma_wait3A_137 = tpu.memref_slice %arg4[%add3A_3] : memref<20480xf32, #tpu.memory_space<hbm>> -> memref<320xf32, #tpu.memory_space<hbm>>
      tpu.wait_dma2 semaphore(%run_scoped3A : memref<!tpu.dma_semaphore, #tpu.memory_space<semaphore_mem>>) src(%dma_wait3A_137 : memref<320xf32, #tpu.memory_space<hbm>>) dst(%arg14 : memref<320xf32, #tpu.memory_space<vmem>>)
      tpu.yield
    }) : () -> ()
    %add3A_4 = arith.constant 320 : i32
    %add3A_5 = arith.addi %mul3A_0, %add3A_4 : i32
    "tpu.region"() ({
      %run_scoped3A = tpu.sem_alloc : memref<!tpu.dma_semaphore, #tpu.memory_space<semaphore_mem>>
      %dma_start3A = tpu.memref_slice %arg4[%add3A_5] : memref<20480xf32, #tpu.memory_space<hbm>> -> memref<320xf32, #tpu.memory_space<hbm>>
      %dma_start3A_136 = tpu.memref_slice %arg4[%add3A_5] : memref<20480xf32, #tpu.memory_space<hbm>> -> memref<320xf32, #tpu.memory_space<hbm>>
      tpu.enqueue_dma source(%dma_start3A_136 : memref<320xf32, #tpu.memory_space<hbm>>) target(%arg15 : memref<320xf32, #tpu.memory_space<vmem>>) target_semaphore(%run_scoped3A : memref<!tpu.dma_semaphore, #tpu.memory_space<semaphore_mem>>)
      %dma_wait3A = tpu.memref_slice %arg4[%add3A_5] : memref<20480xf32, #tpu.memory_space<hbm>> -> memref<320xf32, #tpu.memory_space<hbm>>
      %dma_wait3A_137 = tpu.memref_slice %arg4[%add3A_5] : memref<20480xf32, #tpu.memory_space<hbm>> -> memref<320xf32, #tpu.memory_space<hbm>>
      tpu.wait_dma2 semaphore(%run_scoped3A : memref<!tpu.dma_semaphore, #tpu.memory_space<semaphore_mem>>) src(%dma_wait3A_137 : memref<320xf32, #tpu.memory_space<hbm>>) dst(%arg15 : memref<320xf32, #tpu.memory_space<vmem>>)
      tpu.yield
    }) : () -> ()
    %add3A_6 = arith.constant 640 : i32
    %add3A_7 = arith.addi %mul3A_0, %add3A_6 : i32
    "tpu.region"() ({
      %run_scoped3A = tpu.sem_alloc : memref<!tpu.dma_semaphore, #tpu.memory_space<semaphore_mem>>
      %dma_start3A = tpu.memref_slice %arg4[%add3A_7] : memref<20480xf32, #tpu.memory_space<hbm>> -> memref<320xf32, #tpu.memory_space<hbm>>
      %dma_start3A_136 = tpu.memref_slice %arg4[%add3A_7] : memref<20480xf32, #tpu.memory_space<hbm>> -> memref<320xf32, #tpu.memory_space<hbm>>
      tpu.enqueue_dma source(%dma_start3A_136 : memref<320xf32, #tpu.memory_space<hbm>>) target(%arg16 : memref<320xf32, #tpu.memory_space<vmem>>) target_semaphore(%run_scoped3A : memref<!tpu.dma_semaphore, #tpu.memory_space<semaphore_mem>>)
      %dma_wait3A = tpu.memref_slice %arg4[%add3A_7] : memref<20480xf32, #tpu.memory_space<hbm>> -> memref<320xf32, #tpu.memory_space<hbm>>
      %dma_wait3A_137 = tpu.memref_slice %arg4[%add3A_7] : memref<20480xf32, #tpu.memory_space<hbm>> -> memref<320xf32, #tpu.memory_space<hbm>>
      tpu.wait_dma2 semaphore(%run_scoped3A : memref<!tpu.dma_semaphore, #tpu.memory_space<semaphore_mem>>) src(%dma_wait3A_137 : memref<320xf32, #tpu.memory_space<hbm>>) dst(%arg16 : memref<320xf32, #tpu.memory_space<vmem>>)
      tpu.yield
    }) : () -> ()
    %add3A_8 = arith.constant 960 : i32
    %add3A_9 = arith.addi %mul3A_0, %add3A_8 : i32
    "tpu.region"() ({
      %run_scoped3A = tpu.sem_alloc : memref<!tpu.dma_semaphore, #tpu.memory_space<semaphore_mem>>
      %dma_start3A = tpu.memref_slice %arg4[%add3A_9] : memref<20480xf32, #tpu.memory_space<hbm>> -> memref<320xf32, #tpu.memory_space<hbm>>
      %dma_start3A_136 = tpu.memref_slice %arg4[%add3A_9] : memref<20480xf32, #tpu.memory_space<hbm>> -> memref<320xf32, #tpu.memory_space<hbm>>
      tpu.enqueue_dma source(%dma_start3A_136 : memref<320xf32, #tpu.memory_space<hbm>>) target(%arg17 : memref<320xf32, #tpu.memory_space<vmem>>) target_semaphore(%run_scoped3A : memref<!tpu.dma_semaphore, #tpu.memory_space<semaphore_mem>>)
      %dma_wait3A = tpu.memref_slice %arg4[%add3A_9] : memref<20480xf32, #tpu.memory_space<hbm>> -> memref<320xf32, #tpu.memory_space<hbm>>
      %dma_wait3A_137 = tpu.memref_slice %arg4[%add3A_9] : memref<20480xf32, #tpu.memory_space<hbm>> -> memref<320xf32, #tpu.memory_space<hbm>>
      tpu.wait_dma2 semaphore(%run_scoped3A : memref<!tpu.dma_semaphore, #tpu.memory_space<semaphore_mem>>) src(%dma_wait3A_137 : memref<320xf32, #tpu.memory_space<hbm>>) dst(%arg17 : memref<320xf32, #tpu.memory_space<vmem>>)
      tpu.yield
    }) : () -> ()
    "tpu.region"() ({
      %run_scoped3A = tpu.sem_alloc : memref<!tpu.dma_semaphore, #tpu.memory_space<semaphore_mem>>
      %dma_start3A = tpu.memref_slice %arg5[%mul3A_0] : memref<20480xi32, #tpu.memory_space<hbm>> -> memref<1280xi32, #tpu.memory_space<hbm>>
      %dma_start3A_136 = tpu.memref_slice %arg5[%mul3A_0] : memref<20480xi32, #tpu.memory_space<hbm>> -> memref<1280xi32, #tpu.memory_space<hbm>>
      tpu.enqueue_dma source(%dma_start3A_136 : memref<1280xi32, #tpu.memory_space<hbm>>) target(%arg18 : memref<1280xi32, #tpu.memory_space<vmem>>) target_semaphore(%run_scoped3A : memref<!tpu.dma_semaphore, #tpu.memory_space<semaphore_mem>>)
      %dma_wait3A = tpu.memref_slice %arg5[%mul3A_0] : memref<20480xi32, #tpu.memory_space<hbm>> -> memref<1280xi32, #tpu.memory_space<hbm>>
      %dma_wait3A_137 = tpu.memref_slice %arg5[%mul3A_0] : memref<20480xi32, #tpu.memory_space<hbm>> -> memref<1280xi32, #tpu.memory_space<hbm>>
      tpu.wait_dma2 semaphore(%run_scoped3A : memref<!tpu.dma_semaphore, #tpu.memory_space<semaphore_mem>>) src(%dma_wait3A_137 : memref<1280xi32, #tpu.memory_space<hbm>>) dst(%arg18 : memref<1280xi32, #tpu.memory_space<vmem>>)
      tpu.yield
    }) : () -> ()
    %scan3A = arith.constant 0 : i32
    %scan3A_10 = arith.constant 0 : i32
    %scan3A_11 = arith.constant 80 : i32
    %scan3A_12 = arith.addi %scan3A_10, %scan3A_11 : i32
    %scan3A_13 = arith.constant 1 : i32
    scf.for %scan3A_136 = %scan3A_10 to %scan3A_12 step %scan3A_13  : i32 {
      %mul3A_137 = arith.constant 16 : i32
      %mul3A_138 = arith.muli %scan3A_136, %mul3A_137 : i32
      %get3A = arith.index_cast %mul3A_138 : i32 to index
      %get3A_139 = tpu.vector_load %arg11[%get3A] {strides = array<i32>} : memref<1280xf32, #tpu.memory_space<vmem>>, vector<16xf32>,
      %mul3A_140 = arith.constant 16 : i32
      %mul3A_141 = arith.muli %scan3A_136, %mul3A_140 : i32
      %get3A_142 = arith.index_cast %mul3A_141 : i32 to index
      %get3A_143 = tpu.vector_load %arg10[%get3A_142] {strides = array<i32>} : memref<1280xf32, #tpu.memory_space<vmem>>, vector<16xf32>,
      %sub3A = arith.subf %get3A_139, %get3A_143 : vector<16xf32>
      %mul3A_144 = arith.constant 16 : i32
      %mul3A_145 = arith.muli %scan3A_136, %mul3A_144 : i32
      %swap3A_146 = arith.index_cast %mul3A_145 : i32 to index
      %swap3A_147 = tpu.vector_load %arg12[%swap3A_146] {strides = array<i32>} : memref<1280xf32, #tpu.memory_space<vmem>>, vector<16xf32>,
      tpu.vector_store %arg12[%swap3A_146], %sub3A {strides = array<i32>} : memref<1280xf32, #tpu.memory_space<vmem>>, vector<16xf32>,
    }
    %scan3A_14 = arith.constant 80 : i32
    %broadcast_in_dim3A = arith.constant -3.000000e+38 : f32
    %broadcast_in_dim3A_15 = vector.broadcast %broadcast_in_dim3A : f32 to vector<16xf32>
    %broadcast_in_dim3A_16 = arith.constant 0 : i32
    %broadcast_in_dim3A_17 = vector.broadcast %broadcast_in_dim3A_16 : i32 to vector<16xi32>
    %broadcast_in_dim3A_18 = arith.constant -3.000000e+38 : f32
    %broadcast_in_dim3A_19 = vector.broadcast %broadcast_in_dim3A_18 : f32 to vector<16xf32>
    %broadcast_in_dim3A_20 = arith.constant 0 : i32
    %broadcast_in_dim3A_21 = vector.broadcast %broadcast_in_dim3A_20 : i32 to vector<16xi32>
    %broadcast_in_dim3A_22 = arith.constant -3.000000e+38 : f32
    %broadcast_in_dim3A_23 = vector.broadcast %broadcast_in_dim3A_22 : f32 to vector<16xf32>
    %broadcast_in_dim3A_24 = arith.constant 0 : i32
    %broadcast_in_dim3A_25 = vector.broadcast %broadcast_in_dim3A_24 : i32 to vector<16xi32>
    %broadcast_in_dim3A_26 = arith.constant -3.000000e+38 : f32
    %broadcast_in_dim3A_27 = vector.broadcast %broadcast_in_dim3A_26 : f32 to vector<16xf32>
    %broadcast_in_dim3A_28 = arith.constant 0 : i32
    %broadcast_in_dim3A_29 = vector.broadcast %broadcast_in_dim3A_28 : i32 to vector<16xi32>
    %scan3A_30 = arith.constant 0 : i32
    %scan3A_31 = arith.constant 20 : i32
    %scan3A_32 = arith.addi %scan3A_30, %scan3A_31 : i32
    %scan3A_33 = arith.constant 1 : i32
    %scan3A_34:8 = scf.for %scan3A_136 = %scan3A_30 to %scan3A_32 step %scan3A_33 iter_args(%scan3A_137 = %broadcast_in_dim3A_15, %scan3A_138 = %broadcast_in_dim3A_17, %scan3A_139 = %broadcast_in_dim3A_19, %scan3A_140 = %broadcast_in_dim3A_21, %scan3A_141 = %broadcast_in_dim3A_23, %scan3A_142 = %broadcast_in_dim3A_25, %scan3A_143 = %broadcast_in_dim3A_27, %scan3A_144 = %broadcast_in_dim3A_29) -> (vector<16xf32>, vector<16xi32>, vector<16xf32>, vector<16xi32>, vector<16xf32>, vector<16xi32>, vector<16xf32>, vector<16xi32>)  : i32 {
      %mul3A_145 = arith.constant 16 : i32
      %mul3A_146 = arith.muli %scan3A_136, %mul3A_145 : i32
      %get3A = arith.index_cast %mul3A_146 : i32 to index
      %get3A_147 = tpu.vector_load %arg14[%get3A] {strides = array<i32>} : memref<320xf32, #tpu.memory_space<vmem>>, vector<16xf32>,
      %gt3A_148 = arith.cmpf ogt, %get3A_147, %scan3A_137 : vector<16xf32>
      %select_n3A_149 = arith.select %gt3A_148, %get3A_147, %scan3A_137 : vector<16xi1>, vector<16xf32>
      %mul3A_150 = arith.constant 16 : i32
      %mul3A_151 = arith.muli %scan3A_136, %mul3A_150 : i32
      %add3A_152 = arith.constant 0 : i32
      %add3A_153 = arith.addi %add3A_152, %mul3A_151 : i32
      %add3A_154 = vector.broadcast %add3A_153 : i32 to vector<16xi32>
      %add3A_155 = arith.addi %add3A_154, %iota3A : vector<16xi32>
      %select_n3A_156 = arith.select %gt3A_148, %add3A_155, %scan3A_138 : vector<16xi1>, vector<16xi32>
      %mul3A_157 = arith.constant 16 : i32
      %mul3A_158 = arith.muli %scan3A_136, %mul3A_157 : i32
      %get3A_159 = arith.index_cast %mul3A_158 : i32 to index
      %get3A_160 = tpu.vector_load %arg15[%get3A_159] {strides = array<i32>} : memref<320xf32, #tpu.memory_space<vmem>>, vector<16xf32>,
      %gt3A_161 = arith.cmpf ogt, %get3A_160, %scan3A_139 : vector<16xf32>
      %select_n3A_162 = arith.select %gt3A_161, %get3A_160, %scan3A_139 : vector<16xi1>, vector<16xf32>
      %mul3A_163 = arith.constant 16 : i32
      %mul3A_164 = arith.muli %scan3A_136, %mul3A_163 : i32
      %add3A_165 = arith.constant 320 : i32
      %add3A_166 = arith.addi %add3A_165, %mul3A_164 : i32
      %add3A_167 = vector.broadcast %add3A_166 : i32 to vector<16xi32>
      %add3A_168 = arith.addi %add3A_167, %iota3A : vector<16xi32>
      %select_n3A_169 = arith.select %gt3A_161, %add3A_168, %scan3A_140 : vector<16xi1>, vector<16xi32>
      %mul3A_170 = arith.constant 16 : i32
      %mul3A_171 = arith.muli %scan3A_136, %mul3A_170 : i32
      %get3A_172 = arith.index_cast %mul3A_171 : i32 to index
      %get3A_173 = tpu.vector_load %arg16[%get3A_172] {strides = array<i32>} : memref<320xf32, #tpu.memory_space<vmem>>, vector<16xf32>,
      %gt3A_174 = arith.cmpf ogt, %get3A_173, %scan3A_141 : vector<16xf32>
      %select_n3A_175 = arith.select %gt3A_174, %get3A_173, %scan3A_141 : vector<16xi1>, vector<16xf32>
      %mul3A_176 = arith.constant 16 : i32
      %mul3A_177 = arith.muli %scan3A_136, %mul3A_176 : i32
      %add3A_178 = arith.constant 640 : i32
      %add3A_179 = arith.addi %add3A_178, %mul3A_177 : i32
      %add3A_180 = vector.broadcast %add3A_179 : i32 to vector<16xi32>
      %add3A_181 = arith.addi %add3A_180, %iota3A : vector<16xi32>
      %select_n3A_182 = arith.select %gt3A_174, %add3A_181, %scan3A_142 : vector<16xi1>, vector<16xi32>
      %mul3A_183 = arith.constant 16 : i32
      %mul3A_184 = arith.muli %scan3A_136, %mul3A_183 : i32
      %get3A_185 = arith.index_cast %mul3A_184 : i32 to index
      %get3A_186 = tpu.vector_load %arg17[%get3A_185] {strides = array<i32>} : memref<320xf32, #tpu.memory_space<vmem>>, vector<16xf32>,
      %gt3A_187 = arith.cmpf ogt, %get3A_186, %scan3A_143 : vector<16xf32>
      %select_n3A_188 = arith.select %gt3A_187, %get3A_186, %scan3A_143 : vector<16xi1>, vector<16xf32>
      %mul3A_189 = arith.constant 16 : i32
      %mul3A_190 = arith.muli %scan3A_136, %mul3A_189 : i32
      %add3A_191 = arith.constant 960 : i32
      %add3A_192 = arith.addi %add3A_191, %mul3A_190 : i32
      %add3A_193 = vector.broadcast %add3A_192 : i32 to vector<16xi32>
      %add3A_194 = arith.addi %add3A_193, %iota3A : vector<16xi32>
      %select_n3A_195 = arith.select %gt3A_187, %add3A_194, %scan3A_144 : vector<16xi1>, vector<16xi32>
      scf.yield %select_n3A_149, %select_n3A_156, %select_n3A_162, %select_n3A_169, %select_n3A_175, %select_n3A_182, %select_n3A_188, %select_n3A_195 : vector<16xf32>, vector<16xi32>, vector<16xf32>, vector<16xi32>, vector<16xf32>, vector<16xi32>, vector<16xf32>, vector<16xi32>
    }
    %scan3A_35 = arith.constant 20 : i32
    %gt3A = arith.cmpf ogt, %scan3A_34#2, %scan3A_34#0 : vector<16xf32>
    %eq3A_36 = arith.cmpf oeq, %scan3A_34#2, %scan3A_34#0 : vector<16xf32>
    %min3A = arith.minsi %scan3A_34#1, %scan3A_34#3 : vector<16xi32>
    %select_n3A = arith.select %eq3A_36, %min3A, %scan3A_34#1 : vector<16xi1>, vector<16xi32>
    %select_n3A_37 = arith.select %gt3A, %scan3A_34#3, %select_n3A : vector<16xi1>, vector<16xi32>
    %select_n3A_38 = arith.select %gt3A, %scan3A_34#2, %scan3A_34#0 : vector<16xi1>, vector<16xf32>
    %gt3A_39 = arith.cmpf ogt, %scan3A_34#4, %select_n3A_38 : vector<16xf32>
    %eq3A_40 = arith.cmpf oeq, %scan3A_34#4, %select_n3A_38 : vector<16xf32>
    %min3A_41 = arith.minsi %select_n3A_37, %scan3A_34#5 : vector<16xi32>
    %select_n3A_42 = arith.select %eq3A_40, %min3A_41, %select_n3A_37 : vector<16xi1>, vector<16xi32>
    %select_n3A_43 = arith.select %gt3A_39, %scan3A_34#5, %select_n3A_42 : vector<16xi1>, vector<16xi32>
    %select_n3A_44 = arith.select %gt3A_39, %scan3A_34#4, %select_n3A_38 : vector<16xi1>, vector<16xf32>
    %gt3A_45 = arith.cmpf ogt, %scan3A_34#6, %select_n3A_44 : vector<16xf32>
    %eq3A_46 = arith.cmpf oeq, %scan3A_34#6, %select_n3A_44 : vector<16xf32>
    %min3A_47 = arith.minsi %select_n3A_43, %scan3A_34#7 : vector<16xi32>
    %select_n3A_48 = arith.select %eq3A_46, %min3A_47, %select_n3A_43 : vector<16xi1>, vector<16xi32>
    %select_n3A_49 = arith.select %gt3A_45, %scan3A_34#7, %select_n3A_48 : vector<16xi1>, vector<16xi32>
    %select_n3A_50 = arith.select %gt3A_45, %scan3A_34#6, %select_n3A_44 : vector<16xi1>, vector<16xf32>
    %reduce_max3A = arith.constant true
    %reduce_max3A_51 = vector.broadcast %reduce_max3A : i1 to vector<16xi1>
    %reduce_max3A_52 = tpu.scan <max>, %select_n3A_50 masked %reduce_max3A_51 : vector<16xf32>, vector<16xi1> -> vector<16xf32>
    %reduce_max3A_53 = vector.extract %reduce_max3A_52[15] : f32 from vector<16xf32>
    %eq3A_54 = vector.broadcast %reduce_max3A_53 : f32 to vector<16xf32>
    %eq3A_55 = arith.cmpf oeq, %select_n3A_50, %eq3A_54 : vector<16xf32>
    %jit3A = arith.constant 1073741824 : i32
    %broadcast_in_dim3A_56 = vector.broadcast %jit3A : i32 to vector<16xi32>
    %select_n3A_57 = arith.select %eq3A_55, %select_n3A_49, %broadcast_in_dim3A_56 : vector<16xi1>, vector<16xi32>
    %reduce_min3A = arith.constant true
    %reduce_min3A_58 = vector.broadcast %reduce_min3A : i1 to vector<16xi1>
    %reduce_min3A_59 = arith.constant -2147483648 : i32
    %reduce_min3A_60 = vector.broadcast %reduce_min3A_59 : i32 to vector<16xi32>
    %reduce_min3A_61 = arith.xori %select_n3A_57, %reduce_min3A_60 : vector<16xi32>
    %reduce_min3A_62 = tpu.scan <min>, %reduce_min3A_61 masked %reduce_min3A_58 : vector<16xi32>, vector<16xi1> -> vector<16xi32>
    %reduce_min3A_63 = arith.xori %reduce_min3A_62, %reduce_min3A_60 : vector<16xi32>
    %reduce_min3A_64 = vector.extract %reduce_min3A_63[15] : i32 from vector<16xi32>
    %broadcast_in_dim3A_65 = vector.broadcast %reduce_min3A_64 : i32 to vector<16xi32>
    %gather3A = tpu.vector_load_idx %arg10[%broadcast_in_dim3A_65] : memref<1280xf32, #tpu.memory_space<vmem>>[vector<16xi32>], vector<16xf32>,
    %gather3A_66 = tpu.vector_load_idx %arg11[%broadcast_in_dim3A_65] : memref<1280xf32, #tpu.memory_space<vmem>>[vector<16xi32>], vector<16xf32>,
    %gather3A_67 = tpu.vector_load_idx %arg18[%broadcast_in_dim3A_65] : memref<1280xi32, #tpu.memory_space<vmem>>[vector<16xi32>], vector<16xi32>,
    %add3A_68 = arith.addi %reduce_min3A_64, %mul3A_0 : i32
    %eq3A_69 = arith.constant 0 : i32
    %eq3A_70 = vector.broadcast %eq3A_69 : i32 to vector<16xi32>
    %eq3A_71 = arith.cmpi eq, %iota3A, %eq3A_70 : vector<16xi32>
    %broadcast_in_dim3A_72 = vector.broadcast %reduce_max3A_53 : f32 to vector<16xf32>
    %bitcast3A = vector.bitcast %broadcast_in_dim3A_72 : vector<16xf32> to vector<16xi32>
    %eq3A_73 = arith.constant 1 : i32
    %eq3A_74 = vector.broadcast %eq3A_73 : i32 to vector<16xi32>
    %eq3A_75 = arith.cmpi eq, %iota3A, %eq3A_74 : vector<16xi32>
    %broadcast_in_dim3A_76 = vector.broadcast %add3A_68 : i32 to vector<16xi32>
    %eq3A_77 = arith.constant 2 : i32
    %eq3A_78 = vector.broadcast %eq3A_77 : i32 to vector<16xi32>
    %eq3A_79 = arith.cmpi eq, %iota3A, %eq3A_78 : vector<16xi32>
    %bitcast3A_80 = vector.bitcast %gather3A : vector<16xf32> to vector<16xi32>
    %eq3A_81 = arith.constant 3 : i32
    %eq3A_82 = vector.broadcast %eq3A_81 : i32 to vector<16xi32>
    %eq3A_83 = arith.cmpi eq, %iota3A, %eq3A_82 : vector<16xi32>
    %bitcast3A_84 = vector.bitcast %gather3A_66 : vector<16xf32> to vector<16xi32>
    %eq3A_85 = arith.constant 4 : i32
    %eq3A_86 = vector.broadcast %eq3A_85 : i32 to vector<16xi32>
    %eq3A_87 = arith.cmpi eq, %iota3A, %eq3A_86 : vector<16xi32>
    %jit3A_88 = arith.constant 0 : i32
    %broadcast_in_dim3A_89 = vector.broadcast %jit3A_88 : i32 to vector<16xi32>
    %select_n3A_90 = arith.select %eq3A_87, %gather3A_67, %broadcast_in_dim3A_89 : vector<16xi1>, vector<16xi32>
    %select_n3A_91 = arith.select %eq3A_83, %bitcast3A_84, %select_n3A_90 : vector<16xi1>, vector<16xi32>
    %select_n3A_92 = arith.select %eq3A_79, %bitcast3A_80, %select_n3A_91 : vector<16xi1>, vector<16xi32>
    %select_n3A_93 = arith.select %eq3A_75, %broadcast_in_dim3A_76, %select_n3A_92 : vector<16xi1>, vector<16xi32>
    %select_n3A_94 = arith.select %eq3A_71, %bitcast3A, %select_n3A_93 : vector<16xi1>, vector<16xi32>
    %swap3A = arith.constant 0 : index
    %swap3A_95 = tpu.vector_load %arg19[%swap3A] {strides = array<i32>} : memref<16xi32, #tpu.memory_space<vmem>>, vector<16xi32>,
    tpu.vector_store %arg19[%swap3A], %select_n3A_94 {strides = array<i32>} : memref<16xi32, #tpu.memory_space<vmem>>, vector<16xi32>,
    "tpu.region"() ({
      %run_scoped3A = tpu.sem_alloc : memref<!tpu.dma_semaphore, #tpu.memory_space<semaphore_mem>>
      %dma_start3A = arith.constant 0 : i32
      %dma_start3A_136 = tpu.memref_slice %arg19[%dma_start3A] : memref<16xi32, #tpu.memory_space<vmem>> -> memref<8xi32, #tpu.memory_space<vmem>>
      %dma_start3A_137 = arith.constant 0 : i32
      %dma_start3A_138 = tpu.memref_slice %arg33[%arg1, %dma_start3A_137] : memref<16x8xi32, #tpu.memory_space<vmem_shared>> -> memref<1x8xi32, #tpu.memory_space<vmem_shared>>
      %dma_start3A_139 = tpu.memref_squeeze %dma_start3A_138 : memref<1x8xi32, #tpu.memory_space<vmem_shared>> -> memref<8xi32, #tpu.memory_space<vmem_shared>>
      %dma_start3A_140 = arith.constant 0 : i32
      %dma_start3A_141 = tpu.memref_slice %arg33[%arg1, %dma_start3A_140] : memref<16x8xi32, #tpu.memory_space<vmem_shared>> -> memref<1x8xi32, #tpu.memory_space<vmem_shared>>
      %dma_start3A_142 = tpu.memref_squeeze %dma_start3A_141 : memref<1x8xi32, #tpu.memory_space<vmem_shared>> -> memref<8xi32, #tpu.memory_space<vmem_shared>>
      %dma_start3A_143 = arith.constant 0 : i32
      %dma_start3A_144 = tpu.memref_slice %arg19[%dma_start3A_143] : memref<16xi32, #tpu.memory_space<vmem>> -> memref<8xi32, #tpu.memory_space<vmem>>
      tpu.enqueue_dma source(%dma_start3A_144 : memref<8xi32, #tpu.memory_space<vmem>>) target(%dma_start3A_142 : memref<8xi32, #tpu.memory_space<vmem_shared>>) target_semaphore(%run_scoped3A : memref<!tpu.dma_semaphore, #tpu.memory_space<semaphore_mem>>)
      %dma_wait3A = arith.constant 0 : i32
      %dma_wait3A_145 = tpu.memref_slice %arg19[%dma_wait3A] : memref<16xi32, #tpu.memory_space<vmem>> -> memref<8xi32, #tpu.memory_space<vmem>>
      %dma_wait3A_146 = arith.constant 0 : i32
      %dma_wait3A_147 = tpu.memref_slice %arg33[%arg1, %dma_wait3A_146] : memref<16x8xi32, #tpu.memory_space<vmem_shared>> -> memref<1x8xi32, #tpu.memory_space<vmem_shared>>
      %dma_wait3A_148 = tpu.memref_squeeze %dma_wait3A_147 : memref<1x8xi32, #tpu.memory_space<vmem_shared>> -> memref<8xi32, #tpu.memory_space<vmem_shared>>
      %dma_wait3A_149 = arith.constant 0 : i32
      %dma_wait3A_150 = tpu.memref_slice %arg33[%arg1, %dma_wait3A_149] : memref<16x8xi32, #tpu.memory_space<vmem_shared>> -> memref<1x8xi32, #tpu.memory_space<vmem_shared>>
      %dma_wait3A_151 = tpu.memref_squeeze %dma_wait3A_150 : memref<1x8xi32, #tpu.memory_space<vmem_shared>> -> memref<8xi32, #tpu.memory_space<vmem_shared>>
      %dma_wait3A_152 = arith.constant 0 : i32
      %dma_wait3A_153 = tpu.memref_slice %arg19[%dma_wait3A_152] : memref<16xi32, #tpu.memory_space<vmem>> -> memref<8xi32, #tpu.memory_space<vmem>>
      tpu.wait_dma2 semaphore(%run_scoped3A : memref<!tpu.dma_semaphore, #tpu.memory_space<semaphore_mem>>) src(%dma_wait3A_153 : memref<8xi32, #tpu.memory_space<vmem>>) dst(%dma_wait3A_151 : memref<8xi32, #tpu.memory_space<vmem_shared>>)
      tpu.yield
    }) : () -> ()
    %barrier3A = arith.constant 0 : index
    tpu.barrier barrier_id(%barrier3A)
    %broadcast_in_dim3A_96 = arith.constant 0.000000e+00 : f32
    %broadcast_in_dim3A_97 = vector.broadcast %broadcast_in_dim3A_96 : f32 to vector<16xf32>
    %scan3A_98 = arith.constant 0 : i32
    %scan3A_99 = arith.constant 50 : i32
    %scan3A_100 = arith.addi %scan3A_98, %scan3A_99 : i32
    %scan3A_101 = arith.constant 1 : i32
    %scan3A_102:3 = scf.for %scan3A_136 = %scan3A_98 to %scan3A_100 step %scan3A_101 iter_args(%scan3A_137 = %broadcast_in_dim3A_97, %scan3A_138 = %broadcast_in_dim3A_97, %scan3A_139 = %broadcast_in_dim3A_97) -> (vector<16xf32>, vector<16xf32>, vector<16xf32>)  : i32 {
      %mul3A_140 = arith.constant 2 : i32
      %mul3A_141 = arith.muli %mul3A_140, %scan3A_136 : i32
      tpu.enqueue_dma source(%arg33 : memref<16x8xi32, #tpu.memory_space<vmem_shared>>) target(%arg20 : memref<16x8xi32, #tpu.memory_space<vmem>>) target_semaphore(%arg32 : memref<!tpu.dma_semaphore, #tpu.memory_space<semaphore_mem>>)
      %sub3A = arith.constant 1 : i32
      %sub3A_142 = arith.subi %mul3A_141, %sub3A : i32
      %max3A = arith.constant 0 : i32
      %max3A_143 = arith.maxsi %sub3A_142, %max3A : i32
      %broadcast_in_dim3A_144 = vector.broadcast %max3A_143 : i32 to vector<16xi32>
      %broadcast_in_dim3A_145 = arith.constant 0 : i32
      %broadcast_in_dim3A_146 = vector.broadcast %broadcast_in_dim3A_145 : i32 to vector<16xi32>
      %reduce_sum3A_147 = arith.constant true
      %reduce_sum3A_148 = vector.broadcast %reduce_sum3A_147 : i1 to vector<16xi1>
      %reduce_sum3A_149 = tpu.scan <sum>, %scan3A_137 masked %reduce_sum3A_148 : vector<16xf32>, vector<16xi1> -> vector<16xf32>
      %reduce_sum3A_150 = vector.extract %reduce_sum3A_149[15] : f32 from vector<16xf32>
      %broadcast_in_dim3A_151 = vector.broadcast %reduce_sum3A_150 : f32 to vector<16xf32>
      tpu.vector_store_idx %arg21[%broadcast_in_dim3A_146, %broadcast_in_dim3A_144], %broadcast_in_dim3A_151 masked %eq3A_2 : memref<3x128xf32, #tpu.memory_space<vmem>>[vector<16xi32>, vector<16xi32>], vector<16xf32>, vector<16xi1>
      %add3A_152 = arith.constant 1 : i32
      %add3A_153 = vector.broadcast %add3A_152 : i32 to vector<16xi32>
      %add3A_154 = arith.addi %broadcast_in_dim3A_146, %add3A_153 : vector<16xi32>
      %reduce_sum3A_155 = arith.constant true
      %reduce_sum3A_156 = vector.broadcast %reduce_sum3A_155 : i1 to vector<16xi1>
      %reduce_sum3A_157 = tpu.scan <sum>, %scan3A_138 masked %reduce_sum3A_156 : vector<16xf32>, vector<16xi1> -> vector<16xf32>
      %reduce_sum3A_158 = vector.extract %reduce_sum3A_157[15] : f32 from vector<16xf32>
      %broadcast_in_dim3A_159 = vector.broadcast %reduce_sum3A_158 : f32 to vector<16xf32>
      tpu.vector_store_idx %arg21[%add3A_154, %broadcast_in_dim3A_144], %broadcast_in_dim3A_159 masked %eq3A_2 : memref<3x128xf32, #tpu.memory_space<vmem>>[vector<16xi32>, vector<16xi32>], vector<16xf32>, vector<16xi1>
      %add3A_160 = arith.constant 2 : i32
      %add3A_161 = vector.broadcast %add3A_160 : i32 to vector<16xi32>
      %add3A_162 = arith.addi %broadcast_in_dim3A_146, %add3A_161 : vector<16xi32>
      %reduce_sum3A_163 = arith.constant true
      %reduce_sum3A_164 = vector.broadcast %reduce_sum3A_163 : i1 to vector<16xi1>
      %reduce_sum3A_165 = tpu.scan <sum>, %scan3A_139 masked %reduce_sum3A_164 : vector<16xf32>, vector<16xi1> -> vector<16xf32>
      %reduce_sum3A_166 = vector.extract %reduce_sum3A_165[15] : f32 from vector<16xf32>
      %broadcast_in_dim3A_167 = vector.broadcast %reduce_sum3A_166 : f32 to vector<16xf32>
      tpu.vector_store_idx %arg21[%add3A_162, %broadcast_in_dim3A_144], %broadcast_in_dim3A_167 masked %eq3A_2 : memref<3x128xf32, #tpu.memory_space<vmem>>[vector<16xi32>, vector<16xi32>], vector<16xf32>, vector<16xi1>
      tpu.wait_dma2 semaphore(%arg32 : memref<!tpu.dma_semaphore, #tpu.memory_space<semaphore_mem>>) src(%arg33 : memref<16x8xi32, #tpu.memory_space<vmem_shared>>) dst(%arg20 : memref<16x8xi32, #tpu.memory_space<vmem>>)
      %broadcast_in_dim3A_168 = arith.constant 0 : i32
      %broadcast_in_dim3A_169 = vector.broadcast %broadcast_in_dim3A_168 : i32 to vector<16xi32>
      %gather3A_170 = tpu.vector_load_idx %arg20[%iota3A, %broadcast_in_dim3A_169] : memref<16x8xi32, #tpu.memory_space<vmem>>[vector<16xi32>, vector<16xi32>], vector<16xi32>,
      %bitcast3A_171 = vector.bitcast %gather3A_170 : vector<16xi32> to vector<16xf32>
      %reduce_max3A_172 = arith.constant true
      %reduce_max3A_173 = vector.broadcast %reduce_max3A_172 : i1 to vector<16xi1>
      %reduce_max3A_174 = tpu.scan <max>, %bitcast3A_171 masked %reduce_max3A_173 : vector<16xf32>, vector<16xi1> -> vector<16xf32>
      %reduce_max3A_175 = vector.extract %reduce_max3A_174[15] : f32 from vector<16xf32>
      %eq3A_176 = vector.broadcast %reduce_max3A_175 : f32 to vector<16xf32>
      %eq3A_177 = arith.cmpf oeq, %bitcast3A_171, %eq3A_176 : vector<16xf32>
      %all_reduce_ffs3A = tpu.all_reduce %eq3A_177 {dim = 0 : i64, kind = #tpu.reduction_kind<find_first_set>} : vector<16xi1> -> vector<16xi32>
      %broadcast_in_dim3A_178 = arith.constant 1 : i32
      %broadcast_in_dim3A_179 = vector.broadcast %broadcast_in_dim3A_178 : i32 to vector<16xi32>
      %gather3A_180 = tpu.vector_load_idx %arg20[%all_reduce_ffs3A, %broadcast_in_dim3A_179] : memref<16x8xi32, #tpu.memory_space<vmem>>[vector<16xi32>, vector<16xi32>], vector<16xi32>,
      %broadcast_in_dim3A_181 = arith.constant 2 : i32
      %broadcast_in_dim3A_182 = vector.broadcast %broadcast_in_dim3A_181 : i32 to vector<16xi32>
      %gather3A_183 = tpu.vector_load_idx %arg20[%all_reduce_ffs3A, %broadcast_in_dim3A_182] : memref<16x8xi32, #tpu.memory_space<vmem>>[vector<16xi32>, vector<16xi32>], vector<16xi32>,
      %bitcast3A_184 = vector.bitcast %gather3A_183 : vector<16xi32> to vector<16xf32>
      %broadcast_in_dim3A_185 = arith.constant 3 : i32
      %broadcast_in_dim3A_186 = vector.broadcast %broadcast_in_dim3A_185 : i32 to vector<16xi32>
      %gather3A_187 = tpu.vector_load_idx %arg20[%all_reduce_ffs3A, %broadcast_in_dim3A_186] : memref<16x8xi32, #tpu.memory_space<vmem>>[vector<16xi32>, vector<16xi32>], vector<16xi32>,
      %bitcast3A_188 = vector.bitcast %gather3A_187 : vector<16xi32> to vector<16xf32>
      %broadcast_in_dim3A_189 = arith.constant 4 : i32
      %broadcast_in_dim3A_190 = vector.broadcast %broadcast_in_dim3A_189 : i32 to vector<16xi32>
      %gather3A_191 = tpu.vector_load_idx %arg20[%all_reduce_ffs3A, %broadcast_in_dim3A_190] : memref<16x8xi32, #tpu.memory_space<vmem>>[vector<16xi32>, vector<16xi32>], vector<16xi32>,
      %broadcast_in_dim3A_192 = vector.broadcast %mul3A_141 : i32 to vector<16xi32>
      %broadcast_in_dim3A_193 = vector.broadcast %reduce_max3A_175 : f32 to vector<16xf32>
      tpu.vector_store_idx %arg23[%broadcast_in_dim3A_192], %broadcast_in_dim3A_193 masked %eq3A_2 : memref<128xf32, #tpu.memory_space<vmem>>[vector<16xi32>], vector<16xf32>, vector<16xi1>
      tpu.vector_store_idx %arg24[%broadcast_in_dim3A_192], %gather3A_191 masked %eq3A_2 : memref<128xi32, #tpu.memory_space<vmem>>[vector<16xi32>], vector<16xi32>, vector<16xi1>
      %sub3A_194 = arith.subf %bitcast3A_188, %bitcast3A_184 : vector<16xf32>
      %ge3A = vector.broadcast %mul3A_0 : i32 to vector<16xi32>
      %ge3A_195 = arith.cmpi sge, %gather3A_180, %ge3A : vector<16xi32>
      %add3A_196 = arith.constant 1280 : i32
      %add3A_197 = arith.addi %mul3A_0, %add3A_196 : i32
      %lt3A = vector.broadcast %add3A_197 : i32 to vector<16xi32>
      %lt3A_198 = arith.cmpi slt, %gather3A_180, %lt3A : vector<16xi32>
      %and3A_199 = arith.andi %ge3A_195, %lt3A_198 : vector<16xi1>
      %sub3A_200 = vector.broadcast %mul3A_0 : i32 to vector<16xi32>
      %sub3A_201 = arith.subi %gather3A_180, %sub3A_200 : vector<16xi32>
      %and3A_202 = arith.andi %eq3A_2, %and3A_199 : vector<16xi1>
      %ge3A_203 = arith.constant 0 : i32
      %ge3A_204 = vector.broadcast %ge3A_203 : i32 to vector<16xi32>
      %ge3A_205 = arith.cmpi sge, %sub3A_201, %ge3A_204 : vector<16xi32>
      %and3A_206 = arith.andi %and3A_202, %ge3A_205 : vector<16xi1>
      %lt3A_207 = arith.constant 320 : i32
      %lt3A_208 = vector.broadcast %lt3A_207 : i32 to vector<16xi32>
      %lt3A_209 = arith.cmpi slt, %sub3A_201, %lt3A_208 : vector<16xi32>
      %and3A_210 = arith.andi %and3A_206, %lt3A_209 : vector<16xi1>
      %sub3A_211 = arith.constant 0 : i32
      %sub3A_212 = vector.broadcast %sub3A_211 : i32 to vector<16xi32>
      %sub3A_213 = arith.subi %sub3A_201, %sub3A_212 : vector<16xi32>
      %jit3A_214 = arith.constant 0 : i32
      %jit3A_215 = arith.constant 319 : i32
      %max3A_216 = vector.broadcast %jit3A_214 : i32 to vector<16xi32>
      %max3A_217 = arith.maxsi %max3A_216, %sub3A_213 : vector<16xi32>
      %min3A_218 = vector.broadcast %jit3A_215 : i32 to vector<16xi32>
      %min3A_219 = arith.minsi %min3A_218, %max3A_217 : vector<16xi32>
      %broadcast_in_dim3A_220 = arith.constant -1.000000e+30 : f32
      %broadcast_in_dim3A_221 = vector.broadcast %broadcast_in_dim3A_220 : f32 to vector<16xf32>
      tpu.vector_store_idx %arg14[%min3A_219], %broadcast_in_dim3A_221 masked %and3A_210 : memref<320xf32, #tpu.memory_space<vmem>>[vector<16xi32>], vector<16xf32>, vector<16xi1>
      %and3A_222 = arith.andi %eq3A_2, %and3A_199 : vector<16xi1>
      %ge3A_223 = arith.constant 320 : i32
      %ge3A_224 = vector.broadcast %ge3A_223 : i32 to vector<16xi32>
      %ge3A_225 = arith.cmpi sge, %sub3A_201, %ge3A_224 : vector<16xi32>
      %and3A_226 = arith.andi %and3A_222, %ge3A_225 : vector<16xi1>
      %lt3A_227 = arith.constant 640 : i32
      %lt3A_228 = vector.broadcast %lt3A_227 : i32 to vector<16xi32>
      %lt3A_229 = arith.cmpi slt, %sub3A_201, %lt3A_228 : vector<16xi32>
      %and3A_230 = arith.andi %and3A_226, %lt3A_229 : vector<16xi1>
      %sub3A_231 = arith.constant 320 : i32
      %sub3A_232 = vector.broadcast %sub3A_231 : i32 to vector<16xi32>
      %sub3A_233 = arith.subi %sub3A_201, %sub3A_232 : vector<16xi32>
      %jit3A_234 = arith.constant 0 : i32
      %jit3A_235 = arith.constant 319 : i32
      %max3A_236 = vector.broadcast %jit3A_234 : i32 to vector<16xi32>
      %max3A_237 = arith.maxsi %max3A_236, %sub3A_233 : vector<16xi32>
      %min3A_238 = vector.broadcast %jit3A_235 : i32 to vector<16xi32>
      %min3A_239 = arith.minsi %min3A_238, %max3A_237 : vector<16xi32>
      %broadcast_in_dim3A_240 = arith.constant -1.000000e+30 : f32
      %broadcast_in_dim3A_241 = vector.broadcast %broadcast_in_dim3A_240 : f32 to vector<16xf32>
      tpu.vector_store_idx %arg15[%min3A_239], %broadcast_in_dim3A_241 masked %and3A_230 : memref<320xf32, #tpu.memory_space<vmem>>[vector<16xi32>], vector<16xf32>, vector<16xi1>
      %and3A_242 = arith.andi %eq3A_2, %and3A_199 : vector<16xi1>
      %ge3A_243 = arith.constant 640 : i32
      %ge3A_244 = vector.broadcast %ge3A_243 : i32 to vector<16xi32>
      %ge3A_245 = arith.cmpi sge, %sub3A_201, %ge3A_244 : vector<16xi32>
      %and3A_246 = arith.andi %and3A_242, %ge3A_245 : vector<16xi1>
      %lt3A_247 = arith.constant 960 : i32
      %lt3A_248 = vector.broadcast %lt3A_247 : i32 to vector<16xi32>
      %lt3A_249 = arith.cmpi slt, %sub3A_201, %lt3A_248 : vector<16xi32>
      %and3A_250 = arith.andi %and3A_246, %lt3A_249 : vector<16xi1>
      %sub3A_251 = arith.constant 640 : i32
      %sub3A_252 = vector.broadcast %sub3A_251 : i32 to vector<16xi32>
      %sub3A_253 = arith.subi %sub3A_201, %sub3A_252 : vector<16xi32>
      %jit3A_254 = arith.constant 0 : i32
      %jit3A_255 = arith.constant 319 : i32
      %max3A_256 = vector.broadcast %jit3A_254 : i32 to vector<16xi32>
      %max3A_257 = arith.maxsi %max3A_256, %sub3A_253 : vector<16xi32>
      %min3A_258 = vector.broadcast %jit3A_255 : i32 to vector<16xi32>
      %min3A_259 = arith.minsi %min3A_258, %max3A_257 : vector<16xi32>
      %broadcast_in_dim3A_260 = arith.constant -1.000000e+30 : f32
      %broadcast_in_dim3A_261 = vector.broadcast %broadcast_in_dim3A_260 : f32 to vector<16xf32>
      tpu.vector_store_idx %arg16[%min3A_259], %broadcast_in_dim3A_261 masked %and3A_250 : memref<320xf32, #tpu.memory_space<vmem>>[vector<16xi32>], vector<16xf32>, vector<16xi1>
      %and3A_262 = arith.andi %eq3A_2, %and3A_199 : vector<16xi1>
      %ge3A_263 = arith.constant 960 : i32
      %ge3A_264 = vector.broadcast %ge3A_263 : i32 to vector<16xi32>
      %ge3A_265 = arith.cmpi sge, %sub3A_201, %ge3A_264 : vector<16xi32>
      %and3A_266 = arith.andi %and3A_262, %ge3A_265 : vector<16xi1>
      %lt3A_267 = arith.constant 1280 : i32
      %lt3A_268 = vector.broadcast %lt3A_267 : i32 to vector<16xi32>
      %lt3A_269 = arith.cmpi slt, %sub3A_201, %lt3A_268 : vector<16xi32>
      %and3A_270 = arith.andi %and3A_266, %lt3A_269 : vector<16xi1>
      %sub3A_271 = arith.constant 960 : i32
      %sub3A_272 = vector.broadcast %sub3A_271 : i32 to vector<16xi32>
      %sub3A_273 = arith.subi %sub3A_201, %sub3A_272 : vector<16xi32>
      %jit3A_274 = arith.constant 0 : i32
      %jit3A_275 = arith.constant 319 : i32
      %max3A_276 = vector.broadcast %jit3A_274 : i32 to vector<16xi32>
      %max3A_277 = arith.maxsi %max3A_276, %sub3A_273 : vector<16xi32>
      %min3A_278 = vector.broadcast %jit3A_275 : i32 to vector<16xi32>
      %min3A_279 = arith.minsi %min3A_278, %max3A_277 : vector<16xi32>
      %broadcast_in_dim3A_280 = arith.constant -1.000000e+30 : f32
      %broadcast_in_dim3A_281 = vector.broadcast %broadcast_in_dim3A_280 : f32 to vector<16xf32>
      tpu.vector_store_idx %arg17[%min3A_279], %broadcast_in_dim3A_281 masked %and3A_270 : memref<320xf32, #tpu.memory_space<vmem>>[vector<16xi32>], vector<16xf32>, vector<16xi1>
      %broadcast_in_dim3A_282 = arith.constant 0.000000e+00 : f32
      %broadcast_in_dim3A_283 = vector.broadcast %broadcast_in_dim3A_282 : f32 to vector<16xf32>
      %broadcast_in_dim3A_284 = arith.constant -3.000000e+38 : f32
      %broadcast_in_dim3A_285 = vector.broadcast %broadcast_in_dim3A_284 : f32 to vector<16xf32>
      %broadcast_in_dim3A_286 = arith.constant 0 : i32
      %broadcast_in_dim3A_287 = vector.broadcast %broadcast_in_dim3A_286 : i32 to vector<16xi32>
      %broadcast_in_dim3A_288 = arith.constant -3.000000e+38 : f32
      %broadcast_in_dim3A_289 = vector.broadcast %broadcast_in_dim3A_288 : f32 to vector<16xf32>
      %broadcast_in_dim3A_290 = arith.constant 0 : i32
      %broadcast_in_dim3A_291 = vector.broadcast %broadcast_in_dim3A_290 : i32 to vector<16xi32>
      %broadcast_in_dim3A_292 = arith.constant -3.000000e+38 : f32
      %broadcast_in_dim3A_293 = vector.broadcast %broadcast_in_dim3A_292 : f32 to vector<16xf32>
      %broadcast_in_dim3A_294 = arith.constant 0 : i32
      %broadcast_in_dim3A_295 = vector.broadcast %broadcast_in_dim3A_294 : i32 to vector<16xi32>
      %broadcast_in_dim3A_296 = arith.constant -3.000000e+38 : f32
      %broadcast_in_dim3A_297 = vector.broadcast %broadcast_in_dim3A_296 : f32 to vector<16xf32>
      %broadcast_in_dim3A_298 = arith.constant 0 : i32
      %broadcast_in_dim3A_299 = vector.broadcast %broadcast_in_dim3A_298 : i32 to vector<16xi32>
      %scan3A_300 = arith.constant 0 : i32
      %scan3A_301 = arith.constant 20 : i32
      %scan3A_302 = arith.addi %scan3A_300, %scan3A_301 : i32
      %scan3A_303 = arith.constant 1 : i32
      %scan3A_304:20 = scf.for %scan3A_687 = %scan3A_300 to %scan3A_302 step %scan3A_303 iter_args(%scan3A_688 = %broadcast_in_dim3A_283, %scan3A_689 = %broadcast_in_dim3A_283, %scan3A_690 = %broadcast_in_dim3A_283, %scan3A_691 = %broadcast_in_dim3A_285, %scan3A_692 = %broadcast_in_dim3A_287, %scan3A_693 = %broadcast_in_dim3A_283, %scan3A_694 = %broadcast_in_dim3A_283, %scan3A_695 = %broadcast_in_dim3A_283, %scan3A_696 = %broadcast_in_dim3A_289, %scan3A_697 = %broadcast_in_dim3A_291, %scan3A_698 = %broadcast_in_dim3A_283, %scan3A_699 = %broadcast_in_dim3A_283, %scan3A_700 = %broadcast_in_dim3A_283, %scan3A_701 = %broadcast_in_dim3A_293, %scan3A_702 = %broadcast_in_dim3A_295, %scan3A_703 = %broadcast_in_dim3A_283, %scan3A_704 = %broadcast_in_dim3A_283, %scan3A_705 = %broadcast_in_dim3A_283, %scan3A_706 = %broadcast_in_dim3A_297, %scan3A_707 = %broadcast_in_dim3A_299) -> (vector<16xf32>, vector<16xf32>, vector<16xf32>, vector<16xf32>, vector<16xi32>, vector<16xf32>, vector<16xf32>, vector<16xf32>, vector<16xf32>, vector<16xi32>, vector<16xf32>, vector<16xf32>, vector<16xf32>, vector<16xf32>, vector<16xi32>, vector<16xf32>, vector<16xf32>, vector<16xf32>, vector<16xf32>, vector<16xi32>)  : i32 {
        %add3A_708 = arith.constant 0 : i32
        %add3A_709 = arith.addi %add3A_708, %scan3A_687 : i32
        %mul3A_710 = arith.constant 16 : i32
        %mul3A_711 = arith.muli %add3A_709, %mul3A_710 : i32
        %get3A = arith.index_cast %mul3A_711 : i32 to index
        %get3A_712 = tpu.vector_load %arg10[%get3A] {strides = array<i32>} : memref<1280xf32, #tpu.memory_space<vmem>>, vector<16xf32>,
        %mul3A_713 = arith.constant 16 : i32
        %mul3A_714 = arith.muli %add3A_709, %mul3A_713 : i32
        %get3A_715 = arith.index_cast %mul3A_714 : i32 to index
        %get3A_716 = tpu.vector_load %arg11[%get3A_715] {strides = array<i32>} : memref<1280xf32, #tpu.memory_space<vmem>>, vector<16xf32>,
        %mul3A_717 = arith.constant 16 : i32
        %mul3A_718 = arith.muli %add3A_709, %mul3A_717 : i32
        %get3A_719 = arith.index_cast %mul3A_718 : i32 to index
        %get3A_720 = tpu.vector_load %arg12[%get3A_719] {strides = array<i32>} : memref<1280xf32, #tpu.memory_space<vmem>>, vector<16xf32>,
        %mul3A_721 = arith.constant 16 : i32
        %mul3A_722 = arith.muli %add3A_709, %mul3A_721 : i32
        %get3A_723 = arith.index_cast %mul3A_722 : i32 to index
        %get3A_724 = tpu.vector_load %arg13[%get3A_723] {strides = array<i32>} : memref<1280xf32, #tpu.memory_space<vmem>>, vector<16xf32>,
        %mul3A_725 = arith.constant 16 : i32
        %mul3A_726 = arith.muli %scan3A_687, %mul3A_725 : i32
        %get3A_727 = arith.index_cast %mul3A_726 : i32 to index
        %get3A_728 = tpu.vector_load %arg14[%get3A_727] {strides = array<i32>} : memref<320xf32, #tpu.memory_space<vmem>>, vector<16xf32>,
        %max3A_729 = arith.maximumf %bitcast3A_184, %get3A_712 : vector<16xf32>
        %min3A_730 = arith.minimumf %bitcast3A_188, %get3A_716 : vector<16xf32>
        %sub3A_731 = arith.subf %min3A_730, %max3A_729 : vector<16xf32>
        %max3A_732 = arith.constant 0.000000e+00 : f32
        %max3A_733 = vector.broadcast %max3A_732 : f32 to vector<16xf32>
        %max3A_734 = arith.maximumf %sub3A_731, %max3A_733 : vector<16xf32>
        %add3A_735 = arith.addf %sub3A_194, %get3A_720 : vector<16xf32>
        %sub3A_736 = arith.subf %add3A_735, %max3A_734 : vector<16xf32>
        %div3A = arith.divf %max3A_734, %sub3A_736 : vector<16xf32>
        %mul3A_737 = arith.mulf %div3A, %div3A : vector<16xf32>
        %mul3A_738 = arith.constant -2.000000e+00 : f32
        %mul3A_739 = vector.broadcast %mul3A_738 : f32 to vector<16xf32>
        %mul3A_740 = arith.mulf %mul3A_737, %mul3A_739 : vector<16xf32>
        %exp3A = math.exp %mul3A_740 : vector<16xf32>
        %mul3A_741 = arith.mulf %get3A_728, %exp3A : vector<16xf32>
        %mul3A_742 = arith.constant 16 : i32
        %mul3A_743 = arith.muli %scan3A_687, %mul3A_742 : i32
        %swap3A_744 = arith.index_cast %mul3A_743 : i32 to index
        %swap3A_745 = tpu.vector_load %arg14[%swap3A_744] {strides = array<i32>} : memref<320xf32, #tpu.memory_space<vmem>>, vector<16xf32>,
        tpu.vector_store %arg14[%swap3A_744], %mul3A_741 {strides = array<i32>} : memref<320xf32, #tpu.memory_space<vmem>>, vector<16xf32>,
        %ge3A_746 = arith.constant 7.500000e-01 : f32
        %ge3A_747 = vector.broadcast %ge3A_746 : f32 to vector<16xf32>
        %ge3A_748 = arith.cmpf oge, %div3A, %ge3A_747 : vector<16xf32>
        %mul3A_749 = arith.mulf %get3A_724, %div3A : vector<16xf32>
        %jit3A_750 = arith.constant 0.000000e+00 : f32
        %broadcast_in_dim3A_751 = vector.broadcast %jit3A_750 : f32 to vector<16xf32>
        %select_n3A_752 = arith.select %ge3A_748, %mul3A_749, %broadcast_in_dim3A_751 : vector<16xi1>, vector<16xf32>
        %gt3A_753 = arith.cmpf ogt, %mul3A_741, %scan3A_691 : vector<16xf32>
        %add3A_754 = arith.addf %scan3A_688, %select_n3A_752 : vector<16xf32>
        %mul3A_755 = arith.mulf %select_n3A_752, %get3A_712 : vector<16xf32>
        %add3A_756 = arith.addf %scan3A_689, %mul3A_755 : vector<16xf32>
        %mul3A_757 = arith.mulf %select_n3A_752, %get3A_716 : vector<16xf32>
        %add3A_758 = arith.addf %scan3A_690, %mul3A_757 : vector<16xf32>
        %select_n3A_759 = arith.select %gt3A_753, %mul3A_741, %scan3A_691 : vector<16xi1>, vector<16xf32>
        %broadcast_in_dim3A_760 = vector.broadcast %scan3A_687 : i32 to vector<16xi32>
        %select_n3A_761 = arith.select %gt3A_753, %broadcast_in_dim3A_760, %scan3A_692 : vector<16xi1>, vector<16xi32>
        %add3A_762 = arith.constant 20 : i32
        %add3A_763 = arith.addi %add3A_762, %scan3A_687 : i32
        %mul3A_764 = arith.constant 16 : i32
        %mul3A_765 = arith.muli %add3A_763, %mul3A_764 : i32
        %get3A_766 = arith.index_cast %mul3A_765 : i32 to index
        %get3A_767 = tpu.vector_load %arg10[%get3A_766] {strides = array<i32>} : memref<1280xf32, #tpu.memory_space<vmem>>, vector<16xf32>,
        %mul3A_768 = arith.constant 16 : i32
        %mul3A_769 = arith.muli %add3A_763, %mul3A_768 : i32
        %get3A_770 = arith.index_cast %mul3A_769 : i32 to index
        %get3A_771 = tpu.vector_load %arg11[%get3A_770] {strides = array<i32>} : memref<1280xf32, #tpu.memory_space<vmem>>, vector<16xf32>,
        %mul3A_772 = arith.constant 16 : i32
        %mul3A_773 = arith.muli %add3A_763, %mul3A_772 : i32
        %get3A_774 = arith.index_cast %mul3A_773 : i32 to index
        %get3A_775 = tpu.vector_load %arg12[%get3A_774] {strides = array<i32>} : memref<1280xf32, #tpu.memory_space<vmem>>, vector<16xf32>,
        %mul3A_776 = arith.constant 16 : i32
        %mul3A_777 = arith.muli %add3A_763, %mul3A_776 : i32
        %get3A_778 = arith.index_cast %mul3A_777 : i32 to index
        %get3A_779 = tpu.vector_load %arg13[%get3A_778] {strides = array<i32>} : memref<1280xf32, #tpu.memory_space<vmem>>, vector<16xf32>,
        %mul3A_780 = arith.constant 16 : i32
        %mul3A_781 = arith.muli %scan3A_687, %mul3A_780 : i32
        %get3A_782 = arith.index_cast %mul3A_781 : i32 to index
        %get3A_783 = tpu.vector_load %arg15[%get3A_782] {strides = array<i32>} : memref<320xf32, #tpu.memory_space<vmem>>, vector<16xf32>,
        %max3A_784 = arith.maximumf %bitcast3A_184, %get3A_767 : vector<16xf32>
        %min3A_785 = arith.minimumf %bitcast3A_188, %get3A_771 : vector<16xf32>
        %sub3A_786 = arith.subf %min3A_785, %max3A_784 : vector<16xf32>
        %max3A_787 = arith.constant 0.000000e+00 : f32
        %max3A_788 = vector.broadcast %max3A_787 : f32 to vector<16xf32>
        %max3A_789 = arith.maximumf %sub3A_786, %max3A_788 : vector<16xf32>
        %add3A_790 = arith.addf %sub3A_194, %get3A_775 : vector<16xf32>
        %sub3A_791 = arith.subf %add3A_790, %max3A_789 : vector<16xf32>
        %div3A_792 = arith.divf %max3A_789, %sub3A_791 : vector<16xf32>
        %mul3A_793 = arith.mulf %div3A_792, %div3A_792 : vector<16xf32>
        %mul3A_794 = arith.constant -2.000000e+00 : f32
        %mul3A_795 = vector.broadcast %mul3A_794 : f32 to vector<16xf32>
        %mul3A_796 = arith.mulf %mul3A_793, %mul3A_795 : vector<16xf32>
        %exp3A_797 = math.exp %mul3A_796 : vector<16xf32>
        %mul3A_798 = arith.mulf %get3A_783, %exp3A_797 : vector<16xf32>
        %mul3A_799 = arith.constant 16 : i32
        %mul3A_800 = arith.muli %scan3A_687, %mul3A_799 : i32
        %swap3A_801 = arith.index_cast %mul3A_800 : i32 to index
        %swap3A_802 = tpu.vector_load %arg15[%swap3A_801] {strides = array<i32>} : memref<320xf32, #tpu.memory_space<vmem>>, vector<16xf32>,
        tpu.vector_store %arg15[%swap3A_801], %mul3A_798 {strides = array<i32>} : memref<320xf32, #tpu.memory_space<vmem>>, vector<16xf32>,
        %ge3A_803 = arith.constant 7.500000e-01 : f32
        %ge3A_804 = vector.broadcast %ge3A_803 : f32 to vector<16xf32>
        %ge3A_805 = arith.cmpf oge, %div3A_792, %ge3A_804 : vector<16xf32>
        %mul3A_806 = arith.mulf %get3A_779, %div3A_792 : vector<16xf32>
        %jit3A_807 = arith.constant 0.000000e+00 : f32
        %broadcast_in_dim3A_808 = vector.broadcast %jit3A_807 : f32 to vector<16xf32>
        %select_n3A_809 = arith.select %ge3A_805, %mul3A_806, %broadcast_in_dim3A_808 : vector<16xi1>, vector<16xf32>
        %gt3A_810 = arith.cmpf ogt, %mul3A_798, %scan3A_696 : vector<16xf32>
        %add3A_811 = arith.addf %scan3A_693, %select_n3A_809 : vector<16xf32>
        %mul3A_812 = arith.mulf %select_n3A_809, %get3A_767 : vector<16xf32>
        %add3A_813 = arith.addf %scan3A_694, %mul3A_812 : vector<16xf32>
        %mul3A_814 = arith.mulf %select_n3A_809, %get3A_771 : vector<16xf32>
        %add3A_815 = arith.addf %scan3A_695, %mul3A_814 : vector<16xf32>
        %select_n3A_816 = arith.select %gt3A_810, %mul3A_798, %scan3A_696 : vector<16xi1>, vector<16xf32>
        %broadcast_in_dim3A_817 = vector.broadcast %scan3A_687 : i32 to vector<16xi32>
        %select_n3A_818 = arith.select %gt3A_810, %broadcast_in_dim3A_817, %scan3A_697 : vector<16xi1>, vector<16xi32>
        %add3A_819 = arith.constant 40 : i32
        %add3A_820 = arith.addi %add3A_819, %scan3A_687 : i32
        %mul3A_821 = arith.constant 16 : i32
        %mul3A_822 = arith.muli %add3A_820, %mul3A_821 : i32
        %get3A_823 = arith.index_cast %mul3A_822 : i32 to index
        %get3A_824 = tpu.vector_load %arg10[%get3A_823] {strides = array<i32>} : memref<1280xf32, #tpu.memory_space<vmem>>, vector<16xf32>,
        %mul3A_825 = arith.constant 16 : i32
        %mul3A_826 = arith.muli %add3A_820, %mul3A_825 : i32
        %get3A_827 = arith.index_cast %mul3A_826 : i32 to index
        %get3A_828 = tpu.vector_load %arg11[%get3A_827] {strides = array<i32>} : memref<1280xf32, #tpu.memory_space<vmem>>, vector<16xf32>,
        %mul3A_829 = arith.constant 16 : i32
        %mul3A_830 = arith.muli %add3A_820, %mul3A_829 : i32
        %get3A_831 = arith.index_cast %mul3A_830 : i32 to index
        %get3A_832 = tpu.vector_load %arg12[%get3A_831] {strides = array<i32>} : memref<1280xf32, #tpu.memory_space<vmem>>, vector<16xf32>,
        %mul3A_833 = arith.constant 16 : i32
        %mul3A_834 = arith.muli %add3A_820, %mul3A_833 : i32
        %get3A_835 = arith.index_cast %mul3A_834 : i32 to index
        %get3A_836 = tpu.vector_load %arg13[%get3A_835] {strides = array<i32>} : memref<1280xf32, #tpu.memory_space<vmem>>, vector<16xf32>,
        %mul3A_837 = arith.constant 16 : i32
        %mul3A_838 = arith.muli %scan3A_687, %mul3A_837 : i32
        %get3A_839 = arith.index_cast %mul3A_838 : i32 to index
        %get3A_840 = tpu.vector_load %arg16[%get3A_839] {strides = array<i32>} : memref<320xf32, #tpu.memory_space<vmem>>, vector<16xf32>,
        %max3A_841 = arith.maximumf %bitcast3A_184, %get3A_824 : vector<16xf32>
        %min3A_842 = arith.minimumf %bitcast3A_188, %get3A_828 : vector<16xf32>
        %sub3A_843 = arith.subf %min3A_842, %max3A_841 : vector<16xf32>
        %max3A_844 = arith.constant 0.000000e+00 : f32
        %max3A_845 = vector.broadcast %max3A_844 : f32 to vector<16xf32>
        %max3A_846 = arith.maximumf %sub3A_843, %max3A_845 : vector<16xf32>
        %add3A_847 = arith.addf %sub3A_194, %get3A_832 : vector<16xf32>
        %sub3A_848 = arith.subf %add3A_847, %max3A_846 : vector<16xf32>
        %div3A_849 = arith.divf %max3A_846, %sub3A_848 : vector<16xf32>
        %mul3A_850 = arith.mulf %div3A_849, %div3A_849 : vector<16xf32>
        %mul3A_851 = arith.constant -2.000000e+00 : f32
        %mul3A_852 = vector.broadcast %mul3A_851 : f32 to vector<16xf32>
        %mul3A_853 = arith.mulf %mul3A_850, %mul3A_852 : vector<16xf32>
        %exp3A_854 = math.exp %mul3A_853 : vector<16xf32>
        %mul3A_855 = arith.mulf %get3A_840, %exp3A_854 : vector<16xf32>
        %mul3A_856 = arith.constant 16 : i32
        %mul3A_857 = arith.muli %scan3A_687, %mul3A_856 : i32
        %swap3A_858 = arith.index_cast %mul3A_857 : i32 to index
        %swap3A_859 = tpu.vector_load %arg16[%swap3A_858] {strides = array<i32>} : memref<320xf32, #tpu.memory_space<vmem>>, vector<16xf32>,
        tpu.vector_store %arg16[%swap3A_858], %mul3A_855 {strides = array<i32>} : memref<320xf32, #tpu.memory_space<vmem>>, vector<16xf32>,
        %ge3A_860 = arith.constant 7.500000e-01 : f32
        %ge3A_861 = vector.broadcast %ge3A_860 : f32 to vector<16xf32>
        %ge3A_862 = arith.cmpf oge, %div3A_849, %ge3A_861 : vector<16xf32>
        %mul3A_863 = arith.mulf %get3A_836, %div3A_849 : vector<16xf32>
        %jit3A_864 = arith.constant 0.000000e+00 : f32
        %broadcast_in_dim3A_865 = vector.broadcast %jit3A_864 : f32 to vector<16xf32>
        %select_n3A_866 = arith.select %ge3A_862, %mul3A_863, %broadcast_in_dim3A_865 : vector<16xi1>, vector<16xf32>
        %gt3A_867 = arith.cmpf ogt, %mul3A_855, %scan3A_701 : vector<16xf32>
        %add3A_868 = arith.addf %scan3A_698, %select_n3A_866 : vector<16xf32>
        %mul3A_869 = arith.mulf %select_n3A_866, %get3A_824 : vector<16xf32>
        %add3A_870 = arith.addf %scan3A_699, %mul3A_869 : vector<16xf32>
        %mul3A_871 = arith.mulf %select_n3A_866, %get3A_828 : vector<16xf32>
        %add3A_872 = arith.addf %scan3A_700, %mul3A_871 : vector<16xf32>
        %select_n3A_873 = arith.select %gt3A_867, %mul3A_855, %scan3A_701 : vector<16xi1>, vector<16xf32>
        %broadcast_in_dim3A_874 = vector.broadcast %scan3A_687 : i32 to vector<16xi32>
        %select_n3A_875 = arith.select %gt3A_867, %broadcast_in_dim3A_874, %scan3A_702 : vector<16xi1>, vector<16xi32>
        %add3A_876 = arith.constant 60 : i32
        %add3A_877 = arith.addi %add3A_876, %scan3A_687 : i32
        %mul3A_878 = arith.constant 16 : i32
        %mul3A_879 = arith.muli %add3A_877, %mul3A_878 : i32
        %get3A_880 = arith.index_cast %mul3A_879 : i32 to index
        %get3A_881 = tpu.vector_load %arg10[%get3A_880] {strides = array<i32>} : memref<1280xf32, #tpu.memory_space<vmem>>, vector<16xf32>,
        %mul3A_882 = arith.constant 16 : i32
        %mul3A_883 = arith.muli %add3A_877, %mul3A_882 : i32
        %get3A_884 = arith.index_cast %mul3A_883 : i32 to index
        %get3A_885 = tpu.vector_load %arg11[%get3A_884] {strides = array<i32>} : memref<1280xf32, #tpu.memory_space<vmem>>, vector<16xf32>,
        %mul3A_886 = arith.constant 16 : i32
        %mul3A_887 = arith.muli %add3A_877, %mul3A_886 : i32
        %get3A_888 = arith.index_cast %mul3A_887 : i32 to index
        %get3A_889 = tpu.vector_load %arg12[%get3A_888] {strides = array<i32>} : memref<1280xf32, #tpu.memory_space<vmem>>, vector<16xf32>,
        %mul3A_890 = arith.constant 16 : i32
        %mul3A_891 = arith.muli %add3A_877, %mul3A_890 : i32
        %get3A_892 = arith.index_cast %mul3A_891 : i32 to index
        %get3A_893 = tpu.vector_load %arg13[%get3A_892] {strides = array<i32>} : memref<1280xf32, #tpu.memory_space<vmem>>, vector<16xf32>,
        %mul3A_894 = arith.constant 16 : i32
        %mul3A_895 = arith.muli %scan3A_687, %mul3A_894 : i32
        %get3A_896 = arith.index_cast %mul3A_895 : i32 to index
        %get3A_897 = tpu.vector_load %arg17[%get3A_896] {strides = array<i32>} : memref<320xf32, #tpu.memory_space<vmem>>, vector<16xf32>,
        %max3A_898 = arith.maximumf %bitcast3A_184, %get3A_881 : vector<16xf32>
        %min3A_899 = arith.minimumf %bitcast3A_188, %get3A_885 : vector<16xf32>
        %sub3A_900 = arith.subf %min3A_899, %max3A_898 : vector<16xf32>
        %max3A_901 = arith.constant 0.000000e+00 : f32
        %max3A_902 = vector.broadcast %max3A_901 : f32 to vector<16xf32>
        %max3A_903 = arith.maximumf %sub3A_900, %max3A_902 : vector<16xf32>
        %add3A_904 = arith.addf %sub3A_194, %get3A_889 : vector<16xf32>
        %sub3A_905 = arith.subf %add3A_904, %max3A_903 : vector<16xf32>
        %div3A_906 = arith.divf %max3A_903, %sub3A_905 : vector<16xf32>
        %mul3A_907 = arith.mulf %div3A_906, %div3A_906 : vector<16xf32>
        %mul3A_908 = arith.constant -2.000000e+00 : f32
        %mul3A_909 = vector.broadcast %mul3A_908 : f32 to vector<16xf32>
        %mul3A_910 = arith.mulf %mul3A_907, %mul3A_909 : vector<16xf32>
        %exp3A_911 = math.exp %mul3A_910 : vector<16xf32>
        %mul3A_912 = arith.mulf %get3A_897, %exp3A_911 : vector<16xf32>
        %mul3A_913 = arith.constant 16 : i32
        %mul3A_914 = arith.muli %scan3A_687, %mul3A_913 : i32
        %swap3A_915 = arith.index_cast %mul3A_914 : i32 to index
        %swap3A_916 = tpu.vector_load %arg17[%swap3A_915] {strides = array<i32>} : memref<320xf32, #tpu.memory_space<vmem>>, vector<16xf32>,
        tpu.vector_store %arg17[%swap3A_915], %mul3A_912 {strides = array<i32>} : memref<320xf32, #tpu.memory_space<vmem>>, vector<16xf32>,
        %ge3A_917 = arith.constant 7.500000e-01 : f32
        %ge3A_918 = vector.broadcast %ge3A_917 : f32 to vector<16xf32>
        %ge3A_919 = arith.cmpf oge, %div3A_906, %ge3A_918 : vector<16xf32>
        %mul3A_920 = arith.mulf %get3A_893, %div3A_906 : vector<16xf32>
        %jit3A_921 = arith.constant 0.000000e+00 : f32
        %broadcast_in_dim3A_922 = vector.broadcast %jit3A_921 : f32 to vector<16xf32>
        %select_n3A_923 = arith.select %ge3A_919, %mul3A_920, %broadcast_in_dim3A_922 : vector<16xi1>, vector<16xf32>
        %gt3A_924 = arith.cmpf ogt, %mul3A_912, %scan3A_706 : vector<16xf32>
        %add3A_925 = arith.addf %scan3A_703, %select_n3A_923 : vector<16xf32>
        %mul3A_926 = arith.mulf %select_n3A_923, %get3A_881 : vector<16xf32>
        %add3A_927 = arith.addf %scan3A_704, %mul3A_926 : vector<16xf32>
        %mul3A_928 = arith.mulf %select_n3A_923, %get3A_885 : vector<16xf32>
        %add3A_929 = arith.addf %scan3A_705, %mul3A_928 : vector<16xf32>
        %select_n3A_930 = arith.select %gt3A_924, %mul3A_912, %scan3A_706 : vector<16xi1>, vector<16xf32>
        %broadcast_in_dim3A_931 = vector.broadcast %scan3A_687 : i32 to vector<16xi32>
        %select_n3A_932 = arith.select %gt3A_924, %broadcast_in_dim3A_931, %scan3A_707 : vector<16xi1>, vector<16xi32>
        scf.yield %add3A_754, %add3A_756, %add3A_758, %select_n3A_759, %select_n3A_761, %add3A_811, %add3A_813, %add3A_815, %select_n3A_816, %select_n3A_818, %add3A_868, %add3A_870, %add3A_872, %select_n3A_873, %select_n3A_875, %add3A_925, %add3A_927, %add3A_929, %select_n3A_930, %select_n3A_932 : vector<16xf32>, vector<16xf32>, vector<16xf32>, vector<16xf32>, vector<16xi32>, vector<16xf32>, vector<16xf32>, vector<16xf32>, vector<16xf32>, vector<16xi32>, vector<16xf32>, vector<16xf32>, vector<16xf32>, vector<16xf32>, vector<16xi32>, vector<16xf32>, vector<16xf32>, vector<16xf32>, vector<16xf32>, vector<16xi32>
      }
      %scan3A_305 = arith.constant 20 : i32
      %mul3A_306 = arith.constant 16 : i32
      %mul3A_307 = vector.broadcast %mul3A_306 : i32 to vector<16xi32>
      %mul3A_308 = arith.muli %scan3A_304#4, %mul3A_307 : vector<16xi32>
      %add3A_309 = arith.addi %mul3A_308, %iota3A : vector<16xi32>
      %add3A_310 = arith.addf %scan3A_304#0, %scan3A_304#5 : vector<16xf32>
      %add3A_311 = arith.addf %scan3A_304#1, %scan3A_304#6 : vector<16xf32>
      %add3A_312 = arith.addf %scan3A_304#2, %scan3A_304#7 : vector<16xf32>
      %mul3A_313 = arith.constant 16 : i32
      %mul3A_314 = vector.broadcast %mul3A_313 : i32 to vector<16xi32>
      %mul3A_315 = arith.muli %scan3A_304#9, %mul3A_314 : vector<16xi32>
      %add3A_316 = arith.constant 320 : i32
      %add3A_317 = vector.broadcast %add3A_316 : i32 to vector<16xi32>
      %add3A_318 = arith.addi %mul3A_315, %add3A_317 : vector<16xi32>
      %add3A_319 = arith.addi %add3A_318, %iota3A : vector<16xi32>
      %gt3A_320 = arith.cmpf ogt, %scan3A_304#8, %scan3A_304#3 : vector<16xf32>
      %eq3A_321 = arith.cmpf oeq, %scan3A_304#8, %scan3A_304#3 : vector<16xf32>
      %min3A_322 = arith.minsi %add3A_309, %add3A_319 : vector<16xi32>
      %select_n3A_323 = arith.select %eq3A_321, %min3A_322, %add3A_309 : vector<16xi1>, vector<16xi32>
      %select_n3A_324 = arith.select %gt3A_320, %add3A_319, %select_n3A_323 : vector<16xi1>, vector<16xi32>
      %select_n3A_325 = arith.select %gt3A_320, %scan3A_304#8, %scan3A_304#3 : vector<16xi1>, vector<16xf32>
      %add3A_326 = arith.addf %add3A_310, %scan3A_304#10 : vector<16xf32>
      %add3A_327 = arith.addf %add3A_311, %scan3A_304#11 : vector<16xf32>
      %add3A_328 = arith.addf %add3A_312, %scan3A_304#12 : vector<16xf32>
      %mul3A_329 = arith.constant 16 : i32
      %mul3A_330 = vector.broadcast %mul3A_329 : i32 to vector<16xi32>
      %mul3A_331 = arith.muli %scan3A_304#14, %mul3A_330 : vector<16xi32>
      %add3A_332 = arith.constant 640 : i32
      %add3A_333 = vector.broadcast %add3A_332 : i32 to vector<16xi32>
      %add3A_334 = arith.addi %mul3A_331, %add3A_333 : vector<16xi32>
      %add3A_335 = arith.addi %add3A_334, %iota3A : vector<16xi32>
      %gt3A_336 = arith.cmpf ogt, %scan3A_304#13, %select_n3A_325 : vector<16xf32>
      %eq3A_337 = arith.cmpf oeq, %scan3A_304#13, %select_n3A_325 : vector<16xf32>
      %min3A_338 = arith.minsi %select_n3A_324, %add3A_335 : vector<16xi32>
      %select_n3A_339 = arith.select %eq3A_337, %min3A_338, %select_n3A_324 : vector<16xi1>, vector<16xi32>
      %select_n3A_340 = arith.select %gt3A_336, %add3A_335, %select_n3A_339 : vector<16xi1>, vector<16xi32>
      %select_n3A_341 = arith.select %gt3A_336, %scan3A_304#13, %select_n3A_325 : vector<16xi1>, vector<16xf32>
      %add3A_342 = arith.addf %add3A_326, %scan3A_304#15 : vector<16xf32>
      %add3A_343 = arith.addf %add3A_327, %scan3A_304#16 : vector<16xf32>
      %add3A_344 = arith.addf %add3A_328, %scan3A_304#17 : vector<16xf32>
      %mul3A_345 = arith.constant 16 : i32
      %mul3A_346 = vector.broadcast %mul3A_345 : i32 to vector<16xi32>
      %mul3A_347 = arith.muli %scan3A_304#19, %mul3A_346 : vector<16xi32>
      %add3A_348 = arith.constant 960 : i32
      %add3A_349 = vector.broadcast %add3A_348 : i32 to vector<16xi32>
      %add3A_350 = arith.addi %mul3A_347, %add3A_349 : vector<16xi32>
      %add3A_351 = arith.addi %add3A_350, %iota3A : vector<16xi32>
      %gt3A_352 = arith.cmpf ogt, %scan3A_304#18, %select_n3A_341 : vector<16xf32>
      %eq3A_353 = arith.cmpf oeq, %scan3A_304#18, %select_n3A_341 : vector<16xf32>
      %min3A_354 = arith.minsi %select_n3A_340, %add3A_351 : vector<16xi32>
      %select_n3A_355 = arith.select %eq3A_353, %min3A_354, %select_n3A_340 : vector<16xi1>, vector<16xi32>
      %select_n3A_356 = arith.select %gt3A_352, %add3A_351, %select_n3A_355 : vector<16xi1>, vector<16xi32>
      %select_n3A_357 = arith.select %gt3A_352, %scan3A_304#18, %select_n3A_341 : vector<16xi1>, vector<16xf32>
      %reduce_max3A_358 = arith.constant true
      %reduce_max3A_359 = vector.broadcast %reduce_max3A_358 : i1 to vector<16xi1>
      %reduce_max3A_360 = tpu.scan <max>, %select_n3A_357 masked %reduce_max3A_359 : vector<16xf32>, vector<16xi1> -> vector<16xf32>
      %reduce_max3A_361 = vector.extract %reduce_max3A_360[15] : f32 from vector<16xf32>
      %eq3A_362 = vector.broadcast %reduce_max3A_361 : f32 to vector<16xf32>
      %eq3A_363 = arith.cmpf oeq, %select_n3A_357, %eq3A_362 : vector<16xf32>
      %jit3A_364 = arith.constant 1073741824 : i32
      %broadcast_in_dim3A_365 = vector.broadcast %jit3A_364 : i32 to vector<16xi32>
      %select_n3A_366 = arith.select %eq3A_363, %select_n3A_356, %broadcast_in_dim3A_365 : vector<16xi1>, vector<16xi32>
      %reduce_min3A_367 = arith.constant true
      %reduce_min3A_368 = vector.broadcast %reduce_min3A_367 : i1 to vector<16xi1>
      %reduce_min3A_369 = arith.constant -2147483648 : i32
      %reduce_min3A_370 = vector.broadcast %reduce_min3A_369 : i32 to vector<16xi32>
      %reduce_min3A_371 = arith.xori %select_n3A_366, %reduce_min3A_370 : vector<16xi32>
      %reduce_min3A_372 = tpu.scan <min>, %reduce_min3A_371 masked %reduce_min3A_368 : vector<16xi32>, vector<16xi1> -> vector<16xi32>
      %reduce_min3A_373 = arith.xori %reduce_min3A_372, %reduce_min3A_370 : vector<16xi32>
      %reduce_min3A_374 = vector.extract %reduce_min3A_373[15] : i32 from vector<16xi32>
      %broadcast_in_dim3A_375 = vector.broadcast %reduce_min3A_374 : i32 to vector<16xi32>
      %gather3A_376 = tpu.vector_load_idx %arg10[%broadcast_in_dim3A_375] : memref<1280xf32, #tpu.memory_space<vmem>>[vector<16xi32>], vector<16xf32>,
      %gather3A_377 = tpu.vector_load_idx %arg11[%broadcast_in_dim3A_375] : memref<1280xf32, #tpu.memory_space<vmem>>[vector<16xi32>], vector<16xf32>,
      %gather3A_378 = tpu.vector_load_idx %arg18[%broadcast_in_dim3A_375] : memref<1280xi32, #tpu.memory_space<vmem>>[vector<16xi32>], vector<16xi32>,
      %add3A_379 = arith.addi %reduce_min3A_374, %mul3A_0 : i32
      %eq3A_380 = arith.constant 0 : i32
      %eq3A_381 = vector.broadcast %eq3A_380 : i32 to vector<16xi32>
      %eq3A_382 = arith.cmpi eq, %iota3A, %eq3A_381 : vector<16xi32>
      %broadcast_in_dim3A_383 = vector.broadcast %reduce_max3A_361 : f32 to vector<16xf32>
      %bitcast3A_384 = vector.bitcast %broadcast_in_dim3A_383 : vector<16xf32> to vector<16xi32>
      %eq3A_385 = arith.constant 1 : i32
      %eq3A_386 = vector.broadcast %eq3A_385 : i32 to vector<16xi32>
      %eq3A_387 = arith.cmpi eq, %iota3A, %eq3A_386 : vector<16xi32>
      %broadcast_in_dim3A_388 = vector.broadcast %add3A_379 : i32 to vector<16xi32>
      %eq3A_389 = arith.constant 2 : i32
      %eq3A_390 = vector.broadcast %eq3A_389 : i32 to vector<16xi32>
      %eq3A_391 = arith.cmpi eq, %iota3A, %eq3A_390 : vector<16xi32>
      %bitcast3A_392 = vector.bitcast %gather3A_376 : vector<16xf32> to vector<16xi32>
      %eq3A_393 = arith.constant 3 : i32
      %eq3A_394 = vector.broadcast %eq3A_393 : i32 to vector<16xi32>
      %eq3A_395 = arith.cmpi eq, %iota3A, %eq3A_394 : vector<16xi32>
      %bitcast3A_396 = vector.bitcast %gather3A_377 : vector<16xf32> to vector<16xi32>
      %eq3A_397 = arith.constant 4 : i32
      %eq3A_398 = vector.broadcast %eq3A_397 : i32 to vector<16xi32>
      %eq3A_399 = arith.cmpi eq, %iota3A, %eq3A_398 : vector<16xi32>
      %jit3A_400 = arith.constant 0 : i32
      %broadcast_in_dim3A_401 = vector.broadcast %jit3A_400 : i32 to vector<16xi32>
      %select_n3A_402 = arith.select %eq3A_399, %gather3A_378, %broadcast_in_dim3A_401 : vector<16xi1>, vector<16xi32>
      %select_n3A_403 = arith.select %eq3A_395, %bitcast3A_396, %select_n3A_402 : vector<16xi1>, vector<16xi32>
      %select_n3A_404 = arith.select %eq3A_391, %bitcast3A_392, %select_n3A_403 : vector<16xi1>, vector<16xi32>
      %select_n3A_405 = arith.select %eq3A_387, %broadcast_in_dim3A_388, %select_n3A_404 : vector<16xi1>, vector<16xi32>
      %select_n3A_406 = arith.select %eq3A_382, %bitcast3A_384, %select_n3A_405 : vector<16xi1>, vector<16xi32>
      %swap3A_407 = arith.constant 0 : index
      %swap3A_408 = tpu.vector_load %arg19[%swap3A_407] {strides = array<i32>} : memref<16xi32, #tpu.memory_space<vmem>>, vector<16xi32>,
      tpu.vector_store %arg19[%swap3A_407], %select_n3A_406 {strides = array<i32>} : memref<16xi32, #tpu.memory_space<vmem>>, vector<16xi32>,
      "tpu.region"() ({
        %run_scoped3A = tpu.sem_alloc : memref<!tpu.dma_semaphore, #tpu.memory_space<semaphore_mem>>
        %dma_start3A = arith.constant 0 : i32
        %dma_start3A_687 = tpu.memref_slice %arg19[%dma_start3A] : memref<16xi32, #tpu.memory_space<vmem>> -> memref<8xi32, #tpu.memory_space<vmem>>
        %dma_start3A_688 = arith.constant 0 : i32
        %dma_start3A_689 = tpu.memref_slice %arg34[%arg1, %dma_start3A_688] : memref<16x8xi32, #tpu.memory_space<vmem_shared>> -> memref<1x8xi32, #tpu.memory_space<vmem_shared>>
        %dma_start3A_690 = tpu.memref_squeeze %dma_start3A_689 : memref<1x8xi32, #tpu.memory_space<vmem_shared>> -> memref<8xi32, #tpu.memory_space<vmem_shared>>
        %dma_start3A_691 = arith.constant 0 : i32
        %dma_start3A_692 = tpu.memref_slice %arg34[%arg1, %dma_start3A_691] : memref<16x8xi32, #tpu.memory_space<vmem_shared>> -> memref<1x8xi32, #tpu.memory_space<vmem_shared>>
        %dma_start3A_693 = tpu.memref_squeeze %dma_start3A_692 : memref<1x8xi32, #tpu.memory_space<vmem_shared>> -> memref<8xi32, #tpu.memory_space<vmem_shared>>
        %dma_start3A_694 = arith.constant 0 : i32
        %dma_start3A_695 = tpu.memref_slice %arg19[%dma_start3A_694] : memref<16xi32, #tpu.memory_space<vmem>> -> memref<8xi32, #tpu.memory_space<vmem>>
        tpu.enqueue_dma source(%dma_start3A_695 : memref<8xi32, #tpu.memory_space<vmem>>) target(%dma_start3A_693 : memref<8xi32, #tpu.memory_space<vmem_shared>>) target_semaphore(%run_scoped3A : memref<!tpu.dma_semaphore, #tpu.memory_space<semaphore_mem>>)
        %dma_wait3A = arith.constant 0 : i32
        %dma_wait3A_696 = tpu.memref_slice %arg19[%dma_wait3A] : memref<16xi32, #tpu.memory_space<vmem>> -> memref<8xi32, #tpu.memory_space<vmem>>
        %dma_wait3A_697 = arith.constant 0 : i32
        %dma_wait3A_698 = tpu.memref_slice %arg34[%arg1, %dma_wait3A_697] : memref<16x8xi32, #tpu.memory_space<vmem_shared>> -> memref<1x8xi32, #tpu.memory_space<vmem_shared>>
        %dma_wait3A_699 = tpu.memref_squeeze %dma_wait3A_698 : memref<1x8xi32, #tpu.memory_space<vmem_shared>> -> memref<8xi32, #tpu.memory_space<vmem_shared>>
        %dma_wait3A_700 = arith.constant 0 : i32
        %dma_wait3A_701 = tpu.memref_slice %arg34[%arg1, %dma_wait3A_700] : memref<16x8xi32, #tpu.memory_space<vmem_shared>> -> memref<1x8xi32, #tpu.memory_space<vmem_shared>>
        %dma_wait3A_702 = tpu.memref_squeeze %dma_wait3A_701 : memref<1x8xi32, #tpu.memory_space<vmem_shared>> -> memref<8xi32, #tpu.memory_space<vmem_shared>>
        %dma_wait3A_703 = arith.constant 0 : i32
        %dma_wait3A_704 = tpu.memref_slice %arg19[%dma_wait3A_703] : memref<16xi32, #tpu.memory_space<vmem>> -> memref<8xi32, #tpu.memory_space<vmem>>
        tpu.wait_dma2 semaphore(%run_scoped3A : memref<!tpu.dma_semaphore, #tpu.memory_space<semaphore_mem>>) src(%dma_wait3A_704 : memref<8xi32, #tpu.memory_space<vmem>>) dst(%dma_wait3A_702 : memref<8xi32, #tpu.memory_space<vmem_shared>>)
        tpu.yield
      }) : () -> ()
      %barrier3A_409 = arith.constant 0 : index
      tpu.barrier barrier_id(%barrier3A_409)
      %mul3A_410 = arith.constant 2 : i32
      %mul3A_411 = arith.muli %mul3A_410, %scan3A_136 : i32
      %add3A_412 = arith.constant 1 : i32
      %add3A_413 = arith.addi %mul3A_411, %add3A_412 : i32
      tpu.enqueue_dma source(%arg34 : memref<16x8xi32, #tpu.memory_space<vmem_shared>>) target(%arg20 : memref<16x8xi32, #tpu.memory_space<vmem>>) target_semaphore(%arg32 : memref<!tpu.dma_semaphore, #tpu.memory_space<semaphore_mem>>)
      %sub3A_414 = arith.constant 1 : i32
      %sub3A_415 = arith.subi %add3A_413, %sub3A_414 : i32
      %max3A_416 = arith.constant 0 : i32
      %max3A_417 = arith.maxsi %sub3A_415, %max3A_416 : i32
      %broadcast_in_dim3A_418 = vector.broadcast %max3A_417 : i32 to vector<16xi32>
      %broadcast_in_dim3A_419 = arith.constant 0 : i32
      %broadcast_in_dim3A_420 = vector.broadcast %broadcast_in_dim3A_419 : i32 to vector<16xi32>
      %reduce_sum3A_421 = arith.constant true
      %reduce_sum3A_422 = vector.broadcast %reduce_sum3A_421 : i1 to vector<16xi1>
      %reduce_sum3A_423 = tpu.scan <sum>, %add3A_342 masked %reduce_sum3A_422 : vector<16xf32>, vector<16xi1> -> vector<16xf32>
      %reduce_sum3A_424 = vector.extract %reduce_sum3A_423[15] : f32 from vector<16xf32>
      %broadcast_in_dim3A_425 = vector.broadcast %reduce_sum3A_424 : f32 to vector<16xf32>
      tpu.vector_store_idx %arg21[%broadcast_in_dim3A_420, %broadcast_in_dim3A_418], %broadcast_in_dim3A_425 masked %eq3A_2 : memref<3x128xf32, #tpu.memory_space<vmem>>[vector<16xi32>, vector<16xi32>], vector<16xf32>, vector<16xi1>
      %add3A_426 = arith.constant 1 : i32
      %add3A_427 = vector.broadcast %add3A_426 : i32 to vector<16xi32>
      %add3A_428 = arith.addi %broadcast_in_dim3A_420, %add3A_427 : vector<16xi32>
      %reduce_sum3A_429 = arith.constant true
      %reduce_sum3A_430 = vector.broadcast %reduce_sum3A_429 : i1 to vector<16xi1>
      %reduce_sum3A_431 = tpu.scan <sum>, %add3A_343 masked %reduce_sum3A_430 : vector<16xf32>, vector<16xi1> -> vector<16xf32>
      %reduce_sum3A_432 = vector.extract %reduce_sum3A_431[15] : f32 from vector<16xf32>
      %broadcast_in_dim3A_433 = vector.broadcast %reduce_sum3A_432 : f32 to vector<16xf32>
      tpu.vector_store_idx %arg21[%add3A_428, %broadcast_in_dim3A_418], %broadcast_in_dim3A_433 masked %eq3A_2 : memref<3x128xf32, #tpu.memory_space<vmem>>[vector<16xi32>, vector<16xi32>], vector<16xf32>, vector<16xi1>
      %add3A_434 = arith.constant 2 : i32
      %add3A_435 = vector.broadcast %add3A_434 : i32 to vector<16xi32>
      %add3A_436 = arith.addi %broadcast_in_dim3A_420, %add3A_435 : vector<16xi32>
      %reduce_sum3A_437 = arith.constant true
      %reduce_sum3A_438 = vector.broadcast %reduce_sum3A_437 : i1 to vector<16xi1>
      %reduce_sum3A_439 = tpu.scan <sum>, %add3A_344 masked %reduce_sum3A_438 : vector<16xf32>, vector<16xi1> -> vector<16xf32>
      %reduce_sum3A_440 = vector.extract %reduce_sum3A_439[15] : f32 from vector<16xf32>
      %broadcast_in_dim3A_441 = vector.broadcast %reduce_sum3A_440 : f32 to vector<16xf32>
      tpu.vector_store_idx %arg21[%add3A_436, %broadcast_in_dim3A_418], %broadcast_in_dim3A_441 masked %eq3A_2 : memref<3x128xf32, #tpu.memory_space<vmem>>[vector<16xi32>, vector<16xi32>], vector<16xf32>, vector<16xi1>
      tpu.wait_dma2 semaphore(%arg32 : memref<!tpu.dma_semaphore, #tpu.memory_space<semaphore_mem>>) src(%arg34 : memref<16x8xi32, #tpu.memory_space<vmem_shared>>) dst(%arg20 : memref<16x8xi32, #tpu.memory_space<vmem>>)
      %broadcast_in_dim3A_442 = arith.constant 0 : i32
      %broadcast_in_dim3A_443 = vector.broadcast %broadcast_in_dim3A_442 : i32 to vector<16xi32>
      %gather3A_444 = tpu.vector_load_idx %arg20[%iota3A, %broadcast_in_dim3A_443] : memref<16x8xi32, #tpu.memory_space<vmem>>[vector<16xi32>, vector<16xi32>], vector<16xi32>,
      %bitcast3A_445 = vector.bitcast %gather3A_444 : vector<16xi32> to vector<16xf32>
      %reduce_max3A_446 = arith.constant true
      %reduce_max3A_447 = vector.broadcast %reduce_max3A_446 : i1 to vector<16xi1>
      %reduce_max3A_448 = tpu.scan <max>, %bitcast3A_445 masked %reduce_max3A_447 : vector<16xf32>, vector<16xi1> -> vector<16xf32>
      %reduce_max3A_449 = vector.extract %reduce_max3A_448[15] : f32 from vector<16xf32>
      %eq3A_450 = vector.broadcast %reduce_max3A_449 : f32 to vector<16xf32>
      %eq3A_451 = arith.cmpf oeq, %bitcast3A_445, %eq3A_450 : vector<16xf32>
      %all_reduce_ffs3A_452 = tpu.all_reduce %eq3A_451 {dim = 0 : i64, kind = #tpu.reduction_kind<find_first_set>} : vector<16xi1> -> vector<16xi32>
      %broadcast_in_dim3A_453 = arith.constant 1 : i32
      %broadcast_in_dim3A_454 = vector.broadcast %broadcast_in_dim3A_453 : i32 to vector<16xi32>
      %gather3A_455 = tpu.vector_load_idx %arg20[%all_reduce_ffs3A_452, %broadcast_in_dim3A_454] : memref<16x8xi32, #tpu.memory_space<vmem>>[vector<16xi32>, vector<16xi32>], vector<16xi32>,
      %broadcast_in_dim3A_456 = arith.constant 2 : i32
      %broadcast_in_dim3A_457 = vector.broadcast %broadcast_in_dim3A_456 : i32 to vector<16xi32>
      %gather3A_458 = tpu.vector_load_idx %arg20[%all_reduce_ffs3A_452, %broadcast_in_dim3A_457] : memref<16x8xi32, #tpu.memory_space<vmem>>[vector<16xi32>, vector<16xi32>], vector<16xi32>,
      %bitcast3A_459 = vector.bitcast %gather3A_458 : vector<16xi32> to vector<16xf32>
      %broadcast_in_dim3A_460 = arith.constant 3 : i32
      %broadcast_in_dim3A_461 = vector.broadcast %broadcast_in_dim3A_460 : i32 to vector<16xi32>
      %gather3A_462 = tpu.vector_load_idx %arg20[%all_reduce_ffs3A_452, %broadcast_in_dim3A_461] : memref<16x8xi32, #tpu.memory_space<vmem>>[vector<16xi32>, vector<16xi32>], vector<16xi32>,
      %bitcast3A_463 = vector.bitcast %gather3A_462 : vector<16xi32> to vector<16xf32>
      %broadcast_in_dim3A_464 = arith.constant 4 : i32
      %broadcast_in_dim3A_465 = vector.broadcast %broadcast_in_dim3A_464 : i32 to vector<16xi32>
      %gather3A_466 = tpu.vector_load_idx %arg20[%all_reduce_ffs3A_452, %broadcast_in_dim3A_465] : memref<16x8xi32, #tpu.memory_space<vmem>>[vector<16xi32>, vector<16xi32>], vector<16xi32>,
      %broadcast_in_dim3A_467 = vector.broadcast %add3A_413 : i32 to vector<16xi32>
      %broadcast_in_dim3A_468 = vector.broadcast %reduce_max3A_449 : f32 to vector<16xf32>
      tpu.vector_store_idx %arg23[%broadcast_in_dim3A_467], %broadcast_in_dim3A_468 masked %eq3A_2 : memref<128xf32, #tpu.memory_space<vmem>>[vector<16xi32>], vector<16xf32>, vector<16xi1>
      tpu.vector_store_idx %arg24[%broadcast_in_dim3A_467], %gather3A_466 masked %eq3A_2 : memref<128xi32, #tpu.memory_space<vmem>>[vector<16xi32>], vector<16xi32>, vector<16xi1>
      %sub3A_469 = arith.subf %bitcast3A_463, %bitcast3A_459 : vector<16xf32>
      %ge3A_470 = vector.broadcast %mul3A_0 : i32 to vector<16xi32>
      %ge3A_471 = arith.cmpi sge, %gather3A_455, %ge3A_470 : vector<16xi32>
      %add3A_472 = arith.constant 1280 : i32
      %add3A_473 = arith.addi %mul3A_0, %add3A_472 : i32
      %lt3A_474 = vector.broadcast %add3A_473 : i32 to vector<16xi32>
      %lt3A_475 = arith.cmpi slt, %gather3A_455, %lt3A_474 : vector<16xi32>
      %and3A_476 = arith.andi %ge3A_471, %lt3A_475 : vector<16xi1>
      %sub3A_477 = vector.broadcast %mul3A_0 : i32 to vector<16xi32>
      %sub3A_478 = arith.subi %gather3A_455, %sub3A_477 : vector<16xi32>
      %and3A_479 = arith.andi %eq3A_2, %and3A_476 : vector<16xi1>
      %ge3A_480 = arith.constant 0 : i32
      %ge3A_481 = vector.broadcast %ge3A_480 : i32 to vector<16xi32>
      %ge3A_482 = arith.cmpi sge, %sub3A_478, %ge3A_481 : vector<16xi32>
      %and3A_483 = arith.andi %and3A_479, %ge3A_482 : vector<16xi1>
      %lt3A_484 = arith.constant 320 : i32
      %lt3A_485 = vector.broadcast %lt3A_484 : i32 to vector<16xi32>
      %lt3A_486 = arith.cmpi slt, %sub3A_478, %lt3A_485 : vector<16xi32>
      %and3A_487 = arith.andi %and3A_483, %lt3A_486 : vector<16xi1>
      %sub3A_488 = arith.constant 0 : i32
      %sub3A_489 = vector.broadcast %sub3A_488 : i32 to vector<16xi32>
      %sub3A_490 = arith.subi %sub3A_478, %sub3A_489 : vector<16xi32>
      %jit3A_491 = arith.constant 0 : i32
      %jit3A_492 = arith.constant 319 : i32
      %max3A_493 = vector.broadcast %jit3A_491 : i32 to vector<16xi32>
      %max3A_494 = arith.maxsi %max3A_493, %sub3A_490 : vector<16xi32>
      %min3A_495 = vector.broadcast %jit3A_492 : i32 to vector<16xi32>
      %min3A_496 = arith.minsi %min3A_495, %max3A_494 : vector<16xi32>
      %broadcast_in_dim3A_497 = arith.constant -1.000000e+30 : f32
      %broadcast_in_dim3A_498 = vector.broadcast %broadcast_in_dim3A_497 : f32 to vector<16xf32>
      tpu.vector_store_idx %arg14[%min3A_496], %broadcast_in_dim3A_498 masked %and3A_487 : memref<320xf32, #tpu.memory_space<vmem>>[vector<16xi32>], vector<16xf32>, vector<16xi1>
      %and3A_499 = arith.andi %eq3A_2, %and3A_476 : vector<16xi1>
      %ge3A_500 = arith.constant 320 : i32
      %ge3A_501 = vector.broadcast %ge3A_500 : i32 to vector<16xi32>
      %ge3A_502 = arith.cmpi sge, %sub3A_478, %ge3A_501 : vector<16xi32>
      %and3A_503 = arith.andi %and3A_499, %ge3A_502 : vector<16xi1>
      %lt3A_504 = arith.constant 640 : i32
      %lt3A_505 = vector.broadcast %lt3A_504 : i32 to vector<16xi32>
      %lt3A_506 = arith.cmpi slt, %sub3A_478, %lt3A_505 : vector<16xi32>
      %and3A_507 = arith.andi %and3A_503, %lt3A_506 : vector<16xi1>
      %sub3A_508 = arith.constant 320 : i32
      %sub3A_509 = vector.broadcast %sub3A_508 : i32 to vector<16xi32>
      %sub3A_510 = arith.subi %sub3A_478, %sub3A_509 : vector<16xi32>
      %jit3A_511 = arith.constant 0 : i32
      %jit3A_512 = arith.constant 319 : i32
      %max3A_513 = vector.broadcast %jit3A_511 : i32 to vector<16xi32>
      %max3A_514 = arith.maxsi %max3A_513, %sub3A_510 : vector<16xi32>
      %min3A_515 = vector.broadcast %jit3A_512 : i32 to vector<16xi32>
      %min3A_516 = arith.minsi %min3A_515, %max3A_514 : vector<16xi32>
      %broadcast_in_dim3A_517 = arith.constant -1.000000e+30 : f32
      %broadcast_in_dim3A_518 = vector.broadcast %broadcast_in_dim3A_517 : f32 to vector<16xf32>
      tpu.vector_store_idx %arg15[%min3A_516], %broadcast_in_dim3A_518 masked %and3A_507 : memref<320xf32, #tpu.memory_space<vmem>>[vector<16xi32>], vector<16xf32>, vector<16xi1>
      %and3A_519 = arith.andi %eq3A_2, %and3A_476 : vector<16xi1>
      %ge3A_520 = arith.constant 640 : i32
      %ge3A_521 = vector.broadcast %ge3A_520 : i32 to vector<16xi32>
      %ge3A_522 = arith.cmpi sge, %sub3A_478, %ge3A_521 : vector<16xi32>
      %and3A_523 = arith.andi %and3A_519, %ge3A_522 : vector<16xi1>
      %lt3A_524 = arith.constant 960 : i32
      %lt3A_525 = vector.broadcast %lt3A_524 : i32 to vector<16xi32>
      %lt3A_526 = arith.cmpi slt, %sub3A_478, %lt3A_525 : vector<16xi32>
      %and3A_527 = arith.andi %and3A_523, %lt3A_526 : vector<16xi1>
      %sub3A_528 = arith.constant 640 : i32
      %sub3A_529 = vector.broadcast %sub3A_528 : i32 to vector<16xi32>
      %sub3A_530 = arith.subi %sub3A_478, %sub3A_529 : vector<16xi32>
      %jit3A_531 = arith.constant 0 : i32
      %jit3A_532 = arith.constant 319 : i32
      %max3A_533 = vector.broadcast %jit3A_531 : i32 to vector<16xi32>
      %max3A_534 = arith.maxsi %max3A_533, %sub3A_530 : vector<16xi32>
      %min3A_535 = vector.broadcast %jit3A_532 : i32 to vector<16xi32>
      %min3A_536 = arith.minsi %min3A_535, %max3A_534 : vector<16xi32>
      %broadcast_in_dim3A_537 = arith.constant -1.000000e+30 : f32
      %broadcast_in_dim3A_538 = vector.broadcast %broadcast_in_dim3A_537 : f32 to vector<16xf32>
      tpu.vector_store_idx %arg16[%min3A_536], %broadcast_in_dim3A_538 masked %and3A_527 : memref<320xf32, #tpu.memory_space<vmem>>[vector<16xi32>], vector<16xf32>, vector<16xi1>
      %and3A_539 = arith.andi %eq3A_2, %and3A_476 : vector<16xi1>
      %ge3A_540 = arith.constant 960 : i32
      %ge3A_541 = vector.broadcast %ge3A_540 : i32 to vector<16xi32>
      %ge3A_542 = arith.cmpi sge, %sub3A_478, %ge3A_541 : vector<16xi32>
      %and3A_543 = arith.andi %and3A_539, %ge3A_542 : vector<16xi1>
      %lt3A_544 = arith.constant 1280 : i32
      %lt3A_545 = vector.broadcast %lt3A_544 : i32 to vector<16xi32>
      %lt3A_546 = arith.cmpi slt, %sub3A_478, %lt3A_545 : vector<16xi32>
      %and3A_547 = arith.andi %and3A_543, %lt3A_546 : vector<16xi1>
      %sub3A_548 = arith.constant 960 : i32
      %sub3A_549 = vector.broadcast %sub3A_548 : i32 to vector<16xi32>
      %sub3A_550 = arith.subi %sub3A_478, %sub3A_549 : vector<16xi32>
      %jit3A_551 = arith.constant 0 : i32
      %jit3A_552 = arith.constant 319 : i32
      %max3A_553 = vector.broadcast %jit3A_551 : i32 to vector<16xi32>
      %max3A_554 = arith.maxsi %max3A_553, %sub3A_550 : vector<16xi32>
      %min3A_555 = vector.broadcast %jit3A_552 : i32 to vector<16xi32>
      %min3A_556 = arith.minsi %min3A_555, %max3A_554 : vector<16xi32>
      %broadcast_in_dim3A_557 = arith.constant -1.000000e+30 : f32
      %broadcast_in_dim3A_558 = vector.broadcast %broadcast_in_dim3A_557 : f32 to vector<16xf32>
      tpu.vector_store_idx %arg17[%min3A_556], %broadcast_in_dim3A_558 masked %and3A_547 : memref<320xf32, #tpu.memory_space<vmem>>[vector<16xi32>], vector<16xf32>, vector<16xi1>
      %broadcast_in_dim3A_559 = arith.constant 0.000000e+00 : f32
      %broadcast_in_dim3A_560 = vector.broadcast %broadcast_in_dim3A_559 : f32 to vector<16xf32>
      %broadcast_in_dim3A_561 = arith.constant -3.000000e+38 : f32
      %broadcast_in_dim3A_562 = vector.broadcast %broadcast_in_dim3A_561 : f32 to vector<16xf32>
      %broadcast_in_dim3A_563 = arith.constant 0 : i32
      %broadcast_in_dim3A_564 = vector.broadcast %broadcast_in_dim3A_563 : i32 to vector<16xi32>
      %broadcast_in_dim3A_565 = arith.constant -3.000000e+38 : f32
      %broadcast_in_dim3A_566 = vector.broadcast %broadcast_in_dim3A_565 : f32 to vector<16xf32>
      %broadcast_in_dim3A_567 = arith.constant 0 : i32
      %broadcast_in_dim3A_568 = vector.broadcast %broadcast_in_dim3A_567 : i32 to vector<16xi32>
      %broadcast_in_dim3A_569 = arith.constant -3.000000e+38 : f32
      %broadcast_in_dim3A_570 = vector.broadcast %broadcast_in_dim3A_569 : f32 to vector<16xf32>
      %broadcast_in_dim3A_571 = arith.constant 0 : i32
      %broadcast_in_dim3A_572 = vector.broadcast %broadcast_in_dim3A_571 : i32 to vector<16xi32>
      %broadcast_in_dim3A_573 = arith.constant -3.000000e+38 : f32
      %broadcast_in_dim3A_574 = vector.broadcast %broadcast_in_dim3A_573 : f32 to vector<16xf32>
      %broadcast_in_dim3A_575 = arith.constant 0 : i32
      %broadcast_in_dim3A_576 = vector.broadcast %broadcast_in_dim3A_575 : i32 to vector<16xi32>
      %scan3A_577 = arith.constant 0 : i32
      %scan3A_578 = arith.constant 20 : i32
      %scan3A_579 = arith.addi %scan3A_577, %scan3A_578 : i32
      %scan3A_580 = arith.constant 1 : i32
      %scan3A_581:20 = scf.for %scan3A_687 = %scan3A_577 to %scan3A_579 step %scan3A_580 iter_args(%scan3A_688 = %broadcast_in_dim3A_560, %scan3A_689 = %broadcast_in_dim3A_560, %scan3A_690 = %broadcast_in_dim3A_560, %scan3A_691 = %broadcast_in_dim3A_562, %scan3A_692 = %broadcast_in_dim3A_564, %scan3A_693 = %broadcast_in_dim3A_560, %scan3A_694 = %broadcast_in_dim3A_560, %scan3A_695 = %broadcast_in_dim3A_560, %scan3A_696 = %broadcast_in_dim3A_566, %scan3A_697 = %broadcast_in_dim3A_568, %scan3A_698 = %broadcast_in_dim3A_560, %scan3A_699 = %broadcast_in_dim3A_560, %scan3A_700 = %broadcast_in_dim3A_560, %scan3A_701 = %broadcast_in_dim3A_570, %scan3A_702 = %broadcast_in_dim3A_572, %scan3A_703 = %broadcast_in_dim3A_560, %scan3A_704 = %broadcast_in_dim3A_560, %scan3A_705 = %broadcast_in_dim3A_560, %scan3A_706 = %broadcast_in_dim3A_574, %scan3A_707 = %broadcast_in_dim3A_576) -> (vector<16xf32>, vector<16xf32>, vector<16xf32>, vector<16xf32>, vector<16xi32>, vector<16xf32>, vector<16xf32>, vector<16xf32>, vector<16xf32>, vector<16xi32>, vector<16xf32>, vector<16xf32>, vector<16xf32>, vector<16xf32>, vector<16xi32>, vector<16xf32>, vector<16xf32>, vector<16xf32>, vector<16xf32>, vector<16xi32>)  : i32 {
        %add3A_708 = arith.constant 0 : i32
        %add3A_709 = arith.addi %add3A_708, %scan3A_687 : i32
        %mul3A_710 = arith.constant 16 : i32
        %mul3A_711 = arith.muli %add3A_709, %mul3A_710 : i32
        %get3A = arith.index_cast %mul3A_711 : i32 to index
        %get3A_712 = tpu.vector_load %arg10[%get3A] {strides = array<i32>} : memref<1280xf32, #tpu.memory_space<vmem>>, vector<16xf32>,
        %mul3A_713 = arith.constant 16 : i32
        %mul3A_714 = arith.muli %add3A_709, %mul3A_713 : i32
        %get3A_715 = arith.index_cast %mul3A_714 : i32 to index
        %get3A_716 = tpu.vector_load %arg11[%get3A_715] {strides = array<i32>} : memref<1280xf32, #tpu.memory_space<vmem>>, vector<16xf32>,
        %mul3A_717 = arith.constant 16 : i32
        %mul3A_718 = arith.muli %add3A_709, %mul3A_717 : i32
        %get3A_719 = arith.index_cast %mul3A_718 : i32 to index
        %get3A_720 = tpu.vector_load %arg12[%get3A_719] {strides = array<i32>} : memref<1280xf32, #tpu.memory_space<vmem>>, vector<16xf32>,
        %mul3A_721 = arith.constant 16 : i32
        %mul3A_722 = arith.muli %add3A_709, %mul3A_721 : i32
        %get3A_723 = arith.index_cast %mul3A_722 : i32 to index
        %get3A_724 = tpu.vector_load %arg13[%get3A_723] {strides = array<i32>} : memref<1280xf32, #tpu.memory_space<vmem>>, vector<16xf32>,
        %mul3A_725 = arith.constant 16 : i32
        %mul3A_726 = arith.muli %scan3A_687, %mul3A_725 : i32
        %get3A_727 = arith.index_cast %mul3A_726 : i32 to index
        %get3A_728 = tpu.vector_load %arg14[%get3A_727] {strides = array<i32>} : memref<320xf32, #tpu.memory_space<vmem>>, vector<16xf32>,
        %max3A_729 = arith.maximumf %bitcast3A_459, %get3A_712 : vector<16xf32>
        %min3A_730 = arith.minimumf %bitcast3A_463, %get3A_716 : vector<16xf32>
        %sub3A_731 = arith.subf %min3A_730, %max3A_729 : vector<16xf32>
        %max3A_732 = arith.constant 0.000000e+00 : f32
        %max3A_733 = vector.broadcast %max3A_732 : f32 to vector<16xf32>
        %max3A_734 = arith.maximumf %sub3A_731, %max3A_733 : vector<16xf32>
        %add3A_735 = arith.addf %sub3A_469, %get3A_720 : vector<16xf32>
        %sub3A_736 = arith.subf %add3A_735, %max3A_734 : vector<16xf32>
        %div3A = arith.divf %max3A_734, %sub3A_736 : vector<16xf32>
        %mul3A_737 = arith.mulf %div3A, %div3A : vector<16xf32>
        %mul3A_738 = arith.constant -2.000000e+00 : f32
        %mul3A_739 = vector.broadcast %mul3A_738 : f32 to vector<16xf32>
        %mul3A_740 = arith.mulf %mul3A_737, %mul3A_739 : vector<16xf32>
        %exp3A = math.exp %mul3A_740 : vector<16xf32>
        %mul3A_741 = arith.mulf %get3A_728, %exp3A : vector<16xf32>
        %mul3A_742 = arith.constant 16 : i32
        %mul3A_743 = arith.muli %scan3A_687, %mul3A_742 : i32
        %swap3A_744 = arith.index_cast %mul3A_743 : i32 to index
        %swap3A_745 = tpu.vector_load %arg14[%swap3A_744] {strides = array<i32>} : memref<320xf32, #tpu.memory_space<vmem>>, vector<16xf32>,
        tpu.vector_store %arg14[%swap3A_744], %mul3A_741 {strides = array<i32>} : memref<320xf32, #tpu.memory_space<vmem>>, vector<16xf32>,
        %ge3A_746 = arith.constant 7.500000e-01 : f32
        %ge3A_747 = vector.broadcast %ge3A_746 : f32 to vector<16xf32>
        %ge3A_748 = arith.cmpf oge, %div3A, %ge3A_747 : vector<16xf32>
        %mul3A_749 = arith.mulf %get3A_724, %div3A : vector<16xf32>
        %jit3A_750 = arith.constant 0.000000e+00 : f32
        %broadcast_in_dim3A_751 = vector.broadcast %jit3A_750 : f32 to vector<16xf32>
        %select_n3A_752 = arith.select %ge3A_748, %mul3A_749, %broadcast_in_dim3A_751 : vector<16xi1>, vector<16xf32>
        %gt3A_753 = arith.cmpf ogt, %mul3A_741, %scan3A_691 : vector<16xf32>
        %add3A_754 = arith.addf %scan3A_688, %select_n3A_752 : vector<16xf32>
        %mul3A_755 = arith.mulf %select_n3A_752, %get3A_712 : vector<16xf32>
        %add3A_756 = arith.addf %scan3A_689, %mul3A_755 : vector<16xf32>
        %mul3A_757 = arith.mulf %select_n3A_752, %get3A_716 : vector<16xf32>
        %add3A_758 = arith.addf %scan3A_690, %mul3A_757 : vector<16xf32>
        %select_n3A_759 = arith.select %gt3A_753, %mul3A_741, %scan3A_691 : vector<16xi1>, vector<16xf32>
        %broadcast_in_dim3A_760 = vector.broadcast %scan3A_687 : i32 to vector<16xi32>
        %select_n3A_761 = arith.select %gt3A_753, %broadcast_in_dim3A_760, %scan3A_692 : vector<16xi1>, vector<16xi32>
        %add3A_762 = arith.constant 20 : i32
        %add3A_763 = arith.addi %add3A_762, %scan3A_687 : i32
        %mul3A_764 = arith.constant 16 : i32
        %mul3A_765 = arith.muli %add3A_763, %mul3A_764 : i32
        %get3A_766 = arith.index_cast %mul3A_765 : i32 to index
        %get3A_767 = tpu.vector_load %arg10[%get3A_766] {strides = array<i32>} : memref<1280xf32, #tpu.memory_space<vmem>>, vector<16xf32>,
        %mul3A_768 = arith.constant 16 : i32
        %mul3A_769 = arith.muli %add3A_763, %mul3A_768 : i32
        %get3A_770 = arith.index_cast %mul3A_769 : i32 to index
        %get3A_771 = tpu.vector_load %arg11[%get3A_770] {strides = array<i32>} : memref<1280xf32, #tpu.memory_space<vmem>>, vector<16xf32>,
        %mul3A_772 = arith.constant 16 : i32
        %mul3A_773 = arith.muli %add3A_763, %mul3A_772 : i32
        %get3A_774 = arith.index_cast %mul3A_773 : i32 to index
        %get3A_775 = tpu.vector_load %arg12[%get3A_774] {strides = array<i32>} : memref<1280xf32, #tpu.memory_space<vmem>>, vector<16xf32>,
        %mul3A_776 = arith.constant 16 : i32
        %mul3A_777 = arith.muli %add3A_763, %mul3A_776 : i32
        %get3A_778 = arith.index_cast %mul3A_777 : i32 to index
        %get3A_779 = tpu.vector_load %arg13[%get3A_778] {strides = array<i32>} : memref<1280xf32, #tpu.memory_space<vmem>>, vector<16xf32>,
        %mul3A_780 = arith.constant 16 : i32
        %mul3A_781 = arith.muli %scan3A_687, %mul3A_780 : i32
        %get3A_782 = arith.index_cast %mul3A_781 : i32 to index
        %get3A_783 = tpu.vector_load %arg15[%get3A_782] {strides = array<i32>} : memref<320xf32, #tpu.memory_space<vmem>>, vector<16xf32>,
        %max3A_784 = arith.maximumf %bitcast3A_459, %get3A_767 : vector<16xf32>
        %min3A_785 = arith.minimumf %bitcast3A_463, %get3A_771 : vector<16xf32>
        %sub3A_786 = arith.subf %min3A_785, %max3A_784 : vector<16xf32>
        %max3A_787 = arith.constant 0.000000e+00 : f32
        %max3A_788 = vector.broadcast %max3A_787 : f32 to vector<16xf32>
        %max3A_789 = arith.maximumf %sub3A_786, %max3A_788 : vector<16xf32>
        %add3A_790 = arith.addf %sub3A_469, %get3A_775 : vector<16xf32>
        %sub3A_791 = arith.subf %add3A_790, %max3A_789 : vector<16xf32>
        %div3A_792 = arith.divf %max3A_789, %sub3A_791 : vector<16xf32>
        %mul3A_793 = arith.mulf %div3A_792, %div3A_792 : vector<16xf32>
        %mul3A_794 = arith.constant -2.000000e+00 : f32
        %mul3A_795 = vector.broadcast %mul3A_794 : f32 to vector<16xf32>
        %mul3A_796 = arith.mulf %mul3A_793, %mul3A_795 : vector<16xf32>
        %exp3A_797 = math.exp %mul3A_796 : vector<16xf32>
        %mul3A_798 = arith.mulf %get3A_783, %exp3A_797 : vector<16xf32>
        %mul3A_799 = arith.constant 16 : i32
        %mul3A_800 = arith.muli %scan3A_687, %mul3A_799 : i32
        %swap3A_801 = arith.index_cast %mul3A_800 : i32 to index
        %swap3A_802 = tpu.vector_load %arg15[%swap3A_801] {strides = array<i32>} : memref<320xf32, #tpu.memory_space<vmem>>, vector<16xf32>,
        tpu.vector_store %arg15[%swap3A_801], %mul3A_798 {strides = array<i32>} : memref<320xf32, #tpu.memory_space<vmem>>, vector<16xf32>,
        %ge3A_803 = arith.constant 7.500000e-01 : f32
        %ge3A_804 = vector.broadcast %ge3A_803 : f32 to vector<16xf32>
        %ge3A_805 = arith.cmpf oge, %div3A_792, %ge3A_804 : vector<16xf32>
        %mul3A_806 = arith.mulf %get3A_779, %div3A_792 : vector<16xf32>
        %jit3A_807 = arith.constant 0.000000e+00 : f32
        %broadcast_in_dim3A_808 = vector.broadcast %jit3A_807 : f32 to vector<16xf32>
        %select_n3A_809 = arith.select %ge3A_805, %mul3A_806, %broadcast_in_dim3A_808 : vector<16xi1>, vector<16xf32>
        %gt3A_810 = arith.cmpf ogt, %mul3A_798, %scan3A_696 : vector<16xf32>
        %add3A_811 = arith.addf %scan3A_693, %select_n3A_809 : vector<16xf32>
        %mul3A_812 = arith.mulf %select_n3A_809, %get3A_767 : vector<16xf32>
        %add3A_813 = arith.addf %scan3A_694, %mul3A_812 : vector<16xf32>
        %mul3A_814 = arith.mulf %select_n3A_809, %get3A_771 : vector<16xf32>
        %add3A_815 = arith.addf %scan3A_695, %mul3A_814 : vector<16xf32>
        %select_n3A_816 = arith.select %gt3A_810, %mul3A_798, %scan3A_696 : vector<16xi1>, vector<16xf32>
        %broadcast_in_dim3A_817 = vector.broadcast %scan3A_687 : i32 to vector<16xi32>
        %select_n3A_818 = arith.select %gt3A_810, %broadcast_in_dim3A_817, %scan3A_697 : vector<16xi1>, vector<16xi32>
        %add3A_819 = arith.constant 40 : i32
        %add3A_820 = arith.addi %add3A_819, %scan3A_687 : i32
        %mul3A_821 = arith.constant 16 : i32
        %mul3A_822 = arith.muli %add3A_820, %mul3A_821 : i32
        %get3A_823 = arith.index_cast %mul3A_822 : i32 to index
        %get3A_824 = tpu.vector_load %arg10[%get3A_823] {strides = array<i32>} : memref<1280xf32, #tpu.memory_space<vmem>>, vector<16xf32>,
        %mul3A_825 = arith.constant 16 : i32
        %mul3A_826 = arith.muli %add3A_820, %mul3A_825 : i32
        %get3A_827 = arith.index_cast %mul3A_826 : i32 to index
        %get3A_828 = tpu.vector_load %arg11[%get3A_827] {strides = array<i32>} : memref<1280xf32, #tpu.memory_space<vmem>>, vector<16xf32>,
        %mul3A_829 = arith.constant 16 : i32
        %mul3A_830 = arith.muli %add3A_820, %mul3A_829 : i32
        %get3A_831 = arith.index_cast %mul3A_830 : i32 to index
        %get3A_832 = tpu.vector_load %arg12[%get3A_831] {strides = array<i32>} : memref<1280xf32, #tpu.memory_space<vmem>>, vector<16xf32>,
        %mul3A_833 = arith.constant 16 : i32
        %mul3A_834 = arith.muli %add3A_820, %mul3A_833 : i32
        %get3A_835 = arith.index_cast %mul3A_834 : i32 to index
        %get3A_836 = tpu.vector_load %arg13[%get3A_835] {strides = array<i32>} : memref<1280xf32, #tpu.memory_space<vmem>>, vector<16xf32>,
        %mul3A_837 = arith.constant 16 : i32
        %mul3A_838 = arith.muli %scan3A_687, %mul3A_837 : i32
        %get3A_839 = arith.index_cast %mul3A_838 : i32 to index
        %get3A_840 = tpu.vector_load %arg16[%get3A_839] {strides = array<i32>} : memref<320xf32, #tpu.memory_space<vmem>>, vector<16xf32>,
        %max3A_841 = arith.maximumf %bitcast3A_459, %get3A_824 : vector<16xf32>
        %min3A_842 = arith.minimumf %bitcast3A_463, %get3A_828 : vector<16xf32>
        %sub3A_843 = arith.subf %min3A_842, %max3A_841 : vector<16xf32>
        %max3A_844 = arith.constant 0.000000e+00 : f32
        %max3A_845 = vector.broadcast %max3A_844 : f32 to vector<16xf32>
        %max3A_846 = arith.maximumf %sub3A_843, %max3A_845 : vector<16xf32>
        %add3A_847 = arith.addf %sub3A_469, %get3A_832 : vector<16xf32>
        %sub3A_848 = arith.subf %add3A_847, %max3A_846 : vector<16xf32>
        %div3A_849 = arith.divf %max3A_846, %sub3A_848 : vector<16xf32>
        %mul3A_850 = arith.mulf %div3A_849, %div3A_849 : vector<16xf32>
        %mul3A_851 = arith.constant -2.000000e+00 : f32
        %mul3A_852 = vector.broadcast %mul3A_851 : f32 to vector<16xf32>
        %mul3A_853 = arith.mulf %mul3A_850, %mul3A_852 : vector<16xf32>
        %exp3A_854 = math.exp %mul3A_853 : vector<16xf32>
        %mul3A_855 = arith.mulf %get3A_840, %exp3A_854 : vector<16xf32>
        %mul3A_856 = arith.constant 16 : i32
        %mul3A_857 = arith.muli %scan3A_687, %mul3A_856 : i32
        %swap3A_858 = arith.index_cast %mul3A_857 : i32 to index
        %swap3A_859 = tpu.vector_load %arg16[%swap3A_858] {strides = array<i32>} : memref<320xf32, #tpu.memory_space<vmem>>, vector<16xf32>,
        tpu.vector_store %arg16[%swap3A_858], %mul3A_855 {strides = array<i32>} : memref<320xf32, #tpu.memory_space<vmem>>, vector<16xf32>,
        %ge3A_860 = arith.constant 7.500000e-01 : f32
        %ge3A_861 = vector.broadcast %ge3A_860 : f32 to vector<16xf32>
        %ge3A_862 = arith.cmpf oge, %div3A_849, %ge3A_861 : vector<16xf32>
        %mul3A_863 = arith.mulf %get3A_836, %div3A_849 : vector<16xf32>
        %jit3A_864 = arith.constant 0.000000e+00 : f32
        %broadcast_in_dim3A_865 = vector.broadcast %jit3A_864 : f32 to vector<16xf32>
        %select_n3A_866 = arith.select %ge3A_862, %mul3A_863, %broadcast_in_dim3A_865 : vector<16xi1>, vector<16xf32>
        %gt3A_867 = arith.cmpf ogt, %mul3A_855, %scan3A_701 : vector<16xf32>
        %add3A_868 = arith.addf %scan3A_698, %select_n3A_866 : vector<16xf32>
        %mul3A_869 = arith.mulf %select_n3A_866, %get3A_824 : vector<16xf32>
        %add3A_870 = arith.addf %scan3A_699, %mul3A_869 : vector<16xf32>
        %mul3A_871 = arith.mulf %select_n3A_866, %get3A_828 : vector<16xf32>
        %add3A_872 = arith.addf %scan3A_700, %mul3A_871 : vector<16xf32>
        %select_n3A_873 = arith.select %gt3A_867, %mul3A_855, %scan3A_701 : vector<16xi1>, vector<16xf32>
        %broadcast_in_dim3A_874 = vector.broadcast %scan3A_687 : i32 to vector<16xi32>
        %select_n3A_875 = arith.select %gt3A_867, %broadcast_in_dim3A_874, %scan3A_702 : vector<16xi1>, vector<16xi32>
        %add3A_876 = arith.constant 60 : i32
        %add3A_877 = arith.addi %add3A_876, %scan3A_687 : i32
        %mul3A_878 = arith.constant 16 : i32
        %mul3A_879 = arith.muli %add3A_877, %mul3A_878 : i32
        %get3A_880 = arith.index_cast %mul3A_879 : i32 to index
        %get3A_881 = tpu.vector_load %arg10[%get3A_880] {strides = array<i32>} : memref<1280xf32, #tpu.memory_space<vmem>>, vector<16xf32>,
        %mul3A_882 = arith.constant 16 : i32
        %mul3A_883 = arith.muli %add3A_877, %mul3A_882 : i32
        %get3A_884 = arith.index_cast %mul3A_883 : i32 to index
        %get3A_885 = tpu.vector_load %arg11[%get3A_884] {strides = array<i32>} : memref<1280xf32, #tpu.memory_space<vmem>>, vector<16xf32>,
        %mul3A_886 = arith.constant 16 : i32
        %mul3A_887 = arith.muli %add3A_877, %mul3A_886 : i32
        %get3A_888 = arith.index_cast %mul3A_887 : i32 to index
        %get3A_889 = tpu.vector_load %arg12[%get3A_888] {strides = array<i32>} : memref<1280xf32, #tpu.memory_space<vmem>>, vector<16xf32>,
        %mul3A_890 = arith.constant 16 : i32
        %mul3A_891 = arith.muli %add3A_877, %mul3A_890 : i32
        %get3A_892 = arith.index_cast %mul3A_891 : i32 to index
        %get3A_893 = tpu.vector_load %arg13[%get3A_892] {strides = array<i32>} : memref<1280xf32, #tpu.memory_space<vmem>>, vector<16xf32>,
        %mul3A_894 = arith.constant 16 : i32
        %mul3A_895 = arith.muli %scan3A_687, %mul3A_894 : i32
        %get3A_896 = arith.index_cast %mul3A_895 : i32 to index
        %get3A_897 = tpu.vector_load %arg17[%get3A_896] {strides = array<i32>} : memref<320xf32, #tpu.memory_space<vmem>>, vector<16xf32>,
        %max3A_898 = arith.maximumf %bitcast3A_459, %get3A_881 : vector<16xf32>
        %min3A_899 = arith.minimumf %bitcast3A_463, %get3A_885 : vector<16xf32>
        %sub3A_900 = arith.subf %min3A_899, %max3A_898 : vector<16xf32>
        %max3A_901 = arith.constant 0.000000e+00 : f32
        %max3A_902 = vector.broadcast %max3A_901 : f32 to vector<16xf32>
        %max3A_903 = arith.maximumf %sub3A_900, %max3A_902 : vector<16xf32>
        %add3A_904 = arith.addf %sub3A_469, %get3A_889 : vector<16xf32>
        %sub3A_905 = arith.subf %add3A_904, %max3A_903 : vector<16xf32>
        %div3A_906 = arith.divf %max3A_903, %sub3A_905 : vector<16xf32>
        %mul3A_907 = arith.mulf %div3A_906, %div3A_906 : vector<16xf32>
        %mul3A_908 = arith.constant -2.000000e+00 : f32
        %mul3A_909 = vector.broadcast %mul3A_908 : f32 to vector<16xf32>
        %mul3A_910 = arith.mulf %mul3A_907, %mul3A_909 : vector<16xf32>
        %exp3A_911 = math.exp %mul3A_910 : vector<16xf32>
        %mul3A_912 = arith.mulf %get3A_897, %exp3A_911 : vector<16xf32>
        %mul3A_913 = arith.constant 16 : i32
        %mul3A_914 = arith.muli %scan3A_687, %mul3A_913 : i32
        %swap3A_915 = arith.index_cast %mul3A_914 : i32 to index
        %swap3A_916 = tpu.vector_load %arg17[%swap3A_915] {strides = array<i32>} : memref<320xf32, #tpu.memory_space<vmem>>, vector<16xf32>,
        tpu.vector_store %arg17[%swap3A_915], %mul3A_912 {strides = array<i32>} : memref<320xf32, #tpu.memory_space<vmem>>, vector<16xf32>,
        %ge3A_917 = arith.constant 7.500000e-01 : f32
        %ge3A_918 = vector.broadcast %ge3A_917 : f32 to vector<16xf32>
        %ge3A_919 = arith.cmpf oge, %div3A_906, %ge3A_918 : vector<16xf32>
        %mul3A_920 = arith.mulf %get3A_893, %div3A_906 : vector<16xf32>
        %jit3A_921 = arith.constant 0.000000e+00 : f32
        %broadcast_in_dim3A_922 = vector.broadcast %jit3A_921 : f32 to vector<16xf32>
        %select_n3A_923 = arith.select %ge3A_919, %mul3A_920, %broadcast_in_dim3A_922 : vector<16xi1>, vector<16xf32>
        %gt3A_924 = arith.cmpf ogt, %mul3A_912, %scan3A_706 : vector<16xf32>
        %add3A_925 = arith.addf %scan3A_703, %select_n3A_923 : vector<16xf32>
        %mul3A_926 = arith.mulf %select_n3A_923, %get3A_881 : vector<16xf32>
        %add3A_927 = arith.addf %scan3A_704, %mul3A_926 : vector<16xf32>
        %mul3A_928 = arith.mulf %select_n3A_923, %get3A_885 : vector<16xf32>
        %add3A_929 = arith.addf %scan3A_705, %mul3A_928 : vector<16xf32>
        %select_n3A_930 = arith.select %gt3A_924, %mul3A_912, %scan3A_706 : vector<16xi1>, vector<16xf32>
        %broadcast_in_dim3A_931 = vector.broadcast %scan3A_687 : i32 to vector<16xi32>
        %select_n3A_932 = arith.select %gt3A_924, %broadcast_in_dim3A_931, %scan3A_707 : vector<16xi1>, vector<16xi32>
        scf.yield %add3A_754, %add3A_756, %add3A_758, %select_n3A_759, %select_n3A_761, %add3A_811, %add3A_813, %add3A_815, %select_n3A_816, %select_n3A_818, %add3A_868, %add3A_870, %add3A_872, %select_n3A_873, %select_n3A_875, %add3A_925, %add3A_927, %add3A_929, %select_n3A_930, %select_n3A_932 : vector<16xf32>, vector<16xf32>, vector<16xf32>, vector<16xf32>, vector<16xi32>, vector<16xf32>, vector<16xf32>, vector<16xf32>, vector<16xf32>, vector<16xi32>, vector<16xf32>, vector<16xf32>, vector<16xf32>, vector<16xf32>, vector<16xi32>, vector<16xf32>, vector<16xf32>, vector<16xf32>, vector<16xf32>, vector<16xi32>
      }
      %scan3A_582 = arith.constant 20 : i32
      %mul3A_583 = arith.constant 16 : i32
      %mul3A_584 = vector.broadcast %mul3A_583 : i32 to vector<16xi32>
      %mul3A_585 = arith.muli %scan3A_581#4, %mul3A_584 : vector<16xi32>
      %add3A_586 = arith.addi %mul3A_585, %iota3A : vector<16xi32>
      %add3A_587 = arith.addf %scan3A_581#0, %scan3A_581#5 : vector<16xf32>
      %add3A_588 = arith.addf %scan3A_581#1, %scan3A_581#6 : vector<16xf32>
      %add3A_589 = arith.addf %scan3A_581#2, %scan3A_581#7 : vector<16xf32>
      %mul3A_590 = arith.constant 16 : i32
      %mul3A_591 = vector.broadcast %mul3A_590 : i32 to vector<16xi32>
      %mul3A_592 = arith.muli %scan3A_581#9, %mul3A_591 : vector<16xi32>
      %add3A_593 = arith.constant 320 : i32
      %add3A_594 = vector.broadcast %add3A_593 : i32 to vector<16xi32>
      %add3A_595 = arith.addi %mul3A_592, %add3A_594 : vector<16xi32>
      %add3A_596 = arith.addi %add3A_595, %iota3A : vector<16xi32>
      %gt3A_597 = arith.cmpf ogt, %scan3A_581#8, %scan3A_581#3 : vector<16xf32>
      %eq3A_598 = arith.cmpf oeq, %scan3A_581#8, %scan3A_581#3 : vector<16xf32>
      %min3A_599 = arith.minsi %add3A_586, %add3A_596 : vector<16xi32>
      %select_n3A_600 = arith.select %eq3A_598, %min3A_599, %add3A_586 : vector<16xi1>, vector<16xi32>
      %select_n3A_601 = arith.select %gt3A_597, %add3A_596, %select_n3A_600 : vector<16xi1>, vector<16xi32>
      %select_n3A_602 = arith.select %gt3A_597, %scan3A_581#8, %scan3A_581#3 : vector<16xi1>, vector<16xf32>
      %add3A_603 = arith.addf %add3A_587, %scan3A_581#10 : vector<16xf32>
      %add3A_604 = arith.addf %add3A_588, %scan3A_581#11 : vector<16xf32>
      %add3A_605 = arith.addf %add3A_589, %scan3A_581#12 : vector<16xf32>
      %mul3A_606 = arith.constant 16 : i32
      %mul3A_607 = vector.broadcast %mul3A_606 : i32 to vector<16xi32>
      %mul3A_608 = arith.muli %scan3A_581#14, %mul3A_607 : vector<16xi32>
      %add3A_609 = arith.constant 640 : i32
      %add3A_610 = vector.broadcast %add3A_609 : i32 to vector<16xi32>
      %add3A_611 = arith.addi %mul3A_608, %add3A_610 : vector<16xi32>
      %add3A_612 = arith.addi %add3A_611, %iota3A : vector<16xi32>
      %gt3A_613 = arith.cmpf ogt, %scan3A_581#13, %select_n3A_602 : vector<16xf32>
      %eq3A_614 = arith.cmpf oeq, %scan3A_581#13, %select_n3A_602 : vector<16xf32>
      %min3A_615 = arith.minsi %select_n3A_601, %add3A_612 : vector<16xi32>
      %select_n3A_616 = arith.select %eq3A_614, %min3A_615, %select_n3A_601 : vector<16xi1>, vector<16xi32>
      %select_n3A_617 = arith.select %gt3A_613, %add3A_612, %select_n3A_616 : vector<16xi1>, vector<16xi32>
      %select_n3A_618 = arith.select %gt3A_613, %scan3A_581#13, %select_n3A_602 : vector<16xi1>, vector<16xf32>
      %add3A_619 = arith.addf %add3A_603, %scan3A_581#15 : vector<16xf32>
      %add3A_620 = arith.addf %add3A_604, %scan3A_581#16 : vector<16xf32>
      %add3A_621 = arith.addf %add3A_605, %scan3A_581#17 : vector<16xf32>
      %mul3A_622 = arith.constant 16 : i32
      %mul3A_623 = vector.broadcast %mul3A_622 : i32 to vector<16xi32>
      %mul3A_624 = arith.muli %scan3A_581#19, %mul3A_623 : vector<16xi32>
      %add3A_625 = arith.constant 960 : i32
      %add3A_626 = vector.broadcast %add3A_625 : i32 to vector<16xi32>
      %add3A_627 = arith.addi %mul3A_624, %add3A_626 : vector<16xi32>
      %add3A_628 = arith.addi %add3A_627, %iota3A : vector<16xi32>
      %gt3A_629 = arith.cmpf ogt, %scan3A_581#18, %select_n3A_618 : vector<16xf32>
      %eq3A_630 = arith.cmpf oeq, %scan3A_581#18, %select_n3A_618 : vector<16xf32>
      %min3A_631 = arith.minsi %select_n3A_617, %add3A_628 : vector<16xi32>
      %select_n3A_632 = arith.select %eq3A_630, %min3A_631, %select_n3A_617 : vector<16xi1>, vector<16xi32>
      %select_n3A_633 = arith.select %gt3A_629, %add3A_628, %select_n3A_632 : vector<16xi1>, vector<16xi32>
      %select_n3A_634 = arith.select %gt3A_629, %scan3A_581#18, %select_n3A_618 : vector<16xi1>, vector<16xf32>
      %reduce_max3A_635 = arith.constant true
      %reduce_max3A_636 = vector.broadcast %reduce_max3A_635 : i1 to vector<16xi1>
      %reduce_max3A_637 = tpu.scan <max>, %select_n3A_634 masked %reduce_max3A_636 : vector<16xf32>, vector<16xi1> -> vector<16xf32>
      %reduce_max3A_638 = vector.extract %reduce_max3A_637[15] : f32 from vector<16xf32>
      %eq3A_639 = vector.broadcast %reduce_max3A_638 : f32 to vector<16xf32>
      %eq3A_640 = arith.cmpf oeq, %select_n3A_634, %eq3A_639 : vector<16xf32>
      %jit3A_641 = arith.constant 1073741824 : i32
      %broadcast_in_dim3A_642 = vector.broadcast %jit3A_641 : i32 to vector<16xi32>
      %select_n3A_643 = arith.select %eq3A_640, %select_n3A_633, %broadcast_in_dim3A_642 : vector<16xi1>, vector<16xi32>
      %reduce_min3A_644 = arith.constant true
      %reduce_min3A_645 = vector.broadcast %reduce_min3A_644 : i1 to vector<16xi1>
      %reduce_min3A_646 = arith.constant -2147483648 : i32
      %reduce_min3A_647 = vector.broadcast %reduce_min3A_646 : i32 to vector<16xi32>
      %reduce_min3A_648 = arith.xori %select_n3A_643, %reduce_min3A_647 : vector<16xi32>
      %reduce_min3A_649 = tpu.scan <min>, %reduce_min3A_648 masked %reduce_min3A_645 : vector<16xi32>, vector<16xi1> -> vector<16xi32>
      %reduce_min3A_650 = arith.xori %reduce_min3A_649, %reduce_min3A_647 : vector<16xi32>
      %reduce_min3A_651 = vector.extract %reduce_min3A_650[15] : i32 from vector<16xi32>
      %broadcast_in_dim3A_652 = vector.broadcast %reduce_min3A_651 : i32 to vector<16xi32>
      %gather3A_653 = tpu.vector_load_idx %arg10[%broadcast_in_dim3A_652] : memref<1280xf32, #tpu.memory_space<vmem>>[vector<16xi32>], vector<16xf32>,
      %gather3A_654 = tpu.vector_load_idx %arg11[%broadcast_in_dim3A_652] : memref<1280xf32, #tpu.memory_space<vmem>>[vector<16xi32>], vector<16xf32>,
      %gather3A_655 = tpu.vector_load_idx %arg18[%broadcast_in_dim3A_652] : memref<1280xi32, #tpu.memory_space<vmem>>[vector<16xi32>], vector<16xi32>,
      %add3A_656 = arith.addi %reduce_min3A_651, %mul3A_0 : i32
      %eq3A_657 = arith.constant 0 : i32
      %eq3A_658 = vector.broadcast %eq3A_657 : i32 to vector<16xi32>
      %eq3A_659 = arith.cmpi eq, %iota3A, %eq3A_658 : vector<16xi32>
      %broadcast_in_dim3A_660 = vector.broadcast %reduce_max3A_638 : f32 to vector<16xf32>
      %bitcast3A_661 = vector.bitcast %broadcast_in_dim3A_660 : vector<16xf32> to vector<16xi32>
      %eq3A_662 = arith.constant 1 : i32
      %eq3A_663 = vector.broadcast %eq3A_662 : i32 to vector<16xi32>
      %eq3A_664 = arith.cmpi eq, %iota3A, %eq3A_663 : vector<16xi32>
      %broadcast_in_dim3A_665 = vector.broadcast %add3A_656 : i32 to vector<16xi32>
      %eq3A_666 = arith.constant 2 : i32
      %eq3A_667 = vector.broadcast %eq3A_666 : i32 to vector<16xi32>
      %eq3A_668 = arith.cmpi eq, %iota3A, %eq3A_667 : vector<16xi32>
      %bitcast3A_669 = vector.bitcast %gather3A_653 : vector<16xf32> to vector<16xi32>
      %eq3A_670 = arith.constant 3 : i32
      %eq3A_671 = vector.broadcast %eq3A_670 : i32 to vector<16xi32>
      %eq3A_672 = arith.cmpi eq, %iota3A, %eq3A_671 : vector<16xi32>
      %bitcast3A_673 = vector.bitcast %gather3A_654 : vector<16xf32> to vector<16xi32>
      %eq3A_674 = arith.constant 4 : i32
      %eq3A_675 = vector.broadcast %eq3A_674 : i32 to vector<16xi32>
      %eq3A_676 = arith.cmpi eq, %iota3A, %eq3A_675 : vector<16xi32>
      %jit3A_677 = arith.constant 0 : i32
      %broadcast_in_dim3A_678 = vector.broadcast %jit3A_677 : i32 to vector<16xi32>
      %select_n3A_679 = arith.select %eq3A_676, %gather3A_655, %broadcast_in_dim3A_678 : vector<16xi1>, vector<16xi32>
      %select_n3A_680 = arith.select %eq3A_672, %bitcast3A_673, %select_n3A_679 : vector<16xi1>, vector<16xi32>
      %select_n3A_681 = arith.select %eq3A_668, %bitcast3A_669, %select_n3A_680 : vector<16xi1>, vector<16xi32>
      %select_n3A_682 = arith.select %eq3A_664, %broadcast_in_dim3A_665, %select_n3A_681 : vector<16xi1>, vector<16xi32>
      %select_n3A_683 = arith.select %eq3A_659, %bitcast3A_661, %select_n3A_682 : vector<16xi1>, vector<16xi32>
      %swap3A_684 = arith.constant 0 : index
      %swap3A_685 = tpu.vector_load %arg19[%swap3A_684] {strides = array<i32>} : memref<16xi32, #tpu.memory_space<vmem>>, vector<16xi32>,
      tpu.vector_store %arg19[%swap3A_684], %select_n3A_683 {strides = array<i32>} : memref<16xi32, #tpu.memory_space<vmem>>, vector<16xi32>,
      "tpu.region"() ({
        %run_scoped3A = tpu.sem_alloc : memref<!tpu.dma_semaphore, #tpu.memory_space<semaphore_mem>>
        %dma_start3A = arith.constant 0 : i32
        %dma_start3A_687 = tpu.memref_slice %arg19[%dma_start3A] : memref<16xi32, #tpu.memory_space<vmem>> -> memref<8xi32, #tpu.memory_space<vmem>>
        %dma_start3A_688 = arith.constant 0 : i32
        %dma_start3A_689 = tpu.memref_slice %arg33[%arg1, %dma_start3A_688] : memref<16x8xi32, #tpu.memory_space<vmem_shared>> -> memref<1x8xi32, #tpu.memory_space<vmem_shared>>
        %dma_start3A_690 = tpu.memref_squeeze %dma_start3A_689 : memref<1x8xi32, #tpu.memory_space<vmem_shared>> -> memref<8xi32, #tpu.memory_space<vmem_shared>>
        %dma_start3A_691 = arith.constant 0 : i32
        %dma_start3A_692 = tpu.memref_slice %arg33[%arg1, %dma_start3A_691] : memref<16x8xi32, #tpu.memory_space<vmem_shared>> -> memref<1x8xi32, #tpu.memory_space<vmem_shared>>
        %dma_start3A_693 = tpu.memref_squeeze %dma_start3A_692 : memref<1x8xi32, #tpu.memory_space<vmem_shared>> -> memref<8xi32, #tpu.memory_space<vmem_shared>>
        %dma_start3A_694 = arith.constant 0 : i32
        %dma_start3A_695 = tpu.memref_slice %arg19[%dma_start3A_694] : memref<16xi32, #tpu.memory_space<vmem>> -> memref<8xi32, #tpu.memory_space<vmem>>
        tpu.enqueue_dma source(%dma_start3A_695 : memref<8xi32, #tpu.memory_space<vmem>>) target(%dma_start3A_693 : memref<8xi32, #tpu.memory_space<vmem_shared>>) target_semaphore(%run_scoped3A : memref<!tpu.dma_semaphore, #tpu.memory_space<semaphore_mem>>)
        %dma_wait3A = arith.constant 0 : i32
        %dma_wait3A_696 = tpu.memref_slice %arg19[%dma_wait3A] : memref<16xi32, #tpu.memory_space<vmem>> -> memref<8xi32, #tpu.memory_space<vmem>>
        %dma_wait3A_697 = arith.constant 0 : i32
        %dma_wait3A_698 = tpu.memref_slice %arg33[%arg1, %dma_wait3A_697] : memref<16x8xi32, #tpu.memory_space<vmem_shared>> -> memref<1x8xi32, #tpu.memory_space<vmem_shared>>
        %dma_wait3A_699 = tpu.memref_squeeze %dma_wait3A_698 : memref<1x8xi32, #tpu.memory_space<vmem_shared>> -> memref<8xi32, #tpu.memory_space<vmem_shared>>
        %dma_wait3A_700 = arith.constant 0 : i32
        %dma_wait3A_701 = tpu.memref_slice %arg33[%arg1, %dma_wait3A_700] : memref<16x8xi32, #tpu.memory_space<vmem_shared>> -> memref<1x8xi32, #tpu.memory_space<vmem_shared>>
        %dma_wait3A_702 = tpu.memref_squeeze %dma_wait3A_701 : memref<1x8xi32, #tpu.memory_space<vmem_shared>> -> memref<8xi32, #tpu.memory_space<vmem_shared>>
        %dma_wait3A_703 = arith.constant 0 : i32
        %dma_wait3A_704 = tpu.memref_slice %arg19[%dma_wait3A_703] : memref<16xi32, #tpu.memory_space<vmem>> -> memref<8xi32, #tpu.memory_space<vmem>>
        tpu.wait_dma2 semaphore(%run_scoped3A : memref<!tpu.dma_semaphore, #tpu.memory_space<semaphore_mem>>) src(%dma_wait3A_704 : memref<8xi32, #tpu.memory_space<vmem>>) dst(%dma_wait3A_702 : memref<8xi32, #tpu.memory_space<vmem_shared>>)
        tpu.yield
      }) : () -> ()
      %barrier3A_686 = arith.constant 0 : index
      tpu.barrier barrier_id(%barrier3A_686)
      scf.yield %add3A_619, %add3A_620, %add3A_621 : vector<16xf32>, vector<16xf32>, vector<16xf32>
    }
    %scan3A_103 = arith.constant 50 : i32
    %broadcast_in_dim3A_104 = arith.constant 99 : i32
    %broadcast_in_dim3A_105 = vector.broadcast %broadcast_in_dim3A_104 : i32 to vector<16xi32>
    %broadcast_in_dim3A_106 = arith.constant 0 : i32
    %broadcast_in_dim3A_107 = vector.broadcast %broadcast_in_dim3A_106 : i32 to vector<16xi32>
    %reduce_sum3A = arith.constant true
    %reduce_sum3A_108 = vector.broadcast %reduce_sum3A : i1 to vector<16xi1>
    %reduce_sum3A_109 = tpu.scan <sum>, %scan3A_102#0 masked %reduce_sum3A_108 : vector<16xf32>, vector<16xi1> -> vector<16xf32>
    %reduce_sum3A_110 = vector.extract %reduce_sum3A_109[15] : f32 from vector<16xf32>
    %broadcast_in_dim3A_111 = vector.broadcast %reduce_sum3A_110 : f32 to vector<16xf32>
    tpu.vector_store_idx %arg21[%broadcast_in_dim3A_107, %broadcast_in_dim3A_105], %broadcast_in_dim3A_111 masked %eq3A_2 : memref<3x128xf32, #tpu.memory_space<vmem>>[vector<16xi32>, vector<16xi32>], vector<16xf32>, vector<16xi1>
    %add3A_112 = arith.constant 1 : i32
    %add3A_113 = vector.broadcast %add3A_112 : i32 to vector<16xi32>
    %add3A_114 = arith.addi %broadcast_in_dim3A_107, %add3A_113 : vector<16xi32>
    %reduce_sum3A_115 = arith.constant true
    %reduce_sum3A_116 = vector.broadcast %reduce_sum3A_115 : i1 to vector<16xi1>
    %reduce_sum3A_117 = tpu.scan <sum>, %scan3A_102#1 masked %reduce_sum3A_116 : vector<16xf32>, vector<16xi1> -> vector<16xf32>
    %reduce_sum3A_118 = vector.extract %reduce_sum3A_117[15] : f32 from vector<16xf32>
    %broadcast_in_dim3A_119 = vector.broadcast %reduce_sum3A_118 : f32 to vector<16xf32>
    tpu.vector_store_idx %arg21[%add3A_114, %broadcast_in_dim3A_105], %broadcast_in_dim3A_119 masked %eq3A_2 : memref<3x128xf32, #tpu.memory_space<vmem>>[vector<16xi32>, vector<16xi32>], vector<16xf32>, vector<16xi1>
    %add3A_120 = arith.constant 2 : i32
    %add3A_121 = vector.broadcast %add3A_120 : i32 to vector<16xi32>
    %add3A_122 = arith.addi %broadcast_in_dim3A_107, %add3A_121 : vector<16xi32>
    %reduce_sum3A_123 = arith.constant true
    %reduce_sum3A_124 = vector.broadcast %reduce_sum3A_123 : i1 to vector<16xi1>
    %reduce_sum3A_125 = tpu.scan <sum>, %scan3A_102#2 masked %reduce_sum3A_124 : vector<16xf32>, vector<16xi1> -> vector<16xf32>
    %reduce_sum3A_126 = vector.extract %reduce_sum3A_125[15] : f32 from vector<16xf32>
    %broadcast_in_dim3A_127 = vector.broadcast %reduce_sum3A_126 : f32 to vector<16xf32>
    tpu.vector_store_idx %arg21[%add3A_122, %broadcast_in_dim3A_105], %broadcast_in_dim3A_127 masked %eq3A_2 : memref<3x128xf32, #tpu.memory_space<vmem>>[vector<16xi32>, vector<16xi32>], vector<16xf32>, vector<16xi1>
    %mul3A_128 = arith.constant 3 : i32
    %mul3A_129 = arith.muli %arg1, %mul3A_128 : i32
    "tpu.region"() ({
      %run_scoped3A = tpu.sem_alloc : memref<!tpu.dma_semaphore, #tpu.memory_space<semaphore_mem>>
      %dma_start3A = arith.constant 0 : i32
      %dma_start3A_136 = tpu.memref_slice %arg35[%mul3A_129, %dma_start3A] : memref<48x128xf32, #tpu.memory_space<vmem_shared>> -> memref<3x128xf32, #tpu.memory_space<vmem_shared>>
      %dma_start3A_137 = arith.constant 0 : i32
      %dma_start3A_138 = tpu.memref_slice %arg35[%mul3A_129, %dma_start3A_137] : memref<48x128xf32, #tpu.memory_space<vmem_shared>> -> memref<3x128xf32, #tpu.memory_space<vmem_shared>>
      tpu.enqueue_dma source(%arg21 : memref<3x128xf32, #tpu.memory_space<vmem>>) target(%dma_start3A_138 : memref<3x128xf32, #tpu.memory_space<vmem_shared>>) target_semaphore(%run_scoped3A : memref<!tpu.dma_semaphore, #tpu.memory_space<semaphore_mem>>)
      %dma_wait3A = arith.constant 0 : i32
      %dma_wait3A_139 = tpu.memref_slice %arg35[%mul3A_129, %dma_wait3A] : memref<48x128xf32, #tpu.memory_space<vmem_shared>> -> memref<3x128xf32, #tpu.memory_space<vmem_shared>>
      %dma_wait3A_140 = arith.constant 0 : i32
      %dma_wait3A_141 = tpu.memref_slice %arg35[%mul3A_129, %dma_wait3A_140] : memref<48x128xf32, #tpu.memory_space<vmem_shared>> -> memref<3x128xf32, #tpu.memory_space<vmem_shared>>
      tpu.wait_dma2 semaphore(%run_scoped3A : memref<!tpu.dma_semaphore, #tpu.memory_space<semaphore_mem>>) src(%arg21 : memref<3x128xf32, #tpu.memory_space<vmem>>) dst(%dma_wait3A_141 : memref<3x128xf32, #tpu.memory_space<vmem_shared>>)
      tpu.yield
    }) : () -> ()
    %barrier3A_130 = arith.constant 0 : index
    tpu.barrier barrier_id(%barrier3A_130)
    %eq3A_131 = arith.constant 0 : i32
    %eq3A_132 = arith.cmpi eq, %arg0, %eq3A_131 : i32
    %eq3A_133 = arith.constant 0 : i32
    %eq3A_134 = arith.cmpi eq, %arg1, %eq3A_133 : i32
    %and3A = arith.andi %eq3A_132, %eq3A_134 : i1
    %convert_element_type3A = arith.extui %and3A : i1 to i32
    %cond3A = arith.constant 0 : i32
    %cond3A_135 = arith.cmpi ne, %convert_element_type3A, %cond3A : i32
    scf.if %cond3A_135 {
      "tpu.region"() ({
        %run_scoped3A = tpu.sem_alloc : memref<!tpu.dma_semaphore, #tpu.memory_space<semaphore_mem>>
        tpu.enqueue_dma source(%arg35 : memref<48x128xf32, #tpu.memory_space<vmem_shared>>) target(%arg22 : memref<48x128xf32, #tpu.memory_space<vmem>>) target_semaphore(%run_scoped3A : memref<!tpu.dma_semaphore, #tpu.memory_space<semaphore_mem>>)
        tpu.wait_dma2 semaphore(%run_scoped3A : memref<!tpu.dma_semaphore, #tpu.memory_space<semaphore_mem>>) src(%arg35 : memref<48x128xf32, #tpu.memory_space<vmem_shared>>) dst(%arg22 : memref<48x128xf32, #tpu.memory_space<vmem>>)
        tpu.yield
      }) : () -> ()
      %broadcast_in_dim3A_136 = arith.constant 0.000000e+00 : f32
      %broadcast_in_dim3A_137 = vector.broadcast %broadcast_in_dim3A_136 : f32 to vector<16xf32>
      %broadcast_in_dim3A_138 = arith.constant 0 : i32
      %broadcast_in_dim3A_139 = vector.broadcast %broadcast_in_dim3A_138 : i32 to vector<16xi32>
      %get3A = arith.constant 0 : i32
      %get3A_140 = arith.index_cast %get3A : i32 to index
      %get3A_141 = arith.constant 0 : index
      %get3A_142 = tpu.vector_load %arg22[%get3A_140, %get3A_141] {strides = array<i32>} : memref<48x128xf32, #tpu.memory_space<vmem>>, vector<16xf32>,
      %add3A_143 = arith.addf %broadcast_in_dim3A_137, %get3A_142 : vector<16xf32>
      %get3A_144 = arith.constant 1 : i32
      %get3A_145 = arith.index_cast %get3A_144 : i32 to index
      %get3A_146 = arith.constant 0 : index
      %get3A_147 = tpu.vector_load %arg22[%get3A_145, %get3A_146] {strides = array<i32>} : memref<48x128xf32, #tpu.memory_space<vmem>>, vector<16xf32>,
      %add3A_148 = arith.addf %broadcast_in_dim3A_137, %get3A_147 : vector<16xf32>
      %get3A_149 = arith.constant 2 : i32
      %get3A_150 = arith.index_cast %get3A_149 : i32 to index
      %get3A_151 = arith.constant 0 : index
      %get3A_152 = tpu.vector_load %arg22[%get3A_150, %get3A_151] {strides = array<i32>} : memref<48x128xf32, #tpu.memory_space<vmem>>, vector<16xf32>,
      %add3A_153 = arith.addf %broadcast_in_dim3A_137, %get3A_152 : vector<16xf32>
      %get3A_154 = arith.constant 3 : i32
      %get3A_155 = arith.index_cast %get3A_154 : i32 to index
      %get3A_156 = arith.constant 0 : index
      %get3A_157 = tpu.vector_load %arg22[%get3A_155, %get3A_156] {strides = array<i32>} : memref<48x128xf32, #tpu.memory_space<vmem>>, vector<16xf32>,
      %add3A_158 = arith.addf %add3A_143, %get3A_157 : vector<16xf32>
      %get3A_159 = arith.constant 4 : i32
      %get3A_160 = arith.index_cast %get3A_159 : i32 to index
      %get3A_161 = arith.constant 0 : index
      %get3A_162 = tpu.vector_load %arg22[%get3A_160, %get3A_161] {strides = array<i32>} : memref<48x128xf32, #tpu.memory_space<vmem>>, vector<16xf32>,
      %add3A_163 = arith.addf %add3A_148, %get3A_162 : vector<16xf32>
      %get3A_164 = arith.constant 5 : i32
      %get3A_165 = arith.index_cast %get3A_164 : i32 to index
      %get3A_166 = arith.constant 0 : index
      %get3A_167 = tpu.vector_load %arg22[%get3A_165, %get3A_166] {strides = array<i32>} : memref<48x128xf32, #tpu.memory_space<vmem>>, vector<16xf32>,
      %add3A_168 = arith.addf %add3A_153, %get3A_167 : vector<16xf32>
      %get3A_169 = arith.constant 6 : i32
      %get3A_170 = arith.index_cast %get3A_169 : i32 to index
      %get3A_171 = arith.constant 0 : index
      %get3A_172 = tpu.vector_load %arg22[%get3A_170, %get3A_171] {strides = array<i32>} : memref<48x128xf32, #tpu.memory_space<vmem>>, vector<16xf32>,
      %add3A_173 = arith.addf %add3A_158, %get3A_172 : vector<16xf32>
      %get3A_174 = arith.constant 7 : i32
      %get3A_175 = arith.index_cast %get3A_174 : i32 to index
      %get3A_176 = arith.constant 0 : index
      %get3A_177 = tpu.vector_load %arg22[%get3A_175, %get3A_176] {strides = array<i32>} : memref<48x128xf32, #tpu.memory_space<vmem>>, vector<16xf32>,
      %add3A_178 = arith.addf %add3A_163, %get3A_177 : vector<16xf32>
      %get3A_179 = arith.constant 8 : i32
      %get3A_180 = arith.index_cast %get3A_179 : i32 to index
      %get3A_181 = arith.constant 0 : index
      %get3A_182 = tpu.vector_load %arg22[%get3A_180, %get3A_181] {strides = array<i32>} : memref<48x128xf32, #tpu.memory_space<vmem>>, vector<16xf32>,
      %add3A_183 = arith.addf %add3A_168, %get3A_182 : vector<16xf32>
      %get3A_184 = arith.constant 9 : i32
      %get3A_185 = arith.index_cast %get3A_184 : i32 to index
      %get3A_186 = arith.constant 0 : index
      %get3A_187 = tpu.vector_load %arg22[%get3A_185, %get3A_186] {strides = array<i32>} : memref<48x128xf32, #tpu.memory_space<vmem>>, vector<16xf32>,
      %add3A_188 = arith.addf %add3A_173, %get3A_187 : vector<16xf32>
      %get3A_189 = arith.constant 10 : i32
      %get3A_190 = arith.index_cast %get3A_189 : i32 to index
      %get3A_191 = arith.constant 0 : index
      %get3A_192 = tpu.vector_load %arg22[%get3A_190, %get3A_191] {strides = array<i32>} : memref<48x128xf32, #tpu.memory_space<vmem>>, vector<16xf32>,
      %add3A_193 = arith.addf %add3A_178, %get3A_192 : vector<16xf32>
      %get3A_194 = arith.constant 11 : i32
      %get3A_195 = arith.index_cast %get3A_194 : i32 to index
      %get3A_196 = arith.constant 0 : index
      %get3A_197 = tpu.vector_load %arg22[%get3A_195, %get3A_196] {strides = array<i32>} : memref<48x128xf32, #tpu.memory_space<vmem>>, vector<16xf32>,
      %add3A_198 = arith.addf %add3A_183, %get3A_197 : vector<16xf32>
      %get3A_199 = arith.constant 12 : i32
      %get3A_200 = arith.index_cast %get3A_199 : i32 to index
      %get3A_201 = arith.constant 0 : index
      %get3A_202 = tpu.vector_load %arg22[%get3A_200, %get3A_201] {strides = array<i32>} : memref<48x128xf32, #tpu.memory_space<vmem>>, vector<16xf32>,
      %add3A_203 = arith.addf %add3A_188, %get3A_202 : vector<16xf32>
      %get3A_204 = arith.constant 13 : i32
      %get3A_205 = arith.index_cast %get3A_204 : i32 to index
      %get3A_206 = arith.constant 0 : index
      %get3A_207 = tpu.vector_load %arg22[%get3A_205, %get3A_206] {strides = array<i32>} : memref<48x128xf32, #tpu.memory_space<vmem>>, vector<16xf32>,
      %add3A_208 = arith.addf %add3A_193, %get3A_207 : vector<16xf32>
      %get3A_209 = arith.constant 14 : i32
      %get3A_210 = arith.index_cast %get3A_209 : i32 to index
      %get3A_211 = arith.constant 0 : index
      %get3A_212 = tpu.vector_load %arg22[%get3A_210, %get3A_211] {strides = array<i32>} : memref<48x128xf32, #tpu.memory_space<vmem>>, vector<16xf32>,
      %add3A_213 = arith.addf %add3A_198, %get3A_212 : vector<16xf32>
      %get3A_214 = arith.constant 15 : i32
      %get3A_215 = arith.index_cast %get3A_214 : i32 to index
      %get3A_216 = arith.constant 0 : index
      %get3A_217 = tpu.vector_load %arg22[%get3A_215, %get3A_216] {strides = array<i32>} : memref<48x128xf32, #tpu.memory_space<vmem>>, vector<16xf32>,
      %add3A_218 = arith.addf %add3A_203, %get3A_217 : vector<16xf32>
      %get3A_219 = arith.constant 16 : i32
      %get3A_220 = arith.index_cast %get3A_219 : i32 to index
      %get3A_221 = arith.constant 0 : index
      %get3A_222 = tpu.vector_load %arg22[%get3A_220, %get3A_221] {strides = array<i32>} : memref<48x128xf32, #tpu.memory_space<vmem>>, vector<16xf32>,
      %add3A_223 = arith.addf %add3A_208, %get3A_222 : vector<16xf32>
      %get3A_224 = arith.constant 17 : i32
      %get3A_225 = arith.index_cast %get3A_224 : i32 to index
      %get3A_226 = arith.constant 0 : index
      %get3A_227 = tpu.vector_load %arg22[%get3A_225, %get3A_226] {strides = array<i32>} : memref<48x128xf32, #tpu.memory_space<vmem>>, vector<16xf32>,
      %add3A_228 = arith.addf %add3A_213, %get3A_227 : vector<16xf32>
      %get3A_229 = arith.constant 18 : i32
      %get3A_230 = arith.index_cast %get3A_229 : i32 to index
      %get3A_231 = arith.constant 0 : index
      %get3A_232 = tpu.vector_load %arg22[%get3A_230, %get3A_231] {strides = array<i32>} : memref<48x128xf32, #tpu.memory_space<vmem>>, vector<16xf32>,
      %add3A_233 = arith.addf %add3A_218, %get3A_232 : vector<16xf32>
      %get3A_234 = arith.constant 19 : i32
      %get3A_235 = arith.index_cast %get3A_234 : i32 to index
      %get3A_236 = arith.constant 0 : index
      %get3A_237 = tpu.vector_load %arg22[%get3A_235, %get3A_236] {strides = array<i32>} : memref<48x128xf32, #tpu.memory_space<vmem>>, vector<16xf32>,
      %add3A_238 = arith.addf %add3A_223, %get3A_237 : vector<16xf32>
      %get3A_239 = arith.constant 20 : i32
      %get3A_240 = arith.index_cast %get3A_239 : i32 to index
      %get3A_241 = arith.constant 0 : index
      %get3A_242 = tpu.vector_load %arg22[%get3A_240, %get3A_241] {strides = array<i32>} : memref<48x128xf32, #tpu.memory_space<vmem>>, vector<16xf32>,
      %add3A_243 = arith.addf %add3A_228, %get3A_242 : vector<16xf32>
      %get3A_244 = arith.constant 21 : i32
      %get3A_245 = arith.index_cast %get3A_244 : i32 to index
      %get3A_246 = arith.constant 0 : index
      %get3A_247 = tpu.vector_load %arg22[%get3A_245, %get3A_246] {strides = array<i32>} : memref<48x128xf32, #tpu.memory_space<vmem>>, vector<16xf32>,
      %add3A_248 = arith.addf %add3A_233, %get3A_247 : vector<16xf32>
      %get3A_249 = arith.constant 22 : i32
      %get3A_250 = arith.index_cast %get3A_249 : i32 to index
      %get3A_251 = arith.constant 0 : index
      %get3A_252 = tpu.vector_load %arg22[%get3A_250, %get3A_251] {strides = array<i32>} : memref<48x128xf32, #tpu.memory_space<vmem>>, vector<16xf32>,
      %add3A_253 = arith.addf %add3A_238, %get3A_252 : vector<16xf32>
      %get3A_254 = arith.constant 23 : i32
      %get3A_255 = arith.index_cast %get3A_254 : i32 to index
      %get3A_256 = arith.constant 0 : index
      %get3A_257 = tpu.vector_load %arg22[%get3A_255, %get3A_256] {strides = array<i32>} : memref<48x128xf32, #tpu.memory_space<vmem>>, vector<16xf32>,
      %add3A_258 = arith.addf %add3A_243, %get3A_257 : vector<16xf32>
      %get3A_259 = arith.constant 24 : i32
      %get3A_260 = arith.index_cast %get3A_259 : i32 to index
      %get3A_261 = arith.constant 0 : index
      %get3A_262 = tpu.vector_load %arg22[%get3A_260, %get3A_261] {strides = array<i32>} : memref<48x128xf32, #tpu.memory_space<vmem>>, vector<16xf32>,
      %add3A_263 = arith.addf %add3A_248, %get3A_262 : vector<16xf32>
      %get3A_264 = arith.constant 25 : i32
      %get3A_265 = arith.index_cast %get3A_264 : i32 to index
      %get3A_266 = arith.constant 0 : index
      %get3A_267 = tpu.vector_load %arg22[%get3A_265, %get3A_266] {strides = array<i32>} : memref<48x128xf32, #tpu.memory_space<vmem>>, vector<16xf32>,
      %add3A_268 = arith.addf %add3A_253, %get3A_267 : vector<16xf32>
      %get3A_269 = arith.constant 26 : i32
      %get3A_270 = arith.index_cast %get3A_269 : i32 to index
      %get3A_271 = arith.constant 0 : index
      %get3A_272 = tpu.vector_load %arg22[%get3A_270, %get3A_271] {strides = array<i32>} : memref<48x128xf32, #tpu.memory_space<vmem>>, vector<16xf32>,
      %add3A_273 = arith.addf %add3A_258, %get3A_272 : vector<16xf32>
      %get3A_274 = arith.constant 27 : i32
      %get3A_275 = arith.index_cast %get3A_274 : i32 to index
      %get3A_276 = arith.constant 0 : index
      %get3A_277 = tpu.vector_load %arg22[%get3A_275, %get3A_276] {strides = array<i32>} : memref<48x128xf32, #tpu.memory_space<vmem>>, vector<16xf32>,
      %add3A_278 = arith.addf %add3A_263, %get3A_277 : vector<16xf32>
      %get3A_279 = arith.constant 28 : i32
      %get3A_280 = arith.index_cast %get3A_279 : i32 to index
      %get3A_281 = arith.constant 0 : index
      %get3A_282 = tpu.vector_load %arg22[%get3A_280, %get3A_281] {strides = array<i32>} : memref<48x128xf32, #tpu.memory_space<vmem>>, vector<16xf32>,
      %add3A_283 = arith.addf %add3A_268, %get3A_282 : vector<16xf32>
      %get3A_284 = arith.constant 29 : i32
      %get3A_285 = arith.index_cast %get3A_284 : i32 to index
      %get3A_286 = arith.constant 0 : index
      %get3A_287 = tpu.vector_load %arg22[%get3A_285, %get3A_286] {strides = array<i32>} : memref<48x128xf32, #tpu.memory_space<vmem>>, vector<16xf32>,
      %add3A_288 = arith.addf %add3A_273, %get3A_287 : vector<16xf32>
      %get3A_289 = arith.constant 30 : i32
      %get3A_290 = arith.index_cast %get3A_289 : i32 to index
      %get3A_291 = arith.constant 0 : index
      %get3A_292 = tpu.vector_load %arg22[%get3A_290, %get3A_291] {strides = array<i32>} : memref<48x128xf32, #tpu.memory_space<vmem>>, vector<16xf32>,
      %add3A_293 = arith.addf %add3A_278, %get3A_292 : vector<16xf32>
      %get3A_294 = arith.constant 31 : i32
      %get3A_295 = arith.index_cast %get3A_294 : i32 to index
      %get3A_296 = arith.constant 0 : index
      %get3A_297 = tpu.vector_load %arg22[%get3A_295, %get3A_296] {strides = array<i32>} : memref<48x128xf32, #tpu.memory_space<vmem>>, vector<16xf32>,
      %add3A_298 = arith.addf %add3A_283, %get3A_297 : vector<16xf32>
      %get3A_299 = arith.constant 32 : i32
      %get3A_300 = arith.index_cast %get3A_299 : i32 to index
      %get3A_301 = arith.constant 0 : index
      %get3A_302 = tpu.vector_load %arg22[%get3A_300, %get3A_301] {strides = array<i32>} : memref<48x128xf32, #tpu.memory_space<vmem>>, vector<16xf32>,
      %add3A_303 = arith.addf %add3A_288, %get3A_302 : vector<16xf32>
      %get3A_304 = arith.constant 33 : i32
      %get3A_305 = arith.index_cast %get3A_304 : i32 to index
      %get3A_306 = arith.constant 0 : index
      %get3A_307 = tpu.vector_load %arg22[%get3A_305, %get3A_306] {strides = array<i32>} : memref<48x128xf32, #tpu.memory_space<vmem>>, vector<16xf32>,
      %add3A_308 = arith.addf %add3A_293, %get3A_307 : vector<16xf32>
      %get3A_309 = arith.constant 34 : i32
      %get3A_310 = arith.index_cast %get3A_309 : i32 to index
      %get3A_311 = arith.constant 0 : index
      %get3A_312 = tpu.vector_load %arg22[%get3A_310, %get3A_311] {strides = array<i32>} : memref<48x128xf32, #tpu.memory_space<vmem>>, vector<16xf32>,
      %add3A_313 = arith.addf %add3A_298, %get3A_312 : vector<16xf32>
      %get3A_314 = arith.constant 35 : i32
      %get3A_315 = arith.index_cast %get3A_314 : i32 to index
      %get3A_316 = arith.constant 0 : index
      %get3A_317 = tpu.vector_load %arg22[%get3A_315, %get3A_316] {strides = array<i32>} : memref<48x128xf32, #tpu.memory_space<vmem>>, vector<16xf32>,
      %add3A_318 = arith.addf %add3A_303, %get3A_317 : vector<16xf32>
      %get3A_319 = arith.constant 36 : i32
      %get3A_320 = arith.index_cast %get3A_319 : i32 to index
      %get3A_321 = arith.constant 0 : index
      %get3A_322 = tpu.vector_load %arg22[%get3A_320, %get3A_321] {strides = array<i32>} : memref<48x128xf32, #tpu.memory_space<vmem>>, vector<16xf32>,
      %add3A_323 = arith.addf %add3A_308, %get3A_322 : vector<16xf32>
      %get3A_324 = arith.constant 37 : i32
      %get3A_325 = arith.index_cast %get3A_324 : i32 to index
      %get3A_326 = arith.constant 0 : index
      %get3A_327 = tpu.vector_load %arg22[%get3A_325, %get3A_326] {strides = array<i32>} : memref<48x128xf32, #tpu.memory_space<vmem>>, vector<16xf32>,
      %add3A_328 = arith.addf %add3A_313, %get3A_327 : vector<16xf32>
      %get3A_329 = arith.constant 38 : i32
      %get3A_330 = arith.index_cast %get3A_329 : i32 to index
      %get3A_331 = arith.constant 0 : index
      %get3A_332 = tpu.vector_load %arg22[%get3A_330, %get3A_331] {strides = array<i32>} : memref<48x128xf32, #tpu.memory_space<vmem>>, vector<16xf32>,
      %add3A_333 = arith.addf %add3A_318, %get3A_332 : vector<16xf32>
      %get3A_334 = arith.constant 39 : i32
      %get3A_335 = arith.index_cast %get3A_334 : i32 to index
      %get3A_336 = arith.constant 0 : index
      %get3A_337 = tpu.vector_load %arg22[%get3A_335, %get3A_336] {strides = array<i32>} : memref<48x128xf32, #tpu.memory_space<vmem>>, vector<16xf32>,
      %add3A_338 = arith.addf %add3A_323, %get3A_337 : vector<16xf32>
      %get3A_339 = arith.constant 40 : i32
      %get3A_340 = arith.index_cast %get3A_339 : i32 to index
      %get3A_341 = arith.constant 0 : index
      %get3A_342 = tpu.vector_load %arg22[%get3A_340, %get3A_341] {strides = array<i32>} : memref<48x128xf32, #tpu.memory_space<vmem>>, vector<16xf32>,
      %add3A_343 = arith.addf %add3A_328, %get3A_342 : vector<16xf32>
      %get3A_344 = arith.constant 41 : i32
      %get3A_345 = arith.index_cast %get3A_344 : i32 to index
      %get3A_346 = arith.constant 0 : index
      %get3A_347 = tpu.vector_load %arg22[%get3A_345, %get3A_346] {strides = array<i32>} : memref<48x128xf32, #tpu.memory_space<vmem>>, vector<16xf32>,
      %add3A_348 = arith.addf %add3A_333, %get3A_347 : vector<16xf32>
      %get3A_349 = arith.constant 42 : i32
      %get3A_350 = arith.index_cast %get3A_349 : i32 to index
      %get3A_351 = arith.constant 0 : index
      %get3A_352 = tpu.vector_load %arg22[%get3A_350, %get3A_351] {strides = array<i32>} : memref<48x128xf32, #tpu.memory_space<vmem>>, vector<16xf32>,
      %add3A_353 = arith.addf %add3A_338, %get3A_352 : vector<16xf32>
      %get3A_354 = arith.constant 43 : i32
      %get3A_355 = arith.index_cast %get3A_354 : i32 to index
      %get3A_356 = arith.constant 0 : index
      %get3A_357 = tpu.vector_load %arg22[%get3A_355, %get3A_356] {strides = array<i32>} : memref<48x128xf32, #tpu.memory_space<vmem>>, vector<16xf32>,
      %add3A_358 = arith.addf %add3A_343, %get3A_357 : vector<16xf32>
      %get3A_359 = arith.constant 44 : i32
      %get3A_360 = arith.index_cast %get3A_359 : i32 to index
      %get3A_361 = arith.constant 0 : index
      %get3A_362 = tpu.vector_load %arg22[%get3A_360, %get3A_361] {strides = array<i32>} : memref<48x128xf32, #tpu.memory_space<vmem>>, vector<16xf32>,
      %add3A_363 = arith.addf %add3A_348, %get3A_362 : vector<16xf32>
      %get3A_364 = arith.constant 45 : i32
      %get3A_365 = arith.index_cast %get3A_364 : i32 to index
      %get3A_366 = arith.constant 0 : index
      %get3A_367 = tpu.vector_load %arg22[%get3A_365, %get3A_366] {strides = array<i32>} : memref<48x128xf32, #tpu.memory_space<vmem>>, vector<16xf32>,
      %add3A_368 = arith.addf %add3A_353, %get3A_367 : vector<16xf32>
      %get3A_369 = arith.constant 46 : i32
      %get3A_370 = arith.index_cast %get3A_369 : i32 to index
      %get3A_371 = arith.constant 0 : index
      %get3A_372 = tpu.vector_load %arg22[%get3A_370, %get3A_371] {strides = array<i32>} : memref<48x128xf32, #tpu.memory_space<vmem>>, vector<16xf32>,
      %add3A_373 = arith.addf %add3A_358, %get3A_372 : vector<16xf32>
      %get3A_374 = arith.constant 47 : i32
      %get3A_375 = arith.index_cast %get3A_374 : i32 to index
      %get3A_376 = arith.constant 0 : index
      %get3A_377 = tpu.vector_load %arg22[%get3A_375, %get3A_376] {strides = array<i32>} : memref<48x128xf32, #tpu.memory_space<vmem>>, vector<16xf32>,
      %add3A_378 = arith.addf %add3A_363, %get3A_377 : vector<16xf32>
      %div3A = arith.divf %add3A_373, %add3A_368 : vector<16xf32>
      %swap3A_379 = arith.constant 0 : index
      %swap3A_380 = tpu.vector_load %arg25[%swap3A_379] {strides = array<i32>} : memref<128xf32, #tpu.memory_space<vmem>>, vector<16xf32>,
      tpu.vector_store %arg25[%swap3A_379], %div3A {strides = array<i32>} : memref<128xf32, #tpu.memory_space<vmem>>, vector<16xf32>,
      %div3A_381 = arith.divf %add3A_378, %add3A_368 : vector<16xf32>
      %swap3A_382 = arith.constant 0 : index
      %swap3A_383 = tpu.vector_load %arg26[%swap3A_382] {strides = array<i32>} : memref<128xf32, #tpu.memory_space<vmem>>, vector<16xf32>,
      tpu.vector_store %arg26[%swap3A_382], %div3A_381 {strides = array<i32>} : memref<128xf32, #tpu.memory_space<vmem>>, vector<16xf32>,
      %get3A_384 = arith.constant 0 : index
      %get3A_385 = tpu.vector_load %arg23[%get3A_384] {strides = array<i32>} : memref<128xf32, #tpu.memory_space<vmem>>, vector<16xf32>,
      %gt3A_386 = arith.constant 1.000000e-03 : f32
      %gt3A_387 = vector.broadcast %gt3A_386 : f32 to vector<16xf32>
      %gt3A_388 = arith.cmpf ogt, %get3A_385, %gt3A_387 : vector<16xf32>
      %jit3A_389 = arith.constant 0.000000e+00 : f32
      %broadcast_in_dim3A_390 = vector.broadcast %jit3A_389 : f32 to vector<16xf32>
      %select_n3A_391 = arith.select %gt3A_388, %get3A_385, %broadcast_in_dim3A_390 : vector<16xi1>, vector<16xf32>
      %add3A_392 = arith.constant 0 : i32
      %add3A_393 = vector.broadcast %add3A_392 : i32 to vector<16xi32>
      %add3A_394 = arith.addi %add3A_393, %iota3A : vector<16xi32>
      %lt3A = arith.constant 100 : i32
      %lt3A_395 = vector.broadcast %lt3A : i32 to vector<16xi32>
      %lt3A_396 = arith.cmpi slt, %add3A_394, %lt3A_395 : vector<16xi32>
      %jit3A_397 = arith.constant -3.000000e+38 : f32
      %broadcast_in_dim3A_398 = vector.broadcast %jit3A_397 : f32 to vector<16xf32>
      %select_n3A_399 = arith.select %lt3A_396, %select_n3A_391, %broadcast_in_dim3A_398 : vector<16xi1>, vector<16xf32>
      %swap3A_400 = arith.constant 0 : index
      %swap3A_401 = tpu.vector_load %arg27[%swap3A_400] {strides = array<i32>} : memref<128xf32, #tpu.memory_space<vmem>>, vector<16xf32>,
      tpu.vector_store %arg27[%swap3A_400], %select_n3A_399 {strides = array<i32>} : memref<128xf32, #tpu.memory_space<vmem>>, vector<16xf32>,
      %swap3A_402 = arith.constant 0 : index
      %swap3A_403 = tpu.vector_load %arg28[%swap3A_402] {strides = array<i32>} : memref<128xf32, #tpu.memory_space<vmem>>, vector<16xf32>,
      tpu.vector_store %arg28[%swap3A_402], %broadcast_in_dim3A_137 {strides = array<i32>} : memref<128xf32, #tpu.memory_space<vmem>>, vector<16xf32>,
      %swap3A_404 = arith.constant 0 : index
      %swap3A_405 = tpu.vector_load %arg29[%swap3A_404] {strides = array<i32>} : memref<128xf32, #tpu.memory_space<vmem>>, vector<16xf32>,
      tpu.vector_store %arg29[%swap3A_404], %broadcast_in_dim3A_137 {strides = array<i32>} : memref<128xf32, #tpu.memory_space<vmem>>, vector<16xf32>,
      %swap3A_406 = arith.constant 0 : index
      %swap3A_407 = tpu.vector_load %arg30[%swap3A_406] {strides = array<i32>} : memref<128xf32, #tpu.memory_space<vmem>>, vector<16xf32>,
      tpu.vector_store %arg30[%swap3A_406], %broadcast_in_dim3A_137 {strides = array<i32>} : memref<128xf32, #tpu.memory_space<vmem>>, vector<16xf32>,
      %swap3A_408 = arith.constant 0 : index
      %swap3A_409 = tpu.vector_load %arg31[%swap3A_408] {strides = array<i32>} : memref<128xi32, #tpu.memory_space<vmem>>, vector<16xi32>,
      tpu.vector_store %arg31[%swap3A_408], %broadcast_in_dim3A_139 {strides = array<i32>} : memref<128xi32, #tpu.memory_space<vmem>>, vector<16xi32>,
      %get3A_410 = arith.constant 0 : i32
      %get3A_411 = arith.index_cast %get3A_410 : i32 to index
      %get3A_412 = arith.constant 16 : index
      %get3A_413 = tpu.vector_load %arg22[%get3A_411, %get3A_412] {strides = array<i32>} : memref<48x128xf32, #tpu.memory_space<vmem>>, vector<16xf32>,
      %add3A_414 = arith.addf %broadcast_in_dim3A_137, %get3A_413 : vector<16xf32>
      %get3A_415 = arith.constant 1 : i32
      %get3A_416 = arith.index_cast %get3A_415 : i32 to index
      %get3A_417 = arith.constant 16 : index
      %get3A_418 = tpu.vector_load %arg22[%get3A_416, %get3A_417] {strides = array<i32>} : memref<48x128xf32, #tpu.memory_space<vmem>>, vector<16xf32>,
      %add3A_419 = arith.addf %broadcast_in_dim3A_137, %get3A_418 : vector<16xf32>
      %get3A_420 = arith.constant 2 : i32
      %get3A_421 = arith.index_cast %get3A_420 : i32 to index
      %get3A_422 = arith.constant 16 : index
      %get3A_423 = tpu.vector_load %arg22[%get3A_421, %get3A_422] {strides = array<i32>} : memref<48x128xf32, #tpu.memory_space<vmem>>, vector<16xf32>,
      %add3A_424 = arith.addf %broadcast_in_dim3A_137, %get3A_423 : vector<16xf32>
      %get3A_425 = arith.constant 3 : i32
      %get3A_426 = arith.index_cast %get3A_425 : i32 to index
      %get3A_427 = arith.constant 16 : index
      %get3A_428 = tpu.vector_load %arg22[%get3A_426, %get3A_427] {strides = array<i32>} : memref<48x128xf32, #tpu.memory_space<vmem>>, vector<16xf32>,
      %add3A_429 = arith.addf %add3A_414, %get3A_428 : vector<16xf32>
      %get3A_430 = arith.constant 4 : i32
      %get3A_431 = arith.index_cast %get3A_430 : i32 to index
      %get3A_432 = arith.constant 16 : index
      %get3A_433 = tpu.vector_load %arg22[%get3A_431, %get3A_432] {strides = array<i32>} : memref<48x128xf32, #tpu.memory_space<vmem>>, vector<16xf32>,
      %add3A_434 = arith.addf %add3A_419, %get3A_433 : vector<16xf32>
      %get3A_435 = arith.constant 5 : i32
      %get3A_436 = arith.index_cast %get3A_435 : i32 to index
      %get3A_437 = arith.constant 16 : index
      %get3A_438 = tpu.vector_load %arg22[%get3A_436, %get3A_437] {strides = array<i32>} : memref<48x128xf32, #tpu.memory_space<vmem>>, vector<16xf32>,
      %add3A_439 = arith.addf %add3A_424, %get3A_438 : vector<16xf32>
      %get3A_440 = arith.constant 6 : i32
      %get3A_441 = arith.index_cast %get3A_440 : i32 to index
      %get3A_442 = arith.constant 16 : index
      %get3A_443 = tpu.vector_load %arg22[%get3A_441, %get3A_442] {strides = array<i32>} : memref<48x128xf32, #tpu.memory_space<vmem>>, vector<16xf32>,
      %add3A_444 = arith.addf %add3A_429, %get3A_443 : vector<16xf32>
      %get3A_445 = arith.constant 7 : i32
      %get3A_446 = arith.index_cast %get3A_445 : i32 to index
      %get3A_447 = arith.constant 16 : index
      %get3A_448 = tpu.vector_load %arg22[%get3A_446, %get3A_447] {strides = array<i32>} : memref<48x128xf32, #tpu.memory_space<vmem>>, vector<16xf32>,
      %add3A_449 = arith.addf %add3A_434, %get3A_448 : vector<16xf32>
      %get3A_450 = arith.constant 8 : i32
      %get3A_451 = arith.index_cast %get3A_450 : i32 to index
      %get3A_452 = arith.constant 16 : index
      %get3A_453 = tpu.vector_load %arg22[%get3A_451, %get3A_452] {strides = array<i32>} : memref<48x128xf32, #tpu.memory_space<vmem>>, vector<16xf32>,
      %add3A_454 = arith.addf %add3A_439, %get3A_453 : vector<16xf32>
      %get3A_455 = arith.constant 9 : i32
      %get3A_456 = arith.index_cast %get3A_455 : i32 to index
      %get3A_457 = arith.constant 16 : index
      %get3A_458 = tpu.vector_load %arg22[%get3A_456, %get3A_457] {strides = array<i32>} : memref<48x128xf32, #tpu.memory_space<vmem>>, vector<16xf32>,
      %add3A_459 = arith.addf %add3A_444, %get3A_458 : vector<16xf32>
      %get3A_460 = arith.constant 10 : i32
      %get3A_461 = arith.index_cast %get3A_460 : i32 to index
      %get3A_462 = arith.constant 16 : index
      %get3A_463 = tpu.vector_load %arg22[%get3A_461, %get3A_462] {strides = array<i32>} : memref<48x128xf32, #tpu.memory_space<vmem>>, vector<16xf32>,
      %add3A_464 = arith.addf %add3A_449, %get3A_463 : vector<16xf32>
      %get3A_465 = arith.constant 11 : i32
      %get3A_466 = arith.index_cast %get3A_465 : i32 to index
      %get3A_467 = arith.constant 16 : index
      %get3A_468 = tpu.vector_load %arg22[%get3A_466, %get3A_467] {strides = array<i32>} : memref<48x128xf32, #tpu.memory_space<vmem>>, vector<16xf32>,
      %add3A_469 = arith.addf %add3A_454, %get3A_468 : vector<16xf32>
      %get3A_470 = arith.constant 12 : i32
      %get3A_471 = arith.index_cast %get3A_470 : i32 to index
      %get3A_472 = arith.constant 16 : index
      %get3A_473 = tpu.vector_load %arg22[%get3A_471, %get3A_472] {strides = array<i32>} : memref<48x128xf32, #tpu.memory_space<vmem>>, vector<16xf32>,
      %add3A_474 = arith.addf %add3A_459, %get3A_473 : vector<16xf32>
      %get3A_475 = arith.constant 13 : i32
      %get3A_476 = arith.index_cast %get3A_475 : i32 to index
      %get3A_477 = arith.constant 16 : index
      %get3A_478 = tpu.vector_load %arg22[%get3A_476, %get3A_477] {strides = array<i32>} : memref<48x128xf32, #tpu.memory_space<vmem>>, vector<16xf32>,
      %add3A_479 = arith.addf %add3A_464, %get3A_478 : vector<16xf32>
      %get3A_480 = arith.constant 14 : i32
      %get3A_481 = arith.index_cast %get3A_480 : i32 to index
      %get3A_482 = arith.constant 16 : index
      %get3A_483 = tpu.vector_load %arg22[%get3A_481, %get3A_482] {strides = array<i32>} : memref<48x128xf32, #tpu.memory_space<vmem>>, vector<16xf32>,
      %add3A_484 = arith.addf %add3A_469, %get3A_483 : vector<16xf32>
      %get3A_485 = arith.constant 15 : i32
      %get3A_486 = arith.index_cast %get3A_485 : i32 to index
      %get3A_487 = arith.constant 16 : index
      %get3A_488 = tpu.vector_load %arg22[%get3A_486, %get3A_487] {strides = array<i32>} : memref<48x128xf32, #tpu.memory_space<vmem>>, vector<16xf32>,
      %add3A_489 = arith.addf %add3A_474, %get3A_488 : vector<16xf32>
      %get3A_490 = arith.constant 16 : i32
      %get3A_491 = arith.index_cast %get3A_490 : i32 to index
      %get3A_492 = arith.constant 16 : index
      %get3A_493 = tpu.vector_load %arg22[%get3A_491, %get3A_492] {strides = array<i32>} : memref<48x128xf32, #tpu.memory_space<vmem>>, vector<16xf32>,
      %add3A_494 = arith.addf %add3A_479, %get3A_493 : vector<16xf32>
      %get3A_495 = arith.constant 17 : i32
      %get3A_496 = arith.index_cast %get3A_495 : i32 to index
      %get3A_497 = arith.constant 16 : index
      %get3A_498 = tpu.vector_load %arg22[%get3A_496, %get3A_497] {strides = array<i32>} : memref<48x128xf32, #tpu.memory_space<vmem>>, vector<16xf32>,
      %add3A_499 = arith.addf %add3A_484, %get3A_498 : vector<16xf32>
      %get3A_500 = arith.constant 18 : i32
      %get3A_501 = arith.index_cast %get3A_500 : i32 to index
      %get3A_502 = arith.constant 16 : index
      %get3A_503 = tpu.vector_load %arg22[%get3A_501, %get3A_502] {strides = array<i32>} : memref<48x128xf32, #tpu.memory_space<vmem>>, vector<16xf32>,
      %add3A_504 = arith.addf %add3A_489, %get3A_503 : vector<16xf32>
      %get3A_505 = arith.constant 19 : i32
      %get3A_506 = arith.index_cast %get3A_505 : i32 to index
      %get3A_507 = arith.constant 16 : index
      %get3A_508 = tpu.vector_load %arg22[%get3A_506, %get3A_507] {strides = array<i32>} : memref<48x128xf32, #tpu.memory_space<vmem>>, vector<16xf32>,
      %add3A_509 = arith.addf %add3A_494, %get3A_508 : vector<16xf32>
      %get3A_510 = arith.constant 20 : i32
      %get3A_511 = arith.index_cast %get3A_510 : i32 to index
      %get3A_512 = arith.constant 16 : index
      %get3A_513 = tpu.vector_load %arg22[%get3A_511, %get3A_512] {strides = array<i32>} : memref<48x128xf32, #tpu.memory_space<vmem>>, vector<16xf32>,
      %add3A_514 = arith.addf %add3A_499, %get3A_513 : vector<16xf32>
      %get3A_515 = arith.constant 21 : i32
      %get3A_516 = arith.index_cast %get3A_515 : i32 to index
      %get3A_517 = arith.constant 16 : index
      %get3A_518 = tpu.vector_load %arg22[%get3A_516, %get3A_517] {strides = array<i32>} : memref<48x128xf32, #tpu.memory_space<vmem>>, vector<16xf32>,
      %add3A_519 = arith.addf %add3A_504, %get3A_518 : vector<16xf32>
      %get3A_520 = arith.constant 22 : i32
      %get3A_521 = arith.index_cast %get3A_520 : i32 to index
      %get3A_522 = arith.constant 16 : index
      %get3A_523 = tpu.vector_load %arg22[%get3A_521, %get3A_522] {strides = array<i32>} : memref<48x128xf32, #tpu.memory_space<vmem>>, vector<16xf32>,
      %add3A_524 = arith.addf %add3A_509, %get3A_523 : vector<16xf32>
      %get3A_525 = arith.constant 23 : i32
      %get3A_526 = arith.index_cast %get3A_525 : i32 to index
      %get3A_527 = arith.constant 16 : index
      %get3A_528 = tpu.vector_load %arg22[%get3A_526, %get3A_527] {strides = array<i32>} : memref<48x128xf32, #tpu.memory_space<vmem>>, vector<16xf32>,
      %add3A_529 = arith.addf %add3A_514, %get3A_528 : vector<16xf32>
      %get3A_530 = arith.constant 24 : i32
      %get3A_531 = arith.index_cast %get3A_530 : i32 to index
      %get3A_532 = arith.constant 16 : index
      %get3A_533 = tpu.vector_load %arg22[%get3A_531, %get3A_532] {strides = array<i32>} : memref<48x128xf32, #tpu.memory_space<vmem>>, vector<16xf32>,
      %add3A_534 = arith.addf %add3A_519, %get3A_533 : vector<16xf32>
      %get3A_535 = arith.constant 25 : i32
      %get3A_536 = arith.index_cast %get3A_535 : i32 to index
      %get3A_537 = arith.constant 16 : index
      %get3A_538 = tpu.vector_load %arg22[%get3A_536, %get3A_537] {strides = array<i32>} : memref<48x128xf32, #tpu.memory_space<vmem>>, vector<16xf32>,
      %add3A_539 = arith.addf %add3A_524, %get3A_538 : vector<16xf32>
      %get3A_540 = arith.constant 26 : i32
      %get3A_541 = arith.index_cast %get3A_540 : i32 to index
      %get3A_542 = arith.constant 16 : index
      %get3A_543 = tpu.vector_load %arg22[%get3A_541, %get3A_542] {strides = array<i32>} : memref<48x128xf32, #tpu.memory_space<vmem>>, vector<16xf32>,
      %add3A_544 = arith.addf %add3A_529, %get3A_543 : vector<16xf32>
      %get3A_545 = arith.constant 27 : i32
      %get3A_546 = arith.index_cast %get3A_545 : i32 to index
      %get3A_547 = arith.constant 16 : index
      %get3A_548 = tpu.vector_load %arg22[%get3A_546, %get3A_547] {strides = array<i32>} : memref<48x128xf32, #tpu.memory_space<vmem>>, vector<16xf32>,
      %add3A_549 = arith.addf %add3A_534, %get3A_548 : vector<16xf32>
      %get3A_550 = arith.constant 28 : i32
      %get3A_551 = arith.index_cast %get3A_550 : i32 to index
      %get3A_552 = arith.constant 16 : index
      %get3A_553 = tpu.vector_load %arg22[%get3A_551, %get3A_552] {strides = array<i32>} : memref<48x128xf32, #tpu.memory_space<vmem>>, vector<16xf32>,
      %add3A_554 = arith.addf %add3A_539, %get3A_553 : vector<16xf32>
      %get3A_555 = arith.constant 29 : i32
      %get3A_556 = arith.index_cast %get3A_555 : i32 to index
      %get3A_557 = arith.constant 16 : index
      %get3A_558 = tpu.vector_load %arg22[%get3A_556, %get3A_557] {strides = array<i32>} : memref<48x128xf32, #tpu.memory_space<vmem>>, vector<16xf32>,
      %add3A_559 = arith.addf %add3A_544, %get3A_558 : vector<16xf32>
      %get3A_560 = arith.constant 30 : i32
      %get3A_561 = arith.index_cast %get3A_560 : i32 to index
      %get3A_562 = arith.constant 16 : index
      %get3A_563 = tpu.vector_load %arg22[%get3A_561, %get3A_562] {strides = array<i32>} : memref<48x128xf32, #tpu.memory_space<vmem>>, vector<16xf32>,
      %add3A_564 = arith.addf %add3A_549, %get3A_563 : vector<16xf32>
      %get3A_565 = arith.constant 31 : i32
      %get3A_566 = arith.index_cast %get3A_565 : i32 to index
      %get3A_567 = arith.constant 16 : index
      %get3A_568 = tpu.vector_load %arg22[%get3A_566, %get3A_567] {strides = array<i32>} : memref<48x128xf32, #tpu.memory_space<vmem>>, vector<16xf32>,
      %add3A_569 = arith.addf %add3A_554, %get3A_568 : vector<16xf32>
      %get3A_570 = arith.constant 32 : i32
      %get3A_571 = arith.index_cast %get3A_570 : i32 to index
      %get3A_572 = arith.constant 16 : index
      %get3A_573 = tpu.vector_load %arg22[%get3A_571, %get3A_572] {strides = array<i32>} : memref<48x128xf32, #tpu.memory_space<vmem>>, vector<16xf32>,
      %add3A_574 = arith.addf %add3A_559, %get3A_573 : vector<16xf32>
      %get3A_575 = arith.constant 33 : i32
      %get3A_576 = arith.index_cast %get3A_575 : i32 to index
      %get3A_577 = arith.constant 16 : index
      %get3A_578 = tpu.vector_load %arg22[%get3A_576, %get3A_577] {strides = array<i32>} : memref<48x128xf32, #tpu.memory_space<vmem>>, vector<16xf32>,
      %add3A_579 = arith.addf %add3A_564, %get3A_578 : vector<16xf32>
      %get3A_580 = arith.constant 34 : i32
      %get3A_581 = arith.index_cast %get3A_580 : i32 to index
      %get3A_582 = arith.constant 16 : index
      %get3A_583 = tpu.vector_load %arg22[%get3A_581, %get3A_582] {strides = array<i32>} : memref<48x128xf32, #tpu.memory_space<vmem>>, vector<16xf32>,
      %add3A_584 = arith.addf %add3A_569, %get3A_583 : vector<16xf32>
      %get3A_585 = arith.constant 35 : i32
      %get3A_586 = arith.index_cast %get3A_585 : i32 to index
      %get3A_587 = arith.constant 16 : index
      %get3A_588 = tpu.vector_load %arg22[%get3A_586, %get3A_587] {strides = array<i32>} : memref<48x128xf32, #tpu.memory_space<vmem>>, vector<16xf32>,
      %add3A_589 = arith.addf %add3A_574, %get3A_588 : vector<16xf32>
      %get3A_590 = arith.constant 36 : i32
      %get3A_591 = arith.index_cast %get3A_590 : i32 to index
      %get3A_592 = arith.constant 16 : index
      %get3A_593 = tpu.vector_load %arg22[%get3A_591, %get3A_592] {strides = array<i32>} : memref<48x128xf32, #tpu.memory_space<vmem>>, vector<16xf32>,
      %add3A_594 = arith.addf %add3A_579, %get3A_593 : vector<16xf32>
      %get3A_595 = arith.constant 37 : i32
      %get3A_596 = arith.index_cast %get3A_595 : i32 to index
      %get3A_597 = arith.constant 16 : index
      %get3A_598 = tpu.vector_load %arg22[%get3A_596, %get3A_597] {strides = array<i32>} : memref<48x128xf32, #tpu.memory_space<vmem>>, vector<16xf32>,
      %add3A_599 = arith.addf %add3A_584, %get3A_598 : vector<16xf32>
      %get3A_600 = arith.constant 38 : i32
      %get3A_601 = arith.index_cast %get3A_600 : i32 to index
      %get3A_602 = arith.constant 16 : index
      %get3A_603 = tpu.vector_load %arg22[%get3A_601, %get3A_602] {strides = array<i32>} : memref<48x128xf32, #tpu.memory_space<vmem>>, vector<16xf32>,
      %add3A_604 = arith.addf %add3A_589, %get3A_603 : vector<16xf32>
      %get3A_605 = arith.constant 39 : i32
      %get3A_606 = arith.index_cast %get3A_605 : i32 to index
      %get3A_607 = arith.constant 16 : index
      %get3A_608 = tpu.vector_load %arg22[%get3A_606, %get3A_607] {strides = array<i32>} : memref<48x128xf32, #tpu.memory_space<vmem>>, vector<16xf32>,
      %add3A_609 = arith.addf %add3A_594, %get3A_608 : vector<16xf32>
      %get3A_610 = arith.constant 40 : i32
      %get3A_611 = arith.index_cast %get3A_610 : i32 to index
      %get3A_612 = arith.constant 16 : index
      %get3A_613 = tpu.vector_load %arg22[%get3A_611, %get3A_612] {strides = array<i32>} : memref<48x128xf32, #tpu.memory_space<vmem>>, vector<16xf32>,
      %add3A_614 = arith.addf %add3A_599, %get3A_613 : vector<16xf32>
      %get3A_615 = arith.constant 41 : i32
      %get3A_616 = arith.index_cast %get3A_615 : i32 to index
      %get3A_617 = arith.constant 16 : index
      %get3A_618 = tpu.vector_load %arg22[%get3A_616, %get3A_617] {strides = array<i32>} : memref<48x128xf32, #tpu.memory_space<vmem>>, vector<16xf32>,
      %add3A_619 = arith.addf %add3A_604, %get3A_618 : vector<16xf32>
      %get3A_620 = arith.constant 42 : i32
      %get3A_621 = arith.index_cast %get3A_620 : i32 to index
      %get3A_622 = arith.constant 16 : index
      %get3A_623 = tpu.vector_load %arg22[%get3A_621, %get3A_622] {strides = array<i32>} : memref<48x128xf32, #tpu.memory_space<vmem>>, vector<16xf32>,
      %add3A_624 = arith.addf %add3A_609, %get3A_623 : vector<16xf32>
      %get3A_625 = arith.constant 43 : i32
      %get3A_626 = arith.index_cast %get3A_625 : i32 to index
      %get3A_627 = arith.constant 16 : index
      %get3A_628 = tpu.vector_load %arg22[%get3A_626, %get3A_627] {strides = array<i32>} : memref<48x128xf32, #tpu.memory_space<vmem>>, vector<16xf32>,
      %add3A_629 = arith.addf %add3A_614, %get3A_628 : vector<16xf32>
      %get3A_630 = arith.constant 44 : i32
      %get3A_631 = arith.index_cast %get3A_630 : i32 to index
      %get3A_632 = arith.constant 16 : index
      %get3A_633 = tpu.vector_load %arg22[%get3A_631, %get3A_632] {strides = array<i32>} : memref<48x128xf32, #tpu.memory_space<vmem>>, vector<16xf32>,
      %add3A_634 = arith.addf %add3A_619, %get3A_633 : vector<16xf32>
      %get3A_635 = arith.constant 45 : i32
      %get3A_636 = arith.index_cast %get3A_635 : i32 to index
      %get3A_637 = arith.constant 16 : index
      %get3A_638 = tpu.vector_load %arg22[%get3A_636, %get3A_637] {strides = array<i32>} : memref<48x128xf32, #tpu.memory_space<vmem>>, vector<16xf32>,
      %add3A_639 = arith.addf %add3A_624, %get3A_638 : vector<16xf32>
      %get3A_640 = arith.constant 46 : i32
      %get3A_641 = arith.index_cast %get3A_640 : i32 to index
      %get3A_642 = arith.constant 16 : index
      %get3A_643 = tpu.vector_load %arg22[%get3A_641, %get3A_642] {strides = array<i32>} : memref<48x128xf32, #tpu.memory_space<vmem>>, vector<16xf32>,
      %add3A_644 = arith.addf %add3A_629, %get3A_643 : vector<16xf32>
      %get3A_645 = arith.constant 47 : i32
      %get3A_646 = arith.index_cast %get3A_645 : i32 to index
      %get3A_647 = arith.constant 16 : index
      %get3A_648 = tpu.vector_load %arg22[%get3A_646, %get3A_647] {strides = array<i32>} : memref<48x128xf32, #tpu.memory_space<vmem>>, vector<16xf32>,
      %add3A_649 = arith.addf %add3A_634, %get3A_648 : vector<16xf32>
      %div3A_650 = arith.divf %add3A_644, %add3A_639 : vector<16xf32>
      %swap3A_651 = arith.constant 16 : index
      %swap3A_652 = tpu.vector_load %arg25[%swap3A_651] {strides = array<i32>} : memref<128xf32, #tpu.memory_space<vmem>>, vector<16xf32>,
      tpu.vector_store %arg25[%swap3A_651], %div3A_650 {strides = array<i32>} : memref<128xf32, #tpu.memory_space<vmem>>, vector<16xf32>,
      %div3A_653 = arith.divf %add3A_649, %add3A_639 : vector<16xf32>
      %swap3A_654 = arith.constant 16 : index
      %swap3A_655 = tpu.vector_load %arg26[%swap3A_654] {strides = array<i32>} : memref<128xf32, #tpu.memory_space<vmem>>, vector<16xf32>,
      tpu.vector_store %arg26[%swap3A_654], %div3A_653 {strides = array<i32>} : memref<128xf32, #tpu.memory_space<vmem>>, vector<16xf32>,
      %get3A_656 = arith.constant 16 : index
      %get3A_657 = tpu.vector_load %arg23[%get3A_656] {strides = array<i32>} : memref<128xf32, #tpu.memory_space<vmem>>, vector<16xf32>,
      %gt3A_658 = arith.constant 1.000000e-03 : f32
      %gt3A_659 = vector.broadcast %gt3A_658 : f32 to vector<16xf32>
      %gt3A_660 = arith.cmpf ogt, %get3A_657, %gt3A_659 : vector<16xf32>
      %jit3A_661 = arith.constant 0.000000e+00 : f32
      %broadcast_in_dim3A_662 = vector.broadcast %jit3A_661 : f32 to vector<16xf32>
      %select_n3A_663 = arith.select %gt3A_660, %get3A_657, %broadcast_in_dim3A_662 : vector<16xi1>, vector<16xf32>
      %add3A_664 = arith.constant 16 : i32
      %add3A_665 = vector.broadcast %add3A_664 : i32 to vector<16xi32>
      %add3A_666 = arith.addi %add3A_665, %iota3A : vector<16xi32>
      %lt3A_667 = arith.constant 100 : i32
      %lt3A_668 = vector.broadcast %lt3A_667 : i32 to vector<16xi32>
      %lt3A_669 = arith.cmpi slt, %add3A_666, %lt3A_668 : vector<16xi32>
      %jit3A_670 = arith.constant -3.000000e+38 : f32
      %broadcast_in_dim3A_671 = vector.broadcast %jit3A_670 : f32 to vector<16xf32>
      %select_n3A_672 = arith.select %lt3A_669, %select_n3A_663, %broadcast_in_dim3A_671 : vector<16xi1>, vector<16xf32>
      %swap3A_673 = arith.constant 16 : index
      %swap3A_674 = tpu.vector_load %arg27[%swap3A_673] {strides = array<i32>} : memref<128xf32, #tpu.memory_space<vmem>>, vector<16xf32>,
      tpu.vector_store %arg27[%swap3A_673], %select_n3A_672 {strides = array<i32>} : memref<128xf32, #tpu.memory_space<vmem>>, vector<16xf32>,
      %swap3A_675 = arith.constant 16 : index
      %swap3A_676 = tpu.vector_load %arg28[%swap3A_675] {strides = array<i32>} : memref<128xf32, #tpu.memory_space<vmem>>, vector<16xf32>,
      tpu.vector_store %arg28[%swap3A_675], %broadcast_in_dim3A_137 {strides = array<i32>} : memref<128xf32, #tpu.memory_space<vmem>>, vector<16xf32>,
      %swap3A_677 = arith.constant 16 : index
      %swap3A_678 = tpu.vector_load %arg29[%swap3A_677] {strides = array<i32>} : memref<128xf32, #tpu.memory_space<vmem>>, vector<16xf32>,
      tpu.vector_store %arg29[%swap3A_677], %broadcast_in_dim3A_137 {strides = array<i32>} : memref<128xf32, #tpu.memory_space<vmem>>, vector<16xf32>,
      %swap3A_679 = arith.constant 16 : index
      %swap3A_680 = tpu.vector_load %arg30[%swap3A_679] {strides = array<i32>} : memref<128xf32, #tpu.memory_space<vmem>>, vector<16xf32>,
      tpu.vector_store %arg30[%swap3A_679], %broadcast_in_dim3A_137 {strides = array<i32>} : memref<128xf32, #tpu.memory_space<vmem>>, vector<16xf32>,
      %swap3A_681 = arith.constant 16 : index
      %swap3A_682 = tpu.vector_load %arg31[%swap3A_681] {strides = array<i32>} : memref<128xi32, #tpu.memory_space<vmem>>, vector<16xi32>,
      tpu.vector_store %arg31[%swap3A_681], %broadcast_in_dim3A_139 {strides = array<i32>} : memref<128xi32, #tpu.memory_space<vmem>>, vector<16xi32>,
      %get3A_683 = arith.constant 0 : i32
      %get3A_684 = arith.index_cast %get3A_683 : i32 to index
      %get3A_685 = arith.constant 32 : index
      %get3A_686 = tpu.vector_load %arg22[%get3A_684, %get3A_685] {strides = array<i32>} : memref<48x128xf32, #tpu.memory_space<vmem>>, vector<16xf32>,
      %add3A_687 = arith.addf %broadcast_in_dim3A_137, %get3A_686 : vector<16xf32>
      %get3A_688 = arith.constant 1 : i32
      %get3A_689 = arith.index_cast %get3A_688 : i32 to index
      %get3A_690 = arith.constant 32 : index
      %get3A_691 = tpu.vector_load %arg22[%get3A_689, %get3A_690] {strides = array<i32>} : memref<48x128xf32, #tpu.memory_space<vmem>>, vector<16xf32>,
      %add3A_692 = arith.addf %broadcast_in_dim3A_137, %get3A_691 : vector<16xf32>
      %get3A_693 = arith.constant 2 : i32
      %get3A_694 = arith.index_cast %get3A_693 : i32 to index
      %get3A_695 = arith.constant 32 : index
      %get3A_696 = tpu.vector_load %arg22[%get3A_694, %get3A_695] {strides = array<i32>} : memref<48x128xf32, #tpu.memory_space<vmem>>, vector<16xf32>,
      %add3A_697 = arith.addf %broadcast_in_dim3A_137, %get3A_696 : vector<16xf32>
      %get3A_698 = arith.constant 3 : i32
      %get3A_699 = arith.index_cast %get3A_698 : i32 to index
      %get3A_700 = arith.constant 32 : index
      %get3A_701 = tpu.vector_load %arg22[%get3A_699, %get3A_700] {strides = array<i32>} : memref<48x128xf32, #tpu.memory_space<vmem>>, vector<16xf32>,
      %add3A_702 = arith.addf %add3A_687, %get3A_701 : vector<16xf32>
      %get3A_703 = arith.constant 4 : i32
      %get3A_704 = arith.index_cast %get3A_703 : i32 to index
      %get3A_705 = arith.constant 32 : index
      %get3A_706 = tpu.vector_load %arg22[%get3A_704, %get3A_705] {strides = array<i32>} : memref<48x128xf32, #tpu.memory_space<vmem>>, vector<16xf32>,
      %add3A_707 = arith.addf %add3A_692, %get3A_706 : vector<16xf32>
      %get3A_708 = arith.constant 5 : i32
      %get3A_709 = arith.index_cast %get3A_708 : i32 to index
      %get3A_710 = arith.constant 32 : index
      %get3A_711 = tpu.vector_load %arg22[%get3A_709, %get3A_710] {strides = array<i32>} : memref<48x128xf32, #tpu.memory_space<vmem>>, vector<16xf32>,
      %add3A_712 = arith.addf %add3A_697, %get3A_711 : vector<16xf32>
      %get3A_713 = arith.constant 6 : i32
      %get3A_714 = arith.index_cast %get3A_713 : i32 to index
      %get3A_715 = arith.constant 32 : index
      %get3A_716 = tpu.vector_load %arg22[%get3A_714, %get3A_715] {strides = array<i32>} : memref<48x128xf32, #tpu.memory_space<vmem>>, vector<16xf32>,
      %add3A_717 = arith.addf %add3A_702, %get3A_716 : vector<16xf32>
      %get3A_718 = arith.constant 7 : i32
      %get3A_719 = arith.index_cast %get3A_718 : i32 to index
      %get3A_720 = arith.constant 32 : index
      %get3A_721 = tpu.vector_load %arg22[%get3A_719, %get3A_720] {strides = array<i32>} : memref<48x128xf32, #tpu.memory_space<vmem>>, vector<16xf32>,
      %add3A_722 = arith.addf %add3A_707, %get3A_721 : vector<16xf32>
      %get3A_723 = arith.constant 8 : i32
      %get3A_724 = arith.index_cast %get3A_723 : i32 to index
      %get3A_725 = arith.constant 32 : index
      %get3A_726 = tpu.vector_load %arg22[%get3A_724, %get3A_725] {strides = array<i32>} : memref<48x128xf32, #tpu.memory_space<vmem>>, vector<16xf32>,
      %add3A_727 = arith.addf %add3A_712, %get3A_726 : vector<16xf32>
      %get3A_728 = arith.constant 9 : i32
      %get3A_729 = arith.index_cast %get3A_728 : i32 to index
      %get3A_730 = arith.constant 32 : index
      %get3A_731 = tpu.vector_load %arg22[%get3A_729, %get3A_730] {strides = array<i32>} : memref<48x128xf32, #tpu.memory_space<vmem>>, vector<16xf32>,
      %add3A_732 = arith.addf %add3A_717, %get3A_731 : vector<16xf32>
      %get3A_733 = arith.constant 10 : i32
      %get3A_734 = arith.index_cast %get3A_733 : i32 to index
      %get3A_735 = arith.constant 32 : index
      %get3A_736 = tpu.vector_load %arg22[%get3A_734, %get3A_735] {strides = array<i32>} : memref<48x128xf32, #tpu.memory_space<vmem>>, vector<16xf32>,
      %add3A_737 = arith.addf %add3A_722, %get3A_736 : vector<16xf32>
      %get3A_738 = arith.constant 11 : i32
      %get3A_739 = arith.index_cast %get3A_738 : i32 to index
      %get3A_740 = arith.constant 32 : index
      %get3A_741 = tpu.vector_load %arg22[%get3A_739, %get3A_740] {strides = array<i32>} : memref<48x128xf32, #tpu.memory_space<vmem>>, vector<16xf32>,
      %add3A_742 = arith.addf %add3A_727, %get3A_741 : vector<16xf32>
      %get3A_743 = arith.constant 12 : i32
      %get3A_744 = arith.index_cast %get3A_743 : i32 to index
      %get3A_745 = arith.constant 32 : index
      %get3A_746 = tpu.vector_load %arg22[%get3A_744, %get3A_745] {strides = array<i32>} : memref<48x128xf32, #tpu.memory_space<vmem>>, vector<16xf32>,
      %add3A_747 = arith.addf %add3A_732, %get3A_746 : vector<16xf32>
      %get3A_748 = arith.constant 13 : i32
      %get3A_749 = arith.index_cast %get3A_748 : i32 to index
      %get3A_750 = arith.constant 32 : index
      %get3A_751 = tpu.vector_load %arg22[%get3A_749, %get3A_750] {strides = array<i32>} : memref<48x128xf32, #tpu.memory_space<vmem>>, vector<16xf32>,
      %add3A_752 = arith.addf %add3A_737, %get3A_751 : vector<16xf32>
      %get3A_753 = arith.constant 14 : i32
      %get3A_754 = arith.index_cast %get3A_753 : i32 to index
      %get3A_755 = arith.constant 32 : index
      %get3A_756 = tpu.vector_load %arg22[%get3A_754, %get3A_755] {strides = array<i32>} : memref<48x128xf32, #tpu.memory_space<vmem>>, vector<16xf32>,
      %add3A_757 = arith.addf %add3A_742, %get3A_756 : vector<16xf32>
      %get3A_758 = arith.constant 15 : i32
      %get3A_759 = arith.index_cast %get3A_758 : i32 to index
      %get3A_760 = arith.constant 32 : index
      %get3A_761 = tpu.vector_load %arg22[%get3A_759, %get3A_760] {strides = array<i32>} : memref<48x128xf32, #tpu.memory_space<vmem>>, vector<16xf32>,
      %add3A_762 = arith.addf %add3A_747, %get3A_761 : vector<16xf32>
      %get3A_763 = arith.constant 16 : i32
      %get3A_764 = arith.index_cast %get3A_763 : i32 to index
      %get3A_765 = arith.constant 32 : index
      %get3A_766 = tpu.vector_load %arg22[%get3A_764, %get3A_765] {strides = array<i32>} : memref<48x128xf32, #tpu.memory_space<vmem>>, vector<16xf32>,
      %add3A_767 = arith.addf %add3A_752, %get3A_766 : vector<16xf32>
      %get3A_768 = arith.constant 17 : i32
      %get3A_769 = arith.index_cast %get3A_768 : i32 to index
      %get3A_770 = arith.constant 32 : index
      %get3A_771 = tpu.vector_load %arg22[%get3A_769, %get3A_770] {strides = array<i32>} : memref<48x128xf32, #tpu.memory_space<vmem>>, vector<16xf32>,
      %add3A_772 = arith.addf %add3A_757, %get3A_771 : vector<16xf32>
      %get3A_773 = arith.constant 18 : i32
      %get3A_774 = arith.index_cast %get3A_773 : i32 to index
      %get3A_775 = arith.constant 32 : index
      %get3A_776 = tpu.vector_load %arg22[%get3A_774, %get3A_775] {strides = array<i32>} : memref<48x128xf32, #tpu.memory_space<vmem>>, vector<16xf32>,
      %add3A_777 = arith.addf %add3A_762, %get3A_776 : vector<16xf32>
      %get3A_778 = arith.constant 19 : i32
      %get3A_779 = arith.index_cast %get3A_778 : i32 to index
      %get3A_780 = arith.constant 32 : index
      %get3A_781 = tpu.vector_load %arg22[%get3A_779, %get3A_780] {strides = array<i32>} : memref<48x128xf32, #tpu.memory_space<vmem>>, vector<16xf32>,
      %add3A_782 = arith.addf %add3A_767, %get3A_781 : vector<16xf32>
      %get3A_783 = arith.constant 20 : i32
      %get3A_784 = arith.index_cast %get3A_783 : i32 to index
      %get3A_785 = arith.constant 32 : index
      %get3A_786 = tpu.vector_load %arg22[%get3A_784, %get3A_785] {strides = array<i32>} : memref<48x128xf32, #tpu.memory_space<vmem>>, vector<16xf32>,
      %add3A_787 = arith.addf %add3A_772, %get3A_786 : vector<16xf32>
      %get3A_788 = arith.constant 21 : i32
      %get3A_789 = arith.index_cast %get3A_788 : i32 to index
      %get3A_790 = arith.constant 32 : index
      %get3A_791 = tpu.vector_load %arg22[%get3A_789, %get3A_790] {strides = array<i32>} : memref<48x128xf32, #tpu.memory_space<vmem>>, vector<16xf32>,
      %add3A_792 = arith.addf %add3A_777, %get3A_791 : vector<16xf32>
      %get3A_793 = arith.constant 22 : i32
      %get3A_794 = arith.index_cast %get3A_793 : i32 to index
      %get3A_795 = arith.constant 32 : index
      %get3A_796 = tpu.vector_load %arg22[%get3A_794, %get3A_795] {strides = array<i32>} : memref<48x128xf32, #tpu.memory_space<vmem>>, vector<16xf32>,
      %add3A_797 = arith.addf %add3A_782, %get3A_796 : vector<16xf32>
      %get3A_798 = arith.constant 23 : i32
      %get3A_799 = arith.index_cast %get3A_798 : i32 to index
      %get3A_800 = arith.constant 32 : index
      %get3A_801 = tpu.vector_load %arg22[%get3A_799, %get3A_800] {strides = array<i32>} : memref<48x128xf32, #tpu.memory_space<vmem>>, vector<16xf32>,
      %add3A_802 = arith.addf %add3A_787, %get3A_801 : vector<16xf32>
      %get3A_803 = arith.constant 24 : i32
      %get3A_804 = arith.index_cast %get3A_803 : i32 to index
      %get3A_805 = arith.constant 32 : index
      %get3A_806 = tpu.vector_load %arg22[%get3A_804, %get3A_805] {strides = array<i32>} : memref<48x128xf32, #tpu.memory_space<vmem>>, vector<16xf32>,
      %add3A_807 = arith.addf %add3A_792, %get3A_806 : vector<16xf32>
      %get3A_808 = arith.constant 25 : i32
      %get3A_809 = arith.index_cast %get3A_808 : i32 to index
      %get3A_810 = arith.constant 32 : index
      %get3A_811 = tpu.vector_load %arg22[%get3A_809, %get3A_810] {strides = array<i32>} : memref<48x128xf32, #tpu.memory_space<vmem>>, vector<16xf32>,
      %add3A_812 = arith.addf %add3A_797, %get3A_811 : vector<16xf32>
      %get3A_813 = arith.constant 26 : i32
      %get3A_814 = arith.index_cast %get3A_813 : i32 to index
      %get3A_815 = arith.constant 32 : index
      %get3A_816 = tpu.vector_load %arg22[%get3A_814, %get3A_815] {strides = array<i32>} : memref<48x128xf32, #tpu.memory_space<vmem>>, vector<16xf32>,
      %add3A_817 = arith.addf %add3A_802, %get3A_816 : vector<16xf32>
      %get3A_818 = arith.constant 27 : i32
      %get3A_819 = arith.index_cast %get3A_818 : i32 to index
      %get3A_820 = arith.constant 32 : index
      %get3A_821 = tpu.vector_load %arg22[%get3A_819, %get3A_820] {strides = array<i32>} : memref<48x128xf32, #tpu.memory_space<vmem>>, vector<16xf32>,
      %add3A_822 = arith.addf %add3A_807, %get3A_821 : vector<16xf32>
      %get3A_823 = arith.constant 28 : i32
      %get3A_824 = arith.index_cast %get3A_823 : i32 to index
      %get3A_825 = arith.constant 32 : index
      %get3A_826 = tpu.vector_load %arg22[%get3A_824, %get3A_825] {strides = array<i32>} : memref<48x128xf32, #tpu.memory_space<vmem>>, vector<16xf32>,
      %add3A_827 = arith.addf %add3A_812, %get3A_826 : vector<16xf32>
      %get3A_828 = arith.constant 29 : i32
      %get3A_829 = arith.index_cast %get3A_828 : i32 to index
      %get3A_830 = arith.constant 32 : index
      %get3A_831 = tpu.vector_load %arg22[%get3A_829, %get3A_830] {strides = array<i32>} : memref<48x128xf32, #tpu.memory_space<vmem>>, vector<16xf32>,
      %add3A_832 = arith.addf %add3A_817, %get3A_831 : vector<16xf32>
      %get3A_833 = arith.constant 30 : i32
      %get3A_834 = arith.index_cast %get3A_833 : i32 to index
      %get3A_835 = arith.constant 32 : index
      %get3A_836 = tpu.vector_load %arg22[%get3A_834, %get3A_835] {strides = array<i32>} : memref<48x128xf32, #tpu.memory_space<vmem>>, vector<16xf32>,
      %add3A_837 = arith.addf %add3A_822, %get3A_836 : vector<16xf32>
      %get3A_838 = arith.constant 31 : i32
      %get3A_839 = arith.index_cast %get3A_838 : i32 to index
      %get3A_840 = arith.constant 32 : index
      %get3A_841 = tpu.vector_load %arg22[%get3A_839, %get3A_840] {strides = array<i32>} : memref<48x128xf32, #tpu.memory_space<vmem>>, vector<16xf32>,
      %add3A_842 = arith.addf %add3A_827, %get3A_841 : vector<16xf32>
      %get3A_843 = arith.constant 32 : i32
      %get3A_844 = arith.index_cast %get3A_843 : i32 to index
      %get3A_845 = arith.constant 32 : index
      %get3A_846 = tpu.vector_load %arg22[%get3A_844, %get3A_845] {strides = array<i32>} : memref<48x128xf32, #tpu.memory_space<vmem>>, vector<16xf32>,
      %add3A_847 = arith.addf %add3A_832, %get3A_846 : vector<16xf32>
      %get3A_848 = arith.constant 33 : i32
      %get3A_849 = arith.index_cast %get3A_848 : i32 to index
      %get3A_850 = arith.constant 32 : index
      %get3A_851 = tpu.vector_load %arg22[%get3A_849, %get3A_850] {strides = array<i32>} : memref<48x128xf32, #tpu.memory_space<vmem>>, vector<16xf32>,
      %add3A_852 = arith.addf %add3A_837, %get3A_851 : vector<16xf32>
      %get3A_853 = arith.constant 34 : i32
      %get3A_854 = arith.index_cast %get3A_853 : i32 to index
      %get3A_855 = arith.constant 32 : index
      %get3A_856 = tpu.vector_load %arg22[%get3A_854, %get3A_855] {strides = array<i32>} : memref<48x128xf32, #tpu.memory_space<vmem>>, vector<16xf32>,
      %add3A_857 = arith.addf %add3A_842, %get3A_856 : vector<16xf32>
      %get3A_858 = arith.constant 35 : i32
      %get3A_859 = arith.index_cast %get3A_858 : i32 to index
      %get3A_860 = arith.constant 32 : index
      %get3A_861 = tpu.vector_load %arg22[%get3A_859, %get3A_860] {strides = array<i32>} : memref<48x128xf32, #tpu.memory_space<vmem>>, vector<16xf32>,
      %add3A_862 = arith.addf %add3A_847, %get3A_861 : vector<16xf32>
      %get3A_863 = arith.constant 36 : i32
      %get3A_864 = arith.index_cast %get3A_863 : i32 to index
      %get3A_865 = arith.constant 32 : index
      %get3A_866 = tpu.vector_load %arg22[%get3A_864, %get3A_865] {strides = array<i32>} : memref<48x128xf32, #tpu.memory_space<vmem>>, vector<16xf32>,
      %add3A_867 = arith.addf %add3A_852, %get3A_866 : vector<16xf32>
      %get3A_868 = arith.constant 37 : i32
      %get3A_869 = arith.index_cast %get3A_868 : i32 to index
      %get3A_870 = arith.constant 32 : index
      %get3A_871 = tpu.vector_load %arg22[%get3A_869, %get3A_870] {strides = array<i32>} : memref<48x128xf32, #tpu.memory_space<vmem>>, vector<16xf32>,
      %add3A_872 = arith.addf %add3A_857, %get3A_871 : vector<16xf32>
      %get3A_873 = arith.constant 38 : i32
      %get3A_874 = arith.index_cast %get3A_873 : i32 to index
      %get3A_875 = arith.constant 32 : index
      %get3A_876 = tpu.vector_load %arg22[%get3A_874, %get3A_875] {strides = array<i32>} : memref<48x128xf32, #tpu.memory_space<vmem>>, vector<16xf32>,
      %add3A_877 = arith.addf %add3A_862, %get3A_876 : vector<16xf32>
      %get3A_878 = arith.constant 39 : i32
      %get3A_879 = arith.index_cast %get3A_878 : i32 to index
      %get3A_880 = arith.constant 32 : index
      %get3A_881 = tpu.vector_load %arg22[%get3A_879, %get3A_880] {strides = array<i32>} : memref<48x128xf32, #tpu.memory_space<vmem>>, vector<16xf32>,
      %add3A_882 = arith.addf %add3A_867, %get3A_881 : vector<16xf32>
      %get3A_883 = arith.constant 40 : i32
      %get3A_884 = arith.index_cast %get3A_883 : i32 to index
      %get3A_885 = arith.constant 32 : index
      %get3A_886 = tpu.vector_load %arg22[%get3A_884, %get3A_885] {strides = array<i32>} : memref<48x128xf32, #tpu.memory_space<vmem>>, vector<16xf32>,
      %add3A_887 = arith.addf %add3A_872, %get3A_886 : vector<16xf32>
      %get3A_888 = arith.constant 41 : i32
      %get3A_889 = arith.index_cast %get3A_888 : i32 to index
      %get3A_890 = arith.constant 32 : index
      %get3A_891 = tpu.vector_load %arg22[%get3A_889, %get3A_890] {strides = array<i32>} : memref<48x128xf32, #tpu.memory_space<vmem>>, vector<16xf32>,
      %add3A_892 = arith.addf %add3A_877, %get3A_891 : vector<16xf32>
      %get3A_893 = arith.constant 42 : i32
      %get3A_894 = arith.index_cast %get3A_893 : i32 to index
      %get3A_895 = arith.constant 32 : index
      %get3A_896 = tpu.vector_load %arg22[%get3A_894, %get3A_895] {strides = array<i32>} : memref<48x128xf32, #tpu.memory_space<vmem>>, vector<16xf32>,
      %add3A_897 = arith.addf %add3A_882, %get3A_896 : vector<16xf32>
      %get3A_898 = arith.constant 43 : i32
      %get3A_899 = arith.index_cast %get3A_898 : i32 to index
      %get3A_900 = arith.constant 32 : index
      %get3A_901 = tpu.vector_load %arg22[%get3A_899, %get3A_900] {strides = array<i32>} : memref<48x128xf32, #tpu.memory_space<vmem>>, vector<16xf32>,
      %add3A_902 = arith.addf %add3A_887, %get3A_901 : vector<16xf32>
      %get3A_903 = arith.constant 44 : i32
      %get3A_904 = arith.index_cast %get3A_903 : i32 to index
      %get3A_905 = arith.constant 32 : index
      %get3A_906 = tpu.vector_load %arg22[%get3A_904, %get3A_905] {strides = array<i32>} : memref<48x128xf32, #tpu.memory_space<vmem>>, vector<16xf32>,
      %add3A_907 = arith.addf %add3A_892, %get3A_906 : vector<16xf32>
      %get3A_908 = arith.constant 45 : i32
      %get3A_909 = arith.index_cast %get3A_908 : i32 to index
      %get3A_910 = arith.constant 32 : index
      %get3A_911 = tpu.vector_load %arg22[%get3A_909, %get3A_910] {strides = array<i32>} : memref<48x128xf32, #tpu.memory_space<vmem>>, vector<16xf32>,
      %add3A_912 = arith.addf %add3A_897, %get3A_911 : vector<16xf32>
      %get3A_913 = arith.constant 46 : i32
      %get3A_914 = arith.index_cast %get3A_913 : i32 to index
      %get3A_915 = arith.constant 32 : index
      %get3A_916 = tpu.vector_load %arg22[%get3A_914, %get3A_915] {strides = array<i32>} : memref<48x128xf32, #tpu.memory_space<vmem>>, vector<16xf32>,
      %add3A_917 = arith.addf %add3A_902, %get3A_916 : vector<16xf32>
      %get3A_918 = arith.constant 47 : i32
      %get3A_919 = arith.index_cast %get3A_918 : i32 to index
      %get3A_920 = arith.constant 32 : index
      %get3A_921 = tpu.vector_load %arg22[%get3A_919, %get3A_920] {strides = array<i32>} : memref<48x128xf32, #tpu.memory_space<vmem>>, vector<16xf32>,
      %add3A_922 = arith.addf %add3A_907, %get3A_921 : vector<16xf32>
      %div3A_923 = arith.divf %add3A_917, %add3A_912 : vector<16xf32>
      %swap3A_924 = arith.constant 32 : index
      %swap3A_925 = tpu.vector_load %arg25[%swap3A_924] {strides = array<i32>} : memref<128xf32, #tpu.memory_space<vmem>>, vector<16xf32>,
      tpu.vector_store %arg25[%swap3A_924], %div3A_923 {strides = array<i32>} : memref<128xf32, #tpu.memory_space<vmem>>, vector<16xf32>,
      %div3A_926 = arith.divf %add3A_922, %add3A_912 : vector<16xf32>
      %swap3A_927 = arith.constant 32 : index
      %swap3A_928 = tpu.vector_load %arg26[%swap3A_927] {strides = array<i32>} : memref<128xf32, #tpu.memory_space<vmem>>, vector<16xf32>,
      tpu.vector_store %arg26[%swap3A_927], %div3A_926 {strides = array<i32>} : memref<128xf32, #tpu.memory_space<vmem>>, vector<16xf32>,
      %get3A_929 = arith.constant 32 : index
      %get3A_930 = tpu.vector_load %arg23[%get3A_929] {strides = array<i32>} : memref<128xf32, #tpu.memory_space<vmem>>, vector<16xf32>,
      %gt3A_931 = arith.constant 1.000000e-03 : f32
      %gt3A_932 = vector.broadcast %gt3A_931 : f32 to vector<16xf32>
      %gt3A_933 = arith.cmpf ogt, %get3A_930, %gt3A_932 : vector<16xf32>
      %jit3A_934 = arith.constant 0.000000e+00 : f32
      %broadcast_in_dim3A_935 = vector.broadcast %jit3A_934 : f32 to vector<16xf32>
      %select_n3A_936 = arith.select %gt3A_933, %get3A_930, %broadcast_in_dim3A_935 : vector<16xi1>, vector<16xf32>
      %add3A_937 = arith.constant 32 : i32
      %add3A_938 = vector.broadcast %add3A_937 : i32 to vector<16xi32>
      %add3A_939 = arith.addi %add3A_938, %iota3A : vector<16xi32>
      %lt3A_940 = arith.constant 100 : i32
      %lt3A_941 = vector.broadcast %lt3A_940 : i32 to vector<16xi32>
      %lt3A_942 = arith.cmpi slt, %add3A_939, %lt3A_941 : vector<16xi32>
      %jit3A_943 = arith.constant -3.000000e+38 : f32
      %broadcast_in_dim3A_944 = vector.broadcast %jit3A_943 : f32 to vector<16xf32>
      %select_n3A_945 = arith.select %lt3A_942, %select_n3A_936, %broadcast_in_dim3A_944 : vector<16xi1>, vector<16xf32>
      %swap3A_946 = arith.constant 32 : index
      %swap3A_947 = tpu.vector_load %arg27[%swap3A_946] {strides = array<i32>} : memref<128xf32, #tpu.memory_space<vmem>>, vector<16xf32>,
      tpu.vector_store %arg27[%swap3A_946], %select_n3A_945 {strides = array<i32>} : memref<128xf32, #tpu.memory_space<vmem>>, vector<16xf32>,
      %swap3A_948 = arith.constant 32 : index
      %swap3A_949 = tpu.vector_load %arg28[%swap3A_948] {strides = array<i32>} : memref<128xf32, #tpu.memory_space<vmem>>, vector<16xf32>,
      tpu.vector_store %arg28[%swap3A_948], %broadcast_in_dim3A_137 {strides = array<i32>} : memref<128xf32, #tpu.memory_space<vmem>>, vector<16xf32>,
      %swap3A_950 = arith.constant 32 : index
      %swap3A_951 = tpu.vector_load %arg29[%swap3A_950] {strides = array<i32>} : memref<128xf32, #tpu.memory_space<vmem>>, vector<16xf32>,
      tpu.vector_store %arg29[%swap3A_950], %broadcast_in_dim3A_137 {strides = array<i32>} : memref<128xf32, #tpu.memory_space<vmem>>, vector<16xf32>,
      %swap3A_952 = arith.constant 32 : index
      %swap3A_953 = tpu.vector_load %arg30[%swap3A_952] {strides = array<i32>} : memref<128xf32, #tpu.memory_space<vmem>>, vector<16xf32>,
      tpu.vector_store %arg30[%swap3A_952], %broadcast_in_dim3A_137 {strides = array<i32>} : memref<128xf32, #tpu.memory_space<vmem>>, vector<16xf32>,
      %swap3A_954 = arith.constant 32 : index
      %swap3A_955 = tpu.vector_load %arg31[%swap3A_954] {strides = array<i32>} : memref<128xi32, #tpu.memory_space<vmem>>, vector<16xi32>,
      tpu.vector_store %arg31[%swap3A_954], %broadcast_in_dim3A_139 {strides = array<i32>} : memref<128xi32, #tpu.memory_space<vmem>>, vector<16xi32>,
      %get3A_956 = arith.constant 0 : i32
      %get3A_957 = arith.index_cast %get3A_956 : i32 to index
      %get3A_958 = arith.constant 48 : index
      %get3A_959 = tpu.vector_load %arg22[%get3A_957, %get3A_958] {strides = array<i32>} : memref<48x128xf32, #tpu.memory_space<vmem>>, vector<16xf32>,
      %add3A_960 = arith.addf %broadcast_in_dim3A_137, %get3A_959 : vector<16xf32>
      %get3A_961 = arith.constant 1 : i32
      %get3A_962 = arith.index_cast %get3A_961 : i32 to index
      %get3A_963 = arith.constant 48 : index
      %get3A_964 = tpu.vector_load %arg22[%get3A_962, %get3A_963] {strides = array<i32>} : memref<48x128xf32, #tpu.memory_space<vmem>>, vector<16xf32>,
      %add3A_965 = arith.addf %broadcast_in_dim3A_137, %get3A_964 : vector<16xf32>
      %get3A_966 = arith.constant 2 : i32
      %get3A_967 = arith.index_cast %get3A_966 : i32 to index
      %get3A_968 = arith.constant 48 : index
      %get3A_969 = tpu.vector_load %arg22[%get3A_967, %get3A_968] {strides = array<i32>} : memref<48x128xf32, #tpu.memory_space<vmem>>, vector<16xf32>,
      %add3A_970 = arith.addf %broadcast_in_dim3A_137, %get3A_969 : vector<16xf32>
      %get3A_971 = arith.constant 3 : i32
      %get3A_972 = arith.index_cast %get3A_971 : i32 to index
      %get3A_973 = arith.constant 48 : index
      %get3A_974 = tpu.vector_load %arg22[%get3A_972, %get3A_973] {strides = array<i32>} : memref<48x128xf32, #tpu.memory_space<vmem>>, vector<16xf32>,
      %add3A_975 = arith.addf %add3A_960, %get3A_974 : vector<16xf32>
      %get3A_976 = arith.constant 4 : i32
      %get3A_977 = arith.index_cast %get3A_976 : i32 to index
      %get3A_978 = arith.constant 48 : index
      %get3A_979 = tpu.vector_load %arg22[%get3A_977, %get3A_978] {strides = array<i32>} : memref<48x128xf32, #tpu.memory_space<vmem>>, vector<16xf32>,
      %add3A_980 = arith.addf %add3A_965, %get3A_979 : vector<16xf32>
      %get3A_981 = arith.constant 5 : i32
      %get3A_982 = arith.index_cast %get3A_981 : i32 to index
      %get3A_983 = arith.constant 48 : index
      %get3A_984 = tpu.vector_load %arg22[%get3A_982, %get3A_983] {strides = array<i32>} : memref<48x128xf32, #tpu.memory_space<vmem>>, vector<16xf32>,
      %add3A_985 = arith.addf %add3A_970, %get3A_984 : vector<16xf32>
      %get3A_986 = arith.constant 6 : i32
      %get3A_987 = arith.index_cast %get3A_986 : i32 to index
      %get3A_988 = arith.constant 48 : index
      %get3A_989 = tpu.vector_load %arg22[%get3A_987, %get3A_988] {strides = array<i32>} : memref<48x128xf32, #tpu.memory_space<vmem>>, vector<16xf32>,
      %add3A_990 = arith.addf %add3A_975, %get3A_989 : vector<16xf32>
      %get3A_991 = arith.constant 7 : i32
      %get3A_992 = arith.index_cast %get3A_991 : i32 to index
      %get3A_993 = arith.constant 48 : index
      %get3A_994 = tpu.vector_load %arg22[%get3A_992, %get3A_993] {strides = array<i32>} : memref<48x128xf32, #tpu.memory_space<vmem>>, vector<16xf32>,
      %add3A_995 = arith.addf %add3A_980, %get3A_994 : vector<16xf32>
      %get3A_996 = arith.constant 8 : i32
      %get3A_997 = arith.index_cast %get3A_996 : i32 to index
      %get3A_998 = arith.constant 48 : index
      %get3A_999 = tpu.vector_load %arg22[%get3A_997, %get3A_998] {strides = array<i32>} : memref<48x128xf32, #tpu.memory_space<vmem>>, vector<16xf32>,
      %add3A_1000 = arith.addf %add3A_985, %get3A_999 : vector<16xf32>
      %get3A_1001 = arith.constant 9 : i32
      %get3A_1002 = arith.index_cast %get3A_1001 : i32 to index
      %get3A_1003 = arith.constant 48 : index
      %get3A_1004 = tpu.vector_load %arg22[%get3A_1002, %get3A_1003] {strides = array<i32>} : memref<48x128xf32, #tpu.memory_space<vmem>>, vector<16xf32>,
      %add3A_1005 = arith.addf %add3A_990, %get3A_1004 : vector<16xf32>
      %get3A_1006 = arith.constant 10 : i32
      %get3A_1007 = arith.index_cast %get3A_1006 : i32 to index
      %get3A_1008 = arith.constant 48 : index
      %get3A_1009 = tpu.vector_load %arg22[%get3A_1007, %get3A_1008] {strides = array<i32>} : memref<48x128xf32, #tpu.memory_space<vmem>>, vector<16xf32>,
      %add3A_1010 = arith.addf %add3A_995, %get3A_1009 : vector<16xf32>
      %get3A_1011 = arith.constant 11 : i32
      %get3A_1012 = arith.index_cast %get3A_1011 : i32 to index
      %get3A_1013 = arith.constant 48 : index
      %get3A_1014 = tpu.vector_load %arg22[%get3A_1012, %get3A_1013] {strides = array<i32>} : memref<48x128xf32, #tpu.memory_space<vmem>>, vector<16xf32>,
      %add3A_1015 = arith.addf %add3A_1000, %get3A_1014 : vector<16xf32>
      %get3A_1016 = arith.constant 12 : i32
      %get3A_1017 = arith.index_cast %get3A_1016 : i32 to index
      %get3A_1018 = arith.constant 48 : index
      %get3A_1019 = tpu.vector_load %arg22[%get3A_1017, %get3A_1018] {strides = array<i32>} : memref<48x128xf32, #tpu.memory_space<vmem>>, vector<16xf32>,
      %add3A_1020 = arith.addf %add3A_1005, %get3A_1019 : vector<16xf32>
      %get3A_1021 = arith.constant 13 : i32
      %get3A_1022 = arith.index_cast %get3A_1021 : i32 to index
      %get3A_1023 = arith.constant 48 : index
      %get3A_1024 = tpu.vector_load %arg22[%get3A_1022, %get3A_1023] {strides = array<i32>} : memref<48x128xf32, #tpu.memory_space<vmem>>, vector<16xf32>,
      %add3A_1025 = arith.addf %add3A_1010, %get3A_1024 : vector<16xf32>
      %get3A_1026 = arith.constant 14 : i32
      %get3A_1027 = arith.index_cast %get3A_1026 : i32 to index
      %get3A_1028 = arith.constant 48 : index
      %get3A_1029 = tpu.vector_load %arg22[%get3A_1027, %get3A_1028] {strides = array<i32>} : memref<48x128xf32, #tpu.memory_space<vmem>>, vector<16xf32>,
      %add3A_1030 = arith.addf %add3A_1015, %get3A_1029 : vector<16xf32>
      %get3A_1031 = arith.constant 15 : i32
      %get3A_1032 = arith.index_cast %get3A_1031 : i32 to index
      %get3A_1033 = arith.constant 48 : index
      %get3A_1034 = tpu.vector_load %arg22[%get3A_1032, %get3A_1033] {strides = array<i32>} : memref<48x128xf32, #tpu.memory_space<vmem>>, vector<16xf32>,
      %add3A_1035 = arith.addf %add3A_1020, %get3A_1034 : vector<16xf32>
      %get3A_1036 = arith.constant 16 : i32
      %get3A_1037 = arith.index_cast %get3A_1036 : i32 to index
      %get3A_1038 = arith.constant 48 : index
      %get3A_1039 = tpu.vector_load %arg22[%get3A_1037, %get3A_1038] {strides = array<i32>} : memref<48x128xf32, #tpu.memory_space<vmem>>, vector<16xf32>,
      %add3A_1040 = arith.addf %add3A_1025, %get3A_1039 : vector<16xf32>
      %get3A_1041 = arith.constant 17 : i32
      %get3A_1042 = arith.index_cast %get3A_1041 : i32 to index
      %get3A_1043 = arith.constant 48 : index
      %get3A_1044 = tpu.vector_load %arg22[%get3A_1042, %get3A_1043] {strides = array<i32>} : memref<48x128xf32, #tpu.memory_space<vmem>>, vector<16xf32>,
      %add3A_1045 = arith.addf %add3A_1030, %get3A_1044 : vector<16xf32>
      %get3A_1046 = arith.constant 18 : i32
      %get3A_1047 = arith.index_cast %get3A_1046 : i32 to index
      %get3A_1048 = arith.constant 48 : index
      %get3A_1049 = tpu.vector_load %arg22[%get3A_1047, %get3A_1048] {strides = array<i32>} : memref<48x128xf32, #tpu.memory_space<vmem>>, vector<16xf32>,
      %add3A_1050 = arith.addf %add3A_1035, %get3A_1049 : vector<16xf32>
      %get3A_1051 = arith.constant 19 : i32
      %get3A_1052 = arith.index_cast %get3A_1051 : i32 to index
      %get3A_1053 = arith.constant 48 : index
      %get3A_1054 = tpu.vector_load %arg22[%get3A_1052, %get3A_1053] {strides = array<i32>} : memref<48x128xf32, #tpu.memory_space<vmem>>, vector<16xf32>,
      %add3A_1055 = arith.addf %add3A_1040, %get3A_1054 : vector<16xf32>
      %get3A_1056 = arith.constant 20 : i32
      %get3A_1057 = arith.index_cast %get3A_1056 : i32 to index
      %get3A_1058 = arith.constant 48 : index
      %get3A_1059 = tpu.vector_load %arg22[%get3A_1057, %get3A_1058] {strides = array<i32>} : memref<48x128xf32, #tpu.memory_space<vmem>>, vector<16xf32>,
      %add3A_1060 = arith.addf %add3A_1045, %get3A_1059 : vector<16xf32>
      %get3A_1061 = arith.constant 21 : i32
      %get3A_1062 = arith.index_cast %get3A_1061 : i32 to index
      %get3A_1063 = arith.constant 48 : index
      %get3A_1064 = tpu.vector_load %arg22[%get3A_1062, %get3A_1063] {strides = array<i32>} : memref<48x128xf32, #tpu.memory_space<vmem>>, vector<16xf32>,
      %add3A_1065 = arith.addf %add3A_1050, %get3A_1064 : vector<16xf32>
      %get3A_1066 = arith.constant 22 : i32
      %get3A_1067 = arith.index_cast %get3A_1066 : i32 to index
      %get3A_1068 = arith.constant 48 : index
      %get3A_1069 = tpu.vector_load %arg22[%get3A_1067, %get3A_1068] {strides = array<i32>} : memref<48x128xf32, #tpu.memory_space<vmem>>, vector<16xf32>,
      %add3A_1070 = arith.addf %add3A_1055, %get3A_1069 : vector<16xf32>
      %get3A_1071 = arith.constant 23 : i32
      %get3A_1072 = arith.index_cast %get3A_1071 : i32 to index
      %get3A_1073 = arith.constant 48 : index
      %get3A_1074 = tpu.vector_load %arg22[%get3A_1072, %get3A_1073] {strides = array<i32>} : memref<48x128xf32, #tpu.memory_space<vmem>>, vector<16xf32>,
      %add3A_1075 = arith.addf %add3A_1060, %get3A_1074 : vector<16xf32>
      %get3A_1076 = arith.constant 24 : i32
      %get3A_1077 = arith.index_cast %get3A_1076 : i32 to index
      %get3A_1078 = arith.constant 48 : index
      %get3A_1079 = tpu.vector_load %arg22[%get3A_1077, %get3A_1078] {strides = array<i32>} : memref<48x128xf32, #tpu.memory_space<vmem>>, vector<16xf32>,
      %add3A_1080 = arith.addf %add3A_1065, %get3A_1079 : vector<16xf32>
      %get3A_1081 = arith.constant 25 : i32
      %get3A_1082 = arith.index_cast %get3A_1081 : i32 to index
      %get3A_1083 = arith.constant 48 : index
      %get3A_1084 = tpu.vector_load %arg22[%get3A_1082, %get3A_1083] {strides = array<i32>} : memref<48x128xf32, #tpu.memory_space<vmem>>, vector<16xf32>,
      %add3A_1085 = arith.addf %add3A_1070, %get3A_1084 : vector<16xf32>
      %get3A_1086 = arith.constant 26 : i32
      %get3A_1087 = arith.index_cast %get3A_1086 : i32 to index
      %get3A_1088 = arith.constant 48 : index
      %get3A_1089 = tpu.vector_load %arg22[%get3A_1087, %get3A_1088] {strides = array<i32>} : memref<48x128xf32, #tpu.memory_space<vmem>>, vector<16xf32>,
      %add3A_1090 = arith.addf %add3A_1075, %get3A_1089 : vector<16xf32>
      %get3A_1091 = arith.constant 27 : i32
      %get3A_1092 = arith.index_cast %get3A_1091 : i32 to index
      %get3A_1093 = arith.constant 48 : index
      %get3A_1094 = tpu.vector_load %arg22[%get3A_1092, %get3A_1093] {strides = array<i32>} : memref<48x128xf32, #tpu.memory_space<vmem>>, vector<16xf32>,
      %add3A_1095 = arith.addf %add3A_1080, %get3A_1094 : vector<16xf32>
      %get3A_1096 = arith.constant 28 : i32
      %get3A_1097 = arith.index_cast %get3A_1096 : i32 to index
      %get3A_1098 = arith.constant 48 : index
      %get3A_1099 = tpu.vector_load %arg22[%get3A_1097, %get3A_1098] {strides = array<i32>} : memref<48x128xf32, #tpu.memory_space<vmem>>, vector<16xf32>,
      %add3A_1100 = arith.addf %add3A_1085, %get3A_1099 : vector<16xf32>
      %get3A_1101 = arith.constant 29 : i32
      %get3A_1102 = arith.index_cast %get3A_1101 : i32 to index
      %get3A_1103 = arith.constant 48 : index
      %get3A_1104 = tpu.vector_load %arg22[%get3A_1102, %get3A_1103] {strides = array<i32>} : memref<48x128xf32, #tpu.memory_space<vmem>>, vector<16xf32>,
      %add3A_1105 = arith.addf %add3A_1090, %get3A_1104 : vector<16xf32>
      %get3A_1106 = arith.constant 30 : i32
      %get3A_1107 = arith.index_cast %get3A_1106 : i32 to index
      %get3A_1108 = arith.constant 48 : index
      %get3A_1109 = tpu.vector_load %arg22[%get3A_1107, %get3A_1108] {strides = array<i32>} : memref<48x128xf32, #tpu.memory_space<vmem>>, vector<16xf32>,
      %add3A_1110 = arith.addf %add3A_1095, %get3A_1109 : vector<16xf32>
      %get3A_1111 = arith.constant 31 : i32
      %get3A_1112 = arith.index_cast %get3A_1111 : i32 to index
      %get3A_1113 = arith.constant 48 : index
      %get3A_1114 = tpu.vector_load %arg22[%get3A_1112, %get3A_1113] {strides = array<i32>} : memref<48x128xf32, #tpu.memory_space<vmem>>, vector<16xf32>,
      %add3A_1115 = arith.addf %add3A_1100, %get3A_1114 : vector<16xf32>
      %get3A_1116 = arith.constant 32 : i32
      %get3A_1117 = arith.index_cast %get3A_1116 : i32 to index
      %get3A_1118 = arith.constant 48 : index
      %get3A_1119 = tpu.vector_load %arg22[%get3A_1117, %get3A_1118] {strides = array<i32>} : memref<48x128xf32, #tpu.memory_space<vmem>>, vector<16xf32>,
      %add3A_1120 = arith.addf %add3A_1105, %get3A_1119 : vector<16xf32>
      %get3A_1121 = arith.constant 33 : i32
      %get3A_1122 = arith.index_cast %get3A_1121 : i32 to index
      %get3A_1123 = arith.constant 48 : index
      %get3A_1124 = tpu.vector_load %arg22[%get3A_1122, %get3A_1123] {strides = array<i32>} : memref<48x128xf32, #tpu.memory_space<vmem>>, vector<16xf32>,
      %add3A_1125 = arith.addf %add3A_1110, %get3A_1124 : vector<16xf32>
      %get3A_1126 = arith.constant 34 : i32
      %get3A_1127 = arith.index_cast %get3A_1126 : i32 to index
      %get3A_1128 = arith.constant 48 : index
      %get3A_1129 = tpu.vector_load %arg22[%get3A_1127, %get3A_1128] {strides = array<i32>} : memref<48x128xf32, #tpu.memory_space<vmem>>, vector<16xf32>,
      %add3A_1130 = arith.addf %add3A_1115, %get3A_1129 : vector<16xf32>
      %get3A_1131 = arith.constant 35 : i32
      %get3A_1132 = arith.index_cast %get3A_1131 : i32 to index
      %get3A_1133 = arith.constant 48 : index
      %get3A_1134 = tpu.vector_load %arg22[%get3A_1132, %get3A_1133] {strides = array<i32>} : memref<48x128xf32, #tpu.memory_space<vmem>>, vector<16xf32>,
      %add3A_1135 = arith.addf %add3A_1120, %get3A_1134 : vector<16xf32>
      %get3A_1136 = arith.constant 36 : i32
      %get3A_1137 = arith.index_cast %get3A_1136 : i32 to index
      %get3A_1138 = arith.constant 48 : index
      %get3A_1139 = tpu.vector_load %arg22[%get3A_1137, %get3A_1138] {strides = array<i32>} : memref<48x128xf32, #tpu.memory_space<vmem>>, vector<16xf32>,
      %add3A_1140 = arith.addf %add3A_1125, %get3A_1139 : vector<16xf32>
      %get3A_1141 = arith.constant 37 : i32
      %get3A_1142 = arith.index_cast %get3A_1141 : i32 to index
      %get3A_1143 = arith.constant 48 : index
      %get3A_1144 = tpu.vector_load %arg22[%get3A_1142, %get3A_1143] {strides = array<i32>} : memref<48x128xf32, #tpu.memory_space<vmem>>, vector<16xf32>,
      %add3A_1145 = arith.addf %add3A_1130, %get3A_1144 : vector<16xf32>
      %get3A_1146 = arith.constant 38 : i32
      %get3A_1147 = arith.index_cast %get3A_1146 : i32 to index
      %get3A_1148 = arith.constant 48 : index
      %get3A_1149 = tpu.vector_load %arg22[%get3A_1147, %get3A_1148] {strides = array<i32>} : memref<48x128xf32, #tpu.memory_space<vmem>>, vector<16xf32>,
      %add3A_1150 = arith.addf %add3A_1135, %get3A_1149 : vector<16xf32>
      %get3A_1151 = arith.constant 39 : i32
      %get3A_1152 = arith.index_cast %get3A_1151 : i32 to index
      %get3A_1153 = arith.constant 48 : index
      %get3A_1154 = tpu.vector_load %arg22[%get3A_1152, %get3A_1153] {strides = array<i32>} : memref<48x128xf32, #tpu.memory_space<vmem>>, vector<16xf32>,
      %add3A_1155 = arith.addf %add3A_1140, %get3A_1154 : vector<16xf32>
      %get3A_1156 = arith.constant 40 : i32
      %get3A_1157 = arith.index_cast %get3A_1156 : i32 to index
      %get3A_1158 = arith.constant 48 : index
      %get3A_1159 = tpu.vector_load %arg22[%get3A_1157, %get3A_1158] {strides = array<i32>} : memref<48x128xf32, #tpu.memory_space<vmem>>, vector<16xf32>,
      %add3A_1160 = arith.addf %add3A_1145, %get3A_1159 : vector<16xf32>
      %get3A_1161 = arith.constant 41 : i32
      %get3A_1162 = arith.index_cast %get3A_1161 : i32 to index
      %get3A_1163 = arith.constant 48 : index
      %get3A_1164 = tpu.vector_load %arg22[%get3A_1162, %get3A_1163] {strides = array<i32>} : memref<48x128xf32, #tpu.memory_space<vmem>>, vector<16xf32>,
      %add3A_1165 = arith.addf %add3A_1150, %get3A_1164 : vector<16xf32>
      %get3A_1166 = arith.constant 42 : i32
      %get3A_1167 = arith.index_cast %get3A_1166 : i32 to index
      %get3A_1168 = arith.constant 48 : index
      %get3A_1169 = tpu.vector_load %arg22[%get3A_1167, %get3A_1168] {strides = array<i32>} : memref<48x128xf32, #tpu.memory_space<vmem>>, vector<16xf32>,
      %add3A_1170 = arith.addf %add3A_1155, %get3A_1169 : vector<16xf32>
      %get3A_1171 = arith.constant 43 : i32
      %get3A_1172 = arith.index_cast %get3A_1171 : i32 to index
      %get3A_1173 = arith.constant 48 : index
      %get3A_1174 = tpu.vector_load %arg22[%get3A_1172, %get3A_1173] {strides = array<i32>} : memref<48x128xf32, #tpu.memory_space<vmem>>, vector<16xf32>,
      %add3A_1175 = arith.addf %add3A_1160, %get3A_1174 : vector<16xf32>
      %get3A_1176 = arith.constant 44 : i32
      %get3A_1177 = arith.index_cast %get3A_1176 : i32 to index
      %get3A_1178 = arith.constant 48 : index
      %get3A_1179 = tpu.vector_load %arg22[%get3A_1177, %get3A_1178] {strides = array<i32>} : memref<48x128xf32, #tpu.memory_space<vmem>>, vector<16xf32>,
      %add3A_1180 = arith.addf %add3A_1165, %get3A_1179 : vector<16xf32>
      %get3A_1181 = arith.constant 45 : i32
      %get3A_1182 = arith.index_cast %get3A_1181 : i32 to index
      %get3A_1183 = arith.constant 48 : index
      %get3A_1184 = tpu.vector_load %arg22[%get3A_1182, %get3A_1183] {strides = array<i32>} : memref<48x128xf32, #tpu.memory_space<vmem>>, vector<16xf32>,
      %add3A_1185 = arith.addf %add3A_1170, %get3A_1184 : vector<16xf32>
      %get3A_1186 = arith.constant 46 : i32
      %get3A_1187 = arith.index_cast %get3A_1186 : i32 to index
      %get3A_1188 = arith.constant 48 : index
      %get3A_1189 = tpu.vector_load %arg22[%get3A_1187, %get3A_1188] {strides = array<i32>} : memref<48x128xf32, #tpu.memory_space<vmem>>, vector<16xf32>,
      %add3A_1190 = arith.addf %add3A_1175, %get3A_1189 : vector<16xf32>
      %get3A_1191 = arith.constant 47 : i32
      %get3A_1192 = arith.index_cast %get3A_1191 : i32 to index
      %get3A_1193 = arith.constant 48 : index
      %get3A_1194 = tpu.vector_load %arg22[%get3A_1192, %get3A_1193] {strides = array<i32>} : memref<48x128xf32, #tpu.memory_space<vmem>>, vector<16xf32>,
      %add3A_1195 = arith.addf %add3A_1180, %get3A_1194 : vector<16xf32>
      %div3A_1196 = arith.divf %add3A_1190, %add3A_1185 : vector<16xf32>
      %swap3A_1197 = arith.constant 48 : index
      %swap3A_1198 = tpu.vector_load %arg25[%swap3A_1197] {strides = array<i32>} : memref<128xf32, #tpu.memory_space<vmem>>, vector<16xf32>,
      tpu.vector_store %arg25[%swap3A_1197], %div3A_1196 {strides = array<i32>} : memref<128xf32, #tpu.memory_space<vmem>>, vector<16xf32>,
      %div3A_1199 = arith.divf %add3A_1195, %add3A_1185 : vector<16xf32>
      %swap3A_1200 = arith.constant 48 : index
      %swap3A_1201 = tpu.vector_load %arg26[%swap3A_1200] {strides = array<i32>} : memref<128xf32, #tpu.memory_space<vmem>>, vector<16xf32>,
      tpu.vector_store %arg26[%swap3A_1200], %div3A_1199 {strides = array<i32>} : memref<128xf32, #tpu.memory_space<vmem>>, vector<16xf32>,
      %get3A_1202 = arith.constant 48 : index
      %get3A_1203 = tpu.vector_load %arg23[%get3A_1202] {strides = array<i32>} : memref<128xf32, #tpu.memory_space<vmem>>, vector<16xf32>,
      %gt3A_1204 = arith.constant 1.000000e-03 : f32
      %gt3A_1205 = vector.broadcast %gt3A_1204 : f32 to vector<16xf32>
      %gt3A_1206 = arith.cmpf ogt, %get3A_1203, %gt3A_1205 : vector<16xf32>
      %jit3A_1207 = arith.constant 0.000000e+00 : f32
      %broadcast_in_dim3A_1208 = vector.broadcast %jit3A_1207 : f32 to vector<16xf32>
      %select_n3A_1209 = arith.select %gt3A_1206, %get3A_1203, %broadcast_in_dim3A_1208 : vector<16xi1>, vector<16xf32>
      %add3A_1210 = arith.constant 48 : i32
      %add3A_1211 = vector.broadcast %add3A_1210 : i32 to vector<16xi32>
      %add3A_1212 = arith.addi %add3A_1211, %iota3A : vector<16xi32>
      %lt3A_1213 = arith.constant 100 : i32
      %lt3A_1214 = vector.broadcast %lt3A_1213 : i32 to vector<16xi32>
      %lt3A_1215 = arith.cmpi slt, %add3A_1212, %lt3A_1214 : vector<16xi32>
      %jit3A_1216 = arith.constant -3.000000e+38 : f32
      %broadcast_in_dim3A_1217 = vector.broadcast %jit3A_1216 : f32 to vector<16xf32>
      %select_n3A_1218 = arith.select %lt3A_1215, %select_n3A_1209, %broadcast_in_dim3A_1217 : vector<16xi1>, vector<16xf32>
      %swap3A_1219 = arith.constant 48 : index
      %swap3A_1220 = tpu.vector_load %arg27[%swap3A_1219] {strides = array<i32>} : memref<128xf32, #tpu.memory_space<vmem>>, vector<16xf32>,
      tpu.vector_store %arg27[%swap3A_1219], %select_n3A_1218 {strides = array<i32>} : memref<128xf32, #tpu.memory_space<vmem>>, vector<16xf32>,
      %swap3A_1221 = arith.constant 48 : index
      %swap3A_1222 = tpu.vector_load %arg28[%swap3A_1221] {strides = array<i32>} : memref<128xf32, #tpu.memory_space<vmem>>, vector<16xf32>,
      tpu.vector_store %arg28[%swap3A_1221], %broadcast_in_dim3A_137 {strides = array<i32>} : memref<128xf32, #tpu.memory_space<vmem>>, vector<16xf32>,
      %swap3A_1223 = arith.constant 48 : index
      %swap3A_1224 = tpu.vector_load %arg29[%swap3A_1223] {strides = array<i32>} : memref<128xf32, #tpu.memory_space<vmem>>, vector<16xf32>,
      tpu.vector_store %arg29[%swap3A_1223], %broadcast_in_dim3A_137 {strides = array<i32>} : memref<128xf32, #tpu.memory_space<vmem>>, vector<16xf32>,
      %swap3A_1225 = arith.constant 48 : index
      %swap3A_1226 = tpu.vector_load %arg30[%swap3A_1225] {strides = array<i32>} : memref<128xf32, #tpu.memory_space<vmem>>, vector<16xf32>,
      tpu.vector_store %arg30[%swap3A_1225], %broadcast_in_dim3A_137 {strides = array<i32>} : memref<128xf32, #tpu.memory_space<vmem>>, vector<16xf32>,
      %swap3A_1227 = arith.constant 48 : index
      %swap3A_1228 = tpu.vector_load %arg31[%swap3A_1227] {strides = array<i32>} : memref<128xi32, #tpu.memory_space<vmem>>, vector<16xi32>,
      tpu.vector_store %arg31[%swap3A_1227], %broadcast_in_dim3A_139 {strides = array<i32>} : memref<128xi32, #tpu.memory_space<vmem>>, vector<16xi32>,
      %get3A_1229 = arith.constant 0 : i32
      %get3A_1230 = arith.index_cast %get3A_1229 : i32 to index
      %get3A_1231 = arith.constant 64 : index
      %get3A_1232 = tpu.vector_load %arg22[%get3A_1230, %get3A_1231] {strides = array<i32>} : memref<48x128xf32, #tpu.memory_space<vmem>>, vector<16xf32>,
      %add3A_1233 = arith.addf %broadcast_in_dim3A_137, %get3A_1232 : vector<16xf32>
      %get3A_1234 = arith.constant 1 : i32
      %get3A_1235 = arith.index_cast %get3A_1234 : i32 to index
      %get3A_1236 = arith.constant 64 : index
      %get3A_1237 = tpu.vector_load %arg22[%get3A_1235, %get3A_1236] {strides = array<i32>} : memref<48x128xf32, #tpu.memory_space<vmem>>, vector<16xf32>,
      %add3A_1238 = arith.addf %broadcast_in_dim3A_137, %get3A_1237 : vector<16xf32>
      %get3A_1239 = arith.constant 2 : i32
      %get3A_1240 = arith.index_cast %get3A_1239 : i32 to index
      %get3A_1241 = arith.constant 64 : index
      %get3A_1242 = tpu.vector_load %arg22[%get3A_1240, %get3A_1241] {strides = array<i32>} : memref<48x128xf32, #tpu.memory_space<vmem>>, vector<16xf32>,
      %add3A_1243 = arith.addf %broadcast_in_dim3A_137, %get3A_1242 : vector<16xf32>
      %get3A_1244 = arith.constant 3 : i32
      %get3A_1245 = arith.index_cast %get3A_1244 : i32 to index
      %get3A_1246 = arith.constant 64 : index
      %get3A_1247 = tpu.vector_load %arg22[%get3A_1245, %get3A_1246] {strides = array<i32>} : memref<48x128xf32, #tpu.memory_space<vmem>>, vector<16xf32>,
      %add3A_1248 = arith.addf %add3A_1233, %get3A_1247 : vector<16xf32>
      %get3A_1249 = arith.constant 4 : i32
      %get3A_1250 = arith.index_cast %get3A_1249 : i32 to index
      %get3A_1251 = arith.constant 64 : index
      %get3A_1252 = tpu.vector_load %arg22[%get3A_1250, %get3A_1251] {strides = array<i32>} : memref<48x128xf32, #tpu.memory_space<vmem>>, vector<16xf32>,
      %add3A_1253 = arith.addf %add3A_1238, %get3A_1252 : vector<16xf32>
      %get3A_1254 = arith.constant 5 : i32
      %get3A_1255 = arith.index_cast %get3A_1254 : i32 to index
      %get3A_1256 = arith.constant 64 : index
      %get3A_1257 = tpu.vector_load %arg22[%get3A_1255, %get3A_1256] {strides = array<i32>} : memref<48x128xf32, #tpu.memory_space<vmem>>, vector<16xf32>,
      %add3A_1258 = arith.addf %add3A_1243, %get3A_1257 : vector<16xf32>
      %get3A_1259 = arith.constant 6 : i32
      %get3A_1260 = arith.index_cast %get3A_1259 : i32 to index
      %get3A_1261 = arith.constant 64 : index
      %get3A_1262 = tpu.vector_load %arg22[%get3A_1260, %get3A_1261] {strides = array<i32>} : memref<48x128xf32, #tpu.memory_space<vmem>>, vector<16xf32>,
      %add3A_1263 = arith.addf %add3A_1248, %get3A_1262 : vector<16xf32>
      %get3A_1264 = arith.constant 7 : i32
      %get3A_1265 = arith.index_cast %get3A_1264 : i32 to index
      %get3A_1266 = arith.constant 64 : index
      %get3A_1267 = tpu.vector_load %arg22[%get3A_1265, %get3A_1266] {strides = array<i32>} : memref<48x128xf32, #tpu.memory_space<vmem>>, vector<16xf32>,
      %add3A_1268 = arith.addf %add3A_1253, %get3A_1267 : vector<16xf32>
      %get3A_1269 = arith.constant 8 : i32
      %get3A_1270 = arith.index_cast %get3A_1269 : i32 to index
      %get3A_1271 = arith.constant 64 : index
      %get3A_1272 = tpu.vector_load %arg22[%get3A_1270, %get3A_1271] {strides = array<i32>} : memref<48x128xf32, #tpu.memory_space<vmem>>, vector<16xf32>,
      %add3A_1273 = arith.addf %add3A_1258, %get3A_1272 : vector<16xf32>
      %get3A_1274 = arith.constant 9 : i32
      %get3A_1275 = arith.index_cast %get3A_1274 : i32 to index
      %get3A_1276 = arith.constant 64 : index
      %get3A_1277 = tpu.vector_load %arg22[%get3A_1275, %get3A_1276] {strides = array<i32>} : memref<48x128xf32, #tpu.memory_space<vmem>>, vector<16xf32>,
      %add3A_1278 = arith.addf %add3A_1263, %get3A_1277 : vector<16xf32>
      %get3A_1279 = arith.constant 10 : i32
      %get3A_1280 = arith.index_cast %get3A_1279 : i32 to index
      %get3A_1281 = arith.constant 64 : index
      %get3A_1282 = tpu.vector_load %arg22[%get3A_1280, %get3A_1281] {strides = array<i32>} : memref<48x128xf32, #tpu.memory_space<vmem>>, vector<16xf32>,
      %add3A_1283 = arith.addf %add3A_1268, %get3A_1282 : vector<16xf32>
      %get3A_1284 = arith.constant 11 : i32
      %get3A_1285 = arith.index_cast %get3A_1284 : i32 to index
      %get3A_1286 = arith.constant 64 : index
      %get3A_1287 = tpu.vector_load %arg22[%get3A_1285, %get3A_1286] {strides = array<i32>} : memref<48x128xf32, #tpu.memory_space<vmem>>, vector<16xf32>,
      %add3A_1288 = arith.addf %add3A_1273, %get3A_1287 : vector<16xf32>
      %get3A_1289 = arith.constant 12 : i32
      %get3A_1290 = arith.index_cast %get3A_1289 : i32 to index
      %get3A_1291 = arith.constant 64 : index
      %get3A_1292 = tpu.vector_load %arg22[%get3A_1290, %get3A_1291] {strides = array<i32>} : memref<48x128xf32, #tpu.memory_space<vmem>>, vector<16xf32>,
      %add3A_1293 = arith.addf %add3A_1278, %get3A_1292 : vector<16xf32>
      %get3A_1294 = arith.constant 13 : i32
      %get3A_1295 = arith.index_cast %get3A_1294 : i32 to index
      %get3A_1296 = arith.constant 64 : index
      %get3A_1297 = tpu.vector_load %arg22[%get3A_1295, %get3A_1296] {strides = array<i32>} : memref<48x128xf32, #tpu.memory_space<vmem>>, vector<16xf32>,
      %add3A_1298 = arith.addf %add3A_1283, %get3A_1297 : vector<16xf32>
      %get3A_1299 = arith.constant 14 : i32
      %get3A_1300 = arith.index_cast %get3A_1299 : i32 to index
      %get3A_1301 = arith.constant 64 : index
      %get3A_1302 = tpu.vector_load %arg22[%get3A_1300, %get3A_1301] {strides = array<i32>} : memref<48x128xf32, #tpu.memory_space<vmem>>, vector<16xf32>,
      %add3A_1303 = arith.addf %add3A_1288, %get3A_1302 : vector<16xf32>
      %get3A_1304 = arith.constant 15 : i32
      %get3A_1305 = arith.index_cast %get3A_1304 : i32 to index
      %get3A_1306 = arith.constant 64 : index
      %get3A_1307 = tpu.vector_load %arg22[%get3A_1305, %get3A_1306] {strides = array<i32>} : memref<48x128xf32, #tpu.memory_space<vmem>>, vector<16xf32>,
      %add3A_1308 = arith.addf %add3A_1293, %get3A_1307 : vector<16xf32>
      %get3A_1309 = arith.constant 16 : i32
      %get3A_1310 = arith.index_cast %get3A_1309 : i32 to index
      %get3A_1311 = arith.constant 64 : index
      %get3A_1312 = tpu.vector_load %arg22[%get3A_1310, %get3A_1311] {strides = array<i32>} : memref<48x128xf32, #tpu.memory_space<vmem>>, vector<16xf32>,
      %add3A_1313 = arith.addf %add3A_1298, %get3A_1312 : vector<16xf32>
      %get3A_1314 = arith.constant 17 : i32
      %get3A_1315 = arith.index_cast %get3A_1314 : i32 to index
      %get3A_1316 = arith.constant 64 : index
      %get3A_1317 = tpu.vector_load %arg22[%get3A_1315, %get3A_1316] {strides = array<i32>} : memref<48x128xf32, #tpu.memory_space<vmem>>, vector<16xf32>,
      %add3A_1318 = arith.addf %add3A_1303, %get3A_1317 : vector<16xf32>
      %get3A_1319 = arith.constant 18 : i32
      %get3A_1320 = arith.index_cast %get3A_1319 : i32 to index
      %get3A_1321 = arith.constant 64 : index
      %get3A_1322 = tpu.vector_load %arg22[%get3A_1320, %get3A_1321] {strides = array<i32>} : memref<48x128xf32, #tpu.memory_space<vmem>>, vector<16xf32>,
      %add3A_1323 = arith.addf %add3A_1308, %get3A_1322 : vector<16xf32>
      %get3A_1324 = arith.constant 19 : i32
      %get3A_1325 = arith.index_cast %get3A_1324 : i32 to index
      %get3A_1326 = arith.constant 64 : index
      %get3A_1327 = tpu.vector_load %arg22[%get3A_1325, %get3A_1326] {strides = array<i32>} : memref<48x128xf32, #tpu.memory_space<vmem>>, vector<16xf32>,
      %add3A_1328 = arith.addf %add3A_1313, %get3A_1327 : vector<16xf32>
      %get3A_1329 = arith.constant 20 : i32
      %get3A_1330 = arith.index_cast %get3A_1329 : i32 to index
      %get3A_1331 = arith.constant 64 : index
      %get3A_1332 = tpu.vector_load %arg22[%get3A_1330, %get3A_1331] {strides = array<i32>} : memref<48x128xf32, #tpu.memory_space<vmem>>, vector<16xf32>,
      %add3A_1333 = arith.addf %add3A_1318, %get3A_1332 : vector<16xf32>
      %get3A_1334 = arith.constant 21 : i32
      %get3A_1335 = arith.index_cast %get3A_1334 : i32 to index
      %get3A_1336 = arith.constant 64 : index
      %get3A_1337 = tpu.vector_load %arg22[%get3A_1335, %get3A_1336] {strides = array<i32>} : memref<48x128xf32, #tpu.memory_space<vmem>>, vector<16xf32>,
      %add3A_1338 = arith.addf %add3A_1323, %get3A_1337 : vector<16xf32>
      %get3A_1339 = arith.constant 22 : i32
      %get3A_1340 = arith.index_cast %get3A_1339 : i32 to index
      %get3A_1341 = arith.constant 64 : index
      %get3A_1342 = tpu.vector_load %arg22[%get3A_1340, %get3A_1341] {strides = array<i32>} : memref<48x128xf32, #tpu.memory_space<vmem>>, vector<16xf32>,
      %add3A_1343 = arith.addf %add3A_1328, %get3A_1342 : vector<16xf32>
      %get3A_1344 = arith.constant 23 : i32
      %get3A_1345 = arith.index_cast %get3A_1344 : i32 to index
      %get3A_1346 = arith.constant 64 : index
      %get3A_1347 = tpu.vector_load %arg22[%get3A_1345, %get3A_1346] {strides = array<i32>} : memref<48x128xf32, #tpu.memory_space<vmem>>, vector<16xf32>,
      %add3A_1348 = arith.addf %add3A_1333, %get3A_1347 : vector<16xf32>
      %get3A_1349 = arith.constant 24 : i32
      %get3A_1350 = arith.index_cast %get3A_1349 : i32 to index
      %get3A_1351 = arith.constant 64 : index
      %get3A_1352 = tpu.vector_load %arg22[%get3A_1350, %get3A_1351] {strides = array<i32>} : memref<48x128xf32, #tpu.memory_space<vmem>>, vector<16xf32>,
      %add3A_1353 = arith.addf %add3A_1338, %get3A_1352 : vector<16xf32>
      %get3A_1354 = arith.constant 25 : i32
      %get3A_1355 = arith.index_cast %get3A_1354 : i32 to index
      %get3A_1356 = arith.constant 64 : index
      %get3A_1357 = tpu.vector_load %arg22[%get3A_1355, %get3A_1356] {strides = array<i32>} : memref<48x128xf32, #tpu.memory_space<vmem>>, vector<16xf32>,
      %add3A_1358 = arith.addf %add3A_1343, %get3A_1357 : vector<16xf32>
      %get3A_1359 = arith.constant 26 : i32
      %get3A_1360 = arith.index_cast %get3A_1359 : i32 to index
      %get3A_1361 = arith.constant 64 : index
      %get3A_1362 = tpu.vector_load %arg22[%get3A_1360, %get3A_1361] {strides = array<i32>} : memref<48x128xf32, #tpu.memory_space<vmem>>, vector<16xf32>,
      %add3A_1363 = arith.addf %add3A_1348, %get3A_1362 : vector<16xf32>
      %get3A_1364 = arith.constant 27 : i32
      %get3A_1365 = arith.index_cast %get3A_1364 : i32 to index
      %get3A_1366 = arith.constant 64 : index
      %get3A_1367 = tpu.vector_load %arg22[%get3A_1365, %get3A_1366] {strides = array<i32>} : memref<48x128xf32, #tpu.memory_space<vmem>>, vector<16xf32>,
      %add3A_1368 = arith.addf %add3A_1353, %get3A_1367 : vector<16xf32>
      %get3A_1369 = arith.constant 28 : i32
      %get3A_1370 = arith.index_cast %get3A_1369 : i32 to index
      %get3A_1371 = arith.constant 64 : index
      %get3A_1372 = tpu.vector_load %arg22[%get3A_1370, %get3A_1371] {strides = array<i32>} : memref<48x128xf32, #tpu.memory_space<vmem>>, vector<16xf32>,
      %add3A_1373 = arith.addf %add3A_1358, %get3A_1372 : vector<16xf32>
      %get3A_1374 = arith.constant 29 : i32
      %get3A_1375 = arith.index_cast %get3A_1374 : i32 to index
      %get3A_1376 = arith.constant 64 : index
      %get3A_1377 = tpu.vector_load %arg22[%get3A_1375, %get3A_1376] {strides = array<i32>} : memref<48x128xf32, #tpu.memory_space<vmem>>, vector<16xf32>,
      %add3A_1378 = arith.addf %add3A_1363, %get3A_1377 : vector<16xf32>
      %get3A_1379 = arith.constant 30 : i32
      %get3A_1380 = arith.index_cast %get3A_1379 : i32 to index
      %get3A_1381 = arith.constant 64 : index
      %get3A_1382 = tpu.vector_load %arg22[%get3A_1380, %get3A_1381] {strides = array<i32>} : memref<48x128xf32, #tpu.memory_space<vmem>>, vector<16xf32>,
      %add3A_1383 = arith.addf %add3A_1368, %get3A_1382 : vector<16xf32>
      %get3A_1384 = arith.constant 31 : i32
      %get3A_1385 = arith.index_cast %get3A_1384 : i32 to index
      %get3A_1386 = arith.constant 64 : index
      %get3A_1387 = tpu.vector_load %arg22[%get3A_1385, %get3A_1386] {strides = array<i32>} : memref<48x128xf32, #tpu.memory_space<vmem>>, vector<16xf32>,
      %add3A_1388 = arith.addf %add3A_1373, %get3A_1387 : vector<16xf32>
      %get3A_1389 = arith.constant 32 : i32
      %get3A_1390 = arith.index_cast %get3A_1389 : i32 to index
      %get3A_1391 = arith.constant 64 : index
      %get3A_1392 = tpu.vector_load %arg22[%get3A_1390, %get3A_1391] {strides = array<i32>} : memref<48x128xf32, #tpu.memory_space<vmem>>, vector<16xf32>,
      %add3A_1393 = arith.addf %add3A_1378, %get3A_1392 : vector<16xf32>
      %get3A_1394 = arith.constant 33 : i32
      %get3A_1395 = arith.index_cast %get3A_1394 : i32 to index
      %get3A_1396 = arith.constant 64 : index
      %get3A_1397 = tpu.vector_load %arg22[%get3A_1395, %get3A_1396] {strides = array<i32>} : memref<48x128xf32, #tpu.memory_space<vmem>>, vector<16xf32>,
      %add3A_1398 = arith.addf %add3A_1383, %get3A_1397 : vector<16xf32>
      %get3A_1399 = arith.constant 34 : i32
      %get3A_1400 = arith.index_cast %get3A_1399 : i32 to index
      %get3A_1401 = arith.constant 64 : index
      %get3A_1402 = tpu.vector_load %arg22[%get3A_1400, %get3A_1401] {strides = array<i32>} : memref<48x128xf32, #tpu.memory_space<vmem>>, vector<16xf32>,
      %add3A_1403 = arith.addf %add3A_1388, %get3A_1402 : vector<16xf32>
      %get3A_1404 = arith.constant 35 : i32
      %get3A_1405 = arith.index_cast %get3A_1404 : i32 to index
      %get3A_1406 = arith.constant 64 : index
      %get3A_1407 = tpu.vector_load %arg22[%get3A_1405, %get3A_1406] {strides = array<i32>} : memref<48x128xf32, #tpu.memory_space<vmem>>, vector<16xf32>,
      %add3A_1408 = arith.addf %add3A_1393, %get3A_1407 : vector<16xf32>
      %get3A_1409 = arith.constant 36 : i32
      %get3A_1410 = arith.index_cast %get3A_1409 : i32 to index
      %get3A_1411 = arith.constant 64 : index
      %get3A_1412 = tpu.vector_load %arg22[%get3A_1410, %get3A_1411] {strides = array<i32>} : memref<48x128xf32, #tpu.memory_space<vmem>>, vector<16xf32>,
      %add3A_1413 = arith.addf %add3A_1398, %get3A_1412 : vector<16xf32>
      %get3A_1414 = arith.constant 37 : i32
      %get3A_1415 = arith.index_cast %get3A_1414 : i32 to index
      %get3A_1416 = arith.constant 64 : index
      %get3A_1417 = tpu.vector_load %arg22[%get3A_1415, %get3A_1416] {strides = array<i32>} : memref<48x128xf32, #tpu.memory_space<vmem>>, vector<16xf32>,
      %add3A_1418 = arith.addf %add3A_1403, %get3A_1417 : vector<16xf32>
      %get3A_1419 = arith.constant 38 : i32
      %get3A_1420 = arith.index_cast %get3A_1419 : i32 to index
      %get3A_1421 = arith.constant 64 : index
      %get3A_1422 = tpu.vector_load %arg22[%get3A_1420, %get3A_1421] {strides = array<i32>} : memref<48x128xf32, #tpu.memory_space<vmem>>, vector<16xf32>,
      %add3A_1423 = arith.addf %add3A_1408, %get3A_1422 : vector<16xf32>
      %get3A_1424 = arith.constant 39 : i32
      %get3A_1425 = arith.index_cast %get3A_1424 : i32 to index
      %get3A_1426 = arith.constant 64 : index
      %get3A_1427 = tpu.vector_load %arg22[%get3A_1425, %get3A_1426] {strides = array<i32>} : memref<48x128xf32, #tpu.memory_space<vmem>>, vector<16xf32>,
      %add3A_1428 = arith.addf %add3A_1413, %get3A_1427 : vector<16xf32>
      %get3A_1429 = arith.constant 40 : i32
      %get3A_1430 = arith.index_cast %get3A_1429 : i32 to index
      %get3A_1431 = arith.constant 64 : index
      %get3A_1432 = tpu.vector_load %arg22[%get3A_1430, %get3A_1431] {strides = array<i32>} : memref<48x128xf32, #tpu.memory_space<vmem>>, vector<16xf32>,
      %add3A_1433 = arith.addf %add3A_1418, %get3A_1432 : vector<16xf32>
      %get3A_1434 = arith.constant 41 : i32
      %get3A_1435 = arith.index_cast %get3A_1434 : i32 to index
      %get3A_1436 = arith.constant 64 : index
      %get3A_1437 = tpu.vector_load %arg22[%get3A_1435, %get3A_1436] {strides = array<i32>} : memref<48x128xf32, #tpu.memory_space<vmem>>, vector<16xf32>,
      %add3A_1438 = arith.addf %add3A_1423, %get3A_1437 : vector<16xf32>
      %get3A_1439 = arith.constant 42 : i32
      %get3A_1440 = arith.index_cast %get3A_1439 : i32 to index
      %get3A_1441 = arith.constant 64 : index
      %get3A_1442 = tpu.vector_load %arg22[%get3A_1440, %get3A_1441] {strides = array<i32>} : memref<48x128xf32, #tpu.memory_space<vmem>>, vector<16xf32>,
      %add3A_1443 = arith.addf %add3A_1428, %get3A_1442 : vector<16xf32>
      %get3A_1444 = arith.constant 43 : i32
      %get3A_1445 = arith.index_cast %get3A_1444 : i32 to index
      %get3A_1446 = arith.constant 64 : index
      %get3A_1447 = tpu.vector_load %arg22[%get3A_1445, %get3A_1446] {strides = array<i32>} : memref<48x128xf32, #tpu.memory_space<vmem>>, vector<16xf32>,
      %add3A_1448 = arith.addf %add3A_1433, %get3A_1447 : vector<16xf32>
      %get3A_1449 = arith.constant 44 : i32
      %get3A_1450 = arith.index_cast %get3A_1449 : i32 to index
      %get3A_1451 = arith.constant 64 : index
      %get3A_1452 = tpu.vector_load %arg22[%get3A_1450, %get3A_1451] {strides = array<i32>} : memref<48x128xf32, #tpu.memory_space<vmem>>, vector<16xf32>,
      %add3A_1453 = arith.addf %add3A_1438, %get3A_1452 : vector<16xf32>
      %get3A_1454 = arith.constant 45 : i32
      %get3A_1455 = arith.index_cast %get3A_1454 : i32 to index
      %get3A_1456 = arith.constant 64 : index
      %get3A_1457 = tpu.vector_load %arg22[%get3A_1455, %get3A_1456] {strides = array<i32>} : memref<48x128xf32, #tpu.memory_space<vmem>>, vector<16xf32>,
      %add3A_1458 = arith.addf %add3A_1443, %get3A_1457 : vector<16xf32>
      %get3A_1459 = arith.constant 46 : i32
      %get3A_1460 = arith.index_cast %get3A_1459 : i32 to index
      %get3A_1461 = arith.constant 64 : index
      %get3A_1462 = tpu.vector_load %arg22[%get3A_1460, %get3A_1461] {strides = array<i32>} : memref<48x128xf32, #tpu.memory_space<vmem>>, vector<16xf32>,
      %add3A_1463 = arith.addf %add3A_1448, %get3A_1462 : vector<16xf32>
      %get3A_1464 = arith.constant 47 : i32
      %get3A_1465 = arith.index_cast %get3A_1464 : i32 to index
      %get3A_1466 = arith.constant 64 : index
      %get3A_1467 = tpu.vector_load %arg22[%get3A_1465, %get3A_1466] {strides = array<i32>} : memref<48x128xf32, #tpu.memory_space<vmem>>, vector<16xf32>,
      %add3A_1468 = arith.addf %add3A_1453, %get3A_1467 : vector<16xf32>
      %div3A_1469 = arith.divf %add3A_1463, %add3A_1458 : vector<16xf32>
      %swap3A_1470 = arith.constant 64 : index
      %swap3A_1471 = tpu.vector_load %arg25[%swap3A_1470] {strides = array<i32>} : memref<128xf32, #tpu.memory_space<vmem>>, vector<16xf32>,
      tpu.vector_store %arg25[%swap3A_1470], %div3A_1469 {strides = array<i32>} : memref<128xf32, #tpu.memory_space<vmem>>, vector<16xf32>,
      %div3A_1472 = arith.divf %add3A_1468, %add3A_1458 : vector<16xf32>
      %swap3A_1473 = arith.constant 64 : index
      %swap3A_1474 = tpu.vector_load %arg26[%swap3A_1473] {strides = array<i32>} : memref<128xf32, #tpu.memory_space<vmem>>, vector<16xf32>,
      tpu.vector_store %arg26[%swap3A_1473], %div3A_1472 {strides = array<i32>} : memref<128xf32, #tpu.memory_space<vmem>>, vector<16xf32>,
      %get3A_1475 = arith.constant 64 : index
      %get3A_1476 = tpu.vector_load %arg23[%get3A_1475] {strides = array<i32>} : memref<128xf32, #tpu.memory_space<vmem>>, vector<16xf32>,
      %gt3A_1477 = arith.constant 1.000000e-03 : f32
      %gt3A_1478 = vector.broadcast %gt3A_1477 : f32 to vector<16xf32>
      %gt3A_1479 = arith.cmpf ogt, %get3A_1476, %gt3A_1478 : vector<16xf32>
      %jit3A_1480 = arith.constant 0.000000e+00 : f32
      %broadcast_in_dim3A_1481 = vector.broadcast %jit3A_1480 : f32 to vector<16xf32>
      %select_n3A_1482 = arith.select %gt3A_1479, %get3A_1476, %broadcast_in_dim3A_1481 : vector<16xi1>, vector<16xf32>
      %add3A_1483 = arith.constant 64 : i32
      %add3A_1484 = vector.broadcast %add3A_1483 : i32 to vector<16xi32>
      %add3A_1485 = arith.addi %add3A_1484, %iota3A : vector<16xi32>
      %lt3A_1486 = arith.constant 100 : i32
      %lt3A_1487 = vector.broadcast %lt3A_1486 : i32 to vector<16xi32>
      %lt3A_1488 = arith.cmpi slt, %add3A_1485, %lt3A_1487 : vector<16xi32>
      %jit3A_1489 = arith.constant -3.000000e+38 : f32
      %broadcast_in_dim3A_1490 = vector.broadcast %jit3A_1489 : f32 to vector<16xf32>
      %select_n3A_1491 = arith.select %lt3A_1488, %select_n3A_1482, %broadcast_in_dim3A_1490 : vector<16xi1>, vector<16xf32>
      %swap3A_1492 = arith.constant 64 : index
      %swap3A_1493 = tpu.vector_load %arg27[%swap3A_1492] {strides = array<i32>} : memref<128xf32, #tpu.memory_space<vmem>>, vector<16xf32>,
      tpu.vector_store %arg27[%swap3A_1492], %select_n3A_1491 {strides = array<i32>} : memref<128xf32, #tpu.memory_space<vmem>>, vector<16xf32>,
      %swap3A_1494 = arith.constant 64 : index
      %swap3A_1495 = tpu.vector_load %arg28[%swap3A_1494] {strides = array<i32>} : memref<128xf32, #tpu.memory_space<vmem>>, vector<16xf32>,
      tpu.vector_store %arg28[%swap3A_1494], %broadcast_in_dim3A_137 {strides = array<i32>} : memref<128xf32, #tpu.memory_space<vmem>>, vector<16xf32>,
      %swap3A_1496 = arith.constant 64 : index
      %swap3A_1497 = tpu.vector_load %arg29[%swap3A_1496] {strides = array<i32>} : memref<128xf32, #tpu.memory_space<vmem>>, vector<16xf32>,
      tpu.vector_store %arg29[%swap3A_1496], %broadcast_in_dim3A_137 {strides = array<i32>} : memref<128xf32, #tpu.memory_space<vmem>>, vector<16xf32>,
      %swap3A_1498 = arith.constant 64 : index
      %swap3A_1499 = tpu.vector_load %arg30[%swap3A_1498] {strides = array<i32>} : memref<128xf32, #tpu.memory_space<vmem>>, vector<16xf32>,
      tpu.vector_store %arg30[%swap3A_1498], %broadcast_in_dim3A_137 {strides = array<i32>} : memref<128xf32, #tpu.memory_space<vmem>>, vector<16xf32>,
      %swap3A_1500 = arith.constant 64 : index
      %swap3A_1501 = tpu.vector_load %arg31[%swap3A_1500] {strides = array<i32>} : memref<128xi32, #tpu.memory_space<vmem>>, vector<16xi32>,
      tpu.vector_store %arg31[%swap3A_1500], %broadcast_in_dim3A_139 {strides = array<i32>} : memref<128xi32, #tpu.memory_space<vmem>>, vector<16xi32>,
      %get3A_1502 = arith.constant 0 : i32
      %get3A_1503 = arith.index_cast %get3A_1502 : i32 to index
      %get3A_1504 = arith.constant 80 : index
      %get3A_1505 = tpu.vector_load %arg22[%get3A_1503, %get3A_1504] {strides = array<i32>} : memref<48x128xf32, #tpu.memory_space<vmem>>, vector<16xf32>,
      %add3A_1506 = arith.addf %broadcast_in_dim3A_137, %get3A_1505 : vector<16xf32>
      %get3A_1507 = arith.constant 1 : i32
      %get3A_1508 = arith.index_cast %get3A_1507 : i32 to index
      %get3A_1509 = arith.constant 80 : index
      %get3A_1510 = tpu.vector_load %arg22[%get3A_1508, %get3A_1509] {strides = array<i32>} : memref<48x128xf32, #tpu.memory_space<vmem>>, vector<16xf32>,
      %add3A_1511 = arith.addf %broadcast_in_dim3A_137, %get3A_1510 : vector<16xf32>
      %get3A_1512 = arith.constant 2 : i32
      %get3A_1513 = arith.index_cast %get3A_1512 : i32 to index
      %get3A_1514 = arith.constant 80 : index
      %get3A_1515 = tpu.vector_load %arg22[%get3A_1513, %get3A_1514] {strides = array<i32>} : memref<48x128xf32, #tpu.memory_space<vmem>>, vector<16xf32>,
      %add3A_1516 = arith.addf %broadcast_in_dim3A_137, %get3A_1515 : vector<16xf32>
      %get3A_1517 = arith.constant 3 : i32
      %get3A_1518 = arith.index_cast %get3A_1517 : i32 to index
      %get3A_1519 = arith.constant 80 : index
      %get3A_1520 = tpu.vector_load %arg22[%get3A_1518, %get3A_1519] {strides = array<i32>} : memref<48x128xf32, #tpu.memory_space<vmem>>, vector<16xf32>,
      %add3A_1521 = arith.addf %add3A_1506, %get3A_1520 : vector<16xf32>
      %get3A_1522 = arith.constant 4 : i32
      %get3A_1523 = arith.index_cast %get3A_1522 : i32 to index
      %get3A_1524 = arith.constant 80 : index
      %get3A_1525 = tpu.vector_load %arg22[%get3A_1523, %get3A_1524] {strides = array<i32>} : memref<48x128xf32, #tpu.memory_space<vmem>>, vector<16xf32>,
      %add3A_1526 = arith.addf %add3A_1511, %get3A_1525 : vector<16xf32>
      %get3A_1527 = arith.constant 5 : i32
      %get3A_1528 = arith.index_cast %get3A_1527 : i32 to index
      %get3A_1529 = arith.constant 80 : index
      %get3A_1530 = tpu.vector_load %arg22[%get3A_1528, %get3A_1529] {strides = array<i32>} : memref<48x128xf32, #tpu.memory_space<vmem>>, vector<16xf32>,
      %add3A_1531 = arith.addf %add3A_1516, %get3A_1530 : vector<16xf32>
      %get3A_1532 = arith.constant 6 : i32
      %get3A_1533 = arith.index_cast %get3A_1532 : i32 to index
      %get3A_1534 = arith.constant 80 : index
      %get3A_1535 = tpu.vector_load %arg22[%get3A_1533, %get3A_1534] {strides = array<i32>} : memref<48x128xf32, #tpu.memory_space<vmem>>, vector<16xf32>,
      %add3A_1536 = arith.addf %add3A_1521, %get3A_1535 : vector<16xf32>
      %get3A_1537 = arith.constant 7 : i32
      %get3A_1538 = arith.index_cast %get3A_1537 : i32 to index
      %get3A_1539 = arith.constant 80 : index
      %get3A_1540 = tpu.vector_load %arg22[%get3A_1538, %get3A_1539] {strides = array<i32>} : memref<48x128xf32, #tpu.memory_space<vmem>>, vector<16xf32>,
      %add3A_1541 = arith.addf %add3A_1526, %get3A_1540 : vector<16xf32>
      %get3A_1542 = arith.constant 8 : i32
      %get3A_1543 = arith.index_cast %get3A_1542 : i32 to index
      %get3A_1544 = arith.constant 80 : index
      %get3A_1545 = tpu.vector_load %arg22[%get3A_1543, %get3A_1544] {strides = array<i32>} : memref<48x128xf32, #tpu.memory_space<vmem>>, vector<16xf32>,
      %add3A_1546 = arith.addf %add3A_1531, %get3A_1545 : vector<16xf32>
      %get3A_1547 = arith.constant 9 : i32
      %get3A_1548 = arith.index_cast %get3A_1547 : i32 to index
      %get3A_1549 = arith.constant 80 : index
      %get3A_1550 = tpu.vector_load %arg22[%get3A_1548, %get3A_1549] {strides = array<i32>} : memref<48x128xf32, #tpu.memory_space<vmem>>, vector<16xf32>,
      %add3A_1551 = arith.addf %add3A_1536, %get3A_1550 : vector<16xf32>
      %get3A_1552 = arith.constant 10 : i32
      %get3A_1553 = arith.index_cast %get3A_1552 : i32 to index
      %get3A_1554 = arith.constant 80 : index
      %get3A_1555 = tpu.vector_load %arg22[%get3A_1553, %get3A_1554] {strides = array<i32>} : memref<48x128xf32, #tpu.memory_space<vmem>>, vector<16xf32>,
      %add3A_1556 = arith.addf %add3A_1541, %get3A_1555 : vector<16xf32>
      %get3A_1557 = arith.constant 11 : i32
      %get3A_1558 = arith.index_cast %get3A_1557 : i32 to index
      %get3A_1559 = arith.constant 80 : index
      %get3A_1560 = tpu.vector_load %arg22[%get3A_1558, %get3A_1559] {strides = array<i32>} : memref<48x128xf32, #tpu.memory_space<vmem>>, vector<16xf32>,
      %add3A_1561 = arith.addf %add3A_1546, %get3A_1560 : vector<16xf32>
      %get3A_1562 = arith.constant 12 : i32
      %get3A_1563 = arith.index_cast %get3A_1562 : i32 to index
      %get3A_1564 = arith.constant 80 : index
      %get3A_1565 = tpu.vector_load %arg22[%get3A_1563, %get3A_1564] {strides = array<i32>} : memref<48x128xf32, #tpu.memory_space<vmem>>, vector<16xf32>,
      %add3A_1566 = arith.addf %add3A_1551, %get3A_1565 : vector<16xf32>
      %get3A_1567 = arith.constant 13 : i32
      %get3A_1568 = arith.index_cast %get3A_1567 : i32 to index
      %get3A_1569 = arith.constant 80 : index
      %get3A_1570 = tpu.vector_load %arg22[%get3A_1568, %get3A_1569] {strides = array<i32>} : memref<48x128xf32, #tpu.memory_space<vmem>>, vector<16xf32>,
      %add3A_1571 = arith.addf %add3A_1556, %get3A_1570 : vector<16xf32>
      %get3A_1572 = arith.constant 14 : i32
      %get3A_1573 = arith.index_cast %get3A_1572 : i32 to index
      %get3A_1574 = arith.constant 80 : index
      %get3A_1575 = tpu.vector_load %arg22[%get3A_1573, %get3A_1574] {strides = array<i32>} : memref<48x128xf32, #tpu.memory_space<vmem>>, vector<16xf32>,
      %add3A_1576 = arith.addf %add3A_1561, %get3A_1575 : vector<16xf32>
      %get3A_1577 = arith.constant 15 : i32
      %get3A_1578 = arith.index_cast %get3A_1577 : i32 to index
      %get3A_1579 = arith.constant 80 : index
      %get3A_1580 = tpu.vector_load %arg22[%get3A_1578, %get3A_1579] {strides = array<i32>} : memref<48x128xf32, #tpu.memory_space<vmem>>, vector<16xf32>,
      %add3A_1581 = arith.addf %add3A_1566, %get3A_1580 : vector<16xf32>
      %get3A_1582 = arith.constant 16 : i32
      %get3A_1583 = arith.index_cast %get3A_1582 : i32 to index
      %get3A_1584 = arith.constant 80 : index
      %get3A_1585 = tpu.vector_load %arg22[%get3A_1583, %get3A_1584] {strides = array<i32>} : memref<48x128xf32, #tpu.memory_space<vmem>>, vector<16xf32>,
      %add3A_1586 = arith.addf %add3A_1571, %get3A_1585 : vector<16xf32>
      %get3A_1587 = arith.constant 17 : i32
      %get3A_1588 = arith.index_cast %get3A_1587 : i32 to index
      %get3A_1589 = arith.constant 80 : index
      %get3A_1590 = tpu.vector_load %arg22[%get3A_1588, %get3A_1589] {strides = array<i32>} : memref<48x128xf32, #tpu.memory_space<vmem>>, vector<16xf32>,
      %add3A_1591 = arith.addf %add3A_1576, %get3A_1590 : vector<16xf32>
      %get3A_1592 = arith.constant 18 : i32
      %get3A_1593 = arith.index_cast %get3A_1592 : i32 to index
      %get3A_1594 = arith.constant 80 : index
      %get3A_1595 = tpu.vector_load %arg22[%get3A_1593, %get3A_1594] {strides = array<i32>} : memref<48x128xf32, #tpu.memory_space<vmem>>, vector<16xf32>,
      %add3A_1596 = arith.addf %add3A_1581, %get3A_1595 : vector<16xf32>
      %get3A_1597 = arith.constant 19 : i32
      %get3A_1598 = arith.index_cast %get3A_1597 : i32 to index
      %get3A_1599 = arith.constant 80 : index
      %get3A_1600 = tpu.vector_load %arg22[%get3A_1598, %get3A_1599] {strides = array<i32>} : memref<48x128xf32, #tpu.memory_space<vmem>>, vector<16xf32>,
      %add3A_1601 = arith.addf %add3A_1586, %get3A_1600 : vector<16xf32>
      %get3A_1602 = arith.constant 20 : i32
      %get3A_1603 = arith.index_cast %get3A_1602 : i32 to index
      %get3A_1604 = arith.constant 80 : index
      %get3A_1605 = tpu.vector_load %arg22[%get3A_1603, %get3A_1604] {strides = array<i32>} : memref<48x128xf32, #tpu.memory_space<vmem>>, vector<16xf32>,
      %add3A_1606 = arith.addf %add3A_1591, %get3A_1605 : vector<16xf32>
      %get3A_1607 = arith.constant 21 : i32
      %get3A_1608 = arith.index_cast %get3A_1607 : i32 to index
      %get3A_1609 = arith.constant 80 : index
      %get3A_1610 = tpu.vector_load %arg22[%get3A_1608, %get3A_1609] {strides = array<i32>} : memref<48x128xf32, #tpu.memory_space<vmem>>, vector<16xf32>,
      %add3A_1611 = arith.addf %add3A_1596, %get3A_1610 : vector<16xf32>
      %get3A_1612 = arith.constant 22 : i32
      %get3A_1613 = arith.index_cast %get3A_1612 : i32 to index
      %get3A_1614 = arith.constant 80 : index
      %get3A_1615 = tpu.vector_load %arg22[%get3A_1613, %get3A_1614] {strides = array<i32>} : memref<48x128xf32, #tpu.memory_space<vmem>>, vector<16xf32>,
      %add3A_1616 = arith.addf %add3A_1601, %get3A_1615 : vector<16xf32>
      %get3A_1617 = arith.constant 23 : i32
      %get3A_1618 = arith.index_cast %get3A_1617 : i32 to index
      %get3A_1619 = arith.constant 80 : index
      %get3A_1620 = tpu.vector_load %arg22[%get3A_1618, %get3A_1619] {strides = array<i32>} : memref<48x128xf32, #tpu.memory_space<vmem>>, vector<16xf32>,
      %add3A_1621 = arith.addf %add3A_1606, %get3A_1620 : vector<16xf32>
      %get3A_1622 = arith.constant 24 : i32
      %get3A_1623 = arith.index_cast %get3A_1622 : i32 to index
      %get3A_1624 = arith.constant 80 : index
      %get3A_1625 = tpu.vector_load %arg22[%get3A_1623, %get3A_1624] {strides = array<i32>} : memref<48x128xf32, #tpu.memory_space<vmem>>, vector<16xf32>,
      %add3A_1626 = arith.addf %add3A_1611, %get3A_1625 : vector<16xf32>
      %get3A_1627 = arith.constant 25 : i32
      %get3A_1628 = arith.index_cast %get3A_1627 : i32 to index
      %get3A_1629 = arith.constant 80 : index
      %get3A_1630 = tpu.vector_load %arg22[%get3A_1628, %get3A_1629] {strides = array<i32>} : memref<48x128xf32, #tpu.memory_space<vmem>>, vector<16xf32>,
      %add3A_1631 = arith.addf %add3A_1616, %get3A_1630 : vector<16xf32>
      %get3A_1632 = arith.constant 26 : i32
      %get3A_1633 = arith.index_cast %get3A_1632 : i32 to index
      %get3A_1634 = arith.constant 80 : index
      %get3A_1635 = tpu.vector_load %arg22[%get3A_1633, %get3A_1634] {strides = array<i32>} : memref<48x128xf32, #tpu.memory_space<vmem>>, vector<16xf32>,
      %add3A_1636 = arith.addf %add3A_1621, %get3A_1635 : vector<16xf32>
      %get3A_1637 = arith.constant 27 : i32
      %get3A_1638 = arith.index_cast %get3A_1637 : i32 to index
      %get3A_1639 = arith.constant 80 : index
      %get3A_1640 = tpu.vector_load %arg22[%get3A_1638, %get3A_1639] {strides = array<i32>} : memref<48x128xf32, #tpu.memory_space<vmem>>, vector<16xf32>,
      %add3A_1641 = arith.addf %add3A_1626, %get3A_1640 : vector<16xf32>
      %get3A_1642 = arith.constant 28 : i32
      %get3A_1643 = arith.index_cast %get3A_1642 : i32 to index
      %get3A_1644 = arith.constant 80 : index
      %get3A_1645 = tpu.vector_load %arg22[%get3A_1643, %get3A_1644] {strides = array<i32>} : memref<48x128xf32, #tpu.memory_space<vmem>>, vector<16xf32>,
      %add3A_1646 = arith.addf %add3A_1631, %get3A_1645 : vector<16xf32>
      %get3A_1647 = arith.constant 29 : i32
      %get3A_1648 = arith.index_cast %get3A_1647 : i32 to index
      %get3A_1649 = arith.constant 80 : index
      %get3A_1650 = tpu.vector_load %arg22[%get3A_1648, %get3A_1649] {strides = array<i32>} : memref<48x128xf32, #tpu.memory_space<vmem>>, vector<16xf32>,
      %add3A_1651 = arith.addf %add3A_1636, %get3A_1650 : vector<16xf32>
      %get3A_1652 = arith.constant 30 : i32
      %get3A_1653 = arith.index_cast %get3A_1652 : i32 to index
      %get3A_1654 = arith.constant 80 : index
      %get3A_1655 = tpu.vector_load %arg22[%get3A_1653, %get3A_1654] {strides = array<i32>} : memref<48x128xf32, #tpu.memory_space<vmem>>, vector<16xf32>,
      %add3A_1656 = arith.addf %add3A_1641, %get3A_1655 : vector<16xf32>
      %get3A_1657 = arith.constant 31 : i32
      %get3A_1658 = arith.index_cast %get3A_1657 : i32 to index
      %get3A_1659 = arith.constant 80 : index
      %get3A_1660 = tpu.vector_load %arg22[%get3A_1658, %get3A_1659] {strides = array<i32>} : memref<48x128xf32, #tpu.memory_space<vmem>>, vector<16xf32>,
      %add3A_1661 = arith.addf %add3A_1646, %get3A_1660 : vector<16xf32>
      %get3A_1662 = arith.constant 32 : i32
      %get3A_1663 = arith.index_cast %get3A_1662 : i32 to index
      %get3A_1664 = arith.constant 80 : index
      %get3A_1665 = tpu.vector_load %arg22[%get3A_1663, %get3A_1664] {strides = array<i32>} : memref<48x128xf32, #tpu.memory_space<vmem>>, vector<16xf32>,
      %add3A_1666 = arith.addf %add3A_1651, %get3A_1665 : vector<16xf32>
      %get3A_1667 = arith.constant 33 : i32
      %get3A_1668 = arith.index_cast %get3A_1667 : i32 to index
      %get3A_1669 = arith.constant 80 : index
      %get3A_1670 = tpu.vector_load %arg22[%get3A_1668, %get3A_1669] {strides = array<i32>} : memref<48x128xf32, #tpu.memory_space<vmem>>, vector<16xf32>,
      %add3A_1671 = arith.addf %add3A_1656, %get3A_1670 : vector<16xf32>
      %get3A_1672 = arith.constant 34 : i32
      %get3A_1673 = arith.index_cast %get3A_1672 : i32 to index
      %get3A_1674 = arith.constant 80 : index
      %get3A_1675 = tpu.vector_load %arg22[%get3A_1673, %get3A_1674] {strides = array<i32>} : memref<48x128xf32, #tpu.memory_space<vmem>>, vector<16xf32>,
      %add3A_1676 = arith.addf %add3A_1661, %get3A_1675 : vector<16xf32>
      %get3A_1677 = arith.constant 35 : i32
      %get3A_1678 = arith.index_cast %get3A_1677 : i32 to index
      %get3A_1679 = arith.constant 80 : index
      %get3A_1680 = tpu.vector_load %arg22[%get3A_1678, %get3A_1679] {strides = array<i32>} : memref<48x128xf32, #tpu.memory_space<vmem>>, vector<16xf32>,
      %add3A_1681 = arith.addf %add3A_1666, %get3A_1680 : vector<16xf32>
      %get3A_1682 = arith.constant 36 : i32
      %get3A_1683 = arith.index_cast %get3A_1682 : i32 to index
      %get3A_1684 = arith.constant 80 : index
      %get3A_1685 = tpu.vector_load %arg22[%get3A_1683, %get3A_1684] {strides = array<i32>} : memref<48x128xf32, #tpu.memory_space<vmem>>, vector<16xf32>,
      %add3A_1686 = arith.addf %add3A_1671, %get3A_1685 : vector<16xf32>
      %get3A_1687 = arith.constant 37 : i32
      %get3A_1688 = arith.index_cast %get3A_1687 : i32 to index
      %get3A_1689 = arith.constant 80 : index
      %get3A_1690 = tpu.vector_load %arg22[%get3A_1688, %get3A_1689] {strides = array<i32>} : memref<48x128xf32, #tpu.memory_space<vmem>>, vector<16xf32>,
      %add3A_1691 = arith.addf %add3A_1676, %get3A_1690 : vector<16xf32>
      %get3A_1692 = arith.constant 38 : i32
      %get3A_1693 = arith.index_cast %get3A_1692 : i32 to index
      %get3A_1694 = arith.constant 80 : index
      %get3A_1695 = tpu.vector_load %arg22[%get3A_1693, %get3A_1694] {strides = array<i32>} : memref<48x128xf32, #tpu.memory_space<vmem>>, vector<16xf32>,
      %add3A_1696 = arith.addf %add3A_1681, %get3A_1695 : vector<16xf32>
      %get3A_1697 = arith.constant 39 : i32
      %get3A_1698 = arith.index_cast %get3A_1697 : i32 to index
      %get3A_1699 = arith.constant 80 : index
      %get3A_1700 = tpu.vector_load %arg22[%get3A_1698, %get3A_1699] {strides = array<i32>} : memref<48x128xf32, #tpu.memory_space<vmem>>, vector<16xf32>,
      %add3A_1701 = arith.addf %add3A_1686, %get3A_1700 : vector<16xf32>
      %get3A_1702 = arith.constant 40 : i32
      %get3A_1703 = arith.index_cast %get3A_1702 : i32 to index
      %get3A_1704 = arith.constant 80 : index
      %get3A_1705 = tpu.vector_load %arg22[%get3A_1703, %get3A_1704] {strides = array<i32>} : memref<48x128xf32, #tpu.memory_space<vmem>>, vector<16xf32>,
      %add3A_1706 = arith.addf %add3A_1691, %get3A_1705 : vector<16xf32>
      %get3A_1707 = arith.constant 41 : i32
      %get3A_1708 = arith.index_cast %get3A_1707 : i32 to index
      %get3A_1709 = arith.constant 80 : index
      %get3A_1710 = tpu.vector_load %arg22[%get3A_1708, %get3A_1709] {strides = array<i32>} : memref<48x128xf32, #tpu.memory_space<vmem>>, vector<16xf32>,
      %add3A_1711 = arith.addf %add3A_1696, %get3A_1710 : vector<16xf32>
      %get3A_1712 = arith.constant 42 : i32
      %get3A_1713 = arith.index_cast %get3A_1712 : i32 to index
      %get3A_1714 = arith.constant 80 : index
      %get3A_1715 = tpu.vector_load %arg22[%get3A_1713, %get3A_1714] {strides = array<i32>} : memref<48x128xf32, #tpu.memory_space<vmem>>, vector<16xf32>,
      %add3A_1716 = arith.addf %add3A_1701, %get3A_1715 : vector<16xf32>
      %get3A_1717 = arith.constant 43 : i32
      %get3A_1718 = arith.index_cast %get3A_1717 : i32 to index
      %get3A_1719 = arith.constant 80 : index
      %get3A_1720 = tpu.vector_load %arg22[%get3A_1718, %get3A_1719] {strides = array<i32>} : memref<48x128xf32, #tpu.memory_space<vmem>>, vector<16xf32>,
      %add3A_1721 = arith.addf %add3A_1706, %get3A_1720 : vector<16xf32>
      %get3A_1722 = arith.constant 44 : i32
      %get3A_1723 = arith.index_cast %get3A_1722 : i32 to index
      %get3A_1724 = arith.constant 80 : index
      %get3A_1725 = tpu.vector_load %arg22[%get3A_1723, %get3A_1724] {strides = array<i32>} : memref<48x128xf32, #tpu.memory_space<vmem>>, vector<16xf32>,
      %add3A_1726 = arith.addf %add3A_1711, %get3A_1725 : vector<16xf32>
      %get3A_1727 = arith.constant 45 : i32
      %get3A_1728 = arith.index_cast %get3A_1727 : i32 to index
      %get3A_1729 = arith.constant 80 : index
      %get3A_1730 = tpu.vector_load %arg22[%get3A_1728, %get3A_1729] {strides = array<i32>} : memref<48x128xf32, #tpu.memory_space<vmem>>, vector<16xf32>,
      %add3A_1731 = arith.addf %add3A_1716, %get3A_1730 : vector<16xf32>
      %get3A_1732 = arith.constant 46 : i32
      %get3A_1733 = arith.index_cast %get3A_1732 : i32 to index
      %get3A_1734 = arith.constant 80 : index
      %get3A_1735 = tpu.vector_load %arg22[%get3A_1733, %get3A_1734] {strides = array<i32>} : memref<48x128xf32, #tpu.memory_space<vmem>>, vector<16xf32>,
      %add3A_1736 = arith.addf %add3A_1721, %get3A_1735 : vector<16xf32>
      %get3A_1737 = arith.constant 47 : i32
      %get3A_1738 = arith.index_cast %get3A_1737 : i32 to index
      %get3A_1739 = arith.constant 80 : index
      %get3A_1740 = tpu.vector_load %arg22[%get3A_1738, %get3A_1739] {strides = array<i32>} : memref<48x128xf32, #tpu.memory_space<vmem>>, vector<16xf32>,
      %add3A_1741 = arith.addf %add3A_1726, %get3A_1740 : vector<16xf32>
      %div3A_1742 = arith.divf %add3A_1736, %add3A_1731 : vector<16xf32>
      %swap3A_1743 = arith.constant 80 : index
      %swap3A_1744 = tpu.vector_load %arg25[%swap3A_1743] {strides = array<i32>} : memref<128xf32, #tpu.memory_space<vmem>>, vector<16xf32>,
      tpu.vector_store %arg25[%swap3A_1743], %div3A_1742 {strides = array<i32>} : memref<128xf32, #tpu.memory_space<vmem>>, vector<16xf32>,
      %div3A_1745 = arith.divf %add3A_1741, %add3A_1731 : vector<16xf32>
      %swap3A_1746 = arith.constant 80 : index
      %swap3A_1747 = tpu.vector_load %arg26[%swap3A_1746] {strides = array<i32>} : memref<128xf32, #tpu.memory_space<vmem>>, vector<16xf32>,
      tpu.vector_store %arg26[%swap3A_1746], %div3A_1745 {strides = array<i32>} : memref<128xf32, #tpu.memory_space<vmem>>, vector<16xf32>,
      %get3A_1748 = arith.constant 80 : index
      %get3A_1749 = tpu.vector_load %arg23[%get3A_1748] {strides = array<i32>} : memref<128xf32, #tpu.memory_space<vmem>>, vector<16xf32>,
      %gt3A_1750 = arith.constant 1.000000e-03 : f32
      %gt3A_1751 = vector.broadcast %gt3A_1750 : f32 to vector<16xf32>
      %gt3A_1752 = arith.cmpf ogt, %get3A_1749, %gt3A_1751 : vector<16xf32>
      %jit3A_1753 = arith.constant 0.000000e+00 : f32
      %broadcast_in_dim3A_1754 = vector.broadcast %jit3A_1753 : f32 to vector<16xf32>
      %select_n3A_1755 = arith.select %gt3A_1752, %get3A_1749, %broadcast_in_dim3A_1754 : vector<16xi1>, vector<16xf32>
      %add3A_1756 = arith.constant 80 : i32
      %add3A_1757 = vector.broadcast %add3A_1756 : i32 to vector<16xi32>
      %add3A_1758 = arith.addi %add3A_1757, %iota3A : vector<16xi32>
      %lt3A_1759 = arith.constant 100 : i32
      %lt3A_1760 = vector.broadcast %lt3A_1759 : i32 to vector<16xi32>
      %lt3A_1761 = arith.cmpi slt, %add3A_1758, %lt3A_1760 : vector<16xi32>
      %jit3A_1762 = arith.constant -3.000000e+38 : f32
      %broadcast_in_dim3A_1763 = vector.broadcast %jit3A_1762 : f32 to vector<16xf32>
      %select_n3A_1764 = arith.select %lt3A_1761, %select_n3A_1755, %broadcast_in_dim3A_1763 : vector<16xi1>, vector<16xf32>
      %swap3A_1765 = arith.constant 80 : index
      %swap3A_1766 = tpu.vector_load %arg27[%swap3A_1765] {strides = array<i32>} : memref<128xf32, #tpu.memory_space<vmem>>, vector<16xf32>,
      tpu.vector_store %arg27[%swap3A_1765], %select_n3A_1764 {strides = array<i32>} : memref<128xf32, #tpu.memory_space<vmem>>, vector<16xf32>,
      %swap3A_1767 = arith.constant 80 : index
      %swap3A_1768 = tpu.vector_load %arg28[%swap3A_1767] {strides = array<i32>} : memref<128xf32, #tpu.memory_space<vmem>>, vector<16xf32>,
      tpu.vector_store %arg28[%swap3A_1767], %broadcast_in_dim3A_137 {strides = array<i32>} : memref<128xf32, #tpu.memory_space<vmem>>, vector<16xf32>,
      %swap3A_1769 = arith.constant 80 : index
      %swap3A_1770 = tpu.vector_load %arg29[%swap3A_1769] {strides = array<i32>} : memref<128xf32, #tpu.memory_space<vmem>>, vector<16xf32>,
      tpu.vector_store %arg29[%swap3A_1769], %broadcast_in_dim3A_137 {strides = array<i32>} : memref<128xf32, #tpu.memory_space<vmem>>, vector<16xf32>,
      %swap3A_1771 = arith.constant 80 : index
      %swap3A_1772 = tpu.vector_load %arg30[%swap3A_1771] {strides = array<i32>} : memref<128xf32, #tpu.memory_space<vmem>>, vector<16xf32>,
      tpu.vector_store %arg30[%swap3A_1771], %broadcast_in_dim3A_137 {strides = array<i32>} : memref<128xf32, #tpu.memory_space<vmem>>, vector<16xf32>,
      %swap3A_1773 = arith.constant 80 : index
      %swap3A_1774 = tpu.vector_load %arg31[%swap3A_1773] {strides = array<i32>} : memref<128xi32, #tpu.memory_space<vmem>>, vector<16xi32>,
      tpu.vector_store %arg31[%swap3A_1773], %broadcast_in_dim3A_139 {strides = array<i32>} : memref<128xi32, #tpu.memory_space<vmem>>, vector<16xi32>,
      %get3A_1775 = arith.constant 0 : i32
      %get3A_1776 = arith.index_cast %get3A_1775 : i32 to index
      %get3A_1777 = arith.constant 96 : index
      %get3A_1778 = tpu.vector_load %arg22[%get3A_1776, %get3A_1777] {strides = array<i32>} : memref<48x128xf32, #tpu.memory_space<vmem>>, vector<16xf32>,
      %add3A_1779 = arith.addf %broadcast_in_dim3A_137, %get3A_1778 : vector<16xf32>
      %get3A_1780 = arith.constant 1 : i32
      %get3A_1781 = arith.index_cast %get3A_1780 : i32 to index
      %get3A_1782 = arith.constant 96 : index
      %get3A_1783 = tpu.vector_load %arg22[%get3A_1781, %get3A_1782] {strides = array<i32>} : memref<48x128xf32, #tpu.memory_space<vmem>>, vector<16xf32>,
      %add3A_1784 = arith.addf %broadcast_in_dim3A_137, %get3A_1783 : vector<16xf32>
      %get3A_1785 = arith.constant 2 : i32
      %get3A_1786 = arith.index_cast %get3A_1785 : i32 to index
      %get3A_1787 = arith.constant 96 : index
      %get3A_1788 = tpu.vector_load %arg22[%get3A_1786, %get3A_1787] {strides = array<i32>} : memref<48x128xf32, #tpu.memory_space<vmem>>, vector<16xf32>,
      %add3A_1789 = arith.addf %broadcast_in_dim3A_137, %get3A_1788 : vector<16xf32>
      %get3A_1790 = arith.constant 3 : i32
      %get3A_1791 = arith.index_cast %get3A_1790 : i32 to index
      %get3A_1792 = arith.constant 96 : index
      %get3A_1793 = tpu.vector_load %arg22[%get3A_1791, %get3A_1792] {strides = array<i32>} : memref<48x128xf32, #tpu.memory_space<vmem>>, vector<16xf32>,
      %add3A_1794 = arith.addf %add3A_1779, %get3A_1793 : vector<16xf32>
      %get3A_1795 = arith.constant 4 : i32
      %get3A_1796 = arith.index_cast %get3A_1795 : i32 to index
      %get3A_1797 = arith.constant 96 : index
      %get3A_1798 = tpu.vector_load %arg22[%get3A_1796, %get3A_1797] {strides = array<i32>} : memref<48x128xf32, #tpu.memory_space<vmem>>, vector<16xf32>,
      %add3A_1799 = arith.addf %add3A_1784, %get3A_1798 : vector<16xf32>
      %get3A_1800 = arith.constant 5 : i32
      %get3A_1801 = arith.index_cast %get3A_1800 : i32 to index
      %get3A_1802 = arith.constant 96 : index
      %get3A_1803 = tpu.vector_load %arg22[%get3A_1801, %get3A_1802] {strides = array<i32>} : memref<48x128xf32, #tpu.memory_space<vmem>>, vector<16xf32>,
      %add3A_1804 = arith.addf %add3A_1789, %get3A_1803 : vector<16xf32>
      %get3A_1805 = arith.constant 6 : i32
      %get3A_1806 = arith.index_cast %get3A_1805 : i32 to index
      %get3A_1807 = arith.constant 96 : index
      %get3A_1808 = tpu.vector_load %arg22[%get3A_1806, %get3A_1807] {strides = array<i32>} : memref<48x128xf32, #tpu.memory_space<vmem>>, vector<16xf32>,
      %add3A_1809 = arith.addf %add3A_1794, %get3A_1808 : vector<16xf32>
      %get3A_1810 = arith.constant 7 : i32
      %get3A_1811 = arith.index_cast %get3A_1810 : i32 to index
      %get3A_1812 = arith.constant 96 : index
      %get3A_1813 = tpu.vector_load %arg22[%get3A_1811, %get3A_1812] {strides = array<i32>} : memref<48x128xf32, #tpu.memory_space<vmem>>, vector<16xf32>,
      %add3A_1814 = arith.addf %add3A_1799, %get3A_1813 : vector<16xf32>
      %get3A_1815 = arith.constant 8 : i32
      %get3A_1816 = arith.index_cast %get3A_1815 : i32 to index
      %get3A_1817 = arith.constant 96 : index
      %get3A_1818 = tpu.vector_load %arg22[%get3A_1816, %get3A_1817] {strides = array<i32>} : memref<48x128xf32, #tpu.memory_space<vmem>>, vector<16xf32>,
      %add3A_1819 = arith.addf %add3A_1804, %get3A_1818 : vector<16xf32>
      %get3A_1820 = arith.constant 9 : i32
      %get3A_1821 = arith.index_cast %get3A_1820 : i32 to index
      %get3A_1822 = arith.constant 96 : index
      %get3A_1823 = tpu.vector_load %arg22[%get3A_1821, %get3A_1822] {strides = array<i32>} : memref<48x128xf32, #tpu.memory_space<vmem>>, vector<16xf32>,
      %add3A_1824 = arith.addf %add3A_1809, %get3A_1823 : vector<16xf32>
      %get3A_1825 = arith.constant 10 : i32
      %get3A_1826 = arith.index_cast %get3A_1825 : i32 to index
      %get3A_1827 = arith.constant 96 : index
      %get3A_1828 = tpu.vector_load %arg22[%get3A_1826, %get3A_1827] {strides = array<i32>} : memref<48x128xf32, #tpu.memory_space<vmem>>, vector<16xf32>,
      %add3A_1829 = arith.addf %add3A_1814, %get3A_1828 : vector<16xf32>
      %get3A_1830 = arith.constant 11 : i32
      %get3A_1831 = arith.index_cast %get3A_1830 : i32 to index
      %get3A_1832 = arith.constant 96 : index
      %get3A_1833 = tpu.vector_load %arg22[%get3A_1831, %get3A_1832] {strides = array<i32>} : memref<48x128xf32, #tpu.memory_space<vmem>>, vector<16xf32>,
      %add3A_1834 = arith.addf %add3A_1819, %get3A_1833 : vector<16xf32>
      %get3A_1835 = arith.constant 12 : i32
      %get3A_1836 = arith.index_cast %get3A_1835 : i32 to index
      %get3A_1837 = arith.constant 96 : index
      %get3A_1838 = tpu.vector_load %arg22[%get3A_1836, %get3A_1837] {strides = array<i32>} : memref<48x128xf32, #tpu.memory_space<vmem>>, vector<16xf32>,
      %add3A_1839 = arith.addf %add3A_1824, %get3A_1838 : vector<16xf32>
      %get3A_1840 = arith.constant 13 : i32
      %get3A_1841 = arith.index_cast %get3A_1840 : i32 to index
      %get3A_1842 = arith.constant 96 : index
      %get3A_1843 = tpu.vector_load %arg22[%get3A_1841, %get3A_1842] {strides = array<i32>} : memref<48x128xf32, #tpu.memory_space<vmem>>, vector<16xf32>,
      %add3A_1844 = arith.addf %add3A_1829, %get3A_1843 : vector<16xf32>
      %get3A_1845 = arith.constant 14 : i32
      %get3A_1846 = arith.index_cast %get3A_1845 : i32 to index
      %get3A_1847 = arith.constant 96 : index
      %get3A_1848 = tpu.vector_load %arg22[%get3A_1846, %get3A_1847] {strides = array<i32>} : memref<48x128xf32, #tpu.memory_space<vmem>>, vector<16xf32>,
      %add3A_1849 = arith.addf %add3A_1834, %get3A_1848 : vector<16xf32>
      %get3A_1850 = arith.constant 15 : i32
      %get3A_1851 = arith.index_cast %get3A_1850 : i32 to index
      %get3A_1852 = arith.constant 96 : index
      %get3A_1853 = tpu.vector_load %arg22[%get3A_1851, %get3A_1852] {strides = array<i32>} : memref<48x128xf32, #tpu.memory_space<vmem>>, vector<16xf32>,
      %add3A_1854 = arith.addf %add3A_1839, %get3A_1853 : vector<16xf32>
      %get3A_1855 = arith.constant 16 : i32
      %get3A_1856 = arith.index_cast %get3A_1855 : i32 to index
      %get3A_1857 = arith.constant 96 : index
      %get3A_1858 = tpu.vector_load %arg22[%get3A_1856, %get3A_1857] {strides = array<i32>} : memref<48x128xf32, #tpu.memory_space<vmem>>, vector<16xf32>,
      %add3A_1859 = arith.addf %add3A_1844, %get3A_1858 : vector<16xf32>
      %get3A_1860 = arith.constant 17 : i32
      %get3A_1861 = arith.index_cast %get3A_1860 : i32 to index
      %get3A_1862 = arith.constant 96 : index
      %get3A_1863 = tpu.vector_load %arg22[%get3A_1861, %get3A_1862] {strides = array<i32>} : memref<48x128xf32, #tpu.memory_space<vmem>>, vector<16xf32>,
      %add3A_1864 = arith.addf %add3A_1849, %get3A_1863 : vector<16xf32>
      %get3A_1865 = arith.constant 18 : i32
      %get3A_1866 = arith.index_cast %get3A_1865 : i32 to index
      %get3A_1867 = arith.constant 96 : index
      %get3A_1868 = tpu.vector_load %arg22[%get3A_1866, %get3A_1867] {strides = array<i32>} : memref<48x128xf32, #tpu.memory_space<vmem>>, vector<16xf32>,
      %add3A_1869 = arith.addf %add3A_1854, %get3A_1868 : vector<16xf32>
      %get3A_1870 = arith.constant 19 : i32
      %get3A_1871 = arith.index_cast %get3A_1870 : i32 to index
      %get3A_1872 = arith.constant 96 : index
      %get3A_1873 = tpu.vector_load %arg22[%get3A_1871, %get3A_1872] {strides = array<i32>} : memref<48x128xf32, #tpu.memory_space<vmem>>, vector<16xf32>,
      %add3A_1874 = arith.addf %add3A_1859, %get3A_1873 : vector<16xf32>
      %get3A_1875 = arith.constant 20 : i32
      %get3A_1876 = arith.index_cast %get3A_1875 : i32 to index
      %get3A_1877 = arith.constant 96 : index
      %get3A_1878 = tpu.vector_load %arg22[%get3A_1876, %get3A_1877] {strides = array<i32>} : memref<48x128xf32, #tpu.memory_space<vmem>>, vector<16xf32>,
      %add3A_1879 = arith.addf %add3A_1864, %get3A_1878 : vector<16xf32>
      %get3A_1880 = arith.constant 21 : i32
      %get3A_1881 = arith.index_cast %get3A_1880 : i32 to index
      %get3A_1882 = arith.constant 96 : index
      %get3A_1883 = tpu.vector_load %arg22[%get3A_1881, %get3A_1882] {strides = array<i32>} : memref<48x128xf32, #tpu.memory_space<vmem>>, vector<16xf32>,
      %add3A_1884 = arith.addf %add3A_1869, %get3A_1883 : vector<16xf32>
      %get3A_1885 = arith.constant 22 : i32
      %get3A_1886 = arith.index_cast %get3A_1885 : i32 to index
      %get3A_1887 = arith.constant 96 : index
      %get3A_1888 = tpu.vector_load %arg22[%get3A_1886, %get3A_1887] {strides = array<i32>} : memref<48x128xf32, #tpu.memory_space<vmem>>, vector<16xf32>,
      %add3A_1889 = arith.addf %add3A_1874, %get3A_1888 : vector<16xf32>
      %get3A_1890 = arith.constant 23 : i32
      %get3A_1891 = arith.index_cast %get3A_1890 : i32 to index
      %get3A_1892 = arith.constant 96 : index
      %get3A_1893 = tpu.vector_load %arg22[%get3A_1891, %get3A_1892] {strides = array<i32>} : memref<48x128xf32, #tpu.memory_space<vmem>>, vector<16xf32>,
      %add3A_1894 = arith.addf %add3A_1879, %get3A_1893 : vector<16xf32>
      %get3A_1895 = arith.constant 24 : i32
      %get3A_1896 = arith.index_cast %get3A_1895 : i32 to index
      %get3A_1897 = arith.constant 96 : index
      %get3A_1898 = tpu.vector_load %arg22[%get3A_1896, %get3A_1897] {strides = array<i32>} : memref<48x128xf32, #tpu.memory_space<vmem>>, vector<16xf32>,
      %add3A_1899 = arith.addf %add3A_1884, %get3A_1898 : vector<16xf32>
      %get3A_1900 = arith.constant 25 : i32
      %get3A_1901 = arith.index_cast %get3A_1900 : i32 to index
      %get3A_1902 = arith.constant 96 : index
      %get3A_1903 = tpu.vector_load %arg22[%get3A_1901, %get3A_1902] {strides = array<i32>} : memref<48x128xf32, #tpu.memory_space<vmem>>, vector<16xf32>,
      %add3A_1904 = arith.addf %add3A_1889, %get3A_1903 : vector<16xf32>
      %get3A_1905 = arith.constant 26 : i32
      %get3A_1906 = arith.index_cast %get3A_1905 : i32 to index
      %get3A_1907 = arith.constant 96 : index
      %get3A_1908 = tpu.vector_load %arg22[%get3A_1906, %get3A_1907] {strides = array<i32>} : memref<48x128xf32, #tpu.memory_space<vmem>>, vector<16xf32>,
      %add3A_1909 = arith.addf %add3A_1894, %get3A_1908 : vector<16xf32>
      %get3A_1910 = arith.constant 27 : i32
      %get3A_1911 = arith.index_cast %get3A_1910 : i32 to index
      %get3A_1912 = arith.constant 96 : index
      %get3A_1913 = tpu.vector_load %arg22[%get3A_1911, %get3A_1912] {strides = array<i32>} : memref<48x128xf32, #tpu.memory_space<vmem>>, vector<16xf32>,
      %add3A_1914 = arith.addf %add3A_1899, %get3A_1913 : vector<16xf32>
      %get3A_1915 = arith.constant 28 : i32
      %get3A_1916 = arith.index_cast %get3A_1915 : i32 to index
      %get3A_1917 = arith.constant 96 : index
      %get3A_1918 = tpu.vector_load %arg22[%get3A_1916, %get3A_1917] {strides = array<i32>} : memref<48x128xf32, #tpu.memory_space<vmem>>, vector<16xf32>,
      %add3A_1919 = arith.addf %add3A_1904, %get3A_1918 : vector<16xf32>
      %get3A_1920 = arith.constant 29 : i32
      %get3A_1921 = arith.index_cast %get3A_1920 : i32 to index
      %get3A_1922 = arith.constant 96 : index
      %get3A_1923 = tpu.vector_load %arg22[%get3A_1921, %get3A_1922] {strides = array<i32>} : memref<48x128xf32, #tpu.memory_space<vmem>>, vector<16xf32>,
      %add3A_1924 = arith.addf %add3A_1909, %get3A_1923 : vector<16xf32>
      %get3A_1925 = arith.constant 30 : i32
      %get3A_1926 = arith.index_cast %get3A_1925 : i32 to index
      %get3A_1927 = arith.constant 96 : index
      %get3A_1928 = tpu.vector_load %arg22[%get3A_1926, %get3A_1927] {strides = array<i32>} : memref<48x128xf32, #tpu.memory_space<vmem>>, vector<16xf32>,
      %add3A_1929 = arith.addf %add3A_1914, %get3A_1928 : vector<16xf32>
      %get3A_1930 = arith.constant 31 : i32
      %get3A_1931 = arith.index_cast %get3A_1930 : i32 to index
      %get3A_1932 = arith.constant 96 : index
      %get3A_1933 = tpu.vector_load %arg22[%get3A_1931, %get3A_1932] {strides = array<i32>} : memref<48x128xf32, #tpu.memory_space<vmem>>, vector<16xf32>,
      %add3A_1934 = arith.addf %add3A_1919, %get3A_1933 : vector<16xf32>
      %get3A_1935 = arith.constant 32 : i32
      %get3A_1936 = arith.index_cast %get3A_1935 : i32 to index
      %get3A_1937 = arith.constant 96 : index
      %get3A_1938 = tpu.vector_load %arg22[%get3A_1936, %get3A_1937] {strides = array<i32>} : memref<48x128xf32, #tpu.memory_space<vmem>>, vector<16xf32>,
      %add3A_1939 = arith.addf %add3A_1924, %get3A_1938 : vector<16xf32>
      %get3A_1940 = arith.constant 33 : i32
      %get3A_1941 = arith.index_cast %get3A_1940 : i32 to index
      %get3A_1942 = arith.constant 96 : index
      %get3A_1943 = tpu.vector_load %arg22[%get3A_1941, %get3A_1942] {strides = array<i32>} : memref<48x128xf32, #tpu.memory_space<vmem>>, vector<16xf32>,
      %add3A_1944 = arith.addf %add3A_1929, %get3A_1943 : vector<16xf32>
      %get3A_1945 = arith.constant 34 : i32
      %get3A_1946 = arith.index_cast %get3A_1945 : i32 to index
      %get3A_1947 = arith.constant 96 : index
      %get3A_1948 = tpu.vector_load %arg22[%get3A_1946, %get3A_1947] {strides = array<i32>} : memref<48x128xf32, #tpu.memory_space<vmem>>, vector<16xf32>,
      %add3A_1949 = arith.addf %add3A_1934, %get3A_1948 : vector<16xf32>
      %get3A_1950 = arith.constant 35 : i32
      %get3A_1951 = arith.index_cast %get3A_1950 : i32 to index
      %get3A_1952 = arith.constant 96 : index
      %get3A_1953 = tpu.vector_load %arg22[%get3A_1951, %get3A_1952] {strides = array<i32>} : memref<48x128xf32, #tpu.memory_space<vmem>>, vector<16xf32>,
      %add3A_1954 = arith.addf %add3A_1939, %get3A_1953 : vector<16xf32>
      %get3A_1955 = arith.constant 36 : i32
      %get3A_1956 = arith.index_cast %get3A_1955 : i32 to index
      %get3A_1957 = arith.constant 96 : index
      %get3A_1958 = tpu.vector_load %arg22[%get3A_1956, %get3A_1957] {strides = array<i32>} : memref<48x128xf32, #tpu.memory_space<vmem>>, vector<16xf32>,
      %add3A_1959 = arith.addf %add3A_1944, %get3A_1958 : vector<16xf32>
      %get3A_1960 = arith.constant 37 : i32
      %get3A_1961 = arith.index_cast %get3A_1960 : i32 to index
      %get3A_1962 = arith.constant 96 : index
      %get3A_1963 = tpu.vector_load %arg22[%get3A_1961, %get3A_1962] {strides = array<i32>} : memref<48x128xf32, #tpu.memory_space<vmem>>, vector<16xf32>,
      %add3A_1964 = arith.addf %add3A_1949, %get3A_1963 : vector<16xf32>
      %get3A_1965 = arith.constant 38 : i32
      %get3A_1966 = arith.index_cast %get3A_1965 : i32 to index
      %get3A_1967 = arith.constant 96 : index
      %get3A_1968 = tpu.vector_load %arg22[%get3A_1966, %get3A_1967] {strides = array<i32>} : memref<48x128xf32, #tpu.memory_space<vmem>>, vector<16xf32>,
      %add3A_1969 = arith.addf %add3A_1954, %get3A_1968 : vector<16xf32>
      %get3A_1970 = arith.constant 39 : i32
      %get3A_1971 = arith.index_cast %get3A_1970 : i32 to index
      %get3A_1972 = arith.constant 96 : index
      %get3A_1973 = tpu.vector_load %arg22[%get3A_1971, %get3A_1972] {strides = array<i32>} : memref<48x128xf32, #tpu.memory_space<vmem>>, vector<16xf32>,
      %add3A_1974 = arith.addf %add3A_1959, %get3A_1973 : vector<16xf32>
      %get3A_1975 = arith.constant 40 : i32
      %get3A_1976 = arith.index_cast %get3A_1975 : i32 to index
      %get3A_1977 = arith.constant 96 : index
      %get3A_1978 = tpu.vector_load %arg22[%get3A_1976, %get3A_1977] {strides = array<i32>} : memref<48x128xf32, #tpu.memory_space<vmem>>, vector<16xf32>,
      %add3A_1979 = arith.addf %add3A_1964, %get3A_1978 : vector<16xf32>
      %get3A_1980 = arith.constant 41 : i32
      %get3A_1981 = arith.index_cast %get3A_1980 : i32 to index
      %get3A_1982 = arith.constant 96 : index
      %get3A_1983 = tpu.vector_load %arg22[%get3A_1981, %get3A_1982] {strides = array<i32>} : memref<48x128xf32, #tpu.memory_space<vmem>>, vector<16xf32>,
      %add3A_1984 = arith.addf %add3A_1969, %get3A_1983 : vector<16xf32>
      %get3A_1985 = arith.constant 42 : i32
      %get3A_1986 = arith.index_cast %get3A_1985 : i32 to index
      %get3A_1987 = arith.constant 96 : index
      %get3A_1988 = tpu.vector_load %arg22[%get3A_1986, %get3A_1987] {strides = array<i32>} : memref<48x128xf32, #tpu.memory_space<vmem>>, vector<16xf32>,
      %add3A_1989 = arith.addf %add3A_1974, %get3A_1988 : vector<16xf32>
      %get3A_1990 = arith.constant 43 : i32
      %get3A_1991 = arith.index_cast %get3A_1990 : i32 to index
      %get3A_1992 = arith.constant 96 : index
      %get3A_1993 = tpu.vector_load %arg22[%get3A_1991, %get3A_1992] {strides = array<i32>} : memref<48x128xf32, #tpu.memory_space<vmem>>, vector<16xf32>,
      %add3A_1994 = arith.addf %add3A_1979, %get3A_1993 : vector<16xf32>
      %get3A_1995 = arith.constant 44 : i32
      %get3A_1996 = arith.index_cast %get3A_1995 : i32 to index
      %get3A_1997 = arith.constant 96 : index
      %get3A_1998 = tpu.vector_load %arg22[%get3A_1996, %get3A_1997] {strides = array<i32>} : memref<48x128xf32, #tpu.memory_space<vmem>>, vector<16xf32>,
      %add3A_1999 = arith.addf %add3A_1984, %get3A_1998 : vector<16xf32>
      %get3A_2000 = arith.constant 45 : i32
      %get3A_2001 = arith.index_cast %get3A_2000 : i32 to index
      %get3A_2002 = arith.constant 96 : index
      %get3A_2003 = tpu.vector_load %arg22[%get3A_2001, %get3A_2002] {strides = array<i32>} : memref<48x128xf32, #tpu.memory_space<vmem>>, vector<16xf32>,
      %add3A_2004 = arith.addf %add3A_1989, %get3A_2003 : vector<16xf32>
      %get3A_2005 = arith.constant 46 : i32
      %get3A_2006 = arith.index_cast %get3A_2005 : i32 to index
      %get3A_2007 = arith.constant 96 : index
      %get3A_2008 = tpu.vector_load %arg22[%get3A_2006, %get3A_2007] {strides = array<i32>} : memref<48x128xf32, #tpu.memory_space<vmem>>, vector<16xf32>,
      %add3A_2009 = arith.addf %add3A_1994, %get3A_2008 : vector<16xf32>
      %get3A_2010 = arith.constant 47 : i32
      %get3A_2011 = arith.index_cast %get3A_2010 : i32 to index
      %get3A_2012 = arith.constant 96 : index
      %get3A_2013 = tpu.vector_load %arg22[%get3A_2011, %get3A_2012] {strides = array<i32>} : memref<48x128xf32, #tpu.memory_space<vmem>>, vector<16xf32>,
      %add3A_2014 = arith.addf %add3A_1999, %get3A_2013 : vector<16xf32>
      %div3A_2015 = arith.divf %add3A_2009, %add3A_2004 : vector<16xf32>
      %swap3A_2016 = arith.constant 96 : index
      %swap3A_2017 = tpu.vector_load %arg25[%swap3A_2016] {strides = array<i32>} : memref<128xf32, #tpu.memory_space<vmem>>, vector<16xf32>,
      tpu.vector_store %arg25[%swap3A_2016], %div3A_2015 {strides = array<i32>} : memref<128xf32, #tpu.memory_space<vmem>>, vector<16xf32>,
      %div3A_2018 = arith.divf %add3A_2014, %add3A_2004 : vector<16xf32>
      %swap3A_2019 = arith.constant 96 : index
      %swap3A_2020 = tpu.vector_load %arg26[%swap3A_2019] {strides = array<i32>} : memref<128xf32, #tpu.memory_space<vmem>>, vector<16xf32>,
      tpu.vector_store %arg26[%swap3A_2019], %div3A_2018 {strides = array<i32>} : memref<128xf32, #tpu.memory_space<vmem>>, vector<16xf32>,
      %get3A_2021 = arith.constant 96 : index
      %get3A_2022 = tpu.vector_load %arg23[%get3A_2021] {strides = array<i32>} : memref<128xf32, #tpu.memory_space<vmem>>, vector<16xf32>,
      %gt3A_2023 = arith.constant 1.000000e-03 : f32
      %gt3A_2024 = vector.broadcast %gt3A_2023 : f32 to vector<16xf32>
      %gt3A_2025 = arith.cmpf ogt, %get3A_2022, %gt3A_2024 : vector<16xf32>
      %jit3A_2026 = arith.constant 0.000000e+00 : f32
      %broadcast_in_dim3A_2027 = vector.broadcast %jit3A_2026 : f32 to vector<16xf32>
      %select_n3A_2028 = arith.select %gt3A_2025, %get3A_2022, %broadcast_in_dim3A_2027 : vector<16xi1>, vector<16xf32>
      %add3A_2029 = arith.constant 96 : i32
      %add3A_2030 = vector.broadcast %add3A_2029 : i32 to vector<16xi32>
      %add3A_2031 = arith.addi %add3A_2030, %iota3A : vector<16xi32>
      %lt3A_2032 = arith.constant 100 : i32
      %lt3A_2033 = vector.broadcast %lt3A_2032 : i32 to vector<16xi32>
      %lt3A_2034 = arith.cmpi slt, %add3A_2031, %lt3A_2033 : vector<16xi32>
      %jit3A_2035 = arith.constant -3.000000e+38 : f32
      %broadcast_in_dim3A_2036 = vector.broadcast %jit3A_2035 : f32 to vector<16xf32>
      %select_n3A_2037 = arith.select %lt3A_2034, %select_n3A_2028, %broadcast_in_dim3A_2036 : vector<16xi1>, vector<16xf32>
      %swap3A_2038 = arith.constant 96 : index
      %swap3A_2039 = tpu.vector_load %arg27[%swap3A_2038] {strides = array<i32>} : memref<128xf32, #tpu.memory_space<vmem>>, vector<16xf32>,
      tpu.vector_store %arg27[%swap3A_2038], %select_n3A_2037 {strides = array<i32>} : memref<128xf32, #tpu.memory_space<vmem>>, vector<16xf32>,
      %swap3A_2040 = arith.constant 96 : index
      %swap3A_2041 = tpu.vector_load %arg28[%swap3A_2040] {strides = array<i32>} : memref<128xf32, #tpu.memory_space<vmem>>, vector<16xf32>,
      tpu.vector_store %arg28[%swap3A_2040], %broadcast_in_dim3A_137 {strides = array<i32>} : memref<128xf32, #tpu.memory_space<vmem>>, vector<16xf32>,
      %swap3A_2042 = arith.constant 96 : index
      %swap3A_2043 = tpu.vector_load %arg29[%swap3A_2042] {strides = array<i32>} : memref<128xf32, #tpu.memory_space<vmem>>, vector<16xf32>,
      tpu.vector_store %arg29[%swap3A_2042], %broadcast_in_dim3A_137 {strides = array<i32>} : memref<128xf32, #tpu.memory_space<vmem>>, vector<16xf32>,
      %swap3A_2044 = arith.constant 96 : index
      %swap3A_2045 = tpu.vector_load %arg30[%swap3A_2044] {strides = array<i32>} : memref<128xf32, #tpu.memory_space<vmem>>, vector<16xf32>,
      tpu.vector_store %arg30[%swap3A_2044], %broadcast_in_dim3A_137 {strides = array<i32>} : memref<128xf32, #tpu.memory_space<vmem>>, vector<16xf32>,
      %swap3A_2046 = arith.constant 96 : index
      %swap3A_2047 = tpu.vector_load %arg31[%swap3A_2046] {strides = array<i32>} : memref<128xi32, #tpu.memory_space<vmem>>, vector<16xi32>,
      tpu.vector_store %arg31[%swap3A_2046], %broadcast_in_dim3A_139 {strides = array<i32>} : memref<128xi32, #tpu.memory_space<vmem>>, vector<16xi32>,
      %get3A_2048 = arith.constant 0 : i32
      %get3A_2049 = arith.index_cast %get3A_2048 : i32 to index
      %get3A_2050 = arith.constant 112 : index
      %get3A_2051 = tpu.vector_load %arg22[%get3A_2049, %get3A_2050] {strides = array<i32>} : memref<48x128xf32, #tpu.memory_space<vmem>>, vector<16xf32>,
      %add3A_2052 = arith.addf %broadcast_in_dim3A_137, %get3A_2051 : vector<16xf32>
      %get3A_2053 = arith.constant 1 : i32
      %get3A_2054 = arith.index_cast %get3A_2053 : i32 to index
      %get3A_2055 = arith.constant 112 : index
      %get3A_2056 = tpu.vector_load %arg22[%get3A_2054, %get3A_2055] {strides = array<i32>} : memref<48x128xf32, #tpu.memory_space<vmem>>, vector<16xf32>,
      %add3A_2057 = arith.addf %broadcast_in_dim3A_137, %get3A_2056 : vector<16xf32>
      %get3A_2058 = arith.constant 2 : i32
      %get3A_2059 = arith.index_cast %get3A_2058 : i32 to index
      %get3A_2060 = arith.constant 112 : index
      %get3A_2061 = tpu.vector_load %arg22[%get3A_2059, %get3A_2060] {strides = array<i32>} : memref<48x128xf32, #tpu.memory_space<vmem>>, vector<16xf32>,
      %add3A_2062 = arith.addf %broadcast_in_dim3A_137, %get3A_2061 : vector<16xf32>
      %get3A_2063 = arith.constant 3 : i32
      %get3A_2064 = arith.index_cast %get3A_2063 : i32 to index
      %get3A_2065 = arith.constant 112 : index
      %get3A_2066 = tpu.vector_load %arg22[%get3A_2064, %get3A_2065] {strides = array<i32>} : memref<48x128xf32, #tpu.memory_space<vmem>>, vector<16xf32>,
      %add3A_2067 = arith.addf %add3A_2052, %get3A_2066 : vector<16xf32>
      %get3A_2068 = arith.constant 4 : i32
      %get3A_2069 = arith.index_cast %get3A_2068 : i32 to index
      %get3A_2070 = arith.constant 112 : index
      %get3A_2071 = tpu.vector_load %arg22[%get3A_2069, %get3A_2070] {strides = array<i32>} : memref<48x128xf32, #tpu.memory_space<vmem>>, vector<16xf32>,
      %add3A_2072 = arith.addf %add3A_2057, %get3A_2071 : vector<16xf32>
      %get3A_2073 = arith.constant 5 : i32
      %get3A_2074 = arith.index_cast %get3A_2073 : i32 to index
      %get3A_2075 = arith.constant 112 : index
      %get3A_2076 = tpu.vector_load %arg22[%get3A_2074, %get3A_2075] {strides = array<i32>} : memref<48x128xf32, #tpu.memory_space<vmem>>, vector<16xf32>,
      %add3A_2077 = arith.addf %add3A_2062, %get3A_2076 : vector<16xf32>
      %get3A_2078 = arith.constant 6 : i32
      %get3A_2079 = arith.index_cast %get3A_2078 : i32 to index
      %get3A_2080 = arith.constant 112 : index
      %get3A_2081 = tpu.vector_load %arg22[%get3A_2079, %get3A_2080] {strides = array<i32>} : memref<48x128xf32, #tpu.memory_space<vmem>>, vector<16xf32>,
      %add3A_2082 = arith.addf %add3A_2067, %get3A_2081 : vector<16xf32>
      %get3A_2083 = arith.constant 7 : i32
      %get3A_2084 = arith.index_cast %get3A_2083 : i32 to index
      %get3A_2085 = arith.constant 112 : index
      %get3A_2086 = tpu.vector_load %arg22[%get3A_2084, %get3A_2085] {strides = array<i32>} : memref<48x128xf32, #tpu.memory_space<vmem>>, vector<16xf32>,
      %add3A_2087 = arith.addf %add3A_2072, %get3A_2086 : vector<16xf32>
      %get3A_2088 = arith.constant 8 : i32
      %get3A_2089 = arith.index_cast %get3A_2088 : i32 to index
      %get3A_2090 = arith.constant 112 : index
      %get3A_2091 = tpu.vector_load %arg22[%get3A_2089, %get3A_2090] {strides = array<i32>} : memref<48x128xf32, #tpu.memory_space<vmem>>, vector<16xf32>,
      %add3A_2092 = arith.addf %add3A_2077, %get3A_2091 : vector<16xf32>
      %get3A_2093 = arith.constant 9 : i32
      %get3A_2094 = arith.index_cast %get3A_2093 : i32 to index
      %get3A_2095 = arith.constant 112 : index
      %get3A_2096 = tpu.vector_load %arg22[%get3A_2094, %get3A_2095] {strides = array<i32>} : memref<48x128xf32, #tpu.memory_space<vmem>>, vector<16xf32>,
      %add3A_2097 = arith.addf %add3A_2082, %get3A_2096 : vector<16xf32>
      %get3A_2098 = arith.constant 10 : i32
      %get3A_2099 = arith.index_cast %get3A_2098 : i32 to index
      %get3A_2100 = arith.constant 112 : index
      %get3A_2101 = tpu.vector_load %arg22[%get3A_2099, %get3A_2100] {strides = array<i32>} : memref<48x128xf32, #tpu.memory_space<vmem>>, vector<16xf32>,
      %add3A_2102 = arith.addf %add3A_2087, %get3A_2101 : vector<16xf32>
      %get3A_2103 = arith.constant 11 : i32
      %get3A_2104 = arith.index_cast %get3A_2103 : i32 to index
      %get3A_2105 = arith.constant 112 : index
      %get3A_2106 = tpu.vector_load %arg22[%get3A_2104, %get3A_2105] {strides = array<i32>} : memref<48x128xf32, #tpu.memory_space<vmem>>, vector<16xf32>,
      %add3A_2107 = arith.addf %add3A_2092, %get3A_2106 : vector<16xf32>
      %get3A_2108 = arith.constant 12 : i32
      %get3A_2109 = arith.index_cast %get3A_2108 : i32 to index
      %get3A_2110 = arith.constant 112 : index
      %get3A_2111 = tpu.vector_load %arg22[%get3A_2109, %get3A_2110] {strides = array<i32>} : memref<48x128xf32, #tpu.memory_space<vmem>>, vector<16xf32>,
      %add3A_2112 = arith.addf %add3A_2097, %get3A_2111 : vector<16xf32>
      %get3A_2113 = arith.constant 13 : i32
      %get3A_2114 = arith.index_cast %get3A_2113 : i32 to index
      %get3A_2115 = arith.constant 112 : index
      %get3A_2116 = tpu.vector_load %arg22[%get3A_2114, %get3A_2115] {strides = array<i32>} : memref<48x128xf32, #tpu.memory_space<vmem>>, vector<16xf32>,
      %add3A_2117 = arith.addf %add3A_2102, %get3A_2116 : vector<16xf32>
      %get3A_2118 = arith.constant 14 : i32
      %get3A_2119 = arith.index_cast %get3A_2118 : i32 to index
      %get3A_2120 = arith.constant 112 : index
      %get3A_2121 = tpu.vector_load %arg22[%get3A_2119, %get3A_2120] {strides = array<i32>} : memref<48x128xf32, #tpu.memory_space<vmem>>, vector<16xf32>,
      %add3A_2122 = arith.addf %add3A_2107, %get3A_2121 : vector<16xf32>
      %get3A_2123 = arith.constant 15 : i32
      %get3A_2124 = arith.index_cast %get3A_2123 : i32 to index
      %get3A_2125 = arith.constant 112 : index
      %get3A_2126 = tpu.vector_load %arg22[%get3A_2124, %get3A_2125] {strides = array<i32>} : memref<48x128xf32, #tpu.memory_space<vmem>>, vector<16xf32>,
      %add3A_2127 = arith.addf %add3A_2112, %get3A_2126 : vector<16xf32>
      %get3A_2128 = arith.constant 16 : i32
      %get3A_2129 = arith.index_cast %get3A_2128 : i32 to index
      %get3A_2130 = arith.constant 112 : index
      %get3A_2131 = tpu.vector_load %arg22[%get3A_2129, %get3A_2130] {strides = array<i32>} : memref<48x128xf32, #tpu.memory_space<vmem>>, vector<16xf32>,
      %add3A_2132 = arith.addf %add3A_2117, %get3A_2131 : vector<16xf32>
      %get3A_2133 = arith.constant 17 : i32
      %get3A_2134 = arith.index_cast %get3A_2133 : i32 to index
      %get3A_2135 = arith.constant 112 : index
      %get3A_2136 = tpu.vector_load %arg22[%get3A_2134, %get3A_2135] {strides = array<i32>} : memref<48x128xf32, #tpu.memory_space<vmem>>, vector<16xf32>,
      %add3A_2137 = arith.addf %add3A_2122, %get3A_2136 : vector<16xf32>
      %get3A_2138 = arith.constant 18 : i32
      %get3A_2139 = arith.index_cast %get3A_2138 : i32 to index
      %get3A_2140 = arith.constant 112 : index
      %get3A_2141 = tpu.vector_load %arg22[%get3A_2139, %get3A_2140] {strides = array<i32>} : memref<48x128xf32, #tpu.memory_space<vmem>>, vector<16xf32>,
      %add3A_2142 = arith.addf %add3A_2127, %get3A_2141 : vector<16xf32>
      %get3A_2143 = arith.constant 19 : i32
      %get3A_2144 = arith.index_cast %get3A_2143 : i32 to index
      %get3A_2145 = arith.constant 112 : index
      %get3A_2146 = tpu.vector_load %arg22[%get3A_2144, %get3A_2145] {strides = array<i32>} : memref<48x128xf32, #tpu.memory_space<vmem>>, vector<16xf32>,
      %add3A_2147 = arith.addf %add3A_2132, %get3A_2146 : vector<16xf32>
      %get3A_2148 = arith.constant 20 : i32
      %get3A_2149 = arith.index_cast %get3A_2148 : i32 to index
      %get3A_2150 = arith.constant 112 : index
      %get3A_2151 = tpu.vector_load %arg22[%get3A_2149, %get3A_2150] {strides = array<i32>} : memref<48x128xf32, #tpu.memory_space<vmem>>, vector<16xf32>,
      %add3A_2152 = arith.addf %add3A_2137, %get3A_2151 : vector<16xf32>
      %get3A_2153 = arith.constant 21 : i32
      %get3A_2154 = arith.index_cast %get3A_2153 : i32 to index
      %get3A_2155 = arith.constant 112 : index
      %get3A_2156 = tpu.vector_load %arg22[%get3A_2154, %get3A_2155] {strides = array<i32>} : memref<48x128xf32, #tpu.memory_space<vmem>>, vector<16xf32>,
      %add3A_2157 = arith.addf %add3A_2142, %get3A_2156 : vector<16xf32>
      %get3A_2158 = arith.constant 22 : i32
      %get3A_2159 = arith.index_cast %get3A_2158 : i32 to index
      %get3A_2160 = arith.constant 112 : index
      %get3A_2161 = tpu.vector_load %arg22[%get3A_2159, %get3A_2160] {strides = array<i32>} : memref<48x128xf32, #tpu.memory_space<vmem>>, vector<16xf32>,
      %add3A_2162 = arith.addf %add3A_2147, %get3A_2161 : vector<16xf32>
      %get3A_2163 = arith.constant 23 : i32
      %get3A_2164 = arith.index_cast %get3A_2163 : i32 to index
      %get3A_2165 = arith.constant 112 : index
      %get3A_2166 = tpu.vector_load %arg22[%get3A_2164, %get3A_2165] {strides = array<i32>} : memref<48x128xf32, #tpu.memory_space<vmem>>, vector<16xf32>,
      %add3A_2167 = arith.addf %add3A_2152, %get3A_2166 : vector<16xf32>
      %get3A_2168 = arith.constant 24 : i32
      %get3A_2169 = arith.index_cast %get3A_2168 : i32 to index
      %get3A_2170 = arith.constant 112 : index
      %get3A_2171 = tpu.vector_load %arg22[%get3A_2169, %get3A_2170] {strides = array<i32>} : memref<48x128xf32, #tpu.memory_space<vmem>>, vector<16xf32>,
      %add3A_2172 = arith.addf %add3A_2157, %get3A_2171 : vector<16xf32>
      %get3A_2173 = arith.constant 25 : i32
      %get3A_2174 = arith.index_cast %get3A_2173 : i32 to index
      %get3A_2175 = arith.constant 112 : index
      %get3A_2176 = tpu.vector_load %arg22[%get3A_2174, %get3A_2175] {strides = array<i32>} : memref<48x128xf32, #tpu.memory_space<vmem>>, vector<16xf32>,
      %add3A_2177 = arith.addf %add3A_2162, %get3A_2176 : vector<16xf32>
      %get3A_2178 = arith.constant 26 : i32
      %get3A_2179 = arith.index_cast %get3A_2178 : i32 to index
      %get3A_2180 = arith.constant 112 : index
      %get3A_2181 = tpu.vector_load %arg22[%get3A_2179, %get3A_2180] {strides = array<i32>} : memref<48x128xf32, #tpu.memory_space<vmem>>, vector<16xf32>,
      %add3A_2182 = arith.addf %add3A_2167, %get3A_2181 : vector<16xf32>
      %get3A_2183 = arith.constant 27 : i32
      %get3A_2184 = arith.index_cast %get3A_2183 : i32 to index
      %get3A_2185 = arith.constant 112 : index
      %get3A_2186 = tpu.vector_load %arg22[%get3A_2184, %get3A_2185] {strides = array<i32>} : memref<48x128xf32, #tpu.memory_space<vmem>>, vector<16xf32>,
      %add3A_2187 = arith.addf %add3A_2172, %get3A_2186 : vector<16xf32>
      %get3A_2188 = arith.constant 28 : i32
      %get3A_2189 = arith.index_cast %get3A_2188 : i32 to index
      %get3A_2190 = arith.constant 112 : index
      %get3A_2191 = tpu.vector_load %arg22[%get3A_2189, %get3A_2190] {strides = array<i32>} : memref<48x128xf32, #tpu.memory_space<vmem>>, vector<16xf32>,
      %add3A_2192 = arith.addf %add3A_2177, %get3A_2191 : vector<16xf32>
      %get3A_2193 = arith.constant 29 : i32
      %get3A_2194 = arith.index_cast %get3A_2193 : i32 to index
      %get3A_2195 = arith.constant 112 : index
      %get3A_2196 = tpu.vector_load %arg22[%get3A_2194, %get3A_2195] {strides = array<i32>} : memref<48x128xf32, #tpu.memory_space<vmem>>, vector<16xf32>,
      %add3A_2197 = arith.addf %add3A_2182, %get3A_2196 : vector<16xf32>
      %get3A_2198 = arith.constant 30 : i32
      %get3A_2199 = arith.index_cast %get3A_2198 : i32 to index
      %get3A_2200 = arith.constant 112 : index
      %get3A_2201 = tpu.vector_load %arg22[%get3A_2199, %get3A_2200] {strides = array<i32>} : memref<48x128xf32, #tpu.memory_space<vmem>>, vector<16xf32>,
      %add3A_2202 = arith.addf %add3A_2187, %get3A_2201 : vector<16xf32>
      %get3A_2203 = arith.constant 31 : i32
      %get3A_2204 = arith.index_cast %get3A_2203 : i32 to index
      %get3A_2205 = arith.constant 112 : index
      %get3A_2206 = tpu.vector_load %arg22[%get3A_2204, %get3A_2205] {strides = array<i32>} : memref<48x128xf32, #tpu.memory_space<vmem>>, vector<16xf32>,
      %add3A_2207 = arith.addf %add3A_2192, %get3A_2206 : vector<16xf32>
      %get3A_2208 = arith.constant 32 : i32
      %get3A_2209 = arith.index_cast %get3A_2208 : i32 to index
      %get3A_2210 = arith.constant 112 : index
      %get3A_2211 = tpu.vector_load %arg22[%get3A_2209, %get3A_2210] {strides = array<i32>} : memref<48x128xf32, #tpu.memory_space<vmem>>, vector<16xf32>,
      %add3A_2212 = arith.addf %add3A_2197, %get3A_2211 : vector<16xf32>
      %get3A_2213 = arith.constant 33 : i32
      %get3A_2214 = arith.index_cast %get3A_2213 : i32 to index
      %get3A_2215 = arith.constant 112 : index
      %get3A_2216 = tpu.vector_load %arg22[%get3A_2214, %get3A_2215] {strides = array<i32>} : memref<48x128xf32, #tpu.memory_space<vmem>>, vector<16xf32>,
      %add3A_2217 = arith.addf %add3A_2202, %get3A_2216 : vector<16xf32>
      %get3A_2218 = arith.constant 34 : i32
      %get3A_2219 = arith.index_cast %get3A_2218 : i32 to index
      %get3A_2220 = arith.constant 112 : index
      %get3A_2221 = tpu.vector_load %arg22[%get3A_2219, %get3A_2220] {strides = array<i32>} : memref<48x128xf32, #tpu.memory_space<vmem>>, vector<16xf32>,
      %add3A_2222 = arith.addf %add3A_2207, %get3A_2221 : vector<16xf32>
      %get3A_2223 = arith.constant 35 : i32
      %get3A_2224 = arith.index_cast %get3A_2223 : i32 to index
      %get3A_2225 = arith.constant 112 : index
      %get3A_2226 = tpu.vector_load %arg22[%get3A_2224, %get3A_2225] {strides = array<i32>} : memref<48x128xf32, #tpu.memory_space<vmem>>, vector<16xf32>,
      %add3A_2227 = arith.addf %add3A_2212, %get3A_2226 : vector<16xf32>
      %get3A_2228 = arith.constant 36 : i32
      %get3A_2229 = arith.index_cast %get3A_2228 : i32 to index
      %get3A_2230 = arith.constant 112 : index
      %get3A_2231 = tpu.vector_load %arg22[%get3A_2229, %get3A_2230] {strides = array<i32>} : memref<48x128xf32, #tpu.memory_space<vmem>>, vector<16xf32>,
      %add3A_2232 = arith.addf %add3A_2217, %get3A_2231 : vector<16xf32>
      %get3A_2233 = arith.constant 37 : i32
      %get3A_2234 = arith.index_cast %get3A_2233 : i32 to index
      %get3A_2235 = arith.constant 112 : index
      %get3A_2236 = tpu.vector_load %arg22[%get3A_2234, %get3A_2235] {strides = array<i32>} : memref<48x128xf32, #tpu.memory_space<vmem>>, vector<16xf32>,
      %add3A_2237 = arith.addf %add3A_2222, %get3A_2236 : vector<16xf32>
      %get3A_2238 = arith.constant 38 : i32
      %get3A_2239 = arith.index_cast %get3A_2238 : i32 to index
      %get3A_2240 = arith.constant 112 : index
      %get3A_2241 = tpu.vector_load %arg22[%get3A_2239, %get3A_2240] {strides = array<i32>} : memref<48x128xf32, #tpu.memory_space<vmem>>, vector<16xf32>,
      %add3A_2242 = arith.addf %add3A_2227, %get3A_2241 : vector<16xf32>
      %get3A_2243 = arith.constant 39 : i32
      %get3A_2244 = arith.index_cast %get3A_2243 : i32 to index
      %get3A_2245 = arith.constant 112 : index
      %get3A_2246 = tpu.vector_load %arg22[%get3A_2244, %get3A_2245] {strides = array<i32>} : memref<48x128xf32, #tpu.memory_space<vmem>>, vector<16xf32>,
      %add3A_2247 = arith.addf %add3A_2232, %get3A_2246 : vector<16xf32>
      %get3A_2248 = arith.constant 40 : i32
      %get3A_2249 = arith.index_cast %get3A_2248 : i32 to index
      %get3A_2250 = arith.constant 112 : index
      %get3A_2251 = tpu.vector_load %arg22[%get3A_2249, %get3A_2250] {strides = array<i32>} : memref<48x128xf32, #tpu.memory_space<vmem>>, vector<16xf32>,
      %add3A_2252 = arith.addf %add3A_2237, %get3A_2251 : vector<16xf32>
      %get3A_2253 = arith.constant 41 : i32
      %get3A_2254 = arith.index_cast %get3A_2253 : i32 to index
      %get3A_2255 = arith.constant 112 : index
      %get3A_2256 = tpu.vector_load %arg22[%get3A_2254, %get3A_2255] {strides = array<i32>} : memref<48x128xf32, #tpu.memory_space<vmem>>, vector<16xf32>,
      %add3A_2257 = arith.addf %add3A_2242, %get3A_2256 : vector<16xf32>
      %get3A_2258 = arith.constant 42 : i32
      %get3A_2259 = arith.index_cast %get3A_2258 : i32 to index
      %get3A_2260 = arith.constant 112 : index
      %get3A_2261 = tpu.vector_load %arg22[%get3A_2259, %get3A_2260] {strides = array<i32>} : memref<48x128xf32, #tpu.memory_space<vmem>>, vector<16xf32>,
      %add3A_2262 = arith.addf %add3A_2247, %get3A_2261 : vector<16xf32>
      %get3A_2263 = arith.constant 43 : i32
      %get3A_2264 = arith.index_cast %get3A_2263 : i32 to index
      %get3A_2265 = arith.constant 112 : index
      %get3A_2266 = tpu.vector_load %arg22[%get3A_2264, %get3A_2265] {strides = array<i32>} : memref<48x128xf32, #tpu.memory_space<vmem>>, vector<16xf32>,
      %add3A_2267 = arith.addf %add3A_2252, %get3A_2266 : vector<16xf32>
      %get3A_2268 = arith.constant 44 : i32
      %get3A_2269 = arith.index_cast %get3A_2268 : i32 to index
      %get3A_2270 = arith.constant 112 : index
      %get3A_2271 = tpu.vector_load %arg22[%get3A_2269, %get3A_2270] {strides = array<i32>} : memref<48x128xf32, #tpu.memory_space<vmem>>, vector<16xf32>,
      %add3A_2272 = arith.addf %add3A_2257, %get3A_2271 : vector<16xf32>
      %get3A_2273 = arith.constant 45 : i32
      %get3A_2274 = arith.index_cast %get3A_2273 : i32 to index
      %get3A_2275 = arith.constant 112 : index
      %get3A_2276 = tpu.vector_load %arg22[%get3A_2274, %get3A_2275] {strides = array<i32>} : memref<48x128xf32, #tpu.memory_space<vmem>>, vector<16xf32>,
      %add3A_2277 = arith.addf %add3A_2262, %get3A_2276 : vector<16xf32>
      %get3A_2278 = arith.constant 46 : i32
      %get3A_2279 = arith.index_cast %get3A_2278 : i32 to index
      %get3A_2280 = arith.constant 112 : index
      %get3A_2281 = tpu.vector_load %arg22[%get3A_2279, %get3A_2280] {strides = array<i32>} : memref<48x128xf32, #tpu.memory_space<vmem>>, vector<16xf32>,
      %add3A_2282 = arith.addf %add3A_2267, %get3A_2281 : vector<16xf32>
      %get3A_2283 = arith.constant 47 : i32
      %get3A_2284 = arith.index_cast %get3A_2283 : i32 to index
      %get3A_2285 = arith.constant 112 : index
      %get3A_2286 = tpu.vector_load %arg22[%get3A_2284, %get3A_2285] {strides = array<i32>} : memref<48x128xf32, #tpu.memory_space<vmem>>, vector<16xf32>,
      %add3A_2287 = arith.addf %add3A_2272, %get3A_2286 : vector<16xf32>
      %div3A_2288 = arith.divf %add3A_2282, %add3A_2277 : vector<16xf32>
      %swap3A_2289 = arith.constant 112 : index
      %swap3A_2290 = tpu.vector_load %arg25[%swap3A_2289] {strides = array<i32>} : memref<128xf32, #tpu.memory_space<vmem>>, vector<16xf32>,
      tpu.vector_store %arg25[%swap3A_2289], %div3A_2288 {strides = array<i32>} : memref<128xf32, #tpu.memory_space<vmem>>, vector<16xf32>,
      %div3A_2291 = arith.divf %add3A_2287, %add3A_2277 : vector<16xf32>
      %swap3A_2292 = arith.constant 112 : index
      %swap3A_2293 = tpu.vector_load %arg26[%swap3A_2292] {strides = array<i32>} : memref<128xf32, #tpu.memory_space<vmem>>, vector<16xf32>,
      tpu.vector_store %arg26[%swap3A_2292], %div3A_2291 {strides = array<i32>} : memref<128xf32, #tpu.memory_space<vmem>>, vector<16xf32>,
      %get3A_2294 = arith.constant 112 : index
      %get3A_2295 = tpu.vector_load %arg23[%get3A_2294] {strides = array<i32>} : memref<128xf32, #tpu.memory_space<vmem>>, vector<16xf32>,
      %gt3A_2296 = arith.constant 1.000000e-03 : f32
      %gt3A_2297 = vector.broadcast %gt3A_2296 : f32 to vector<16xf32>
      %gt3A_2298 = arith.cmpf ogt, %get3A_2295, %gt3A_2297 : vector<16xf32>
      %jit3A_2299 = arith.constant 0.000000e+00 : f32
      %broadcast_in_dim3A_2300 = vector.broadcast %jit3A_2299 : f32 to vector<16xf32>
      %select_n3A_2301 = arith.select %gt3A_2298, %get3A_2295, %broadcast_in_dim3A_2300 : vector<16xi1>, vector<16xf32>
      %add3A_2302 = arith.constant 112 : i32
      %add3A_2303 = vector.broadcast %add3A_2302 : i32 to vector<16xi32>
      %add3A_2304 = arith.addi %add3A_2303, %iota3A : vector<16xi32>
      %lt3A_2305 = arith.constant 100 : i32
      %lt3A_2306 = vector.broadcast %lt3A_2305 : i32 to vector<16xi32>
      %lt3A_2307 = arith.cmpi slt, %add3A_2304, %lt3A_2306 : vector<16xi32>
      %jit3A_2308 = arith.constant -3.000000e+38 : f32
      %broadcast_in_dim3A_2309 = vector.broadcast %jit3A_2308 : f32 to vector<16xf32>
      %select_n3A_2310 = arith.select %lt3A_2307, %select_n3A_2301, %broadcast_in_dim3A_2309 : vector<16xi1>, vector<16xf32>
      %swap3A_2311 = arith.constant 112 : index
      %swap3A_2312 = tpu.vector_load %arg27[%swap3A_2311] {strides = array<i32>} : memref<128xf32, #tpu.memory_space<vmem>>, vector<16xf32>,
      tpu.vector_store %arg27[%swap3A_2311], %select_n3A_2310 {strides = array<i32>} : memref<128xf32, #tpu.memory_space<vmem>>, vector<16xf32>,
      %swap3A_2313 = arith.constant 112 : index
      %swap3A_2314 = tpu.vector_load %arg28[%swap3A_2313] {strides = array<i32>} : memref<128xf32, #tpu.memory_space<vmem>>, vector<16xf32>,
      tpu.vector_store %arg28[%swap3A_2313], %broadcast_in_dim3A_137 {strides = array<i32>} : memref<128xf32, #tpu.memory_space<vmem>>, vector<16xf32>,
      %swap3A_2315 = arith.constant 112 : index
      %swap3A_2316 = tpu.vector_load %arg29[%swap3A_2315] {strides = array<i32>} : memref<128xf32, #tpu.memory_space<vmem>>, vector<16xf32>,
      tpu.vector_store %arg29[%swap3A_2315], %broadcast_in_dim3A_137 {strides = array<i32>} : memref<128xf32, #tpu.memory_space<vmem>>, vector<16xf32>,
      %swap3A_2317 = arith.constant 112 : index
      %swap3A_2318 = tpu.vector_load %arg30[%swap3A_2317] {strides = array<i32>} : memref<128xf32, #tpu.memory_space<vmem>>, vector<16xf32>,
      tpu.vector_store %arg30[%swap3A_2317], %broadcast_in_dim3A_137 {strides = array<i32>} : memref<128xf32, #tpu.memory_space<vmem>>, vector<16xf32>,
      %swap3A_2319 = arith.constant 112 : index
      %swap3A_2320 = tpu.vector_load %arg31[%swap3A_2319] {strides = array<i32>} : memref<128xi32, #tpu.memory_space<vmem>>, vector<16xi32>,
      tpu.vector_store %arg31[%swap3A_2319], %broadcast_in_dim3A_139 {strides = array<i32>} : memref<128xi32, #tpu.memory_space<vmem>>, vector<16xi32>,
      %scan3A_2321 = arith.constant 0 : i32
      %scan3A_2322 = arith.constant 0 : i32
      %scan3A_2323 = arith.constant 100 : i32
      %scan3A_2324 = arith.addi %scan3A_2322, %scan3A_2323 : i32
      %scan3A_2325 = arith.constant 1 : i32
      scf.for %scan3A_2327 = %scan3A_2322 to %scan3A_2324 step %scan3A_2325  : i32 {
        %broadcast_in_dim3A_2328 = arith.constant -3.000000e+38 : f32
        %broadcast_in_dim3A_2329 = vector.broadcast %broadcast_in_dim3A_2328 : f32 to vector<16xf32>
        %broadcast_in_dim3A_2330 = arith.constant 0 : i32
        %broadcast_in_dim3A_2331 = vector.broadcast %broadcast_in_dim3A_2330 : i32 to vector<16xi32>
        %get3A_2332 = arith.constant 0 : index
        %get3A_2333 = tpu.vector_load %arg27[%get3A_2332] {strides = array<i32>} : memref<128xf32, #tpu.memory_space<vmem>>, vector<16xf32>,
        %gt3A_2334 = arith.cmpf ogt, %get3A_2333, %broadcast_in_dim3A_2329 : vector<16xf32>
        %select_n3A_2335 = arith.select %gt3A_2334, %get3A_2333, %broadcast_in_dim3A_2329 : vector<16xi1>, vector<16xf32>
        %add3A_2336 = arith.constant 0 : i32
        %add3A_2337 = vector.broadcast %add3A_2336 : i32 to vector<16xi32>
        %add3A_2338 = arith.addi %add3A_2337, %iota3A : vector<16xi32>
        %select_n3A_2339 = arith.select %gt3A_2334, %add3A_2338, %broadcast_in_dim3A_2331 : vector<16xi1>, vector<16xi32>
        %get3A_2340 = arith.constant 16 : index
        %get3A_2341 = tpu.vector_load %arg27[%get3A_2340] {strides = array<i32>} : memref<128xf32, #tpu.memory_space<vmem>>, vector<16xf32>,
        %gt3A_2342 = arith.cmpf ogt, %get3A_2341, %select_n3A_2335 : vector<16xf32>
        %select_n3A_2343 = arith.select %gt3A_2342, %get3A_2341, %select_n3A_2335 : vector<16xi1>, vector<16xf32>
        %add3A_2344 = arith.constant 16 : i32
        %add3A_2345 = vector.broadcast %add3A_2344 : i32 to vector<16xi32>
        %add3A_2346 = arith.addi %add3A_2345, %iota3A : vector<16xi32>
        %select_n3A_2347 = arith.select %gt3A_2342, %add3A_2346, %select_n3A_2339 : vector<16xi1>, vector<16xi32>
        %get3A_2348 = arith.constant 32 : index
        %get3A_2349 = tpu.vector_load %arg27[%get3A_2348] {strides = array<i32>} : memref<128xf32, #tpu.memory_space<vmem>>, vector<16xf32>,
        %gt3A_2350 = arith.cmpf ogt, %get3A_2349, %select_n3A_2343 : vector<16xf32>
        %select_n3A_2351 = arith.select %gt3A_2350, %get3A_2349, %select_n3A_2343 : vector<16xi1>, vector<16xf32>
        %add3A_2352 = arith.constant 32 : i32
        %add3A_2353 = vector.broadcast %add3A_2352 : i32 to vector<16xi32>
        %add3A_2354 = arith.addi %add3A_2353, %iota3A : vector<16xi32>
        %select_n3A_2355 = arith.select %gt3A_2350, %add3A_2354, %select_n3A_2347 : vector<16xi1>, vector<16xi32>
        %get3A_2356 = arith.constant 48 : index
        %get3A_2357 = tpu.vector_load %arg27[%get3A_2356] {strides = array<i32>} : memref<128xf32, #tpu.memory_space<vmem>>, vector<16xf32>,
        %gt3A_2358 = arith.cmpf ogt, %get3A_2357, %select_n3A_2351 : vector<16xf32>
        %select_n3A_2359 = arith.select %gt3A_2358, %get3A_2357, %select_n3A_2351 : vector<16xi1>, vector<16xf32>
        %add3A_2360 = arith.constant 48 : i32
        %add3A_2361 = vector.broadcast %add3A_2360 : i32 to vector<16xi32>
        %add3A_2362 = arith.addi %add3A_2361, %iota3A : vector<16xi32>
        %select_n3A_2363 = arith.select %gt3A_2358, %add3A_2362, %select_n3A_2355 : vector<16xi1>, vector<16xi32>
        %get3A_2364 = arith.constant 64 : index
        %get3A_2365 = tpu.vector_load %arg27[%get3A_2364] {strides = array<i32>} : memref<128xf32, #tpu.memory_space<vmem>>, vector<16xf32>,
        %gt3A_2366 = arith.cmpf ogt, %get3A_2365, %select_n3A_2359 : vector<16xf32>
        %select_n3A_2367 = arith.select %gt3A_2366, %get3A_2365, %select_n3A_2359 : vector<16xi1>, vector<16xf32>
        %add3A_2368 = arith.constant 64 : i32
        %add3A_2369 = vector.broadcast %add3A_2368 : i32 to vector<16xi32>
        %add3A_2370 = arith.addi %add3A_2369, %iota3A : vector<16xi32>
        %select_n3A_2371 = arith.select %gt3A_2366, %add3A_2370, %select_n3A_2363 : vector<16xi1>, vector<16xi32>
        %get3A_2372 = arith.constant 80 : index
        %get3A_2373 = tpu.vector_load %arg27[%get3A_2372] {strides = array<i32>} : memref<128xf32, #tpu.memory_space<vmem>>, vector<16xf32>,
        %gt3A_2374 = arith.cmpf ogt, %get3A_2373, %select_n3A_2367 : vector<16xf32>
        %select_n3A_2375 = arith.select %gt3A_2374, %get3A_2373, %select_n3A_2367 : vector<16xi1>, vector<16xf32>
        %add3A_2376 = arith.constant 80 : i32
        %add3A_2377 = vector.broadcast %add3A_2376 : i32 to vector<16xi32>
        %add3A_2378 = arith.addi %add3A_2377, %iota3A : vector<16xi32>
        %select_n3A_2379 = arith.select %gt3A_2374, %add3A_2378, %select_n3A_2371 : vector<16xi1>, vector<16xi32>
        %get3A_2380 = arith.constant 96 : index
        %get3A_2381 = tpu.vector_load %arg27[%get3A_2380] {strides = array<i32>} : memref<128xf32, #tpu.memory_space<vmem>>, vector<16xf32>,
        %gt3A_2382 = arith.cmpf ogt, %get3A_2381, %select_n3A_2375 : vector<16xf32>
        %select_n3A_2383 = arith.select %gt3A_2382, %get3A_2381, %select_n3A_2375 : vector<16xi1>, vector<16xf32>
        %add3A_2384 = arith.constant 96 : i32
        %add3A_2385 = vector.broadcast %add3A_2384 : i32 to vector<16xi32>
        %add3A_2386 = arith.addi %add3A_2385, %iota3A : vector<16xi32>
        %select_n3A_2387 = arith.select %gt3A_2382, %add3A_2386, %select_n3A_2379 : vector<16xi1>, vector<16xi32>
        %get3A_2388 = arith.constant 112 : index
        %get3A_2389 = tpu.vector_load %arg27[%get3A_2388] {strides = array<i32>} : memref<128xf32, #tpu.memory_space<vmem>>, vector<16xf32>,
        %gt3A_2390 = arith.cmpf ogt, %get3A_2389, %select_n3A_2383 : vector<16xf32>
        %select_n3A_2391 = arith.select %gt3A_2390, %get3A_2389, %select_n3A_2383 : vector<16xi1>, vector<16xf32>
        %add3A_2392 = arith.constant 112 : i32
        %add3A_2393 = vector.broadcast %add3A_2392 : i32 to vector<16xi32>
        %add3A_2394 = arith.addi %add3A_2393, %iota3A : vector<16xi32>
        %select_n3A_2395 = arith.select %gt3A_2390, %add3A_2394, %select_n3A_2387 : vector<16xi1>, vector<16xi32>
        %reduce_max3A_2396 = arith.constant true
        %reduce_max3A_2397 = vector.broadcast %reduce_max3A_2396 : i1 to vector<16xi1>
        %reduce_max3A_2398 = tpu.scan <max>, %select_n3A_2391 masked %reduce_max3A_2397 : vector<16xf32>, vector<16xi1> -> vector<16xf32>
        %reduce_max3A_2399 = vector.extract %reduce_max3A_2398[15] : f32 from vector<16xf32>
        %eq3A_2400 = vector.broadcast %reduce_max3A_2399 : f32 to vector<16xf32>
        %eq3A_2401 = arith.cmpf oeq, %select_n3A_2391, %eq3A_2400 : vector<16xf32>
        %jit3A_2402 = arith.constant 1073741824 : i32
        %broadcast_in_dim3A_2403 = vector.broadcast %jit3A_2402 : i32 to vector<16xi32>
        %select_n3A_2404 = arith.select %eq3A_2401, %select_n3A_2395, %broadcast_in_dim3A_2403 : vector<16xi1>, vector<16xi32>
        %reduce_min3A_2405 = arith.constant true
        %reduce_min3A_2406 = vector.broadcast %reduce_min3A_2405 : i1 to vector<16xi1>
        %reduce_min3A_2407 = arith.constant -2147483648 : i32
        %reduce_min3A_2408 = vector.broadcast %reduce_min3A_2407 : i32 to vector<16xi32>
        %reduce_min3A_2409 = arith.xori %select_n3A_2404, %reduce_min3A_2408 : vector<16xi32>
        %reduce_min3A_2410 = tpu.scan <min>, %reduce_min3A_2409 masked %reduce_min3A_2406 : vector<16xi32>, vector<16xi1> -> vector<16xi32>
        %reduce_min3A_2411 = arith.xori %reduce_min3A_2410, %reduce_min3A_2408 : vector<16xi32>
        %reduce_min3A_2412 = vector.extract %reduce_min3A_2411[15] : i32 from vector<16xi32>
        %broadcast_in_dim3A_2413 = vector.broadcast %reduce_min3A_2412 : i32 to vector<16xi32>
        %gather3A_2414 = tpu.vector_load_idx %arg25[%broadcast_in_dim3A_2413] : memref<128xf32, #tpu.memory_space<vmem>>[vector<16xi32>], vector<16xf32>,
        %gather3A_2415 = tpu.vector_load_idx %arg26[%broadcast_in_dim3A_2413] : memref<128xf32, #tpu.memory_space<vmem>>[vector<16xi32>], vector<16xf32>,
        %gather3A_2416 = tpu.vector_load_idx %arg27[%broadcast_in_dim3A_2413] : memref<128xf32, #tpu.memory_space<vmem>>[vector<16xi32>], vector<16xf32>,
        %gather3A_2417 = tpu.vector_load_idx %arg24[%broadcast_in_dim3A_2413] : memref<128xi32, #tpu.memory_space<vmem>>[vector<16xi32>], vector<16xi32>,
        %broadcast_in_dim3A_2418 = vector.broadcast %scan3A_2327 : i32 to vector<16xi32>
        tpu.vector_store_idx %arg28[%broadcast_in_dim3A_2418], %gather3A_2414 masked %eq3A_2 : memref<128xf32, #tpu.memory_space<vmem>>[vector<16xi32>], vector<16xf32>, vector<16xi1>
        tpu.vector_store_idx %arg29[%broadcast_in_dim3A_2418], %gather3A_2415 masked %eq3A_2 : memref<128xf32, #tpu.memory_space<vmem>>[vector<16xi32>], vector<16xf32>, vector<16xi1>
        tpu.vector_store_idx %arg30[%broadcast_in_dim3A_2418], %gather3A_2416 masked %eq3A_2 : memref<128xf32, #tpu.memory_space<vmem>>[vector<16xi32>], vector<16xf32>, vector<16xi1>
        tpu.vector_store_idx %arg31[%broadcast_in_dim3A_2418], %gather3A_2417 masked %eq3A_2 : memref<128xi32, #tpu.memory_space<vmem>>[vector<16xi32>], vector<16xi32>, vector<16xi1>
        %broadcast_in_dim3A_2419 = arith.constant -3.000000e+38 : f32
        %broadcast_in_dim3A_2420 = vector.broadcast %broadcast_in_dim3A_2419 : f32 to vector<16xf32>
        tpu.vector_store_idx %arg27[%broadcast_in_dim3A_2413], %broadcast_in_dim3A_2420 masked %eq3A_2 : memref<128xf32, #tpu.memory_space<vmem>>[vector<16xi32>], vector<16xf32>, vector<16xi1>
      }
      %scan3A_2326 = arith.constant 100 : i32
      "tpu.region"() ({
        %run_scoped3A = tpu.sem_alloc : memref<!tpu.dma_semaphore, #tpu.memory_space<semaphore_mem>>
        tpu.enqueue_dma source(%arg28 : memref<128xf32, #tpu.memory_space<vmem>>) target(%arg6 : memref<128xf32, #tpu.memory_space<hbm>>) target_semaphore(%run_scoped3A : memref<!tpu.dma_semaphore, #tpu.memory_space<semaphore_mem>>)
        tpu.wait_dma2 semaphore(%run_scoped3A : memref<!tpu.dma_semaphore, #tpu.memory_space<semaphore_mem>>) src(%arg28 : memref<128xf32, #tpu.memory_space<vmem>>) dst(%arg6 : memref<128xf32, #tpu.memory_space<hbm>>)
        tpu.yield
      }) : () -> ()
      "tpu.region"() ({
        %run_scoped3A = tpu.sem_alloc : memref<!tpu.dma_semaphore, #tpu.memory_space<semaphore_mem>>
        tpu.enqueue_dma source(%arg29 : memref<128xf32, #tpu.memory_space<vmem>>) target(%arg7 : memref<128xf32, #tpu.memory_space<hbm>>) target_semaphore(%run_scoped3A : memref<!tpu.dma_semaphore, #tpu.memory_space<semaphore_mem>>)
        tpu.wait_dma2 semaphore(%run_scoped3A : memref<!tpu.dma_semaphore, #tpu.memory_space<semaphore_mem>>) src(%arg29 : memref<128xf32, #tpu.memory_space<vmem>>) dst(%arg7 : memref<128xf32, #tpu.memory_space<hbm>>)
        tpu.yield
      }) : () -> ()
      "tpu.region"() ({
        %run_scoped3A = tpu.sem_alloc : memref<!tpu.dma_semaphore, #tpu.memory_space<semaphore_mem>>
        tpu.enqueue_dma source(%arg30 : memref<128xf32, #tpu.memory_space<vmem>>) target(%arg8 : memref<128xf32, #tpu.memory_space<hbm>>) target_semaphore(%run_scoped3A : memref<!tpu.dma_semaphore, #tpu.memory_space<semaphore_mem>>)
        tpu.wait_dma2 semaphore(%run_scoped3A : memref<!tpu.dma_semaphore, #tpu.memory_space<semaphore_mem>>) src(%arg30 : memref<128xf32, #tpu.memory_space<vmem>>) dst(%arg8 : memref<128xf32, #tpu.memory_space<hbm>>)
        tpu.yield
      }) : () -> ()
      "tpu.region"() ({
        %run_scoped3A = tpu.sem_alloc : memref<!tpu.dma_semaphore, #tpu.memory_space<semaphore_mem>>
        tpu.enqueue_dma source(%arg31 : memref<128xi32, #tpu.memory_space<vmem>>) target(%arg9 : memref<128xi32, #tpu.memory_space<hbm>>) target_semaphore(%run_scoped3A : memref<!tpu.dma_semaphore, #tpu.memory_space<semaphore_mem>>)
        tpu.wait_dma2 semaphore(%run_scoped3A : memref<!tpu.dma_semaphore, #tpu.memory_space<semaphore_mem>>) src(%arg31 : memref<128xi32, #tpu.memory_space<vmem>>) dst(%arg9 : memref<128xi32, #tpu.memory_space<hbm>>)
        tpu.yield
      }) : () -> ()
    } else {
    }
    return
  }
}

</mosaic_0001>

<sc_bundles>
// kernel: kernel.3.cloned.1.call-start
scs
__scs_entry_jumppad:
0x0: {  	(pc) =	sbr.rel $0x88, $3  }
0x1: {  	(tag) =	ssettag $0x0;
	lr =	simm.s32 $0x1  }
0x2: {  	[smem:$0x3F9E] =	sst lr;
	_ =	strace $0xD0000000  }
0x3: {  	_ = 	snop  }
0x4: {  	_ = 	snop  }
0x5: {  	_ = 	snop  }
0x6: {  	_ = 	snop  }
0x7: {  	_ = 	snop  }
__scs_overlays_trampoline_lowered:
0x8: {  	[smem:$0x3FAD] =	sst s0  }
0x9: {  	[smem:$0x3FAE] =	sst s1  }
0xa: {  	[smem:$0x3FAF] =	sst s2  }
0xb: {  	[smem:$0x3FB0] =	sst s3  }
0xc: {  	[smem:$0x3FB1] =	sst s4  }
0xd: {  	[smem:$0x3FB2] =	sst s5  }
0xe: {  	[smem:$0x3FB3] =	sst s6  }
0xf: {  	[smem:$0x3FB4] =	sst s7  }
0x10: {  	[smem:$0x3FB5] =	sst s8  }
0x11: {  	[smem:$0x3FB6] =	sst s9;
	s0 =	simm.s32 @!p0 $0x0  }
0x12: {  	s1 =	sld [smem:$0x3F9C];
	s0 =	simm.s32 @p0 $0x1  }
0x13: {  	[smem:$0x3FB7] =	sst s0;
	s0 =	simm.s32 @!p1 $0x0  }
0x14: {  	s2 =	sld [smem:$0x3F9B];
	s0 =	simm.s32 @p1 $0x1  }
0x15: {  	[smem:$0x3FB8] =	sst s0;
	s0 =	simm.s32 @!p2 $0x0  }
0x16: {  	s3 =	sld [smem:$0x3FDB];
	s0 =	simm.s32 @p2 $0x1  }
0x17: {  	s4 =	simm.s32 $0x1BF5;
	[smem:$0x3FBA] =	sst s0  }
0x18: {  	s0 =	sld [smem:$0x3F9D];
	_ =	swait.ge [sflag:s4], $0x0  }
0x19: {  	s7 =	sld [smem:$0x3F9E]  }
0x1a: {  	s8 =	sadd.s32 $0xFFFFE003, lr  }
0x1b: {  	s9 =	sadd.s32 $0xFFFFFEF7, lr;
	s5 =	simm.s32 $0xFFFFFFFF;
	p2 =	slt.u32 s8, $0xFFFFF086  }
0x1c: {  	p1 =	slt.u32 s9, $0xF7A;
	s5 =	simm.s32 @!p2 $0x0  }
0x1d: {  	s5 =	simm.s32 @p1 $0x1;
	p0 =	seq.s32 s7, s2  }
0x1e: {  	s7 =	smul.u32 @!p0 $0xF7A, s2;
	p2 =	seq.s32 @!p0 s5, $0x0  }
0x1f: {  	s9 =	smul.u32 $0xF7A, s1;
	s8 =	simm.s32 @!p0 $0x1BF5;
	p2 =	por !p2, p0  }
0x20: {  	[sflag:s8] =	ssyncset.s32 @!p0 $0xFFFFF086;
	s6 =	sadd.s32 @!p0 s3, s7;
	s7 =	simm.s32 @!p0 $0x108  }
0x21: {  	s3 =	sadd.s32 s3, s9;
	s6 =	sadd.s32 @!p0 $0x88, s6;
	s7 =	simm.s32 @p2 $0x1082  }
0x22: {  	[simem:s7], [sflag:s8] =	dma.local @!p0 [hbm:s6], $0xF7A  }
0x23: {  	s9 =	sor.u32 $0xD0000000, s2;
	s6 =	simm.s32 $0x108;
	_ =	swait.ge @!p0 [sflag:s8], $0x0  }
0x24: {  	s3 =	sadd.s32 $0x88, s3;
	s6 =	simm.s32 @!p1 $0x1082;
	[sflag:s4] =	ssyncset.s32 $0xFFFFF086  }
0x25: {  	[simem:s6], [sflag:s4] =	dma.local [hbm:s3], $0xF7A  }
0x26: {  	[smem:$0x3F9E] =	sst s1;
	(tag) =	ssettag s2;
	_ =	strace s9  }
0x27: {  	s1 =	sld [smem:$0x3FAE]  }
0x28: {  	s2 =	sld [smem:$0x3FAF]  }
0x29: {  	s4 =	sld [smem:$0x3FB1]  }
0x2a: {  	p0 =	seq.s32 s5, $0x0;
	s5 =	sld [smem:$0x3FB2]  }
0x2b: {  	s6 =	sld [smem:$0x3FB3]  }
0x2c: {  	s7 =	sld [smem:$0x3FB4]  }
0x2d: {  	s3 =	simm.s32 $0x108;
	s8 =	sld [smem:$0x3FB5]  }
0x2e: {  	s3 =	simm.s32 @!p0 $0x1082;
	s9 =	sld [smem:$0x3FB6]  }
0x2f: {  	lr =	sadd.s32 s0, s3;
	s0 =	sld [smem:$0x3FAD]  }
0x30: {  	s3 =	sld [smem:$0x3FB0]  }
0x31: {  	[smem:$0x3FB9] =	sst s10  }
0x32: {  	s10 =	sld [smem:$0x3FB7];
	_ =	sdelay $0x3  }
0x33: {  	p0 =	seq.s32 s10, $0x1;
	s10 =	sld [smem:$0x3FB9];
	_ =	sdelay $0x3  }
0x34: {  	[smem:$0x3FB9] =	sst s10  }
0x35: {  	s10 =	sld [smem:$0x3FB8];
	_ =	sdelay $0x3  }
0x36: {  	p1 =	seq.s32 s10, $0x1;
	s10 =	sld [smem:$0x3FB9];
	_ =	sdelay $0x3  }
0x37: {  	[smem:$0x3FB9] =	sst s10  }
0x38: {  	s10 =	sld [smem:$0x3FBA]  }
0x39: {  	_ = 	snop;
	(pc) =	sbr.ind lr, $3  }
0x3a: {  	_ = 	snop  }
0x3b: {  	_ = 	snop  }
0x3c: {  	p2 =	seq.s32 s10, $0x1;
	s10 =	sld [smem:$0x3FB9]  }
0x3d: {  	_ =	shalt  }
0x3e: {  	_ =	shalt  }
0x3f: {  	_ =	shalt  }
0x40: {  	_ =	shalt  }
0x41: {  	_ =	shalt  }
0x42: {  	_ =	shalt  }
0x43: {  	_ =	shalt  }
0x44: {  	_ =	shalt  }
0x45: {  	_ =	shalt  }
0x46: {  	_ =	shalt  }
0x47: {  	_ =	shalt  }
0x48: {  	_ =	shalt  }
0x49: {  	_ =	shalt  }
0x4a: {  	_ =	shalt  }
0x4b: {  	_ =	shalt  }
0x4c: {  	_ =	shalt  }
0x4d: {  	_ =	shalt  }
0x4e: {  	_ =	shalt  }
0x4f: {  	_ =	shalt  }
0x50: {  	_ =	shalt  }
0x51: {  	_ =	shalt  }
0x52: {  	_ =	shalt  }
0x53: {  	_ =	shalt  }
0x54: {  	_ =	shalt  }
0x55: {  	_ =	shalt  }
0x56: {  	_ =	shalt  }
0x57: {  	_ =	shalt  }
0x58: {  	_ =	shalt  }
0x59: {  	_ =	shalt  }
0x5a: {  	_ =	shalt  }
0x5b: {  	_ =	shalt  }
0x5c: {  	_ =	shalt  }
0x5d: {  	_ =	shalt  }
0x5e: {  	_ =	shalt  }
0x5f: {  	_ =	shalt  }
0x60: {  	_ =	shalt  }
0x61: {  	_ =	shalt  }
0x62: {  	_ =	shalt  }
0x63: {  	_ =	shalt  }
0x64: {  	_ =	shalt  }
0x65: {  	_ =	shalt  }
0x66: {  	_ =	shalt  }
0x67: {  	_ =	shalt  }
0x68: {  	_ =	shalt  }
0x69: {  	_ =	shalt  }
0x6a: {  	_ =	shalt  }
0x6b: {  	_ =	shalt  }
0x6c: {  	_ =	shalt  }
0x6d: {  	_ =	shalt  }
0x6e: {  	_ =	shalt  }
0x6f: {  	_ =	shalt  }
0x70: {  	_ =	shalt  }
0x71: {  	_ =	shalt  }
0x72: {  	_ =	shalt  }
0x73: {  	_ =	shalt  }
0x74: {  	_ =	shalt  }
0x75: {  	_ =	shalt  }
0x76: {  	_ =	shalt  }
0x77: {  	_ =	shalt  }
0x78: {  	_ =	shalt  }
0x79: {  	_ =	shalt  }
0x7a: {  	_ =	shalt  }
0x7b: {  	_ =	shalt  }
0x7c: {  	_ =	shalt  }
0x7d: {  	_ =	shalt  }
0x7e: {  	_ =	shalt  }
0x7f: {  	_ =	shalt  }
0x80: {  	_ =	shalt  }
0x81: {  	_ =	shalt  }
0x82: {  	_ =	shalt  }
0x83: {  	_ =	shalt  }
0x84: {  	_ =	shalt  }
0x85: {  	_ =	shalt  }
0x86: {  	_ =	shalt  }
0x87: {  	_ =	shalt  }
.Lfunc_end0:
.L_simem_size_0:
called_computation_lowered:
.L_overlay_start_0:
0x88: {  	s2 =	sld [smem:$0x3FD9]  }
0x89: {  	s3 =	sld [smem:$0x3FFE];
	_ =	sdelay $0x1  }
0x8a: {  	s1 =	srdreg.scid  }
0x8b: {  	s0 =	sand.u32 $0x1, s1  }
0x8c: {  	s14 =	sshll.u32 s0, $0xA;
	s2 =	sadd.s32 s3, s2  }
0x8d: {  	s2 =	sadd.s32 s2, s14  }
0x8e: {  	[smem:$0x3FC5] =	sst s2  }
0x8f: {  	_ = 	snop  }
0x90: {  	s2 =	sld [smem:$0x3FD0];
	_ =	sdelay $0x2  }
0x91: {  	s15 =	simm.s32 $0xA;
	s4 =	simm.s32 $0x10  }
0x92: {  	[smem:s4], [sflag:s15] =	dma.local [hbm:s2], $0x1  }
0x93: {  	_ =	swait.eq [sflag:s15], $0x1  }
0x94: {  	s16 =	sld [smem:$0x10];
	[sflag:s15] =	ssyncset.done $0x0  }
0x95: {  	s17 =	sld [smem:$0x11];
	[sflag:s15] =	ssyncadd.s32 $0xFFFFFFFF  }
0x96: {  	s18 =	sld [smem:$0x12];
	(tm) =	ssettm $0x1  }
0x97: {  	s5 =	sld [smem:$0x3FFB];
	_ =	sdelay $0x3  }
0x98: {  	_ =	strace s5  }
0x99: {  	s5 =	sld [smem:$0x3FFC];
	_ =	sdelay $0x3  }
0x9a: {  	_ =	strace s5  }
0x9b: {  	s5 =	sld [smem:$0x3FFD];
	_ =	sdelay $0x3  }
0x9c: {  	_ =	strace s5  }
0x9d: {  	_ =	strace $0x8FFFFFFF  }
0x9e: {  	s19 =	sld [smem:$0x3FDB];
	_ =	sdelay $0x1  }
0x9f: {  	s6 =	simm.s32 $_scs_section_size  }
0xa0: {  	s7 =	simm.s32 $_size__tile_overlayer_lowered;
	s8 =	simm.s32 $_tile_overlayer_lowered  }
0xa1: {  	s22 =	simm.s32 $0x1BFF;
	s21 =	sshll.u32 s8, $0x1;
	s5 =	sadd.s32 s6, s19  }
0xa2: {  	s9 =	simm.s32 $0x0;
	s20 =	sshll.u32 s7, $0x1;
	s7 =	sadd.s32 s21, s5  }
0xa3: {  	[timem:s9], [sflag:s22] =	dma.local [hbm:s7], s20  }
0xa4: {  	_ =	swait.ge [sflag:s22], s20  }
0xa5: {  	s6 =	ssub.s32 $0x0, s20;
	[sflag:s22] =	ssyncset.done $0x0  }
0xa6: {  	[sflag:s22] =	ssyncadd.s32 s6;
	_ =	sdelay $0x1  }
0xa7: {  	s23 =	simm.s32 $0x1B8B  }
0xa8: {  	_ =	swait.ge [sflag:s23], $0x1  }
0xa9: {  	[sflag:s23] =	ssyncset.done $0x0  }
0xaa: {  	s25 =	simm.s32 $0x1B8E;
	s24 =	sld [smem:$0x3FFE];
	[sflag:s23] =	ssyncadd.s32 $0xFFFFFFFF  }
0xab: {  	s26 =	simm.s32 $execute0_lowered;
	[smem:$0x3FD2] =	sst s25  }
0xac: {  	s7 =	sshll.u32 s26, $0x1;
	_ =	strace $0x80000046;
	[dreg:$0x1] =	wrdreg $0xFFFFFFFF  }
0xad: {  	s28 =	simm.s32 $_size_execute0_lowered;
	s5 =	sadd.s32 s5, s7;
	[dreg:$0x0] =	wrdreg $0x0  }
0xae: {  	s7 =	sshll.u32 s28, $0x1;
	[dreg:$0x2] =	wrdreg s5  }
0xaf: {  	[dreg:$0x3] =	wrdreg s7  }
0xb0: {  	[dreg:$0x4] =	wrdreg $0xC0  }
0xb1: {  	_ =	task [dreg:s9], $0x5FFFF  }
0xb2: {  	[dreg:$0x1] =	wrdreg $0xFFFFFFFF  }
0xb3: {  	[dreg:$0x0] =	wrdreg $0x60  }
0xb4: {  	[dreg:$0x2] =	wrdreg s24  }
0xb5: {  	[dreg:$0x3] =	wrdreg s16  }
0xb6: {  	[dreg:$0x4] =	wrdreg s17  }
0xb7: {  	[dreg:$0x5] =	wrdreg s18  }
0xb8: {  	[dreg:$0x6] =	wrdreg $0x46000  }
0xb9: {  	[dreg:$0x7] =	wrdreg $0x46080  }
0xba: {  	[dreg:$0x8] =	wrdreg $0x46100  }
0xbb: {  	[dreg:$0x9] =	wrdreg $0x9  }
0xbc: {  	_ =	task.clear_ibuf [dreg:s9], $0xAFFFF;
	_ =	strace $0x90000046  }
0xbd: {  	s29 =	simm.s32 $0x9;
	_ =	strace $0x80000048  }
0xbe: {  	_ =	swait.ge [sflag:s29], $0x1  }
0xbf: {  	[sflag:s29] =	ssyncadd.s32 $0xFFFFFFFF  }
0xc0: {  	_ =	strace $0x90000048  }
0xc1: {  	_ =	sfence  }
0xc2: {  	s30 =	sld [smem:$0x0];
	_ =	sdelay $0x2  }
0xc3: {  	s31 =	sshll.u32 s1, $0xD;
	s1 =	sshrl.u32 s1, $0x2  }
0xc4: {  	s3 =	sand.u32 $0x4000, s31;
	s1 =	sadd.s32 s1, s30  }
0xc5: {  	s0 =	sor.u32 s3, s0;
	s1 =	sshll.u32 s1, $0x11  }
0xc6: {  	s0 =	sor.u32 s1, s0  }
0xc7: {  	s0 =	sadd.s32 $0x8F2B, s0  }
0xc8: {  	[sflag:s0] =	ssyncadd.remote.s32 $0x1  }
0xc9: {  	_ =	sfence.sel $0xFFFF  }
0xca: {  	[dreg:$0x0] =	wrdreg $0xFFFFFFFF;
	(pc) =	sbr.abs _section_cstart, $3  }
0xcb: {  	[dreg:$0x1] =	wrdreg $0xFFFFFFFF  }
0xcc: {  	_ =	task.clear_ibuf [dreg:s9], $0x2FFFF;
	_ =	strace $0x9FFFFFFF  }
0xcd: {  	(tm) =	ssettm $0x7FFFFFFF  }
tec
execute0_lowered:
.L_overlay_start_1:
0x0: {  	(tag) =	ssettag $0x1  }
0x1: {  	s0 =	rddreg [dreg:$0x0]  }
0x2: {  	s6 =	rddreg [dreg:$0x4]  }
0x3: {  	s7 =	rddreg [dreg:$0x5]  }
0x4: {  	s9 =	rddreg [dreg:$0x6]  }
0x5: {  	s5 =	stileid.u32;
	s1 =	srdreg.scid  }
0x6: {  	s2 =	simm.s32 $0x0;
	s25 =	simm.s32 $0x1400;
	s28 =	simm.s32 $0x1700  }
0x7: {  	s29 =	simm.s32 $0x1880;
	s30 =	simm.s32 $0x1A00;
	s31 =	simm.s32 $0x1F00  }
0x8: {  	s11 =	simm.s32 $0x4400;
	s12 =	simm.s32 $0x4480;
	s14 =	simm.s32 $0x4500  }
0x9: {  	s8 =	smul.u32 $0x500, s5;
	s1 =	sand.u32 $0x1, s1;
	[smem:$0x7FF] =	sst s2  }
0xa: {  	s22 =	sshll.u32 s5, $0x7;
	s23 =	smul.u32 $0x600, s5;
	s3 =	ssub.s32 $0x2, s1  }
0xb: {  	_ =	strace $0x80000047;
	s1 =	sor.u32 s5, s1;
	s5 =	simm.s32 $0x0  }
0xc: {  	s15 =	sshrl.u32 s8, $0x3;
	s4 =	sshrl.u32 s3, $0x1;
	s24 =	sadd.s32 $0x500, s8  }
0xd: {  	s26 =	sshrl.u32 s23, $0x2;
	s2 =	sadd.s32 s15, s0;
	s0 =	sadd.s32 $0x3200, s0  }
0xe: {  	s16 =	ssub.s32 s3, s4;
	s3 =	sadd.s32 s22, s7;
	[dreg:$0x8] =	wrdreg s0  }
0xf: {  	s23 =	simm.s32 $0x500;
	s17 =	sadd.s32 $0xA00, s2;
	[dreg:$0x10] =	wrdreg s3  }
0x10: {  	p0 =	sne.s32 s1, $0x0;
	s18 =	sadd.s32 $0x1400, s2;
	[dreg:$0x9] =	wrdreg s17  }
0x11: {  	s4 =	simm.s32 $0x1F80;
	s19 =	sadd.s32 $0x1E00, s2;
	[dreg:$0xa] =	wrdreg s18  }
0x12: {  	s7 =	simm.s32 $0x4280;
	s20 =	sadd.s32 $0x1E28, s2;
	[dreg:$0xb] =	wrdreg s19  }
0x13: {  	v0 =	vmov s24;
	s24 =	simm.s32 $0x4380;
	s21 =	sadd.s32 $0x1E50, s2;
	[dreg:$0xc] =	wrdreg s20  }
0x14: {  	s15 =	simm.s32 $0x4580;
	s10 =	sadd.s32 $0x1E78, s2;
	[dreg:$0xd] =	wrdreg s21  }
.Ltmp0:
0x15: {  	s2 =	sadd.s32 $0x2800, s2;
	[dreg:$0xe] =	wrdreg s10;
	(pc) =	sbr.rel .LBB2_1-.Ltmp0, $4  }
0x16: {  	v2 =	vlaneseq.u32;
	vm0 =	vcmask $0x3F14;
	vm1 =	vcmask $0x3F10;
	s3 =	sadd.s32 s26, s9;
	s0 =	smax.u32 s16, $0x1;
	[dreg:$0xf] =	wrdreg s2  }
0x17: {  	vm2 =	vcmask $0x3F0C;
	vm3 =	vmmov $0x1;
	v4 =	vimm.f32 $-1.000000020e+30;
	s26 =	simm.s32 $0x1580;
	s18 =	sadd.s32 s22, s6;
	[dreg:$0x11] =	wrdreg s3  }
0x18: {  	v52 =	vimm.s32 $0x63;
	v53 =	vimm.s32 $0xE3;
	v54 =	vimm.s32 $0x163;
	[dreg:$0x12] =	wrdreg s0;
	s22 =	simm.s32 $0x2;
	s2 =	simm.s32 $0x2780  }
0x19: {  	v10 =	vimm.f32 $-3.000000010e+38;
	v3 =	vmul.u32 $0x80, v2;
	v1 =	vmov s8;
	s0 =	simm.s32 $0x1;
	s3 =	simm.s32 $0x4200;
	s10 =	simm.s32 $0x4300  }
.LBB2_15:
0x1a: {  	s5 =	sadd.s32 $0x1, s5;
	s1 =	rddreg [dreg:$0x12]  }
0x1b: {  	p1 =	sne.s32 s5, s1  }
.Ltmp1:
0x1c: {  	_ = 	snop;
	(pc) =	sbr.rel @!p1 .LBB2_16-.Ltmp1, $1  }
0x1d: {  	_ =	sdelay $0x3  }
.LBB2_1:
0x1e: {  	[dreg:$0x13] =	wrdreg s5  }
0x1f: {  	s1 =	simm.s32 $0x0;
	s9 =	rddreg [dreg:$0x9]  }
0x20: {  	[tilespmem:s1], [sflag:$0x2] =	stream.linear.gather [hbm4b:s9+s1], $0x500, $0x38;
	[tilespmem:$0x4790] =	vst v63  }
0x21: {  	_ =	swait.ge [sflag:s22], $0x500  }
0x22: {  	[sflag:s22] =	ssyncset.done $0x0  }
0x23: {  	s13 =	rddreg [dreg:$0xa];
	[sflag:s22] =	ssyncadd.s32 $0xFFFFFB00  }
0x24: {  	[tilespmem:s23], [sflag:$0x2] =	stream.linear.gather [hbm4b:s13+s1], $0x500, $0x38;
	[tilespmem:$0x4790] =	vst v63  }
0x25: {  	_ =	swait.ge [sflag:s22], $0x500  }
0x26: {  	[sflag:s22] =	ssyncset.done $0x0  }
0x27: {  	s6 =	simm.s32 $0xF00;
	s16 =	rddreg [dreg:$0xb];
	[sflag:s22] =	ssyncadd.s32 $0xFFFFFB00  }
0x28: {  	[tilespmem:s6], [sflag:$0x2] =	stream.linear.gather [hbm4b:s16+s1], $0x500, $0x38;
	[tilespmem:$0x4790] =	vst v63  }
0x29: {  	_ =	swait.ge [sflag:s22], $0x500  }
0x2a: {  	[sflag:s22] =	ssyncset.done $0x0  }
0x2b: {  	[sflag:s22] =	ssyncadd.s32 $0xFFFFFB00  }
0x2c: {  	[tilespmem:s25], [sflag:$0x2] =	stream.linear.gather [hbm4b:s16+s1], $0x140, $0x38;
	[tilespmem:$0x4790] =	vst v63  }
0x2d: {  	_ =	swait.ge [sflag:s22], $0x140  }
0x2e: {  	[sflag:s22] =	ssyncset.done $0x0  }
0x2f: {  	s17 =	rddreg [dreg:$0xc];
	[sflag:s22] =	ssyncadd.s32 $0xFFFFFEC0  }
0x30: {  	[tilespmem:s26], [sflag:$0x2] =	stream.linear.gather [hbm4b:s17+s1], $0x140, $0x38;
	[tilespmem:$0x4790] =	vst v63  }
0x31: {  	_ =	swait.ge [sflag:s22], $0x140  }
0x32: {  	[sflag:s22] =	ssyncset.done $0x0  }
0x33: {  	s19 =	rddreg [dreg:$0xd];
	[sflag:s22] =	ssyncadd.s32 $0xFFFFFEC0  }
0x34: {  	[tilespmem:s28], [sflag:$0x2] =	stream.linear.gather [hbm4b:s19+s1], $0x140, $0x38;
	[tilespmem:$0x4790] =	vst v63  }
0x35: {  	_ =	swait.ge [sflag:s22], $0x140  }
0x36: {  	[sflag:s22] =	ssyncset.done $0x0  }
0x37: {  	s20 =	rddreg [dreg:$0xe];
	[sflag:s22] =	ssyncadd.s32 $0xFFFFFEC0  }
0x38: {  	[tilespmem:s29], [sflag:$0x2] =	stream.linear.gather [hbm4b:s20+s1], $0x140, $0x38;
	[tilespmem:$0x4790] =	vst v63  }
0x39: {  	_ =	swait.ge [sflag:s22], $0x140  }
0x3a: {  	[sflag:s22] =	ssyncset.done $0x0  }
0x3b: {  	s21 =	rddreg [dreg:$0xf];
	[sflag:s22] =	ssyncadd.s32 $0xFFFFFEC0  }
0x3c: {  	[tilespmem:s30], [sflag:$0x2] =	stream.linear.gather [hbm4b:s21+s1], $0x500, $0x38;
	[tilespmem:$0x4790] =	vst v63  }
0x3d: {  	_ =	swait.ge [sflag:s22], $0x500  }
0x3e: {  	[sflag:s22] =	ssyncset.done $0x0  }
0x3f: {  	s1 =	simm.s32 $0x0;
	[sflag:s22] =	ssyncadd.s32 $0xFFFFFB00  }
0x40: {  	v5 =	vld [tilespmem:s1+$0x500]  }
0x41: {  	s5 =	simm.s32 $0x40;
	v6 =	vld [tilespmem:s1+$0x0]  }
.LBB2_2:
0x42: {  	_ = 	snop  }
0x43: {  	p1 =	sne.s32 s5, $0x13C0  }
.Ltmp2:
0x44: {  	_ = 	snop;
	(pc) =	sbr.rel @p1 .LBB2_2-.Ltmp2, $4  }
0x45: {  	_ = 	snop  }
0x46: {  	s6 =	sshra.s32 s5, $0x2;
	v7 =	vsub.f32 v5, v6  }
0x47: {  	v5 =	vld [tilespmem:s6+$0x500]  }
0x48: {  	s5 =	sadd.s32 $0x40, s5;
	v6 =	vld [tilespmem:s6+$0x0];
	[tilespmem:s1+$0xA00] =	vst v7;
	s1 =	smov.u32 s6  }
0x49: {  	_ =	sdelay $0x3  }
0x4a: {  	v5 =	vsub.f32 v5, v6;
	_ =	sdelay $0x1  }
0x4b: {  	s21 =	simm.s32 $0x1400;
	[tilespmem:s1+$0xA00] =	vst v5  }
0x4c: {  	s5 =	simm.s32 $0x1880;
	v17 =	vld [tilespmem:s21+$0x0]  }
0x4d: {  	s6 =	simm.s32 $0x1700;
	v8 =	vld [tilespmem:s5+$0x0]  }
0x4e: {  	v11 =	vimm.f32 $-3.000000010e+38;
	s9 =	simm.s32 $0x1580;
	v14 =	vimm.f32 $-3.000000010e+38;
	v13 =	vld [tilespmem:s6+$0x0]  }
0x4f: {  	v12 =	vimm.f32 $-3.000000010e+38;
	v9 =	vimm.f32 $-3.000000010e+38;
	s16 =	simm.s32 $0x10;
	v7 =	vimm.s32 $0x0;
	v16 =	vld [tilespmem:s9+$0x0]  }
0x50: {  	s13 =	simm.s32 $0x3C0;
	s17 =	simm.s32 $0x1410;
	v15 =	vimm.s32 $0x0;
	v6 =	vimm.s32 $0x0;
	s1 =	simm.s32 $0x0;
	v5 =	vimm.s32 $0x0  }
.LBB2_4:
0x51: {  	s19 =	sadd.s32 $0x140, s1  }
0x52: {  	v18 =	vld [tilespmem:s17+$0x0];
	vm4 =	vgt.f32 v17, v11;
	v19 =	vor.u32 s1, v2;
	s1 =	sadd.s32 $0x280, s1;
	v20 =	vor.u32 s13, v2;
	s5 =	sadd.s32 $0x10, s5;
	v21 =	vmovc v8;
	p1 =	sne.s32 s16, $0x130  }
.Ltmp3:
0x53: {  	s6 =	sadd.s32 $0x10, s6;
	v8 =	vld [tilespmem:s5+$0x0];
	v11 =	vsel vm4, v17, v11;
	v17 =	vor.u32 s19, v2;
	v22 =	vor.u32 s1, v2;
	v23 =	vmovc v13;
	s1 =	smov.u32 s16;
	(pc) =	sbr.rel @p1 .LBB2_4-.Ltmp3, $4  }
0x54: {  	s9 =	sadd.s32 $0x10, s9;
	vm7 =	vgt.f32 v21, v9;
	v13 =	vld [tilespmem:s6+$0x0];
	vm5 =	vgt.f32 v16, v14;
	vm6 =	vgt.f32 v23, v12  }
0x55: {  	s16 =	sadd.s32 $0x10, s16;
	v9 =	vsel vm7, v21, v9;
	v14 =	vsel vm5, v16, v14;
	v16 =	vld [tilespmem:s9+$0x0];
	v12 =	vsel vm6, v23, v12  }
0x56: {  	v5 =	vsel vm7, v20, v5;
	v6 =	vsel vm5, v17, v6;
	v7 =	vsel vm6, v22, v7  }
0x57: {  	s17 =	sadd.s32 $0x10, s17;
	v15 =	vsel vm4, v19, v15;
	s13 =	sadd.s32 $0x3C0, s1;
	v17 =	vmov v18  }
0x58: {  	_ =	sdelay $0x1  }
0x59: {  	vm4 =	vgt.f32 v17, v11;
	vm5 =	vgt.f32 v16, v14  }
0x5a: {  	v18 =	vor.u32 s1, v2;
	v11 =	vsel vm4, v17, v11;
	v14 =	vsel vm5, v16, v14  }
0x5b: {  	s5 =	sadd.s32 $0x140, s1;
	vm8 =	vgt.f32 v8, v9;
	vm6 =	vgt.f32 v13, v12;
	vm7 =	vgt.f32 v14, v11  }
0x5c: {  	v59 =	vor.u32 s5, v2;
	v12 =	vsel vm6, v13, v12;
	v60 =	vsel vm7, v14, v11  }
0x5d: {  	v15 =	vsel vm4, v18, v15;
	v6 =	vsel vm5, v59, v6;
	vm4 =	vgt.f32 v12, v60  }
0x5e: {  	v8 =	vsel vm8, v8, v9;
	vm5 =	vlt.s32 v15, v6;
	v9 =	vsel vm4, v12, v60  }
0x5f: {  	s20 =	sadd.s32 $0x280, s1;
	vm9 =	veq.f32 v14, v11;
	v11 =	vsel vm5, v15, v6;
	vm5 =	vgt.f32 v8, v9  }
0x60: {  	v61 =	vor.u32 s20, v2;
	v11 =	vsel vm9, v11, v15;
	v62 =	vsel vm5, v8, v9  }
0x61: {  	v7 =	vsel vm6, v61, v7;
	v6 =	vsel vm7, v6, v11;
	(xrf0) =	vmax.scan.msk.f32 $0xffff, v62  }
0x62: {  	vm6 =	vlt.s32 v6, v7  }
0x63: {  	vm14 =	veq.f32 v12, v60;
	v11 =	vsel vm6, v6, v7  }
0x64: {  	v63 =	vor.u32 s13, v2;
	v6 =	vsel vm14, v11, v6  }
0x65: {  	v5 =	vsel vm8, v63, v5;
	v6 =	vsel vm4, v7, v6  }
0x66: {  	vm4 =	vlt.s32 v6, v5  }
0x67: {  	vm15 =	veq.f32 v8, v9;
	v7 =	vsel vm4, v6, v5;
	v8, _, _ =	vpop (xrf0)  }
0x68: {  	v6 =	vsel vm15, v7, v6;
	v7 =	vbroadcast v8, $0xF  }
0x69: {  	v5 =	vsel vm5, v5, v6  }
0x6a: {  	v5 =	vxor.u32 $0x80000000, v5;
	vm4 =	veq.f32 v62, v7  }
0x6b: {  	v5 =	vnsel vm4, $0xC0000000, v5  }
0x6c: {  	(xrf0) =	vmin.scan.msk.u32 $0xffff, v5;
	_ =	sdelay $0x5  }
0x6d: {  	v5, _, _ =	vpop (xrf0)  }
0x6e: {  	(v2sf) =	vpush v5, $0xF;
	_ =	sdelay $0xe  }
0x6f: {  	s21 =	spop (v2sf)  }
0x70: {  	s1 =	sxor.u32 $0x80000000, s21  }
0x71: {  	v5 =	vmov s1;
	_ =	sdelay $0x4  }
0x72: {  	v6 =	vld.idx.msk [tilespmem:v5+s30+$0x0], $0xffff  }
0x73: {  	s17 =	simm.s32 $0x0;
	v8 =	vld.idx.msk [tilespmem:v5+s23+$0x0], $0xffff  }
0x74: {  	v5 =	vld.idx.msk [tilespmem:v5+s17+$0x0], $0xffff;
	_ =	sdelay $0x2  }
0x75: {  	v6 =	vsel vm0, $0x0, v6  }
0x76: {  	v6 =	vsel vm1, v6, v8  }
0x77: {  	vm4 =	veq.s32 v2, $0x1;
	s1 =	sadd.s32 s8, s1;
	v5 =	vsel vm2, v6, v5  }
0x78: {  	v5 =	vsel vm4, s1, v5  }
0x79: {  	v5 =	vsel vm3, v7, v5  }
0x7a: {  	[tilespmem:$0x1F00] =	vst v5  }
0x7b: {  	[spmem:s18] =	stream.linear.scatter [tilespmem:s31], [sflag:$0x2], $0x8, $0x38;
	[tilespmem:$0x4790] =	vst v63  }
0x7c: {  	_ =	swait.ge [sflag:s22], $0x8  }
0x7d: {  	[sflag:s22] =	ssyncset.done $0x0  }
0x7e: {  	v11 =	vimm.f32 $0.0e+00;
	[sflag:s22] =	ssyncadd.s32 $0xFFFFFFF8  }
0x7f: {  	s20 =	simm.s32 $0x0;
	v6 =	vimm.f32 $0.0e+00;
	v7 =	vimm.f32 $0.0e+00;
	v5 =	vimm.f32 $0.0e+00;
	[bflag:$0x0] =	sbarrier.arrive $0xFFFF  }
.LBB2_6:
0x80: {  	(xrf2) =	vadd.scan.msk.f32 $0xffff, v7  }
0x81: {  	(xrf2) =	vadd.scan.msk.f32 $0xffff, v6  }
0x82: {  	(xrf2) =	vadd.scan.msk.f32 $0xffff, v5;
	_ =	sdelay $0x2  }
0x83: {  	s21 =	sshll.u32 s20, $0x1  }
0x84: {  	s1 =	smax.u32 s21, $0x1  }
0x85: {  	s1 =	sadd.s32 $0xFFFFFFFF, s1  }
0x86: {  	v5 =	vmov s1  }
0x87: {  	v6 =	vor.u32 $0x80, v5  }
0x88: {  	v8 =	vor.u32 $0x100, v5;
	v7, _, _ =	vpop (xrf2)  }
0x89: {  	s16 =	rddreg [dreg:$0x4];
	v9, _, _ =	vpop (xrf2);
	v7 =	vbroadcast v7, $0xF  }
0x8a: {  	[tilespmem:s4], [sflag:$0x1] =	stream.linear.gather [spmem:s16], $0x800, $0x38;
	v9 =	vbroadcast v9, $0xF;
	v12, _, _ =	vpop (xrf2);
	[tilespmem:$0x4790] =	vst v63  }
0x8b: {  	[tilespmem:v5+s2+$0x0] =	vst.idx.msk $0x1, v7;
	v5 =	vbroadcast v12, $0xF  }
0x8c: {  	[tilespmem:v6+s2+$0x0] =	vst.idx.msk $0x1, v9  }
0x8d: {  	[tilespmem:v8+s2+$0x0] =	vst.idx.msk $0x1, v5  }
0x8e: {  	_ =	swait.ge [sflag:s0], $0x800  }
0x8f: {  	[sflag:s0] =	ssyncset.done $0x0  }
0x90: {  	[sflag:s0] =	ssyncadd.s32 $0xFFFFF800  }
0x91: {  	v5 =	vld.idx.msk [tilespmem:v3+s4+$0x0], $0xffff;
	_ =	sdelay $0x4  }
0x92: {  	(xrf0) =	vmax.scan.msk.f32 $0xffff, v5;
	_ =	sdelay $0x5  }
0x93: {  	v6, _, _ =	vpop (xrf0)  }
0x94: {  	v6 =	vbroadcast v6, $0xF;
	_ =	sdelay $0x1  }
0x95: {  	vm4 =	veq.f32 v6, v5  }
0x96: {  	v5 =	vmctz.xlane vm4;
	_ =	sdelay $0x1  }
0x97: {  	v5 =	vshll.u32 v5, $0x7  }
0x98: {  	v7 =	vor.u32 $0x1, v5;
	_ =	sdelay $0x4  }
0x99: {  	v7 =	vld.idx.msk [tilespmem:v7+s4+$0x0], $0xffff;
	_ =	sdelay $0x1  }
0x9a: {  	v12 =	vmov s21  }
0x9b: {  	v15 =	vbroadcast v12, $0x0  }
0x9c: {  	v8 =	vor.u32 $0x2, v5;
	v9 =	vor.u32 $0x3, v5;
	v5 =	vor.u32 $0x4, v5  }
0x9d: {  	vm4 =	vge.s32 v7, v1;
	vm5 =	vlt.s32 v7, v0;
	v7 =	vsub.s32 v7, v1  }
0x9e: {  	vm4 =	vmand vm4, vm5;
	vm5 =	vgt.s32 v7, $0x0;
	vm6 =	vlt.u32 v7, $0x140  }
0x9f: {  	v13 =	vadd.s32 $0xFFFFFEC0, v7;
	vm4 =	vmand vm4, vm3;
	v12 =	vnsel vm5, $0x0, v7  }
0xa0: {  	vm7 =	vlt.u32 v13, $0x140;
	vm5 =	vmand vm6, vm4;
	vm6 =	vgt.s32 v13, $0x0  }
0xa1: {  	v14 =	vmin.u32 v12, $0x13F;
	v12 =	vnsel vm6, $0x0, v13;
	v13 =	vadd.s32 $0xFFFFFD80, v7  }
0xa2: {  	v5 =	vld.idx.msk [tilespmem:v5+s4+$0x0], $0xffff;
	vm6 =	vmand vm4, vm7;
	v7 =	vadd.s32 $0xFFFFFC40, v7;
	v16 =	vmin.u32 v12, $0x13F  }
0xa3: {  	vm7 =	vlt.u32 v13, $0x140;
	vm8 =	vgt.s32 v13, $0x0;
	vm15 =	vlt.u32 v7, $0x140  }
0xa4: {  	v12 =	vld.idx.msk [tilespmem:v8+s4+$0x0], $0xffff;
	vm9 =	vgt.s32 v7, $0x0;
	vm7 =	vmand vm4, vm7;
	v8 =	vnsel vm8, $0x0, v13  }
0xa5: {  	s19 =	simm.s32 $0x4180;
	vm4 =	vmand vm4, vm15;
	v7 =	vnsel vm9, $0x0, v7;
	v8 =	vmin.u32 v8, $0x13F  }
0xa6: {  	v13 =	vld.idx.msk [tilespmem:v9+s4+$0x0], $0xffff;
	[tilespmem:v15+s19+$0x0] =	vst.idx.msk $0x1, v6;
	v6 =	vmin.u32 v7, $0x13F  }
0xa7: {  	[tilespmem:v15+s3+$0x0] =	vst.idx.msk $0x1, v5  }
0xa8: {  	[tilespmem:v14+s25+$0x0] =	vst.idx.msk vm5, v4  }
0xa9: {  	[tilespmem:v16+s26+$0x0] =	vst.idx.msk vm6, v4  }
0xaa: {  	[tilespmem:v8+s28+$0x0] =	vst.idx.msk vm7, v4  }
0xab: {  	s16 =	simm.s32 $0x0;
	[tilespmem:v6+s29+$0x0] =	vst.idx.msk vm4, v4  }
0xac: {  	v5 =	vld [tilespmem:s16+$0x140]  }
0xad: {  	v6 =	vld [tilespmem:s16+$0x640];
	_ =	sdelay $0x1  }
0xae: {  	v7 =	vld [tilespmem:s16+$0xB40];
	_ =	sdelay $0x1  }
0xaf: {  	v8 =	vld [tilespmem:s16+$0x0]  }
0xb0: {  	v14 =	vsub.f32 v13, v12;
	v9 =	vld [tilespmem:s16+$0x500];
	v16 =	vmax.f32 v12, v5;
	v17 =	vmin.f32 v13, v6  }
0xb1: {  	v16 =	vsub.f32 v17, v16  }
0xb2: {  	v7 =	vadd.f32 v7, v14;
	v17 =	vld [tilespmem:s16+$0xA00]  }
0xb3: {  	v16 =	vmax.f32 v16, $0.0e+00  }
0xb4: {  	v7 =	vsub.f32 v7, v16  }
0xb5: {  	v18 =	vmax.f32 v12, v8;
	v19 =	vmin.f32 v13, v9  }
0xb6: {  	v18 =	vsub.f32 v19, v18;
	(erf) = vrcp.f32 v7  }
0xb7: {  	v7 =	vadd.f32 v17, v14  }
0xb8: {  	v17 =	vmax.f32 v18, $0.0e+00  }
0xb9: {  	v7 =	vsub.f32 v7, v17  }
0xba: {  	v21 =	vld [tilespmem:s16+$0x8C0]  }
0xbb: {  	(erf) = vrcp.f32 v7;
	v7 =	vld [tilespmem:s16+$0x3C0];
	_ =	sdelay $0x2  }
0xbc: {  	v18 =	vld [tilespmem:s16+$0xDC0]  }
0xbd: {  	v19 =	vpop (erf)  }
0xbe: {  	v22 =	vmul.f32 v19, v16;
	v16 =	vmin.f32 v13, v21;
	v19 =	vmax.f32 v12, v7  }
0xbf: {  	v16 =	vsub.f32 v16, v19  }
0xc0: {  	v19 =	vmul.f32 v22, v22  }
0xc1: {  	v18 =	vadd.f32 v18, v14  }
0xc2: {  	v20 =	vmax.f32 v16, $0.0e+00;
	v19 =	vmul.f32 $-2.000000000e+00, v19  }
0xc3: {  	v18 =	vsub.f32 v18, v20;
	v16 =	vpop (erf)  }
0xc4: {  	v23 =	vmul.f32 v16, v17;
	v16 =	vmul.f32 $1.442695020e+00, v19  }
0xc5: {  	(erf) = vrcp.f32 v18  }
0xc6: {  	v17 =	vmul.f32 v23, v23;
	(erf) = vpow2.f32 v16;
	_ =	sdelay $0x1  }
0xc7: {  	v16 =	vmul.f32 $-2.000000000e+00, v17;
	_ =	sdelay $0x1  }
0xc8: {  	v25 =	vld [tilespmem:s16+$0x1040];
	v16 =	vmul.f32 $1.442695020e+00, v16  }
0xc9: {  	v17 =	vld [tilespmem:s16+$0x1580]  }
0xca: {  	v26 =	vld [tilespmem:s16+$0xF00];
	(erf) = vpow2.f32 v16  }
0xcb: {  	s13 =	simm.s32 $0x10;
	v27 =	vld [tilespmem:s16+$0x1400]  }
0xcc: {  	v29 =	vld [tilespmem:s13+$0xB40];
	v18 =	vpop (erf)  }
0xcd: {  	v30 =	vld [tilespmem:s13+$0xA00];
	v19 =	vpop (erf)  }
0xce: {  	v16 =	vld [tilespmem:s13+$0x8C0];
	v31 =	vmul.f32 v19, v17  }
0xcf: {  	v19 =	vld [tilespmem:s13+$0x140]  }
0xd0: {  	v17 =	vld [tilespmem:s13+$0x0];
	[tilespmem:s16+$0x1580] =	vst v31  }
0xd1: {  	v32 =	vmul.f32 v18, v20;
	v18 =	vld [tilespmem:s13+$0x640]  }
0xd2: {  	v28 =	vimm.s32 $0x0;
	vm5 =	vge.f32 v22, $7.500000000e-01;
	v22 =	vmul.f32 v22, v25;
	v20 =	vld [tilespmem:s13+$0x500]  }
0xd3: {  	v29 =	vadd.f32 v29, v14;
	vm4 =	vge.f32 v23, $7.500000000e-01;
	v23 =	vmul.f32 v23, v26;
	v41 =	vld [tilespmem:s13+$0x3C0];
	v34 =	vpop (erf)  }
0xd4: {  	v24 =	vld [tilespmem:s16+$0x12C0];
	v22 =	vnsel vm5, $0x0, v22;
	v33 =	vmul.f32 v32, v32;
	v34 =	vmul.f32 v34, v27  }
0xd5: {  	v30 =	vadd.f32 v30, v14;
	v5 =	vmul.f32 v22, v5;
	v23 =	vnsel vm4, $0x0, v23;
	v27 =	vld [tilespmem:s13+$0xDC0]  }
0xd6: {  	s25 =	sand.u32 $0x1F0, s17;
	v51 =	vmul.f32 $-2.000000000e+00, v33;
	v55 =	vmax.f32 v12, v19;
	[tilespmem:s16+$0x1400] =	vst v34;
	v35 =	vmin.f32 v13, v18  }
0xd7: {  	v36 =	vmax.f32 v12, v17;
	v37 =	vmin.f32 v13, v20;
	v43 =	vld [tilespmem:s25+$0x280];
	v33 =	vsub.f32 v35, v55  }
0xd8: {  	v25 =	vmin.f32 v13, v16;
	v57 =	vmax.f32 v12, v41;
	v45 =	vld [tilespmem:s25+$0x780];
	v56 =	vsub.f32 v37, v36  }
0xd9: {  	v24 =	vmul.f32 v32, v24;
	v25 =	vsub.f32 v25, v57;
	v38 =	vmax.f32 v33, $0.0e+00  }
0xda: {  	v58 =	vld [tilespmem:s25+$0xC80];
	v27 =	vadd.f32 v27, v14;
	v39 =	vmax.f32 v56, $0.0e+00;
	v29 =	vsub.f32 v29, v38  }
0xdb: {  	vm6 =	vge.f32 v32, $7.500000000e-01;
	v40 =	vmax.f32 v25, $0.0e+00;
	v30 =	vsub.f32 v30, v39  }
0xdc: {  	v32 =	vmul.f32 $1.442695020e+00, v51;
	v27 =	vsub.f32 v27, v40;
	(erf) = vrcp.f32 v29  }
0xdd: {  	v25 =	vmax.f32 v12, v43;
	v29 =	vmin.f32 v13, v45;
	(erf) = vrcp.f32 v30  }
0xde: {  	v24 =	vnsel vm6, $0x0, v24;
	v25 =	vsub.f32 v29, v25;
	(erf) = vrcp.f32 v27  }
0xdf: {  	v7 =	vmul.f32 v24, v7;
	v26 =	vadd.f32 v58, v14;
	(erf) = vpow2.f32 v32  }
0xe0: {  	v42 =	vadd.f32 v24, v11;
	v21 =	vmul.f32 v24, v21;
	v29 =	vmax.f32 v25, $0.0e+00  }
0xe1: {  	v30 =	vadd.f32 v7, v11;
	v7 =	vmul.f32 v23, v8;
	v25 =	vsub.f32 v26, v29  }
0xe2: {  	v24 =	vadd.f32 v23, v11;
	v21 =	vadd.f32 v21, v11;
	v33 =	vimm.f32 $-3.000000010e+38  }
0xe3: {  	vm4 =	vgt.f32 v31, v33;
	v8 =	vmul.f32 v23, v9;
	(erf) = vrcp.f32 v25  }
0xe4: {  	vm5 =	vgt.f32 v34, v33;
	v26 =	vadd.f32 v5, v11;
	v5 =	vmul.f32 v22, v6;
	v6 =	vld [tilespmem:s16+$0x1880]  }
0xe5: {  	v35 =	vsel vm4, v31, v33;
	v27 =	vadd.f32 v7, v11;
	v23 =	vadd.f32 v8, v11;
	v7 =	vpop (erf)  }
0xe6: {  	v25 =	vadd.f32 v22, v11;
	v22 =	vadd.f32 v5, v11;
	v5 =	vld [tilespmem:s13+$0x12C0];
	v8 =	vmul.f32 v7, v38;
	v7 =	vpop (erf)  }
0xe7: {  	v36 =	vsel vm5, v34, v33;
	v37 =	vsel vm5, s17, v28;
	v9 =	vmul.f32 v7, v39;
	v7 =	vpop (erf)  }
0xe8: {  	v39 =	vsel vm4, s17, v28;
	v31 =	vmul.f32 v8, v8;
	v7 =	vmul.f32 v7, v40;
	v32 =	vpop (erf)  }
0xe9: {  	vm5 =	vge.f32 v8, $7.500000000e-01;
	v59 =	vmul.f32 v9, v9;
	v6 =	vmul.f32 v32, v6  }
0xea: {  	vm4 =	vge.f32 v9, $7.500000000e-01;
	v32 =	vimm.f32 $0.0e+00;
	v31 =	vmul.f32 $-2.000000000e+00, v31  }
0xeb: {  	v60 =	vld [tilespmem:s25+$0x1180];
	v5 =	vmul.f32 v7, v5;
	vm6 =	vge.f32 v7, $7.500000000e-01;
	v7 =	vmul.f32 v7, v7  }
0xec: {  	v34 =	vmul.f32 $-2.000000000e+00, v59;
	v61 =	vpop (erf);
	[tilespmem:s16+$0x1880] =	vst v6;
	vm7 =	vgt.f32 v6, v33;
	v31 =	vmul.f32 $1.442695020e+00, v31  }
0xed: {  	v44 =	vmul.f32 v61, v29;
	v46 =	vld [tilespmem:s13+$0x1040];
	v40 =	vsel vm7, v6, v33;
	v7 =	vmul.f32 $-2.000000000e+00, v7  }
0xee: {  	v47 =	vld [tilespmem:s13+$0xF00];
	v6 =	vnsel vm6, $0x0, v5;
	v38 =	vsel vm7, s17, v28;
	v34 =	vmul.f32 $1.442695020e+00, v34  }
0xef: {  	v29 =	vadd.f32 v6, v42;
	v62 =	vmul.f32 v6, v41;
	(erf) = vpow2.f32 v31  }
0xf0: {  	v5 =	vmul.f32 v44, v44;
	v31 =	vmul.f32 v44, v60;
	vm6 =	vge.f32 v44, $7.500000000e-01  }
0xf1: {  	v7 =	vmul.f32 $1.442695020e+00, v7;
	(erf) = vpow2.f32 v34;
	v30 =	vadd.f32 v62, v30  }
0xf2: {  	v5 =	vmul.f32 $-2.000000000e+00, v5;
	v63 =	vnsel vm6, $0x0, v31;
	v8 =	vmul.f32 v8, v46  }
0xf3: {  	s9 =	simm.s32 $0x10;
	v42 =	vld [tilespmem:s13+$0x1400];
	v34 =	vimm.f32 $0.0e+00;
	v9 =	vmul.f32 v9, v47;
	v41 =	vmul.f32 v63, v45  }
0xf4: {  	s6 =	simm.s32 $0x0;
	s5 =	simm.s32 $0x0;
	s19 =	simm.s32 $0x80;
	v31 =	vadd.f32 v63, v11;
	v44 =	vmul.f32 $1.442695020e+00, v5;
	v5 =	vmul.f32 v63, v43;
	v43 =	vld [tilespmem:s13+$0x1580]  }
.LBB2_7:
0xf5: {  	p1 =	sne.s32 s19, $0x4C0  }
0xf6: {  	v8 =	vnsel vm5, $0x0, v8;
	v6 =	vmul.f32 v6, v16;
	s6 =	sadd.s32 $0x1, s6;
	(erf) = vpow2.f32 v44;
	s1 =	smov.u32 s19;
	s19 =	sadd.s32 $0x40, s19  }
0xf7: {  	s25 =	sshra.s32 s1, $0x2;
	v9 =	vnsel vm4, $0x0, v9;
	v19 =	vmul.f32 v8, v19;
	v44 =	vld [tilespmem:s16+$0x1700];
	v34 =	vadd.f32 v41, v34  }
0xf8: {  	v16 =	vld [tilespmem:s25+$0x8C0];
	v24 =	vadd.f32 v9, v24;
	v46 =	vmul.f32 v9, v17;
	v9 =	vmul.f32 v9, v20  }
0xf9: {  	v25 =	vadd.f32 v8, v25;
	v8 =	vmul.f32 v8, v18;
	v41 =	vld [tilespmem:s25+$0xB40];
	v26 =	vadd.f32 v19, v26;
	v18 =	vpop (erf)  }
0xfa: {  	v45 =	vld [tilespmem:s25+$0xA00];
	v27 =	vadd.f32 v46, v27;
	v23 =	vadd.f32 v9, v23;
	v9 =	vmul.f32 v18, v43;
	v17 =	vpop (erf)  }
0xfb: {  	v21 =	vadd.f32 v6, v21;
	v22 =	vadd.f32 v8, v22;
	v19 =	vld [tilespmem:s25+$0x140];
	v42 =	vmul.f32 v17, v42  }
0xfc: {  	v17 =	vld [tilespmem:s25+$0x0];
	[tilespmem:s13+$0x1580] =	vst v9;
	vm4 =	vgt.f32 v9, v35  }
0xfd: {  	v20 =	vld [tilespmem:s25+$0x500];
	v6 =	vmin.f32 v13, v16;
	vm5 =	vgt.f32 v42, v36;
	v35 =	vsel vm4, v9, v35  }
0xfe: {  	v39 =	vsel vm4, s6, v39;
	v18 =	vld [tilespmem:s25+$0x640];
	v36 =	vsel vm5, v42, v36;
	v37 =	vsel vm5, s6, v37  }
0xff: {  	v32 =	vadd.f32 v5, v32;
	v9 =	vld [tilespmem:s25+$0x3C0];
	v5 =	vpop (erf)  }
0x100: {  	v8 =	vmax.f32 v12, v19;
	v43 =	vld [tilespmem:s25+$0xDC0];
	v5 =	vmul.f32 v5, v44  }
0x101: {  	v41 =	vadd.f32 v41, v14;
	[tilespmem:s13+$0x1400] =	vst v42  }
0x102: {  	s1 =	sand.u32 $0x1F0, s9;
	v42 =	vmax.f32 v12, v17;
	v44 =	vmin.f32 v13, v20;
	[tilespmem:s16+$0x1700] =	vst v5;
	vm4 =	vgt.f32 v5, v33;
	s16 =	smov.u32 s13;
	s13 =	smov.u32 s25  }
0x103: {  	v45 =	vadd.f32 v45, v14;
	v46 =	vmin.f32 v13, v18;
	v47 =	vld [tilespmem:s1+$0x280];
	v33 =	vsel vm4, v5, v33  }
0x104: {  	v5 =	vsub.f32 v44, v42;
	v28 =	vsel vm4, s5, v28;
	s5 =	smov.u32 s6;
	v8 =	vsub.f32 v46, v8;
	v46 =	vld [tilespmem:s1+$0x780]  }
0x105: {  	v42 =	vmax.f32 v12, v9;
	v43 =	vadd.f32 v43, v14;
	v44 =	vld [tilespmem:s1+$0xC80]  }
0x106: {  	v5 =	vmax.f32 v5, $0.0e+00;
	v6 =	vsub.f32 v6, v42;
	v8 =	vmax.f32 v8, $0.0e+00  }
0x107: {  	v42 =	vsub.f32 v45, v5;
	v41 =	vsub.f32 v41, v8  }
0x108: {  	v6 =	vmax.f32 v6, $0.0e+00;
	v45 =	vmax.f32 v12, v47  }
0x109: {  	v43 =	vsub.f32 v43, v6;
	(erf) = vrcp.f32 v41;
	v41 =	vmin.f32 v13, v46  }
0x10a: {  	(erf) = vrcp.f32 v42;
	v41 =	vsub.f32 v41, v45;
	v42 =	vadd.f32 v44, v14  }
0x10b: {  	(erf) = vrcp.f32 v43  }
0x10c: {  	v41 =	vmax.f32 v41, $0.0e+00;
	(erf) = vpow2.f32 v7  }
0x10d: {  	v7 =	vsub.f32 v42, v41;
	_ =	sdelay $0x1  }
0x10e: {  	(erf) = vrcp.f32 v7;
	_ =	sdelay $0x1  }
0x10f: {  	v7 =	vld [tilespmem:s16+$0x1880]  }
0x110: {  	v42 =	vld [tilespmem:s13+$0x12C0];
	v43 =	vpop (erf)  }
0x111: {  	v8 =	vmul.f32 v43, v8;
	v43 =	vpop (erf)  }
0x112: {  	v43 =	vmul.f32 v43, v5;
	v5 =	vpop (erf)  }
0x113: {  	v44 =	vmul.f32 v8, v8;
	vm5 =	vge.f32 v8, $7.500000000e-01;
	v5 =	vmul.f32 v5, v6;
	v6 =	vpop (erf)  }
0x114: {  	v45 =	vmul.f32 v43, v43;
	vm4 =	vge.f32 v43, $7.500000000e-01;
	v6 =	vmul.f32 v6, v7  }
0x115: {  	v7 =	vmul.f32 $-2.000000000e+00, v44;
	vm6 =	vge.f32 v5, $7.500000000e-01;
	v42 =	vmul.f32 v5, v42;
	v44 =	vld [tilespmem:s1+$0x1180]  }
0x116: {  	v5 =	vmul.f32 v5, v5;
	v45 =	vmul.f32 $-2.000000000e+00, v45;
	[tilespmem:s16+$0x1880] =	vst v6;
	vm7 =	vgt.f32 v6, v40;
	v48 =	vpop (erf)  }
0x117: {  	v49 =	vld [tilespmem:s13+$0x1040];
	v7 =	vmul.f32 $1.442695020e+00, v7;
	v41 =	vmul.f32 v48, v41;
	v40 =	vsel vm7, v6, v40  }
0x118: {  	v5 =	vmul.f32 $-2.000000000e+00, v5;
	v38 =	vsel vm7, s6, v38;
	v45 =	vmul.f32 $1.442695020e+00, v45  }
0x119: {  	v6 =	vnsel vm6, $0x0, v42;
	v48 =	vld [tilespmem:s13+$0xF00];
	(erf) = vpow2.f32 v7;
	v42 =	vmul.f32 v41, v41  }
.Ltmp4:
0x11a: {  	v29 =	vadd.f32 v6, v29;
	(erf) = vpow2.f32 v45;
	v44 =	vmul.f32 v41, v44;
	(pc) =	sbr.rel @p1 .LBB2_7-.Ltmp4, $4  }
0x11b: {  	v7 =	vmul.f32 $1.442695020e+00, v5;
	vm6 =	vge.f32 v41, $7.500000000e-01;
	v5 =	vmul.f32 $-2.000000000e+00, v42  }
0x11c: {  	v41 =	vmul.f32 v6, v9;
	v8 =	vmul.f32 v8, v49;
	v45 =	vnsel vm6, $0x0, v44  }
0x11d: {  	v42 =	vld [tilespmem:s13+$0x1400];
	v44 =	vmul.f32 $1.442695020e+00, v5;
	v31 =	vadd.f32 v45, v31;
	v5 =	vmul.f32 v45, v47  }
0x11e: {  	s9 =	sadd.s32 $0x10, s9;
	v30 =	vadd.f32 v41, v30;
	v41 =	vmul.f32 v45, v46;
	v9 =	vmul.f32 v43, v48;
	v43 =	vld [tilespmem:s13+$0x1580]  }
0x11f: {  	(erf) = vpow2.f32 v44;
	_ =	sdelay $0x4  }
0x120: {  	v49 =	vld [tilespmem:s16+$0x1700];
	_ =	sdelay $0x1  }
0x121: {  	v45 =	vpop (erf)  }
0x122: {  	v43 =	vmul.f32 v45, v43;
	v50 =	vpop (erf)  }
0x123: {  	v42 =	vmul.f32 v50, v42;
	v51 =	vpop (erf)  }
0x124: {  	[tilespmem:s13+$0x1580] =	vst v43;
	v44 =	vmul.f32 v51, v49  }
0x125: {  	[tilespmem:s13+$0x1400] =	vst v42  }
0x126: {  	s1 =	sand.u32 $0x1F0, s9;
	[tilespmem:s16+$0x1700] =	vst v44  }
0x127: {  	v55 =	vld [tilespmem:s1+$0x280]  }
0x128: {  	v46 =	vld [tilespmem:s1+$0x780];
	_ =	sdelay $0x1  }
0x129: {  	v47 =	vld [tilespmem:s1+$0xC80];
	_ =	sdelay $0x2  }
0x12a: {  	v12 =	vmax.f32 v12, v55;
	v13 =	vmin.f32 v13, v46  }
0x12b: {  	v12 =	vsub.f32 v13, v12  }
0x12c: {  	v13 =	vadd.f32 v47, v14  }
0x12d: {  	v12 =	vmax.f32 v12, $0.0e+00  }
0x12e: {  	v13 =	vsub.f32 v13, v12  }
0x12f: {  	(erf) = vpow2.f32 v7  }
0x130: {  	(erf) = vrcp.f32 v13;
	_ =	sdelay $0x7  }
0x131: {  	v7 =	vpop (erf)  }
0x132: {  	v13 =	vpop (erf)  }
0x133: {  	v56 =	vmul.f32 v13, v12;
	_ =	sdelay $0x1  }
0x134: {  	v12 =	vmul.f32 v56, v56;
	_ =	sdelay $0x1  }
0x135: {  	v12 =	vmul.f32 $-2.000000000e+00, v12;
	_ =	sdelay $0x1  }
0x136: {  	v12 =	vmul.f32 $1.442695020e+00, v12;
	_ =	sdelay $0x1  }
0x137: {  	(erf) = vpow2.f32 v12;
	_ =	sdelay $0x3  }
0x138: {  	v13 =	vld [tilespmem:s13+$0x1880]  }
0x139: {  	v12 =	vld [tilespmem:s13+$0x1700];
	_ =	sdelay $0x2  }
0x13a: {  	s19 =	sadd.s32 $0x1, s6;
	vm6 =	vgt.f32 v43, v35;
	vm7 =	vgt.f32 v42, v36;
	vm8 =	vgt.f32 v44, v33  }
0x13b: {  	v58 =	vsel vm6, s19, v39;
	v33 =	vsel vm8, v44, v33;
	v7 =	vmul.f32 v7, v13;
	v13 =	vpop (erf)  }
0x13c: {  	v28 =	vsel vm8, s5, v28;
	v14 =	vsel vm6, v43, v35;
	v57 =	vmul.f32 v13, v12  }
0x13d: {  	v13 =	vsel vm7, v42, v36;
	v12 =	vsel vm7, s19, v37;
	vm7 =	vgt.f32 v7, v40  }
0x13e: {  	v36 =	vshll.u32 v58, $0x4;
	v37 =	vshll.u32 v12, $0x4;
	v12 =	vor.u32 $0x140, v2  }
0x13f: {  	v48 =	vld [tilespmem:s1+$0x1180];
	[tilespmem:s13+$0x1880] =	vst v7;
	vm14 =	vgt.f32 v14, v13;
	v7 =	vsel vm7, v7, v40;
	vm6 =	vgt.f32 v57, v33  }
0x140: {  	vm15 =	veq.f32 v14, v13;
	v59 =	vsel vm14, v14, v13;
	v33 =	vsel vm6, v57, v33  }
0x141: {  	v37 =	vor.u32 v2, v37;
	v36 =	vadd.s32 v12, v36;
	vm10 =	vgt.f32 v33, v59  }
0x142: {  	vm9 =	vlt.s32 v37, v36;
	v13 =	vsel vm6, s19, v28;
	v61 =	vsel vm10, v33, v59  }
0x143: {  	v60 =	vsel vm9, v37, v36;
	v28 =	vshll.u32 v13, $0x4;
	vm6 =	vgt.f32 v7, v61  }
0x144: {  	v13 =	vor.u32 $0x280, v2;
	v14 =	vsel vm15, v60, v37;
	v62 =	vsel vm6, v7, v61  }
0x145: {  	v28 =	vadd.s32 v13, v28;
	v14 =	vsel vm14, v36, v14;
	(xrf0) =	vmax.scan.msk.f32 $0xffff, v62  }
0x146: {  	vm8 =	vlt.s32 v14, v28  }
0x147: {  	v63 =	vsel vm7, s19, v38;
	vm7 =	veq.f32 v33, v59;
	v40 =	vsel vm8, v14, v28  }
0x148: {  	v36 =	vshll.u32 v63, $0x4;
	v33 =	vsel vm7, v40, v14;
	v14 =	vor.u32 $0x3C0, v2  }
0x149: {  	v28 =	vsel vm10, v28, v33;
	v43 =	vadd.s32 v14, v36  }
0x14a: {  	vm7 =	vlt.s32 v28, v43  }
0x14b: {  	vm12 =	veq.f32 v7, v61;
	v7 =	vsel vm7, v28, v43;
	v44, _, _ =	vpop (xrf0)  }
0x14c: {  	v7 =	vsel vm12, v7, v28;
	v28 =	vbroadcast v44, $0xF  }
0x14d: {  	v7 =	vsel vm6, v43, v7  }
0x14e: {  	v7 =	vxor.u32 $0x80000000, v7;
	vm6 =	veq.f32 v62, v28  }
0x14f: {  	v7 =	vnsel vm6, $0xC0000000, v7  }
0x150: {  	(xrf0) =	vmin.scan.msk.u32 $0xffff, v7;
	_ =	sdelay $0x5  }
0x151: {  	v7, _, _ =	vpop (xrf0)  }
0x152: {  	(v2sf) =	vpush v7, $0xF;
	_ =	sdelay $0xe  }
0x153: {  	s25 =	spop (v2sf)  }
0x154: {  	s1 =	sxor.u32 $0x80000000, s25  }
0x155: {  	v7 =	vmov s1;
	_ =	sdelay $0x3  }
0x156: {  	[tilespmem:s13+$0x1700] =	vst v57  }
0x157: {  	v49 =	vld.idx.msk [tilespmem:v7+s30+$0x0], $0xffff  }
0x158: {  	v8 =	vnsel vm5, $0x0, v8;
	v5 =	vadd.f32 v5, v32;
	s13 =	simm.s32 $0x0;
	v35 =	vld.idx.msk [tilespmem:v7+s23+$0x0], $0xffff  }
0x159: {  	v9 =	vnsel vm4, $0x0, v9;
	v19 =	vmul.f32 v8, v19;
	v34 =	vadd.f32 v41, v34;
	v7 =	vld.idx.msk [tilespmem:v7+s13+$0x0], $0xffff  }
0x15a: {  	v24 =	vadd.f32 v9, v24;
	v17 =	vmul.f32 v9, v17;
	v9 =	vmul.f32 v9, v20  }
0x15b: {  	v20 =	vadd.f32 v8, v25;
	v8 =	vmul.f32 v8, v18;
	v19 =	vadd.f32 v19, v26  }
0x15c: {  	v17 =	vadd.f32 v17, v27;
	v18 =	vmul.f32 v56, v48;
	v25 =	vsel vm0, $0x0, v49  }
0x15d: {  	v9 =	vadd.f32 v9, v23;
	vm4 =	vge.f32 v56, $7.500000000e-01;
	v23 =	vsel vm1, v25, v35  }
0x15e: {  	v18 =	vnsel vm4, $0x0, v18;
	vm4 =	veq.s32 v2, $0x1;
	s1 =	sadd.s32 s8, s1;
	v7 =	vsel vm2, v23, v7  }
0x15f: {  	v8 =	vadd.f32 v8, v22;
	v22 =	vmul.f32 v18, v46;
	v7 =	vsel vm4, s1, v7  }
0x160: {  	v23 =	vadd.f32 v18, v31;
	v18 =	vmul.f32 v18, v55;
	v7 =	vsel vm3, v28, v7  }
0x161: {  	v20 =	vadd.f32 v20, v24;
	v8 =	vadd.f32 v8, v9;
	s5 =	rddreg [dreg:$0x10];
	[tilespmem:$0x1F00] =	vst v7  }
0x162: {  	v6 =	vmul.f32 v6, v16;
	v5 =	vadd.f32 v18, v5;
	v7 =	vadd.f32 v19, v17;
	[spmem:s5] =	stream.linear.scatter [tilespmem:s31], [sflag:$0x2], $0x8, $0x38;
	[tilespmem:$0x4790] =	vst v63  }
0x163: {  	v22 =	vadd.f32 v22, v34;
	v9 =	vadd.f32 v23, v20;
	_ =	swait.ge [sflag:s22], $0x8  }
0x164: {  	v6 =	vadd.f32 v6, v21;
	v5 =	vadd.f32 v5, v7;
	[sflag:s22] =	ssyncset.done $0x0  }
0x165: {  	v7 =	vadd.f32 v22, v8;
	v8 =	vadd.f32 v29, v9;
	[sflag:s22] =	ssyncadd.s32 $0xFFFFFFF8  }
0x166: {  	v5 =	vadd.f32 v30, v5;
	[bflag:$0x0] =	sbarrier.arrive $0xFFFF  }
0x167: {  	v6 =	vadd.f32 v6, v7;
	(xrf2) =	vadd.scan.msk.f32 $0xffff, v8  }
0x168: {  	(xrf2) =	vadd.scan.msk.f32 $0xffff, v5  }
0x169: {  	(xrf2) =	vadd.scan.msk.f32 $0xffff, v6;
	_ =	sdelay $0x6  }
0x16a: {  	v5 =	vor.u32 $0x80, v15  }
0x16b: {  	v7 =	vor.u32 $0x100, v15;
	v6, _, _ =	vpop (xrf2)  }
0x16c: {  	s6 =	rddreg [dreg:$0x5];
	v8, _, _ =	vpop (xrf2);
	v6 =	vbroadcast v6, $0xF  }
0x16d: {  	[tilespmem:s4], [sflag:$0x1] =	stream.linear.gather [spmem:s6], $0x800, $0x38;
	v8 =	vbroadcast v8, $0xF;
	v9, _, _ =	vpop (xrf2);
	[tilespmem:$0x4790] =	vst v63  }
0x16e: {  	[tilespmem:v15+s2+$0x0] =	vst.idx.msk $0x1, v6;
	v6 =	vbroadcast v9, $0xF  }
0x16f: {  	[tilespmem:v5+s2+$0x0] =	vst.idx.msk $0x1, v8  }
0x170: {  	[tilespmem:v7+s2+$0x0] =	vst.idx.msk $0x1, v6  }
0x171: {  	_ =	swait.ge [sflag:s0], $0x800  }
0x172: {  	[sflag:s0] =	ssyncset.done $0x0  }
0x173: {  	[sflag:s0] =	ssyncadd.s32 $0xFFFFF800  }
0x174: {  	v5 =	vld.idx.msk [tilespmem:v3+s4+$0x0], $0xffff;
	_ =	sdelay $0x4  }
0x175: {  	(xrf0) =	vmax.scan.msk.f32 $0xffff, v5;
	_ =	sdelay $0x5  }
0x176: {  	v6, _, _ =	vpop (xrf0)  }
0x177: {  	v6 =	vbroadcast v6, $0xF;
	_ =	sdelay $0x1  }
0x178: {  	vm4 =	veq.f32 v6, v5  }
0x179: {  	v5 =	vmctz.xlane vm4;
	_ =	sdelay $0x1  }
0x17a: {  	v5 =	vshll.u32 v5, $0x7  }
0x17b: {  	v7 =	vor.u32 $0x1, v5;
	_ =	sdelay $0x4  }
0x17c: {  	v7 =	vld.idx.msk [tilespmem:v7+s4+$0x0], $0xffff;
	_ =	sdelay $0x1  }
0x17d: {  	s9 =	sor.u32 $0x1, s21  }
0x17e: {  	v15 =	vmov s9  }
0x17f: {  	v8 =	vor.u32 $0x2, v5;
	v9 =	vor.u32 $0x3, v5;
	v5 =	vor.u32 $0x4, v5  }
0x180: {  	vm4 =	vge.s32 v7, v1;
	vm5 =	vlt.s32 v7, v0;
	v7 =	vsub.s32 v7, v1  }
0x181: {  	vm4 =	vmand vm4, vm5;
	vm5 =	vgt.s32 v7, $0x0;
	vm6 =	vlt.u32 v7, $0x140  }
0x182: {  	v17 =	vadd.s32 $0xFFFFFEC0, v7;
	v18 =	vadd.s32 $0xFFFFFD80, v7;
	vm4 =	vmand vm4, vm3  }
0x183: {  	v16 =	vnsel vm5, $0x0, v7;
	vm7 =	vlt.u32 v17, $0x140;
	vm13 =	vgt.s32 v18, $0x0  }
0x184: {  	v7 =	vadd.s32 $0xFFFFFC40, v7;
	vm5 =	vmand vm6, vm4;
	v16 =	vmin.u32 v16, $0x13F  }
0x185: {  	v5 =	vld.idx.msk [tilespmem:v5+s4+$0x0], $0xffff;
	vm6 =	vgt.s32 v17, $0x0;
	vm14 =	vlt.u32 v7, $0x140;
	vm15 =	vgt.s32 v7, $0x0  }
0x186: {  	v17 =	vnsel vm6, $0x0, v17;
	vm6 =	vmand vm4, vm7;
	vm7 =	vlt.u32 v18, $0x140  }
0x187: {  	v19 =	vmin.u32 v17, $0x13F;
	vm7 =	vmand vm4, vm7;
	v17 =	vld.idx.msk [tilespmem:v8+s4+$0x0], $0xffff;
	v8 =	vnsel vm13, $0x0, v18  }
0x188: {  	s16 =	simm.s32 $0x4180;
	v7 =	vnsel vm15, $0x0, v7;
	vm4 =	vmand vm4, vm14;
	v8 =	vmin.u32 v8, $0x13F  }
0x189: {  	v18 =	vld.idx.msk [tilespmem:v9+s4+$0x0], $0xffff;
	[tilespmem:v15+s16+$0x0] =	vst.idx.msk $0x1, v6;
	v6 =	vmin.u32 v7, $0x13F  }
0x18a: {  	s25 =	simm.s32 $0x1400;
	[tilespmem:v15+s3+$0x0] =	vst.idx.msk $0x1, v5  }
0x18b: {  	[tilespmem:v16+s25+$0x0] =	vst.idx.msk vm5, v4  }
0x18c: {  	[tilespmem:v19+s26+$0x0] =	vst.idx.msk vm6, v4  }
0x18d: {  	[tilespmem:v8+s28+$0x0] =	vst.idx.msk vm7, v4  }
0x18e: {  	s16 =	simm.s32 $0x0;
	[tilespmem:v6+s29+$0x0] =	vst.idx.msk vm4, v4  }
0x18f: {  	v5 =	vld [tilespmem:s16+$0x140]  }
0x190: {  	v6 =	vld [tilespmem:s16+$0x640];
	_ =	sdelay $0x1  }
0x191: {  	v7 =	vld [tilespmem:s16+$0xB40];
	_ =	sdelay $0x1  }
0x192: {  	v8 =	vld [tilespmem:s16+$0x0]  }
0x193: {  	v23 =	vsub.f32 v18, v17;
	v9 =	vld [tilespmem:s16+$0x500];
	v15 =	vmax.f32 v17, v5;
	v16 =	vmin.f32 v18, v6  }
0x194: {  	v15 =	vsub.f32 v16, v15  }
0x195: {  	v7 =	vadd.f32 v7, v23;
	v16 =	vld [tilespmem:s16+$0xA00]  }
0x196: {  	v15 =	vmax.f32 v15, $0.0e+00  }
0x197: {  	v7 =	vsub.f32 v7, v15  }
0x198: {  	v19 =	vmax.f32 v17, v8;
	v20 =	vmin.f32 v18, v9  }
0x199: {  	v19 =	vsub.f32 v20, v19;
	(erf) = vrcp.f32 v7  }
0x19a: {  	v7 =	vadd.f32 v16, v23  }
0x19b: {  	v16 =	vmax.f32 v19, $0.0e+00  }
0x19c: {  	v7 =	vsub.f32 v7, v16  }
0x19d: {  	v24 =	vld [tilespmem:s16+$0x8C0]  }
0x19e: {  	(erf) = vrcp.f32 v7;
	v7 =	vld [tilespmem:s16+$0x3C0];
	_ =	sdelay $0x2  }
0x19f: {  	v19 =	vld [tilespmem:s16+$0xDC0]  }
0x1a0: {  	v20 =	vpop (erf)  }
0x1a1: {  	v25 =	vmul.f32 v20, v15;
	v15 =	vmin.f32 v18, v24;
	v20 =	vmax.f32 v17, v7  }
0x1a2: {  	v15 =	vsub.f32 v15, v20  }
0x1a3: {  	v20 =	vmul.f32 v25, v25  }
0x1a4: {  	v19 =	vadd.f32 v19, v23  }
0x1a5: {  	v22 =	vmax.f32 v15, $0.0e+00;
	v20 =	vmul.f32 $-2.000000000e+00, v20  }
0x1a6: {  	v19 =	vsub.f32 v19, v22;
	v15 =	vpop (erf)  }
0x1a7: {  	v26 =	vmul.f32 v15, v16;
	v15 =	vmul.f32 $1.442695020e+00, v20  }
0x1a8: {  	(erf) = vrcp.f32 v19  }
0x1a9: {  	v16 =	vmul.f32 v26, v26;
	(erf) = vpow2.f32 v15;
	_ =	sdelay $0x1  }
0x1aa: {  	v15 =	vmul.f32 $-2.000000000e+00, v16  }
0x1ab: {  	v27 =	vld [tilespmem:s16+$0x12C0]  }
0x1ac: {  	v28 =	vld [tilespmem:s16+$0x1040];
	v15 =	vmul.f32 $1.442695020e+00, v15  }
0x1ad: {  	v16 =	vld [tilespmem:s16+$0x1580]  }
0x1ae: {  	v29 =	vld [tilespmem:s16+$0xF00];
	(erf) = vpow2.f32 v15  }
0x1af: {  	s21 =	simm.s32 $0x10;
	v30 =	vld [tilespmem:s16+$0x1400]  }
0x1b0: {  	v31 =	vld [tilespmem:s21+$0xB40];
	v19 =	vpop (erf)  }
0x1b1: {  	v21 =	vld [tilespmem:s21+$0x140];
	v20 =	vpop (erf)  }
0x1b2: {  	v50 =	vld [tilespmem:s21+$0xA00];
	v33 =	vmul.f32 v20, v16  }
0x1b3: {  	v15 =	vld [tilespmem:s21+$0x8C0]  }
0x1b4: {  	v51 =	vmul.f32 v19, v22;
	v19 =	vld [tilespmem:s21+$0x0];
	[tilespmem:s16+$0x1580] =	vst v33  }
0x1b5: {  	v36 =	vimm.f32 $-3.000000010e+38;
	v20 =	vld [tilespmem:s21+$0x640]  }
0x1b6: {  	v59 =	vmax.f32 v17, v21;
	vm5 =	vge.f32 v25, $7.500000000e-01;
	v25 =	vmul.f32 v25, v28;
	v22 =	vld [tilespmem:s21+$0x500]  }
0x1b7: {  	v31 =	vadd.f32 v31, v23;
	vm4 =	vge.f32 v26, $7.500000000e-01;
	v26 =	vmul.f32 v26, v29;
	v42 =	vld [tilespmem:s21+$0x3C0];
	v56 =	vpop (erf)  }
0x1b8: {  	v32 =	vadd.f32 v50, v23;
	v25 =	vnsel vm5, $0x0, v25;
	v58 =	vmul.f32 v56, v30  }
0x1b9: {  	v26 =	vnsel vm4, $0x0, v26;
	v55 =	vmul.f32 v51, v51;
	v16 =	vimm.f32 $0.0e+00;
	v30 =	vld [tilespmem:s21+$0xDC0]  }
0x1ba: {  	s19 =	sand.u32 $0x1F0, s13;
	v27 =	vmul.f32 v51, v27;
	vm6 =	vge.f32 v51, $7.500000000e-01;
	[tilespmem:s16+$0x1400] =	vst v58;
	v60 =	vmin.f32 v18, v20  }
0x1bb: {  	v61 =	vmax.f32 v17, v19;
	v62 =	vmin.f32 v18, v22;
	v45 =	vld [tilespmem:s19+$0x280];
	v35 =	vsub.f32 v60, v59  }
0x1bc: {  	v28 =	vmin.f32 v18, v15;
	v44 =	vmax.f32 v17, v42;
	v47 =	vld [tilespmem:s19+$0x780];
	v63 =	vsub.f32 v62, v61  }
0x1bd: {  	v57 =	vmul.f32 $-2.000000000e+00, v55;
	v28 =	vsub.f32 v28, v44;
	v48 =	vmax.f32 v35, $0.0e+00  }
0x1be: {  	v46 =	vld [tilespmem:s19+$0xC80];
	v30 =	vadd.f32 v30, v23;
	v49 =	vmax.f32 v63, $0.0e+00;
	v31 =	vsub.f32 v31, v48  }
0x1bf: {  	v27 =	vnsel vm6, $0x0, v27;
	v50 =	vmax.f32 v28, $0.0e+00;
	v32 =	vsub.f32 v32, v49  }
0x1c0: {  	vm4 =	vgt.f32 v33, v36;
	v30 =	vsub.f32 v30, v50;
	(erf) = vrcp.f32 v31  }
0x1c1: {  	v28 =	vmax.f32 v17, v45;
	v31 =	vmin.f32 v18, v47;
	(erf) = vrcp.f32 v32  }
0x1c2: {  	v43 =	vadd.f32 v27, v16;
	v34 =	vmul.f32 $1.442695020e+00, v57;
	v28 =	vsub.f32 v31, v28  }
0x1c3: {  	v7 =	vmul.f32 v27, v7;
	v29 =	vadd.f32 v46, v23;
	(erf) = vrcp.f32 v30  }
0x1c4: {  	v24 =	vmul.f32 v27, v24;
	v31 =	vmax.f32 v28, $0.0e+00;
	(erf) = vpow2.f32 v34  }
0x1c5: {  	v32 =	vadd.f32 v7, v16;
	v7 =	vmul.f32 v26, v8;
	v27 =	vsub.f32 v29, v31  }
0x1c6: {  	v5 =	vmul.f32 v25, v5;
	v40 =	vsel vm4, v33, v36  }
0x1c7: {  	v24 =	vadd.f32 v24, v16;
	vm5 =	vgt.f32 v58, v36;
	(erf) = vrcp.f32 v27  }
0x1c8: {  	v39 =	vsel vm5, v58, v36;
	v28 =	vadd.f32 v5, v16;
	v5 =	vmul.f32 v25, v6  }
0x1c9: {  	v35 =	vimm.s32 $0x0;
	v8 =	vmul.f32 v26, v9;
	v6 =	vld [tilespmem:s16+$0x1880];
	v29 =	vadd.f32 v7, v16;
	v7 =	vpop (erf)  }
0x1ca: {  	v30 =	vadd.f32 v26, v16;
	v26 =	vadd.f32 v5, v16;
	v5 =	vld [tilespmem:s21+$0x12C0];
	v9 =	vmul.f32 v7, v48;
	v7 =	vpop (erf)  }
0x1cb: {  	v38 =	vsel vm5, s13, v35;
	v41 =	vsel vm4, s13, v35;
	v34 =	vmul.f32 v7, v49  }
0x1cc: {  	v27 =	vadd.f32 v25, v16;
	v25 =	vadd.f32 v8, v16;
	v7 =	vpop (erf);
	v8 =	vmul.f32 v9, v9  }
0x1cd: {  	v7 =	vmul.f32 v7, v50;
	v51 =	vpop (erf);
	vm4 =	vge.f32 v9, $7.500000000e-01;
	v55 =	vmul.f32 v34, v34  }
0x1ce: {  	v57 =	vld [tilespmem:s19+$0x1180];
	v6 =	vmul.f32 v51, v6;
	vm5 =	vge.f32 v34, $7.500000000e-01;
	v8 =	vmul.f32 $-2.000000000e+00, v8  }
0x1cf: {  	v56 =	vmul.f32 v7, v5;
	v58 =	vmul.f32 v7, v7;
	vm6 =	vge.f32 v7, $7.500000000e-01  }
0x1d0: {  	v5 =	vmul.f32 $-2.000000000e+00, v55;
	[tilespmem:s16+$0x1880] =	vst v6;
	v59 =	vpop (erf);
	vm7 =	vgt.f32 v6, v36;
	v7 =	vmul.f32 $1.442695020e+00, v8  }
0x1d1: {  	v60 =	vld [tilespmem:s21+$0x1040];
	v46 =	vmul.f32 v59, v31;
	v49 =	vmul.f32 $-2.000000000e+00, v58;
	v37 =	vsel vm7, s13, v35  }
0x1d2: {  	v50 =	vld [tilespmem:s21+$0xF00];
	v8 =	vmul.f32 $1.442695020e+00, v5;
	v5 =	vsel vm7, v6, v36;
	(erf) = vpow2.f32 v7  }
0x1d3: {  	v6 =	vmul.f32 v46, v46;
	v7 =	vnsel vm6, $0x0, v56;
	v61 =	vmul.f32 v46, v57  }
0x1d4: {  	vm6 =	vge.f32 v46, $7.500000000e-01;
	(erf) = vpow2.f32 v8;
	v31 =	vadd.f32 v7, v43  }
0x1d5: {  	v8 =	vmul.f32 $1.442695020e+00, v49;
	v62 =	vmul.f32 v7, v42;
	v63 =	vnsel vm6, $0x0, v61  }
0x1d6: {  	v6 =	vmul.f32 $-2.000000000e+00, v6;
	v9 =	vmul.f32 v9, v60;
	v33 =	vadd.f32 v63, v16  }
0x1d7: {  	v44 =	vld [tilespmem:s21+$0x1400];
	v42 =	vmul.f32 v34, v50;
	v32 =	vadd.f32 v62, v32;
	v43 =	vmul.f32 v63, v47  }
0x1d8: {  	s5 =	simm.s32 $0x0;
	s6 =	simm.s32 $0x10;
	s9 =	simm.s32 $0x80;
	v34 =	vimm.f32 $0.0e+00;
	v46 =	vmul.f32 $1.442695020e+00, v6;
	v6 =	vmul.f32 v63, v45;
	v45 =	vld [tilespmem:s21+$0x1580]  }
.LBB2_9:
0x1d9: {  	p1 =	sne.s32 s9, $0x4C0  }
0x1da: {  	v9 =	vnsel vm4, $0x0, v9;
	v7 =	vmul.f32 v7, v15;
	s13 =	sadd.s32 $0x1, s13;
	(erf) = vpow2.f32 v46;
	s1 =	smov.u32 s9;
	s9 =	sadd.s32 $0x40, s9  }
0x1db: {  	s19 =	sshra.s32 s1, $0x2;
	v42 =	vnsel vm5, $0x0, v42;
	v21 =	vmul.f32 v9, v21;
	v46 =	vld [tilespmem:s16+$0x1700];
	v16 =	vadd.f32 v43, v16  }
0x1dc: {  	v15 =	vld [tilespmem:s19+$0x8C0];
	v30 =	vadd.f32 v42, v30;
	v47 =	vmul.f32 v42, v19;
	v22 =	vmul.f32 v42, v22  }
0x1dd: {  	v27 =	vadd.f32 v9, v27;
	v9 =	vmul.f32 v9, v20;
	v42 =	vld [tilespmem:s19+$0xB40];
	v28 =	vadd.f32 v21, v28;
	v20 =	vpop (erf)  }
0x1de: {  	v43 =	vld [tilespmem:s19+$0xA00];
	v29 =	vadd.f32 v47, v29;
	v25 =	vadd.f32 v22, v25;
	v20 =	vmul.f32 v20, v45;
	v19 =	vpop (erf)  }
0x1df: {  	v24 =	vadd.f32 v7, v24;
	v26 =	vadd.f32 v9, v26;
	v21 =	vld [tilespmem:s19+$0x140];
	v44 =	vmul.f32 v19, v44  }
0x1e0: {  	v19 =	vld [tilespmem:s19+$0x0];
	[tilespmem:s21+$0x1580] =	vst v20;
	vm4 =	vgt.f32 v20, v40  }
0x1e1: {  	v22 =	vld [tilespmem:s19+$0x500];
	v7 =	vmin.f32 v18, v15;
	vm5 =	vgt.f32 v44, v39;
	v40 =	vsel vm4, v20, v40  }
0x1e2: {  	v41 =	vsel vm4, s13, v41;
	v20 =	vld [tilespmem:s19+$0x640];
	v39 =	vsel vm5, v44, v39;
	v38 =	vsel vm5, s13, v38  }
0x1e3: {  	v34 =	vadd.f32 v6, v34;
	v45 =	vld [tilespmem:s19+$0x3C0];
	v6 =	vpop (erf)  }
0x1e4: {  	v9 =	vmax.f32 v17, v21;
	v47 =	vld [tilespmem:s19+$0xDC0];
	v6 =	vmul.f32 v6, v46  }
0x1e5: {  	v42 =	vadd.f32 v42, v23;
	[tilespmem:s21+$0x1400] =	vst v44  }
0x1e6: {  	s1 =	sand.u32 $0x1F0, s6;
	v44 =	vmax.f32 v17, v19;
	v46 =	vmin.f32 v18, v22;
	[tilespmem:s16+$0x1700] =	vst v6;
	vm4 =	vgt.f32 v6, v36;
	s16 =	smov.u32 s21;
	s21 =	smov.u32 s19  }
0x1e7: {  	v43 =	vadd.f32 v43, v23;
	v48 =	vmin.f32 v18, v20;
	v49 =	vld [tilespmem:s1+$0x280];
	v36 =	vsel vm4, v6, v36  }
0x1e8: {  	v6 =	vsub.f32 v46, v44;
	v35 =	vsel vm4, s5, v35;
	s5 =	smov.u32 s13;
	v9 =	vsub.f32 v48, v9;
	v48 =	vld [tilespmem:s1+$0x780]  }
0x1e9: {  	v44 =	vmax.f32 v17, v45;
	v46 =	vadd.f32 v47, v23;
	v47 =	vld [tilespmem:s1+$0xC80]  }
0x1ea: {  	v6 =	vmax.f32 v6, $0.0e+00;
	v7 =	vsub.f32 v7, v44;
	v9 =	vmax.f32 v9, $0.0e+00  }
0x1eb: {  	v43 =	vsub.f32 v43, v6;
	v42 =	vsub.f32 v42, v9  }
0x1ec: {  	v7 =	vmax.f32 v7, $0.0e+00;
	v44 =	vmax.f32 v17, v49  }
0x1ed: {  	v46 =	vsub.f32 v46, v7;
	(erf) = vrcp.f32 v42;
	v42 =	vmin.f32 v18, v48  }
0x1ee: {  	(erf) = vrcp.f32 v43;
	v42 =	vsub.f32 v42, v44;
	v43 =	vadd.f32 v47, v23  }
0x1ef: {  	(erf) = vrcp.f32 v46  }
0x1f0: {  	v42 =	vmax.f32 v42, $0.0e+00;
	(erf) = vpow2.f32 v8  }
0x1f1: {  	v8 =	vsub.f32 v43, v42;
	_ =	sdelay $0x1  }
0x1f2: {  	(erf) = vrcp.f32 v8;
	_ =	sdelay $0x1  }
0x1f3: {  	v8 =	vld [tilespmem:s16+$0x1880]  }
0x1f4: {  	v43 =	vld [tilespmem:s21+$0x12C0];
	v44 =	vpop (erf)  }
0x1f5: {  	v9 =	vmul.f32 v44, v9;
	v44 =	vpop (erf)  }
0x1f6: {  	v47 =	vmul.f32 v44, v6;
	v6 =	vpop (erf)  }
0x1f7: {  	v44 =	vmul.f32 v9, v9;
	vm4 =	vge.f32 v9, $7.500000000e-01;
	v6 =	vmul.f32 v6, v7;
	v7 =	vpop (erf)  }
0x1f8: {  	v46 =	vmul.f32 v47, v47;
	vm5 =	vge.f32 v47, $7.500000000e-01;
	v7 =	vmul.f32 v7, v8  }
0x1f9: {  	v8 =	vmul.f32 $-2.000000000e+00, v44;
	vm6 =	vge.f32 v6, $7.500000000e-01;
	v43 =	vmul.f32 v6, v43;
	v44 =	vld [tilespmem:s1+$0x1180]  }
0x1fa: {  	v6 =	vmul.f32 v6, v6;
	v46 =	vmul.f32 $-2.000000000e+00, v46;
	[tilespmem:s16+$0x1880] =	vst v7;
	vm7 =	vgt.f32 v7, v5;
	v50 =	vpop (erf)  }
0x1fb: {  	v51 =	vld [tilespmem:s21+$0x1040];
	v8 =	vmul.f32 $1.442695020e+00, v8;
	v42 =	vmul.f32 v50, v42;
	v5 =	vsel vm7, v7, v5  }
0x1fc: {  	v6 =	vmul.f32 $-2.000000000e+00, v6;
	v37 =	vsel vm7, s13, v37;
	v46 =	vmul.f32 $1.442695020e+00, v46  }
0x1fd: {  	v7 =	vnsel vm6, $0x0, v43;
	v50 =	vld [tilespmem:s21+$0xF00];
	(erf) = vpow2.f32 v8;
	v43 =	vmul.f32 v42, v42  }
.Ltmp5:
0x1fe: {  	v31 =	vadd.f32 v7, v31;
	(erf) = vpow2.f32 v46;
	v44 =	vmul.f32 v42, v44;
	(pc) =	sbr.rel @p1 .LBB2_9-.Ltmp5, $4  }
0x1ff: {  	v8 =	vmul.f32 $1.442695020e+00, v6;
	vm6 =	vge.f32 v42, $7.500000000e-01;
	v6 =	vmul.f32 $-2.000000000e+00, v43  }
0x200: {  	v43 =	vmul.f32 v7, v45;
	v9 =	vmul.f32 v9, v51;
	v51 =	vnsel vm6, $0x0, v44  }
0x201: {  	v44 =	vld [tilespmem:s21+$0x1400];
	v46 =	vmul.f32 $1.442695020e+00, v6;
	v33 =	vadd.f32 v51, v33;
	v6 =	vmul.f32 v51, v49  }
0x202: {  	s6 =	sadd.s32 $0x10, s6;
	v32 =	vadd.f32 v43, v32;
	v43 =	vmul.f32 v51, v48;
	v42 =	vmul.f32 v47, v50;
	v45 =	vld [tilespmem:s21+$0x1580]  }
0x203: {  	(erf) = vpow2.f32 v46;
	_ =	sdelay $0x4  }
0x204: {  	v56 =	vld [tilespmem:s16+$0x1700];
	_ =	sdelay $0x1  }
0x205: {  	v47 =	vpop (erf)  }
0x206: {  	v45 =	vmul.f32 v47, v45;
	v57 =	vpop (erf)  }
0x207: {  	v44 =	vmul.f32 v57, v44;
	v58 =	vpop (erf)  }
0x208: {  	[tilespmem:s21+$0x1580] =	vst v45;
	v46 =	vmul.f32 v58, v56  }
0x209: {  	[tilespmem:s21+$0x1400] =	vst v44  }
0x20a: {  	s1 =	sand.u32 $0x1F0, s6;
	[tilespmem:s16+$0x1700] =	vst v46  }
0x20b: {  	v47 =	vld [tilespmem:s1+$0x280]  }
0x20c: {  	v48 =	vld [tilespmem:s1+$0x780];
	_ =	sdelay $0x1  }
0x20d: {  	v49 =	vld [tilespmem:s1+$0xC80];
	_ =	sdelay $0x2  }
0x20e: {  	v17 =	vmax.f32 v17, v47;
	v18 =	vmin.f32 v18, v48  }
0x20f: {  	v17 =	vsub.f32 v18, v17  }
0x210: {  	v59 =	vadd.f32 v49, v23  }
0x211: {  	v17 =	vmax.f32 v17, $0.0e+00  }
0x212: {  	v18 =	vsub.f32 v59, v17  }
0x213: {  	(erf) = vpow2.f32 v8  }
0x214: {  	(erf) = vrcp.f32 v18;
	_ =	sdelay $0x7  }
0x215: {  	v8 =	vpop (erf)  }
0x216: {  	v18 =	vpop (erf)  }
0x217: {  	v17 =	vmul.f32 v18, v17;
	_ =	sdelay $0x1  }
0x218: {  	v18 =	vmul.f32 v17, v17;
	_ =	sdelay $0x1  }
0x219: {  	v18 =	vmul.f32 $-2.000000000e+00, v18;
	_ =	sdelay $0x1  }
0x21a: {  	v18 =	vmul.f32 $1.442695020e+00, v18;
	_ =	sdelay $0x1  }
0x21b: {  	(erf) = vpow2.f32 v18;
	_ =	sdelay $0x3  }
0x21c: {  	v60 =	vld [tilespmem:s21+$0x1880]  }
0x21d: {  	v61 =	vld [tilespmem:s21+$0x1700]  }
0x21e: {  	vm6 =	vgt.f32 v45, v40;
	vm7 =	vgt.f32 v44, v39  }
0x21f: {  	v40 =	vsel vm6, v45, v40;
	v39 =	vsel vm7, v44, v39  }
0x220: {  	vm13 =	vgt.f32 v40, v39  }
0x221: {  	vm10 =	veq.f32 v40, v39;
	v45 =	vsel vm13, v40, v39;
	v62 =	vpop (erf)  }
0x222: {  	s16 =	sadd.s32 $0x1, s13;
	vm8 =	vgt.f32 v46, v36;
	v8 =	vmul.f32 v8, v60;
	v23 =	vmul.f32 v62, v61  }
0x223: {  	v38 =	vsel vm7, s16, v38;
	v41 =	vsel vm6, s16, v41;
	v36 =	vsel vm8, v46, v36  }
0x224: {  	v63 =	vshll.u32 v38, $0x4;
	vm6 =	vgt.f32 v8, v5;
	vm12 =	vgt.f32 v23, v36  }
0x225: {  	v44 =	vshll.u32 v41, $0x4;
	v5 =	vsel vm6, v8, v5;
	v18 =	vld [tilespmem:s1+$0x1180];
	[tilespmem:s21+$0x1880] =	vst v8;
	v8 =	vsel vm12, v23, v36  }
0x226: {  	v12 =	vadd.s32 v12, v44;
	v36 =	vor.u32 v2, v63;
	vm9 =	vgt.f32 v8, v45  }
0x227: {  	v35 =	vsel vm8, s5, v35;
	vm14 =	vlt.s32 v36, v12;
	v46 =	vsel vm9, v8, v45  }
0x228: {  	v35 =	vsel vm12, s16, v35;
	v49 =	vsel vm14, v36, v12;
	vm15 =	vgt.f32 v5, v46  }
0x229: {  	v35 =	vshll.u32 v35, $0x4;
	v36 =	vsel vm10, v49, v36;
	v50 =	vsel vm15, v5, v46  }
0x22a: {  	v13 =	vadd.s32 v13, v35;
	v12 =	vsel vm13, v12, v36;
	(xrf0) =	vmax.scan.msk.f32 $0xffff, v50  }
0x22b: {  	vm8 =	vlt.s32 v12, v13  }
0x22c: {  	v51 =	vsel vm6, s16, v37;
	vm12 =	veq.f32 v8, v45;
	v36 =	vsel vm8, v12, v13  }
0x22d: {  	v55 =	vshll.u32 v51, $0x4;
	v8 =	vsel vm12, v36, v12  }
0x22e: {  	v12 =	vadd.s32 v14, v55;
	v8 =	vsel vm9, v13, v8  }
0x22f: {  	vm13 =	vlt.s32 v8, v12  }
0x230: {  	vm14 =	veq.f32 v5, v46;
	v13 =	vsel vm13, v8, v12;
	v5, _, _ =	vpop (xrf0)  }
0x231: {  	v8 =	vsel vm14, v13, v8;
	v5 =	vbroadcast v5, $0xF  }
0x232: {  	v8 =	vsel vm15, v12, v8  }
0x233: {  	v8 =	vxor.u32 $0x80000000, v8;
	vm15 =	veq.f32 v50, v5  }
0x234: {  	v8 =	vnsel vm15, $0xC0000000, v8  }
0x235: {  	(xrf0) =	vmin.scan.msk.u32 $0xffff, v8;
	_ =	sdelay $0x5  }
0x236: {  	v8, _, _ =	vpop (xrf0)  }
0x237: {  	(v2sf) =	vpush v8, $0xF;
	_ =	sdelay $0xe  }
0x238: {  	s19 =	spop (v2sf)  }
0x239: {  	s1 =	sxor.u32 $0x80000000, s19  }
0x23a: {  	v8 =	vmov s1;
	_ =	sdelay $0x3  }
0x23b: {  	[tilespmem:s21+$0x1700] =	vst v23  }
0x23c: {  	v56 =	vld.idx.msk [tilespmem:v8+s30+$0x0], $0xffff  }
0x23d: {  	v9 =	vnsel vm4, $0x0, v9;
	v57 =	vnsel vm5, $0x0, v42;
	s21 =	simm.s32 $0x0;
	v58 =	vld.idx.msk [tilespmem:v8+s23+$0x0], $0xffff  }
0x23e: {  	v6 =	vadd.f32 v6, v34;
	v21 =	vmul.f32 v9, v21;
	v19 =	vmul.f32 v57, v19;
	v8 =	vld.idx.msk [tilespmem:v8+s21+$0x0], $0xffff  }
0x23f: {  	v16 =	vadd.f32 v43, v16;
	v60 =	vadd.f32 v9, v27;
	v9 =	vmul.f32 v9, v20  }
0x240: {  	v21 =	vadd.f32 v21, v28;
	v19 =	vadd.f32 v19, v29  }
0x241: {  	v9 =	vadd.f32 v9, v26;
	v18 =	vmul.f32 v17, v18;
	v12 =	vsel vm0, $0x0, v56  }
0x242: {  	v59 =	vadd.f32 v57, v30;
	vm4 =	vge.f32 v17, $7.500000000e-01;
	v12 =	vsel vm1, v12, v58  }
0x243: {  	v17 =	vnsel vm4, $0x0, v18;
	vm4 =	veq.s32 v2, $0x1;
	s1 =	sadd.s32 s8, s1;
	v8 =	vsel vm2, v12, v8  }
0x244: {  	v62 =	vmul.f32 v17, v47;
	v13 =	vmul.f32 v57, v22;
	v8 =	vsel vm4, s1, v8  }
0x245: {  	s20 =	sadd.s32 $0x1, s20;
	v61 =	vmul.f32 v17, v48;
	v17 =	vadd.f32 v17, v33;
	v5 =	vsel vm3, v5, v8  }
0x246: {  	p1 =	sne.s32 s20, $0x32;
	v6 =	vadd.f32 v62, v6;
	v13 =	vadd.f32 v13, v25;
	[tilespmem:$0x1F00] =	vst v5  }
0x247: {  	v7 =	vmul.f32 v7, v15;
	v14 =	vadd.f32 v61, v16;
	v8 =	vadd.f32 v60, v59;
	[spmem:s18] =	stream.linear.scatter [tilespmem:s31], [sflag:$0x2], $0x8, $0x38;
	[tilespmem:$0x4790] =	vst v63  }
.Ltmp6:
0x248: {  	v9 =	vadd.f32 v9, v13;
	v5 =	vadd.f32 v21, v19;
	_ =	swait.ge [sflag:s22], $0x8;
	(pc) =	sbr.rel @p1 .LBB2_6-.Ltmp6, $4  }
0x249: {  	v63 =	vadd.f32 v7, v24;
	v7 =	vadd.f32 v17, v8;
	[sflag:s22] =	ssyncset.done $0x0  }
0x24a: {  	v8 =	vadd.f32 v14, v9;
	v5 =	vadd.f32 v6, v5;
	[sflag:s22] =	ssyncadd.s32 $0xFFFFFFF8  }
0x24b: {  	v7 =	vadd.f32 v31, v7;
	[bflag:$0x0] =	sbarrier.arrive $0xFFFF  }
0x24c: {  	v6 =	vadd.f32 v32, v5;
	v5 =	vadd.f32 v63, v8  }
0x24d: {  	(xrf2) =	vadd.scan.msk.f32 $0xffff, v7  }
0x24e: {  	(xrf2) =	vadd.scan.msk.f32 $0xffff, v6  }
0x24f: {  	(xrf2) =	vadd.scan.msk.f32 $0xffff, v5;
	_ =	sdelay $0x7  }
0x250: {  	v5, _, _ =	vpop (xrf2)  }
0x251: {  	v6, _, _ =	vpop (xrf2);
	v5 =	vbroadcast v5, $0xF  }
0x252: {  	v6 =	vbroadcast v6, $0xF;
	v7, _, _ =	vpop (xrf2)  }
0x253: {  	[tilespmem:v52+s2+$0x0] =	vst.idx.msk $0x1, v5;
	v5 =	vbroadcast v7, $0xF  }
0x254: {  	[tilespmem:v53+s2+$0x0] =	vst.idx.msk $0x1, v6  }
0x255: {  	s1 =	rddreg [dreg:$0x11];
	[tilespmem:v54+s2+$0x0] =	vst.idx.msk $0x1, v5  }
0x256: {  	[spmem:s1] =	stream.linear.scatter [tilespmem:s2], [sflag:$0x2], $0x180, $0x38;
	[tilespmem:$0x4790] =	vst v63  }
.Ltmp7:
0x257: {  	_ =	swait.ge [sflag:s22], $0x180;
	(pc) =	sbr.rel @p0 .LBB2_15-.Ltmp7, $4  }
0x258: {  	[sflag:s22] =	ssyncset.done $0x0  }
0x259: {  	[sflag:s22] =	ssyncadd.s32 $0xFFFFFE80  }
0x25a: {  	[bflag:$0x0] =	sbarrier.arrive $0xFFFF  }
0x25b: {  	s5 =	rddreg [dreg:$0x13]  }
0x25c: {  	s1 =	rddreg [dreg:$0x6];
	s5 =	simm.s32 $0x2980  }
0x25d: {  	[tilespmem:s5], [sflag:$0x2] =	stream.linear.gather [spmem:s1], $0x1800, $0x38;
	[tilespmem:$0x4790] =	vst v63  }
0x25e: {  	_ =	swait.ge [sflag:s22], $0x1800  }
0x25f: {  	[sflag:s22] =	ssyncset.done $0x0  }
0x260: {  	[sflag:s22] =	ssyncadd.s32 $0xFFFFE800  }
0x261: {  	v60 =	vld [tilespmem:$0x3F80];
	_ =	sdelay $0x4  }
0x262: {  	[tilespmem:$0x1F380] =	vst v60;
	v60 =	vld [tilespmem:$0x3310];
	_ =	sdelay $0x4  }
0x263: {  	[tilespmem:$0x1F330] =	vst v60;
	v60 =	vld [tilespmem:$0x3390];
	_ =	sdelay $0x4  }
0x264: {  	[tilespmem:$0x1F350] =	vst v60;
	v60 =	vld [tilespmem:$0x3410];
	_ =	sdelay $0x4  }
0x265: {  	[tilespmem:$0x1F360] =	vst v60;
	v60 =	vld [tilespmem:$0x3490];
	_ =	sdelay $0x4  }
0x266: {  	[tilespmem:$0x1F370] =	vst v60;
	v60 =	vld [tilespmem:$0x3510];
	_ =	sdelay $0x4  }
0x267: {  	[tilespmem:$0x1F390] =	vst v60;
	v60 =	vld [tilespmem:$0x3590];
	_ =	sdelay $0x4  }
0x268: {  	[tilespmem:$0x1F3A0] =	vst v60;
	v60 =	vld [tilespmem:$0x3610];
	_ =	sdelay $0x4  }
0x269: {  	[tilespmem:$0x1F3B0] =	vst v60;
	v60 =	vld [tilespmem:$0x3690];
	_ =	sdelay $0x4  }
0x26a: {  	[tilespmem:$0x1F3D0] =	vst v60;
	v60 =	vld [tilespmem:$0x3710];
	_ =	sdelay $0x4  }
0x26b: {  	[tilespmem:$0x1F3E0] =	vst v60;
	v60 =	vld [tilespmem:$0x3790];
	_ =	sdelay $0x4  }
0x26c: {  	[tilespmem:$0x1F3F0] =	vst v60;
	v60 =	vld [tilespmem:$0x3810];
	_ =	sdelay $0x4  }
0x26d: {  	[tilespmem:$0x1F410] =	vst v60;
	v60 =	vld [tilespmem:$0x3890];
	_ =	sdelay $0x4  }
0x26e: {  	[tilespmem:$0x1F420] =	vst v60;
	v60 =	vld [tilespmem:$0x3910];
	_ =	sdelay $0x4  }
0x26f: {  	[tilespmem:$0x1F430] =	vst v60;
	v60 =	vld [tilespmem:$0x3990];
	_ =	sdelay $0x4  }
0x270: {  	[tilespmem:$0x1F450] =	vst v60;
	v60 =	vld [tilespmem:$0x3A10];
	_ =	sdelay $0x4  }
0x271: {  	[tilespmem:$0x1F460] =	vst v60;
	v60 =	vld [tilespmem:$0x3A90];
	_ =	sdelay $0x4  }
0x272: {  	[tilespmem:$0x1F470] =	vst v60;
	v60 =	vld [tilespmem:$0x3B10];
	_ =	sdelay $0x4  }
0x273: {  	[tilespmem:$0x1F480] =	vst v60;
	v60 =	vld [tilespmem:$0x3B90];
	_ =	sdelay $0x4  }
0x274: {  	[tilespmem:$0x1F4A0] =	vst v60;
	v60 =	vld [tilespmem:$0x3C10];
	_ =	sdelay $0x4  }
0x275: {  	[tilespmem:$0x1F4E0] =	vst v60;
	v60 =	vld [tilespmem:$0x3C90];
	_ =	sdelay $0x4  }
0x276: {  	[tilespmem:$0x1F520] =	vst v60;
	v60 =	vld [tilespmem:$0x3D10];
	_ =	sdelay $0x4  }
0x277: {  	[tilespmem:$0x1F560] =	vst v60;
	v60 =	vld [tilespmem:$0x3D90];
	_ =	sdelay $0x4  }
0x278: {  	[tilespmem:$0x1F5A0] =	vst v60;
	v60 =	vld [tilespmem:$0x3E10];
	_ =	sdelay $0x4  }
0x279: {  	[tilespmem:$0x1F5E0] =	vst v60;
	v60 =	vld [tilespmem:$0x3E90];
	_ =	sdelay $0x4  }
0x27a: {  	[tilespmem:$0x1F620] =	vst v60;
	v60 =	vld [tilespmem:$0x3F10];
	_ =	sdelay $0x4  }
0x27b: {  	[tilespmem:$0x1F660] =	vst v60;
	v60 =	vld [tilespmem:$0x3F90];
	_ =	sdelay $0x4  }
0x27c: {  	[tilespmem:$0x1F6A0] =	vst v60;
	v60 =	vld [tilespmem:$0x4010];
	_ =	sdelay $0x4  }
0x27d: {  	[tilespmem:$0x1F6E0] =	vst v60;
	v60 =	vld [tilespmem:$0x4090];
	_ =	sdelay $0x4  }
0x27e: {  	[tilespmem:$0x1F720] =	vst v60;
	v60 =	vld [tilespmem:$0x4110];
	_ =	sdelay $0x4  }
0x27f: {  	[tilespmem:$0x1F760] =	vst v60;
	v60 =	vld [tilespmem:$0x4190];
	_ =	sdelay $0x4  }
0x280: {  	[tilespmem:$0x1FF30] =	vst v60;
	v60 =	vld [tilespmem:$0x29A0];
	_ =	sdelay $0x4  }
0x281: {  	[tilespmem:$0x1F490] =	vst v60;
	v60 =	vld [tilespmem:$0x2A20];
	_ =	sdelay $0x4  }
0x282: {  	[tilespmem:$0x1F4B0] =	vst v60;
	v60 =	vld [tilespmem:$0x2AA0];
	_ =	sdelay $0x4  }
0x283: {  	[tilespmem:$0x1F4D0] =	vst v60;
	v60 =	vld [tilespmem:$0x2B20];
	_ =	sdelay $0x4  }
0x284: {  	[tilespmem:$0x1F4C0] =	vst v60;
	v60 =	vld [tilespmem:$0x2BA0];
	_ =	sdelay $0x4  }
0x285: {  	[tilespmem:$0x1F4F0] =	vst v60;
	v60 =	vld [tilespmem:$0x2C20];
	_ =	sdelay $0x4  }
0x286: {  	[tilespmem:$0x1F500] =	vst v60;
	v60 =	vld [tilespmem:$0x2CA0];
	_ =	sdelay $0x4  }
0x287: {  	[tilespmem:$0x1F510] =	vst v60;
	v60 =	vld [tilespmem:$0x2D20];
	_ =	sdelay $0x4  }
0x288: {  	[tilespmem:$0x1F530] =	vst v60;
	v60 =	vld [tilespmem:$0x2DA0];
	_ =	sdelay $0x4  }
0x289: {  	[tilespmem:$0x1F540] =	vst v60;
	v60 =	vld [tilespmem:$0x2E20];
	_ =	sdelay $0x4  }
0x28a: {  	[tilespmem:$0x1F550] =	vst v60;
	v60 =	vld [tilespmem:$0x2EA0];
	_ =	sdelay $0x4  }
0x28b: {  	[tilespmem:$0x1F570] =	vst v60;
	v60 =	vld [tilespmem:$0x2F20];
	_ =	sdelay $0x4  }
0x28c: {  	[tilespmem:$0x1F580] =	vst v60;
	v60 =	vld [tilespmem:$0x2FA0];
	_ =	sdelay $0x4  }
0x28d: {  	[tilespmem:$0x1F590] =	vst v60;
	v60 =	vld [tilespmem:$0x3020];
	_ =	sdelay $0x4  }
0x28e: {  	[tilespmem:$0x1F5B0] =	vst v60;
	v60 =	vld [tilespmem:$0x30A0];
	_ =	sdelay $0x4  }
0x28f: {  	[tilespmem:$0x1F5C0] =	vst v60;
	v60 =	vld [tilespmem:$0x3120];
	_ =	sdelay $0x4  }
0x290: {  	[tilespmem:$0x1F5D0] =	vst v60;
	v60 =	vld [tilespmem:$0x31A0];
	_ =	sdelay $0x4  }
0x291: {  	[tilespmem:$0x1F5F0] =	vst v60;
	v60 =	vld [tilespmem:$0x3220];
	_ =	sdelay $0x4  }
0x292: {  	[tilespmem:$0x1F600] =	vst v60;
	v60 =	vld [tilespmem:$0x32A0];
	_ =	sdelay $0x4  }
0x293: {  	[tilespmem:$0x1F610] =	vst v60;
	v60 =	vld [tilespmem:$0x3320];
	_ =	sdelay $0x4  }
0x294: {  	[tilespmem:$0x1F630] =	vst v60;
	v60 =	vld [tilespmem:$0x33A0];
	_ =	sdelay $0x4  }
0x295: {  	[tilespmem:$0x1F640] =	vst v60;
	v60 =	vld [tilespmem:$0x3420];
	_ =	sdelay $0x4  }
0x296: {  	[tilespmem:$0x1F650] =	vst v60;
	v60 =	vld [tilespmem:$0x34A0];
	_ =	sdelay $0x4  }
0x297: {  	[tilespmem:$0x1F670] =	vst v60;
	v60 =	vld [tilespmem:$0x3520];
	_ =	sdelay $0x4  }
0x298: {  	[tilespmem:$0x1F680] =	vst v60;
	v60 =	vld [tilespmem:$0x35A0];
	_ =	sdelay $0x4  }
0x299: {  	[tilespmem:$0x1F690] =	vst v60;
	v60 =	vld [tilespmem:$0x3620];
	_ =	sdelay $0x4  }
0x29a: {  	[tilespmem:$0x1F6B0] =	vst v60;
	v60 =	vld [tilespmem:$0x36A0];
	_ =	sdelay $0x4  }
0x29b: {  	[tilespmem:$0x1F6C0] =	vst v60;
	v60 =	vld [tilespmem:$0x3720];
	_ =	sdelay $0x4  }
0x29c: {  	[tilespmem:$0x1F6D0] =	vst v60;
	v60 =	vld [tilespmem:$0x37A0];
	_ =	sdelay $0x4  }
0x29d: {  	[tilespmem:$0x1F6F0] =	vst v60;
	v60 =	vld [tilespmem:$0x3820];
	_ =	sdelay $0x4  }
0x29e: {  	[tilespmem:$0x1F700] =	vst v60;
	v60 =	vld [tilespmem:$0x38A0];
	_ =	sdelay $0x4  }
0x29f: {  	[tilespmem:$0x1F710] =	vst v60;
	v60 =	vld [tilespmem:$0x3920];
	_ =	sdelay $0x4  }
0x2a0: {  	[tilespmem:$0x1F730] =	vst v60;
	v60 =	vld [tilespmem:$0x39A0];
	_ =	sdelay $0x4  }
0x2a1: {  	[tilespmem:$0x1F740] =	vst v60;
	v60 =	vld [tilespmem:$0x3A20];
	_ =	sdelay $0x4  }
0x2a2: {  	[tilespmem:$0x1F750] =	vst v60;
	v60 =	vld [tilespmem:$0x3AA0];
	_ =	sdelay $0x4  }
0x2a3: {  	[tilespmem:$0x1F770] =	vst v60;
	v60 =	vld [tilespmem:$0x3B20];
	_ =	sdelay $0x4  }
0x2a4: {  	[tilespmem:$0x1F780] =	vst v60;
	v60 =	vld [tilespmem:$0x3BA0];
	_ =	sdelay $0x4  }
0x2a5: {  	[tilespmem:$0x1F790] =	vst v60;
	v60 =	vld [tilespmem:$0x3C20];
	_ =	sdelay $0x4  }
0x2a6: {  	[tilespmem:$0x1F7C0] =	vst v60;
	v60 =	vld [tilespmem:$0x3CA0];
	_ =	sdelay $0x4  }
0x2a7: {  	[tilespmem:$0x1F800] =	vst v60;
	v60 =	vld [tilespmem:$0x3D20];
	_ =	sdelay $0x4  }
0x2a8: {  	[tilespmem:$0x1F840] =	vst v60;
	v60 =	vld [tilespmem:$0x3DA0];
	_ =	sdelay $0x4  }
0x2a9: {  	[tilespmem:$0x1F880] =	vst v60;
	v60 =	vld [tilespmem:$0x3E20];
	_ =	sdelay $0x4  }
0x2aa: {  	[tilespmem:$0x1F8C0] =	vst v60;
	v60 =	vld [tilespmem:$0x3EA0];
	_ =	sdelay $0x4  }
0x2ab: {  	[tilespmem:$0x1F900] =	vst v60;
	v60 =	vld [tilespmem:$0x3F20];
	_ =	sdelay $0x4  }
0x2ac: {  	[tilespmem:$0x1F940] =	vst v60;
	v60 =	vld [tilespmem:$0x3FA0];
	_ =	sdelay $0x4  }
0x2ad: {  	[tilespmem:$0x1F980] =	vst v60;
	v60 =	vld [tilespmem:$0x4020];
	_ =	sdelay $0x4  }
0x2ae: {  	[tilespmem:$0x1F9C0] =	vst v60;
	v60 =	vld [tilespmem:$0x40A0];
	_ =	sdelay $0x4  }
0x2af: {  	[tilespmem:$0x1FA00] =	vst v60;
	v60 =	vld [tilespmem:$0x4120];
	_ =	sdelay $0x4  }
0x2b0: {  	[tilespmem:$0x1FA40] =	vst v60;
	v60 =	vld [tilespmem:$0x41A0];
	_ =	sdelay $0x4  }
0x2b1: {  	[tilespmem:$0x1FF50] =	vst v60;
	v60 =	vld [tilespmem:$0x29B0];
	_ =	sdelay $0x4  }
0x2b2: {  	[tilespmem:$0x1F7A0] =	vst v60;
	v60 =	vld [tilespmem:$0x2A30];
	_ =	sdelay $0x4  }
0x2b3: {  	[tilespmem:$0x1F7B0] =	vst v60;
	v60 =	vld [tilespmem:$0x2AB0];
	_ =	sdelay $0x4  }
0x2b4: {  	[tilespmem:$0x1F7D0] =	vst v60;
	v60 =	vld [tilespmem:$0x2B30];
	_ =	sdelay $0x4  }
0x2b5: {  	[tilespmem:$0x1F7E0] =	vst v60;
	v60 =	vld [tilespmem:$0x2BB0];
	_ =	sdelay $0x4  }
0x2b6: {  	[tilespmem:$0x1F7F0] =	vst v60;
	v60 =	vld [tilespmem:$0x2C30];
	_ =	sdelay $0x4  }
0x2b7: {  	[tilespmem:$0x1F810] =	vst v60;
	v60 =	vld [tilespmem:$0x2CB0];
	_ =	sdelay $0x4  }
0x2b8: {  	[tilespmem:$0x1F820] =	vst v60;
	v60 =	vld [tilespmem:$0x2D30];
	_ =	sdelay $0x4  }
0x2b9: {  	[tilespmem:$0x1F830] =	vst v60;
	v60 =	vld [tilespmem:$0x2DB0];
	_ =	sdelay $0x4  }
0x2ba: {  	[tilespmem:$0x1F850] =	vst v60;
	v60 =	vld [tilespmem:$0x2E30];
	_ =	sdelay $0x4  }
0x2bb: {  	[tilespmem:$0x1F860] =	vst v60;
	v60 =	vld [tilespmem:$0x2EB0];
	_ =	sdelay $0x2  }
0x2bc: {  	v5 =	vld [tilespmem:$0x2980]  }
0x2bd: {  	v7 =	vld [tilespmem:$0x2A00]  }
0x2be: {  	[tilespmem:$0x1F870] =	vst v60;
	v60 =	vld [tilespmem:$0x2F30]  }
0x2bf: {  	v9 =	vld [tilespmem:$0x2A80]  }
0x2c0: {  	v6 =	vld [tilespmem:$0x2B00]  }
0x2c1: {  	v8 =	vld [tilespmem:$0x2B80]  }
0x2c2: {  	v12 =	vld [tilespmem:$0x2C00]  }
0x2c3: {  	[tilespmem:$0x1F890] =	vst v60;
	v60 =	vld [tilespmem:$0x2FB0]  }
0x2c4: {  	v11 =	vld [tilespmem:$0x2C80]  }
0x2c5: {  	v13 =	vld [tilespmem:$0x2D00]  }
0x2c6: {  	v14 =	vld [tilespmem:$0x2D80];
	v5 =	vadd.f32 $0.0e+00, v5  }
0x2c7: {  	v15 =	vld [tilespmem:$0x2E00]  }
0x2c8: {  	v5 =	vadd.f32 v6, v5;
	v6 =	vadd.f32 $0.0e+00, v9;
	[tilespmem:$0x1F8A0] =	vst v60;
	v60 =	vld [tilespmem:$0x3030]  }
0x2c9: {  	v18 =	vld [tilespmem:$0x2F00]  }
0x2ca: {  	v16 =	vld [tilespmem:$0x2E80];
	v6 =	vadd.f32 v12, v6  }
0x2cb: {  	v20 =	vld [tilespmem:$0x3080]  }
0x2cc: {  	v24 =	vld [tilespmem:$0x3200];
	v6 =	vadd.f32 v14, v6  }
0x2cd: {  	[tilespmem:$0x1F8B0] =	vst v60;
	v60 =	vld [tilespmem:$0x30B0]  }
0x2ce: {  	v17 =	vld [tilespmem:$0x2F80];
	v6 =	vadd.f32 v18, v6  }
0x2cf: {  	v28 =	vld [tilespmem:$0x3380]  }
0x2d0: {  	v19 =	vld [tilespmem:$0x3000];
	v6 =	vadd.f32 v20, v6  }
0x2d1: {  	v34 =	vld [tilespmem:$0x3500]  }
0x2d2: {  	v6 =	vadd.f32 v24, v6;
	[tilespmem:$0x1F8D0] =	vst v60;
	v60 =	vld [tilespmem:$0x3130]  }
0x2d3: {  	v39 =	vld [tilespmem:$0x3680]  }
0x2d4: {  	v44 =	vld [tilespmem:$0x3800];
	v6 =	vadd.f32 v28, v6  }
0x2d5: {  	v25 =	vld [tilespmem:$0x3C80]  }
0x2d6: {  	v50 =	vld [tilespmem:$0x3980];
	v6 =	vadd.f32 v34, v6  }
0x2d7: {  	[tilespmem:$0x1F8E0] =	vst v60;
	v60 =	vld [tilespmem:$0x31B0]  }
0x2d8: {  	v21 =	vld [tilespmem:$0x3100];
	v6 =	vadd.f32 v39, v6  }
0x2d9: {  	v62 =	vld [tilespmem:$0x3B00];
	v5 =	vadd.f32 v11, v5  }
0x2da: {  	v23 =	vld [tilespmem:$0x3280];
	[tilespmem:$0x1F2E0] =	vst v25;
	v6 =	vadd.f32 v44, v6  }
0x2db: {  	v12 =	vld [tilespmem:$0x1F2E0];
	v5 =	vadd.f32 v15, v5  }
0x2dc: {  	v6 =	vadd.f32 v50, v6;
	[tilespmem:$0x1F8F0] =	vst v60;
	v60 =	vld [tilespmem:$0x3230]  }
0x2dd: {  	v29 =	vld [tilespmem:$0x3400];
	v5 =	vadd.f32 v17, v5  }
0x2de: {  	v35 =	vld [tilespmem:$0x3580];
	v6 =	vadd.f32 v62, v6  }
0x2df: {  	v37 =	vld [tilespmem:$0x3700];
	v5 =	vadd.f32 v21, v5  }
0x2e0: {  	v6 =	vadd.f32 v12, v6;
	v12 =	vld [tilespmem:$0x3540]  }
0x2e1: {  	v5 =	vadd.f32 v23, v5;
	[tilespmem:$0x1F910] =	vst v60;
	v60 =	vld [tilespmem:$0x32B0]  }
0x2e2: {  	v43 =	vld [tilespmem:$0x3880]  }
0x2e3: {  	v47 =	vld [tilespmem:$0x3A00];
	v5 =	vadd.f32 v29, v5  }
0x2e4: {  	v54 =	vld [tilespmem:$0x3D00];
	v7 =	vadd.f32 $0.0e+00, v7  }
0x2e5: {  	v5 =	vadd.f32 v35, v5;
	[tilespmem:$0x1FB40] =	vst v12;
	v12 =	vld [tilespmem:$0x35C0]  }
0x2e6: {  	v7 =	vadd.f32 v8, v7;
	[tilespmem:$0x1F920] =	vst v60;
	v60 =	vld [tilespmem:$0x3330]  }
0x2e7: {  	v22 =	vld [tilespmem:$0x3180];
	v5 =	vadd.f32 v37, v5  }
0x2e8: {  	v63 =	vld [tilespmem:$0x3B80];
	v7 =	vadd.f32 v13, v7  }
0x2e9: {  	v27 =	vld [tilespmem:$0x3300];
	[tilespmem:$0x1F2F0] =	vst v54;
	v5 =	vadd.f32 v43, v5  }
0x2ea: {  	v7 =	vadd.f32 v16, v7;
	[tilespmem:$0x1FB50] =	vst v12;
	v12 =	vld [tilespmem:$0x1F2F0]  }
0x2eb: {  	v5 =	vadd.f32 v47, v5;
	[tilespmem:$0x1F930] =	vst v60;
	v60 =	vld [tilespmem:$0x33B0]  }
0x2ec: {  	v30 =	vld [tilespmem:$0x3480];
	v7 =	vadd.f32 v19, v7  }
0x2ed: {  	v36 =	vld [tilespmem:$0x3600];
	v5 =	vadd.f32 v63, v5  }
0x2ee: {  	v42 =	vld [tilespmem:$0x3780];
	v7 =	vadd.f32 v22, v7  }
0x2ef: {  	v5 =	vadd.f32 v12, v5;
	v12 =	vld [tilespmem:$0x3640]  }
0x2f0: {  	v7 =	vadd.f32 v27, v7;
	[tilespmem:$0x1F950] =	vst v60;
	v60 =	vld [tilespmem:$0x3430]  }
0x2f1: {  	v46 =	vld [tilespmem:$0x3900]  }
0x2f2: {  	v51 =	vld [tilespmem:$0x3A80];
	v7 =	vadd.f32 v30, v7  }
0x2f3: {  	v55 =	vld [tilespmem:$0x3D80]  }
0x2f4: {  	v7 =	vadd.f32 v36, v7;
	[tilespmem:$0x1FB60] =	vst v12;
	v12 =	vld [tilespmem:$0x36C0]  }
0x2f5: {  	[tilespmem:$0x1F960] =	vst v60;
	v60 =	vld [tilespmem:$0x34B0]  }
0x2f6: {  	v7 =	vadd.f32 v42, v7  }
0x2f7: {  	v56 =	vld [tilespmem:$0x3C00]  }
0x2f8: {  	[tilespmem:$0x1F300] =	vst v55;
	v7 =	vadd.f32 v46, v7  }
0x2f9: {  	[tilespmem:$0x1FB80] =	vst v12;
	v12 =	vld [tilespmem:$0x1F300]  }
0x2fa: {  	v7 =	vadd.f32 v51, v7;
	[tilespmem:$0x1F970] =	vst v60;
	v60 =	vld [tilespmem:$0x3530];
	_ =	sdelay $0x1  }
0x2fb: {  	v7 =	vadd.f32 v56, v7;
	_ =	sdelay $0x1  }
0x2fc: {  	v7 =	vadd.f32 v12, v7;
	v12 =	vld [tilespmem:$0x3740]  }
0x2fd: {  	[tilespmem:$0x1F990] =	vst v60;
	v60 =	vld [tilespmem:$0x35B0];
	_ =	sdelay $0x1  }
0x2fe: {  	v57 =	vld [tilespmem:$0x3E00]  }
0x2ff: {  	v58 =	vld [tilespmem:$0x3E80]  }
0x300: {  	[tilespmem:$0x1FB90] =	vst v12;
	v12 =	vld [tilespmem:$0x37C0]  }
0x301: {  	[tilespmem:$0x1F9A0] =	vst v60;
	v60 =	vld [tilespmem:$0x3630]  }
0x302: {  	v59 =	vld [tilespmem:$0x3F00]  }
0x303: {  	v61 =	vld [tilespmem:$0x4000]  }
0x304: {  	v31 =	vld [tilespmem:$0x4080];
	[tilespmem:$0x1F310] =	vst v57  }
0x305: {  	[tilespmem:$0x1FBA0] =	vst v12;
	v12 =	vld [tilespmem:$0x1F310]  }
0x306: {  	[tilespmem:$0x1F9B0] =	vst v60;
	v60 =	vld [tilespmem:$0x36B0]  }
0x307: {  	v32 =	vld [tilespmem:$0x4100]  }
0x308: {  	v33 =	vld [tilespmem:$0x4180]  }
0x309: {  	v26 =	vld [tilespmem:$0x2A10]  }
0x30a: {  	v6 =	vadd.f32 v12, v6;
	v12 =	vld [tilespmem:$0x3840]  }
0x30b: {  	[tilespmem:$0x1F9D0] =	vst v60;
	v60 =	vld [tilespmem:$0x3730]  }
0x30c: {  	v38 =	vld [tilespmem:$0x2C10]  }
0x30d: {  	v41 =	vld [tilespmem:$0x2D10]  }
0x30e: {  	v8 =	vld [tilespmem:$0x4130]  }
0x30f: {  	[tilespmem:$0x1FBC0] =	vst v12;
	v12 =	vld [tilespmem:$0x38C0]  }
0x310: {  	[tilespmem:$0x1F9E0] =	vst v60;
	v60 =	vld [tilespmem:$0x37B0]  }
0x311: {  	[tilespmem:$0x1FF10] =	vst v33;
	v33 =	vld [tilespmem:$0x2B90]  }
0x312: {  	[tilespmem:$0x1F320] =	vst v58;
	v9 =	vld [tilespmem:$0x40B0]  }
0x313: {  	[tilespmem:$0x1FC70] =	vst v8;
	v8 =	vld [tilespmem:$0x41B0]  }
0x314: {  	[tilespmem:$0x1FBD0] =	vst v12;
	v12 =	vld [tilespmem:$0x1F320]  }
0x315: {  	[tilespmem:$0x1F9F0] =	vst v60;
	v60 =	vld [tilespmem:$0x3830]  }
0x316: {  	v49 =	vld [tilespmem:$0x2E90]  }
0x317: {  	v53 =	vld [tilespmem:$0x3010];
	[tilespmem:$0x1FC30] =	vst v9;
	v9 =	vadd.f32 $0.0e+00, v26  }
0x318: {  	[tilespmem:$0x1FF60] =	vst v8;
	v8 =	vld [tilespmem:$0x2A40]  }
0x319: {  	v9 =	vadd.f32 v33, v9;
	v5 =	vadd.f32 v12, v5;
	v12 =	vld [tilespmem:$0x3940]  }
0x31a: {  	[tilespmem:$0x1FA10] =	vst v60;
	v60 =	vld [tilespmem:$0x38B0]  }
0x31b: {  	v45 =	vld [tilespmem:$0x2D90];
	v9 =	vadd.f32 v41, v9  }
0x31c: {  	v58 =	vld [tilespmem:$0x3190]  }
0x31d: {  	v9 =	vadd.f32 v49, v9;
	[tilespmem:$0x1FA80] =	vst v8;
	v8 =	vld [tilespmem:$0x3240]  }
0x31e: {  	[tilespmem:$0x1FBE0] =	vst v12;
	v12 =	vld [tilespmem:$0x1F330]  }
0x31f: {  	v9 =	vadd.f32 v53, v9;
	[tilespmem:$0x1FA20] =	vst v60;
	v60 =	vld [tilespmem:$0x3930]  }
0x320: {  	v52 =	vld [tilespmem:$0x2F10]  }
0x321: {  	[tilespmem:$0x1F400] =	vst v31;
	v31 =	vld [tilespmem:$0x2A90];
	v9 =	vadd.f32 v58, v9  }
0x322: {  	[tilespmem:$0x1FAF0] =	vst v8;
	v8 =	vld [tilespmem:$0x32C0]  }
0x323: {  	v9 =	vadd.f32 v12, v9;
	v12 =	vld [tilespmem:$0x39C0]  }
0x324: {  	[tilespmem:$0x1FA30] =	vst v60;
	v60 =	vld [tilespmem:$0x39B0]  }
0x325: {  	v25 =	vld [tilespmem:$0x2990]  }
0x326: {  	[tilespmem:$0x1F340] =	vst v59;
	v55 =	vld [tilespmem:$0x3090];
	v11 =	vadd.f32 $0.0e+00, v31  }
0x327: {  	[tilespmem:$0x1FB00] =	vst v8;
	v8 =	vld [tilespmem:$0x3340]  }
0x328: {  	v11 =	vadd.f32 v38, v11;
	[tilespmem:$0x1FC00] =	vst v12;
	v12 =	vld [tilespmem:$0x1F340]  }
0x329: {  	[tilespmem:$0x1FA50] =	vst v60;
	v60 =	vld [tilespmem:$0x3A30]  }
0x32a: {  	[tilespmem:$0x1F440] =	vst v32;
	v32 =	vld [tilespmem:$0x2B10];
	v11 =	vadd.f32 v45, v11  }
0x32b: {  	v59 =	vld [tilespmem:$0x3210]  }
0x32c: {  	v40 =	vld [tilespmem:$0x2C90];
	v11 =	vadd.f32 v52, v11  }
0x32d: {  	[tilespmem:$0x1FB10] =	vst v8;
	v7 =	vadd.f32 v12, v7;
	v12 =	vld [tilespmem:$0x1F350]  }
0x32e: {  	v11 =	vadd.f32 v55, v11;
	v8 =	vadd.f32 $0.0e+00, v25;
	[tilespmem:$0x1FA60] =	vst v60;
	v60 =	vld [tilespmem:$0x3AB0]  }
0x32f: {  	v48 =	vld [tilespmem:$0x2E10]  }
0x330: {  	v54 =	vld [tilespmem:$0x2F90];
	v11 =	vadd.f32 v59, v11;
	v8 =	vadd.f32 v32, v8  }
0x331: {  	v57 =	vld [tilespmem:$0x3110]  }
0x332: {  	v8 =	vadd.f32 v40, v8;
	v11 =	vadd.f32 v12, v11;
	v12 =	vld [tilespmem:$0x3A40]  }
0x333: {  	[tilespmem:$0x1FA70] =	vst v60;
	v60 =	vld [tilespmem:$0x3B30]  }
0x334: {  	v8 =	vadd.f32 v48, v8  }
0x335: {  	[tilespmem:$0x1F3C0] =	vst v61;
	v61 =	vld [tilespmem:$0x3290]  }
0x336: {  	v8 =	vadd.f32 v54, v8  }
0x337: {  	[tilespmem:$0x1FC10] =	vst v12;
	v12 =	vld [tilespmem:$0x1F360]  }
0x338: {  	v8 =	vadd.f32 v57, v8;
	[tilespmem:$0x1FA90] =	vst v60;
	v60 =	vld [tilespmem:$0x3BB0];
	_ =	sdelay $0x1  }
0x339: {  	v8 =	vadd.f32 v61, v8;
	_ =	sdelay $0x1  }
0x33a: {  	v8 =	vadd.f32 v12, v8;
	v12 =	vld [tilespmem:$0x1F370]  }
0x33b: {  	[tilespmem:$0x1FAA0] =	vst v60;
	v60 =	vld [tilespmem:$0x3C30];
	_ =	sdelay $0x3  }
0x33c: {  	v9 =	vadd.f32 v12, v9;
	v12 =	vld [tilespmem:$0x3AC0]  }
0x33d: {  	[tilespmem:$0x1FAB0] =	vst v60;
	v60 =	vld [tilespmem:$0x3CB0];
	_ =	sdelay $0x3  }
0x33e: {  	[tilespmem:$0x1FC20] =	vst v12;
	v12 =	vld [tilespmem:$0x1F380]  }
0x33f: {  	[tilespmem:$0x1FAC0] =	vst v60;
	v60 =	vld [tilespmem:$0x3D30];
	_ =	sdelay $0x3  }
0x340: {  	v6 =	vadd.f32 v12, v6;
	v12 =	vld [tilespmem:$0x1F390]  }
0x341: {  	[tilespmem:$0x1FAD0] =	vst v60;
	v60 =	vld [tilespmem:$0x3DB0];
	_ =	sdelay $0x2  }
0x342: {  	v13 =	vld [tilespmem:$0x29C0]  }
0x343: {  	v11 =	vadd.f32 v12, v11;
	v12 =	vld [tilespmem:$0x3B40]  }
0x344: {  	[tilespmem:$0x1FAE0] =	vst v60;
	v60 =	vld [tilespmem:$0x3E30]  }
0x345: {  	v31 =	vld [tilespmem:$0x3440]  }
0x346: {  	v14 =	vld [tilespmem:$0x2AC0]  }
0x347: {  	v16 =	vld [tilespmem:$0x2B40]  }
0x348: {  	[tilespmem:$0x1FC40] =	vst v12;
	v12 =	vld [tilespmem:$0x1F3A0]  }
0x349: {  	[tilespmem:$0x1FB20] =	vst v60;
	v60 =	vld [tilespmem:$0x3EB0]  }
0x34a: {  	v26 =	vld [tilespmem:$0x33C0]  }
0x34b: {  	v17 =	vld [tilespmem:$0x2BC0]  }
0x34c: {  	v18 =	vld [tilespmem:$0x2C40]  }
0x34d: {  	v8 =	vadd.f32 v12, v8;
	v12 =	vld [tilespmem:$0x1F3B0]  }
0x34e: {  	[tilespmem:$0x1FB30] =	vst v60;
	v60 =	vld [tilespmem:$0x3F30]  }
0x34f: {  	v19 =	vld [tilespmem:$0x2CC0]  }
0x350: {  	v21 =	vld [tilespmem:$0x2D40]  }
0x351: {  	v20 =	vld [tilespmem:$0x2DC0]  }
0x352: {  	v9 =	vadd.f32 v12, v9;
	v12 =	vld [tilespmem:$0x3BC0]  }
0x353: {  	[tilespmem:$0x1FB70] =	vst v60;
	v60 =	vld [tilespmem:$0x3FB0]  }
0x354: {  	v22 =	vld [tilespmem:$0x2E40]  }
0x355: {  	v23 =	vld [tilespmem:$0x2EC0]  }
0x356: {  	v27 =	vld [tilespmem:$0x2F40]  }
0x357: {  	[tilespmem:$0x1FC50] =	vst v12;
	v12 =	vld [tilespmem:$0x1F3C0]  }
0x358: {  	[tilespmem:$0x1FBB0] =	vst v60;
	v60 =	vld [tilespmem:$0x4030]  }
0x359: {  	v28 =	vld [tilespmem:$0x2FC0]  }
0x35a: {  	v30 =	vld [tilespmem:$0x3040]  }
0x35b: {  	v29 =	vld [tilespmem:$0x30C0]  }
0x35c: {  	v35 =	vld [tilespmem:$0x3140];
	v5 =	vadd.f32 v12, v5  }
0x35d: {  	v39 =	vld [tilespmem:$0x31C0];
	[tilespmem:$0x1FBF0] =	vst v60  }
0x35e: {  	v32 =	vld [tilespmem:$0x34C0];
	[tilespmem:$0x1FE30] =	vst v5  }
0x35f: {  	v5 =	vld [tilespmem:$0x1F3D0];
	_ =	sdelay $0x4  }
0x360: {  	v5 =	vadd.f32 v5, v11;
	v11 =	vld [tilespmem:$0x3C40];
	_ =	sdelay $0x4  }
0x361: {  	[tilespmem:$0x1FC60] =	vst v11;
	v11 =	vld [tilespmem:$0x1F3E0];
	_ =	sdelay $0x4  }
0x362: {  	v8 =	vadd.f32 v11, v8;
	v11 =	vld [tilespmem:$0x1F3F0];
	_ =	sdelay $0x4  }
0x363: {  	v9 =	vadd.f32 v11, v9;
	v11 =	vld [tilespmem:$0x3CC0];
	_ =	sdelay $0x4  }
0x364: {  	[tilespmem:$0x1FC80] =	vst v11;
	v11 =	vld [tilespmem:$0x1F400];
	_ =	sdelay $0x4  }
0x365: {  	v7 =	vadd.f32 v11, v7;
	_ =	sdelay $0x1  }
0x366: {  	[tilespmem:$0x1FE60] =	vst v7;
	v7 =	vld [tilespmem:$0x1F410];
	_ =	sdelay $0x4  }
0x367: {  	v5 =	vadd.f32 v7, v5;
	v7 =	vld [tilespmem:$0x3D40];
	_ =	sdelay $0x4  }
0x368: {  	[tilespmem:$0x1FC90] =	vst v7;
	v7 =	vld [tilespmem:$0x1F420];
	_ =	sdelay $0x4  }
0x369: {  	v7 =	vadd.f32 v7, v8;
	v8 =	vld [tilespmem:$0x1F430];
	_ =	sdelay $0x4  }
0x36a: {  	v8 =	vadd.f32 v8, v9;
	v9 =	vld [tilespmem:$0x3DC0];
	_ =	sdelay $0x4  }
0x36b: {  	[tilespmem:$0x1FCA0] =	vst v9;
	v9 =	vld [tilespmem:$0x1F440];
	_ =	sdelay $0x4  }
0x36c: {  	v6 =	vadd.f32 v9, v6;
	_ =	sdelay $0x1  }
0x36d: {  	[tilespmem:$0x1FE70] =	vst v6;
	v6 =	vld [tilespmem:$0x1F450];
	_ =	sdelay $0x4  }
0x36e: {  	v5 =	vadd.f32 v6, v5;
	v6 =	vld [tilespmem:$0x3E40];
	_ =	sdelay $0x4  }
0x36f: {  	[tilespmem:$0x1FCD0] =	vst v6;
	v6 =	vld [tilespmem:$0x1F460];
	_ =	sdelay $0x4  }
0x370: {  	v6 =	vadd.f32 v6, v7;
	v7 =	vld [tilespmem:$0x1F470];
	_ =	sdelay $0x1  }
0x371: {  	v9 =	vld [tilespmem:$0x3F40];
	_ =	sdelay $0x1  }
0x372: {  	v12 =	vld [tilespmem:$0x4040]  }
0x373: {  	v7 =	vadd.f32 v7, v8;
	v8 =	vld [tilespmem:$0x3EC0];
	_ =	sdelay $0x1  }
0x374: {  	[tilespmem:$0x1FD50] =	vst v9;
	v9 =	vld [tilespmem:$0x1F4A0];
	_ =	sdelay $0x1  }
0x375: {  	[tilespmem:$0x1FDD0] =	vst v12;
	v12 =	vld [tilespmem:$0x1F4E0]  }
0x376: {  	[tilespmem:$0x1FD10] =	vst v8;
	v8 =	vld [tilespmem:$0x1F480]  }
0x377: {  	v11 =	vld [tilespmem:$0x3FC0]  }
0x378: {  	v6 =	vadd.f32 v9, v6;
	v9 =	vld [tilespmem:$0x1F4B0];
	_ =	sdelay $0x1  }
0x379: {  	v7 =	vadd.f32 v12, v7;
	v12 =	vld [tilespmem:$0x1F4F0]  }
0x37a: {  	v5 =	vadd.f32 v8, v5;
	v8 =	vld [tilespmem:$0x1F490];
	_ =	sdelay $0x1  }
0x37b: {  	[tilespmem:$0x1FD90] =	vst v11;
	v11 =	vld [tilespmem:$0x1F4C0];
	v9 =	vadd.f32 $0.0e+00, v9;
	_ =	sdelay $0x1  }
0x37c: {  	v9 =	vadd.f32 v12, v9;
	v12 =	vld [tilespmem:$0x40C0]  }
0x37d: {  	v8 =	vadd.f32 $0.0e+00, v8;
	_ =	sdelay $0x1  }
0x37e: {  	v8 =	vadd.f32 v11, v8;
	v11 =	vld [tilespmem:$0x1F4D0];
	_ =	sdelay $0x1  }
0x37f: {  	[tilespmem:$0x1FE10] =	vst v12;
	v12 =	vld [tilespmem:$0x1F500];
	_ =	sdelay $0x2  }
0x380: {  	v11 =	vadd.f32 $0.0e+00, v11;
	_ =	sdelay $0x1  }
0x381: {  	v11 =	vadd.f32 v12, v11;
	v12 =	vld [tilespmem:$0x1F510];
	_ =	sdelay $0x4  }
0x382: {  	v8 =	vadd.f32 v12, v8;
	v12 =	vld [tilespmem:$0x4140];
	_ =	sdelay $0x4  }
0x383: {  	[tilespmem:$0x1FE40] =	vst v12;
	v12 =	vld [tilespmem:$0x1F520];
	_ =	sdelay $0x4  }
0x384: {  	v5 =	vadd.f32 v12, v5;
	v12 =	vld [tilespmem:$0x1F530];
	_ =	sdelay $0x4  }
0x385: {  	v9 =	vadd.f32 v12, v9;
	v12 =	vld [tilespmem:$0x41C0];
	_ =	sdelay $0x4  }
0x386: {  	[tilespmem:$0x1FF70] =	vst v12;
	v12 =	vld [tilespmem:$0x1F540];
	_ =	sdelay $0x4  }
0x387: {  	v11 =	vadd.f32 v12, v11;
	v12 =	vld [tilespmem:$0x1F550];
	_ =	sdelay $0x4  }
0x388: {  	v8 =	vadd.f32 v12, v8;
	v12 =	vld [tilespmem:$0x29D0];
	_ =	sdelay $0x4  }
0x389: {  	[tilespmem:$0x1FCB0] =	vst v12;
	v12 =	vld [tilespmem:$0x1F560];
	_ =	sdelay $0x4  }
0x38a: {  	v6 =	vadd.f32 v12, v6;
	v12 =	vld [tilespmem:$0x1F570];
	_ =	sdelay $0x4  }
0x38b: {  	v9 =	vadd.f32 v12, v9;
	v12 =	vld [tilespmem:$0x2A50];
	_ =	sdelay $0x4  }
0x38c: {  	[tilespmem:$0x1FCC0] =	vst v12;
	v12 =	vld [tilespmem:$0x1F580];
	_ =	sdelay $0x4  }
0x38d: {  	v11 =	vadd.f32 v12, v11;
	v12 =	vld [tilespmem:$0x1F590];
	_ =	sdelay $0x4  }
0x38e: {  	v8 =	vadd.f32 v12, v8;
	v12 =	vld [tilespmem:$0x2AD0];
	_ =	sdelay $0x4  }
0x38f: {  	[tilespmem:$0x1FCE0] =	vst v12;
	v12 =	vld [tilespmem:$0x1F5A0];
	_ =	sdelay $0x4  }
0x390: {  	v7 =	vadd.f32 v12, v7;
	v12 =	vld [tilespmem:$0x1F5B0];
	_ =	sdelay $0x4  }
0x391: {  	v9 =	vadd.f32 v12, v9;
	v12 =	vld [tilespmem:$0x2B50];
	_ =	sdelay $0x4  }
0x392: {  	[tilespmem:$0x1FCF0] =	vst v12;
	v12 =	vld [tilespmem:$0x1F5C0];
	_ =	sdelay $0x4  }
0x393: {  	v11 =	vadd.f32 v12, v11;
	v12 =	vld [tilespmem:$0x1F5D0];
	_ =	sdelay $0x4  }
0x394: {  	v8 =	vadd.f32 v12, v8;
	v12 =	vld [tilespmem:$0x2BD0];
	_ =	sdelay $0x4  }
0x395: {  	[tilespmem:$0x1FD00] =	vst v12;
	v12 =	vld [tilespmem:$0x1F5E0];
	_ =	sdelay $0x4  }
0x396: {  	v5 =	vadd.f32 v12, v5;
	v12 =	vld [tilespmem:$0x1F5F0];
	_ =	sdelay $0x4  }
0x397: {  	v9 =	vadd.f32 v12, v9;
	v12 =	vld [tilespmem:$0x2C50];
	_ =	sdelay $0x4  }
0x398: {  	[tilespmem:$0x1FD20] =	vst v12;
	v12 =	vld [tilespmem:$0x1F600];
	_ =	sdelay $0x4  }
0x399: {  	v11 =	vadd.f32 v12, v11;
	v12 =	vld [tilespmem:$0x1F610];
	_ =	sdelay $0x4  }
0x39a: {  	v8 =	vadd.f32 v12, v8;
	v12 =	vld [tilespmem:$0x2CD0];
	_ =	sdelay $0x4  }
0x39b: {  	[tilespmem:$0x1FD30] =	vst v12;
	v12 =	vld [tilespmem:$0x1F620];
	_ =	sdelay $0x4  }
0x39c: {  	v6 =	vadd.f32 v12, v6;
	v12 =	vld [tilespmem:$0x1F630];
	_ =	sdelay $0x4  }
0x39d: {  	v9 =	vadd.f32 v12, v9;
	v12 =	vld [tilespmem:$0x2D50];
	_ =	sdelay $0x4  }
0x39e: {  	[tilespmem:$0x1FD40] =	vst v12;
	v12 =	vld [tilespmem:$0x1F640];
	_ =	sdelay $0x4  }
0x39f: {  	v11 =	vadd.f32 v12, v11;
	v12 =	vld [tilespmem:$0x1F650];
	_ =	sdelay $0x4  }
0x3a0: {  	v8 =	vadd.f32 v12, v8;
	v12 =	vld [tilespmem:$0x2DD0];
	_ =	sdelay $0x4  }
0x3a1: {  	[tilespmem:$0x1FD60] =	vst v12;
	v12 =	vld [tilespmem:$0x1F660];
	_ =	sdelay $0x4  }
0x3a2: {  	v7 =	vadd.f32 v12, v7;
	v12 =	vld [tilespmem:$0x1F670];
	_ =	sdelay $0x4  }
0x3a3: {  	v9 =	vadd.f32 v12, v9;
	v12 =	vld [tilespmem:$0x2E50];
	_ =	sdelay $0x4  }
0x3a4: {  	[tilespmem:$0x1FD70] =	vst v12;
	v12 =	vld [tilespmem:$0x1F680];
	_ =	sdelay $0x4  }
0x3a5: {  	v11 =	vadd.f32 v12, v11;
	v12 =	vld [tilespmem:$0x1F690];
	_ =	sdelay $0x4  }
0x3a6: {  	v8 =	vadd.f32 v12, v8;
	v12 =	vld [tilespmem:$0x2ED0];
	_ =	sdelay $0x4  }
0x3a7: {  	[tilespmem:$0x1FD80] =	vst v12;
	v12 =	vld [tilespmem:$0x1F6A0];
	_ =	sdelay $0x4  }
0x3a8: {  	v5 =	vadd.f32 v12, v5;
	v12 =	vld [tilespmem:$0x1F6B0];
	_ =	sdelay $0x4  }
0x3a9: {  	v9 =	vadd.f32 v12, v9;
	v12 =	vld [tilespmem:$0x2F50];
	_ =	sdelay $0x4  }
0x3aa: {  	[tilespmem:$0x1FDA0] =	vst v12;
	v12 =	vld [tilespmem:$0x1F6C0];
	_ =	sdelay $0x4  }
0x3ab: {  	v11 =	vadd.f32 v12, v11;
	v12 =	vld [tilespmem:$0x1F6D0];
	_ =	sdelay $0x4  }
0x3ac: {  	v8 =	vadd.f32 v12, v8;
	v12 =	vld [tilespmem:$0x2FD0];
	_ =	sdelay $0x4  }
0x3ad: {  	[tilespmem:$0x1FDB0] =	vst v12;
	v12 =	vld [tilespmem:$0x1F6E0];
	_ =	sdelay $0x4  }
0x3ae: {  	v6 =	vadd.f32 v12, v6;
	_ =	sdelay $0x1  }
0x3af: {  	[tilespmem:$0x1FE50] =	vst v6;
	v6 =	vld [tilespmem:$0x1F6F0];
	_ =	sdelay $0x4  }
0x3b0: {  	v6 =	vadd.f32 v6, v9;
	v9 =	vld [tilespmem:$0x3050];
	_ =	sdelay $0x4  }
0x3b1: {  	[tilespmem:$0x1FDC0] =	vst v9;
	v9 =	vld [tilespmem:$0x1F700];
	_ =	sdelay $0x4  }
0x3b2: {  	v9 =	vadd.f32 v9, v11;
	v11 =	vld [tilespmem:$0x1F710];
	_ =	sdelay $0x4  }
0x3b3: {  	v8 =	vadd.f32 v11, v8;
	v11 =	vld [tilespmem:$0x30D0];
	_ =	sdelay $0x4  }
0x3b4: {  	[tilespmem:$0x1FDE0] =	vst v11;
	v11 =	vld [tilespmem:$0x1F720];
	_ =	sdelay $0x4  }
0x3b5: {  	v7 =	vadd.f32 v11, v7;
	_ =	sdelay $0x1  }
0x3b6: {  	[tilespmem:$0x1FE80] =	vst v7;
	v7 =	vld [tilespmem:$0x1F730];
	_ =	sdelay $0x4  }
0x3b7: {  	v6 =	vadd.f32 v7, v6;
	v7 =	vld [tilespmem:$0x3150];
	_ =	sdelay $0x4  }
0x3b8: {  	[tilespmem:$0x1FDF0] =	vst v7;
	v7 =	vld [tilespmem:$0x1F740];
	_ =	sdelay $0x4  }
0x3b9: {  	v7 =	vadd.f32 v7, v9;
	v9 =	vld [tilespmem:$0x1F750];
	_ =	sdelay $0x4  }
0x3ba: {  	v8 =	vadd.f32 v9, v8;
	v9 =	vld [tilespmem:$0x31D0];
	_ =	sdelay $0x4  }
0x3bb: {  	[tilespmem:$0x1FE00] =	vst v9;
	v9 =	vld [tilespmem:$0x1F760];
	_ =	sdelay $0x4  }
0x3bc: {  	v5 =	vadd.f32 v9, v5;
	_ =	sdelay $0x1  }
0x3bd: {  	[tilespmem:$0x1FE90] =	vst v5;
	v5 =	vld [tilespmem:$0x1F770];
	_ =	sdelay $0x4  }
0x3be: {  	v5 =	vadd.f32 v5, v6;
	v6 =	vld [tilespmem:$0x3250];
	_ =	sdelay $0x4  }
0x3bf: {  	[tilespmem:$0x1FE20] =	vst v6;
	v6 =	vld [tilespmem:$0x1F780];
	_ =	sdelay $0x4  }
0x3c0: {  	v6 =	vadd.f32 v6, v7;
	v7 =	vld [tilespmem:$0x1F790];
	_ =	sdelay $0x4  }
0x3c1: {  	v7 =	vadd.f32 v7, v8;
	v8 =	vld [tilespmem:$0x1F7A0];
	_ =	sdelay $0x1  }
0x3c2: {  	v12 =	vld [tilespmem:$0x1F7E0];
	_ =	sdelay $0x2  }
0x3c3: {  	v9 =	vld [tilespmem:$0x1F7B0];
	v8 =	vadd.f32 $0.0e+00, v8;
	_ =	sdelay $0x1  }
0x3c4: {  	v8 =	vadd.f32 v12, v8;
	v12 =	vld [tilespmem:$0x1F7F0];
	_ =	sdelay $0x2  }
0x3c5: {  	v11 =	vld [tilespmem:$0x1F7C0];
	v9 =	vadd.f32 $0.0e+00, v9;
	_ =	sdelay $0x1  }
0x3c6: {  	v9 =	vadd.f32 v12, v9;
	v12 =	vld [tilespmem:$0x1F800];
	_ =	sdelay $0x2  }
0x3c7: {  	v5 =	vadd.f32 v11, v5;
	v11 =	vld [tilespmem:$0x1F7D0];
	_ =	sdelay $0x1  }
0x3c8: {  	v6 =	vadd.f32 v12, v6;
	v12 =	vld [tilespmem:$0x1F810];
	_ =	sdelay $0x2  }
0x3c9: {  	v11 =	vadd.f32 $0.0e+00, v11;
	_ =	sdelay $0x1  }
0x3ca: {  	v11 =	vadd.f32 v12, v11;
	v12 =	vld [tilespmem:$0x1F820];
	_ =	sdelay $0x4  }
0x3cb: {  	v8 =	vadd.f32 v12, v8;
	v12 =	vld [tilespmem:$0x1F830];
	_ =	sdelay $0x4  }
0x3cc: {  	v9 =	vadd.f32 v12, v9;
	v12 =	vld [tilespmem:$0x1F840];
	_ =	sdelay $0x4  }
0x3cd: {  	v7 =	vadd.f32 v12, v7;
	v12 =	vld [tilespmem:$0x1F850];
	_ =	sdelay $0x4  }
0x3ce: {  	v11 =	vadd.f32 v12, v11;
	v12 =	vld [tilespmem:$0x1F860];
	_ =	sdelay $0x4  }
0x3cf: {  	v8 =	vadd.f32 v12, v8;
	v12 =	vld [tilespmem:$0x1F870];
	_ =	sdelay $0x4  }
0x3d0: {  	v9 =	vadd.f32 v12, v9;
	v12 =	vld [tilespmem:$0x1F880];
	_ =	sdelay $0x4  }
0x3d1: {  	v5 =	vadd.f32 v12, v5;
	v12 =	vld [tilespmem:$0x1F890];
	_ =	sdelay $0x4  }
0x3d2: {  	v11 =	vadd.f32 v12, v11;
	v12 =	vld [tilespmem:$0x1F8A0];
	_ =	sdelay $0x4  }
0x3d3: {  	v8 =	vadd.f32 v12, v8;
	v12 =	vld [tilespmem:$0x1F8B0];
	_ =	sdelay $0x4  }
0x3d4: {  	v9 =	vadd.f32 v12, v9;
	v12 =	vld [tilespmem:$0x1F8C0];
	_ =	sdelay $0x4  }
0x3d5: {  	v6 =	vadd.f32 v12, v6;
	v12 =	vld [tilespmem:$0x1F8D0];
	_ =	sdelay $0x4  }
0x3d6: {  	v11 =	vadd.f32 v12, v11;
	v12 =	vld [tilespmem:$0x1F8E0];
	_ =	sdelay $0x4  }
0x3d7: {  	v8 =	vadd.f32 v12, v8;
	v12 =	vld [tilespmem:$0x1F8F0];
	_ =	sdelay $0x4  }
0x3d8: {  	v9 =	vadd.f32 v12, v9;
	v12 =	vld [tilespmem:$0x1F900];
	_ =	sdelay $0x4  }
0x3d9: {  	v7 =	vadd.f32 v12, v7;
	v12 =	vld [tilespmem:$0x1F910];
	_ =	sdelay $0x4  }
0x3da: {  	v15 =	vadd.f32 v12, v11;
	v11 =	vld [tilespmem:$0x1F920];
	_ =	sdelay $0x4  }
0x3db: {  	v8 =	vadd.f32 v11, v8;
	v11 =	vld [tilespmem:$0x1F930];
	_ =	sdelay $0x4  }
0x3dc: {  	v9 =	vadd.f32 v11, v9;
	v11 =	vld [tilespmem:$0x1F940];
	_ =	sdelay $0x4  }
0x3dd: {  	v34 =	vadd.f32 v11, v5;
	v11 =	vld [tilespmem:$0x1F960];
	_ =	sdelay $0x4  }
0x3de: {  	v8 =	vadd.f32 v11, v8;
	v11 =	vld [tilespmem:$0x1F970];
	_ =	sdelay $0x4  }
0x3df: {  	v9 =	vadd.f32 v11, v9;
	v11 =	vld [tilespmem:$0x1F980];
	_ =	sdelay $0x2  }
0x3e0: {  	v5 =	vld [tilespmem:$0x1F950];
	_ =	sdelay $0x1  }
0x3e1: {  	v6 =	vadd.f32 v11, v6;
	v11 =	vld [tilespmem:$0x1F990];
	_ =	sdelay $0x2  }
0x3e2: {  	v5 =	vadd.f32 v5, v15;
	_ =	sdelay $0x1  }
0x3e3: {  	v40 =	vadd.f32 v11, v5;
	v5 =	vld [tilespmem:$0x1F9A0];
	_ =	sdelay $0x4  }
0x3e4: {  	v8 =	vadd.f32 v5, v8;
	v5 =	vld [tilespmem:$0x1F9B0];
	_ =	sdelay $0x4  }
0x3e5: {  	v9 =	vadd.f32 v5, v9;
	v5 =	vld [tilespmem:$0x1F9C0];
	_ =	sdelay $0x4  }
0x3e6: {  	v38 =	vadd.f32 v5, v7;
	v5 =	vld [tilespmem:$0x1F9D0];
	_ =	sdelay $0x4  }
0x3e7: {  	v7 =	vadd.f32 v5, v40;
	v5 =	vld [tilespmem:$0x1F9E0];
	_ =	sdelay $0x4  }
0x3e8: {  	v8 =	vadd.f32 v5, v8;
	v5 =	vld [tilespmem:$0x1F9F0];
	_ =	sdelay $0x4  }
0x3e9: {  	v9 =	vadd.f32 v5, v9;
	v5 =	vld [tilespmem:$0x1FA00];
	_ =	sdelay $0x4  }
0x3ea: {  	v5 =	vadd.f32 v5, v34;
	_ =	sdelay $0x1  }
0x3eb: {  	[tilespmem:$0x1FEA0] =	vst v5;
	v5 =	vld [tilespmem:$0x1FA10];
	_ =	sdelay $0x4  }
0x3ec: {  	v7 =	vadd.f32 v5, v7;
	v5 =	vld [tilespmem:$0x3CD0];
	_ =	sdelay $0x4  }
0x3ed: {  	[tilespmem:$0x1FEB0] =	vst v5;
	v5 =	vld [tilespmem:$0x1FA20];
	_ =	sdelay $0x4  }
0x3ee: {  	v8 =	vadd.f32 v5, v8;
	v5 =	vld [tilespmem:$0x1FA30];
	_ =	sdelay $0x4  }
0x3ef: {  	v9 =	vadd.f32 v5, v9;
	v5 =	vld [tilespmem:$0x3D50];
	_ =	sdelay $0x4  }
0x3f0: {  	[tilespmem:$0x1FEC0] =	vst v5;
	v5 =	vld [tilespmem:$0x1FA40];
	_ =	sdelay $0x4  }
0x3f1: {  	v57 =	vadd.f32 v5, v6;
	v5 =	vld [tilespmem:$0x1FA50];
	_ =	sdelay $0x4  }
0x3f2: {  	v6 =	vadd.f32 v5, v7;
	v5 =	vld [tilespmem:$0x3DD0];
	_ =	sdelay $0x4  }
0x3f3: {  	[tilespmem:$0x1FED0] =	vst v5;
	v5 =	vld [tilespmem:$0x1FA60];
	_ =	sdelay $0x4  }
0x3f4: {  	v7 =	vadd.f32 v5, v8;
	v5 =	vld [tilespmem:$0x1FA70];
	_ =	sdelay $0x4  }
0x3f5: {  	v8 =	vadd.f32 v5, v9;
	v5 =	vld [tilespmem:$0x3E50];
	_ =	sdelay $0x4  }
0x3f6: {  	[tilespmem:$0x1FEE0] =	vst v5;
	v5 =	vld [tilespmem:$0x1FA80];
	_ =	sdelay $0x4  }
0x3f7: {  	v41 =	vadd.f32 $0.0e+00, v5;
	v5 =	vld [tilespmem:$0x3ED0];
	_ =	sdelay $0x4  }
0x3f8: {  	[tilespmem:$0x1FEF0] =	vst v5;
	v5 =	vld [tilespmem:$0x1FA90];
	_ =	sdelay $0x4  }
0x3f9: {  	v6 =	vadd.f32 v5, v6;
	v5 =	vld [tilespmem:$0x3F50];
	_ =	sdelay $0x4  }
0x3fa: {  	[tilespmem:$0x1FF00] =	vst v5;
	v5 =	vld [tilespmem:$0x3FD0];
	_ =	sdelay $0x4  }
0x3fb: {  	[tilespmem:$0x1FF20] =	vst v5;
	v5 =	vld [tilespmem:$0x1FAA0];
	_ =	sdelay $0x4  }
0x3fc: {  	v7 =	vadd.f32 v5, v7;
	v5 =	vld [tilespmem:$0x4050];
	_ =	sdelay $0x4  }
0x3fd: {  	[tilespmem:$0x1FF40] =	vst v5;
	v5 =	vld [tilespmem:$0x40D0];
	_ =	sdelay $0x3  }
0x3fe: {  	v9 =	vadd.f32 $0.0e+00, v13  }
0x3ff: {  	[tilespmem:$0x1FF90] =	vst v5;
	v5 =	vld [tilespmem:$0x1FAB0]  }
0x400: {  	v9 =	vadd.f32 v16, v9  }
0x401: {  	v11 =	vld [tilespmem:$0x1FAC0]  }
0x402: {  	v9 =	vadd.f32 v19, v9;
	_ =	sdelay $0x1  }
0x403: {  	v9 =	vadd.f32 v22, v9;
	v8 =	vadd.f32 v5, v8;
	v5 =	vld [tilespmem:$0x4150]  }
0x404: {  	v12 =	vld [tilespmem:$0x1FB00];
	v24 =	vadd.f32 v17, v41  }
0x405: {  	v11 =	vadd.f32 v11, v6;
	v6 =	vadd.f32 v28, v9  }
0x406: {  	v24 =	vadd.f32 v21, v24  }
0x407: {  	v6 =	vadd.f32 v35, v6  }
0x408: {  	[tilespmem:$0x1FFB0] =	vst v5;
	v5 =	vadd.f32 v23, v24  }
0x409: {  	v6 =	vadd.f32 v12, v6;
	v12 =	vld [tilespmem:$0x1FB10]  }
0x40a: {  	v9 =	vld [tilespmem:$0x1FAD0];
	v5 =	vadd.f32 v30, v5;
	_ =	sdelay $0x1  }
0x40b: {  	v5 =	vadd.f32 v39, v5;
	_ =	sdelay $0x1  }
0x40c: {  	v5 =	vadd.f32 v12, v5;
	v12 =	vld [tilespmem:$0x1FB20]  }
0x40d: {  	v42 =	vadd.f32 $0.0e+00, v14;
	v9 =	vadd.f32 v9, v7;
	v7 =	vld [tilespmem:$0x1FAE0];
	_ =	sdelay $0x1  }
0x40e: {  	v34 =	vadd.f32 v18, v42;
	_ =	sdelay $0x1  }
0x40f: {  	v34 =	vadd.f32 v20, v34;
	v11 =	vadd.f32 v12, v11;
	v12 =	vld [tilespmem:$0x1FB30]  }
0x410: {  	v8 =	vadd.f32 v7, v8;
	v7 =	vld [tilespmem:$0x1FAF0]  }
0x411: {  	v34 =	vadd.f32 v27, v34;
	_ =	sdelay $0x1  }
0x412: {  	v34 =	vadd.f32 v29, v34  }
0x413: {  	v9 =	vadd.f32 v12, v9;
	v12 =	vld [tilespmem:$0x1FB40]  }
0x414: {  	v7 =	vadd.f32 v7, v34;
	_ =	sdelay $0x1  }
0x415: {  	v7 =	vadd.f32 v26, v7;
	_ =	sdelay $0x1  }
0x416: {  	v7 =	vadd.f32 v12, v7;
	v12 =	vld [tilespmem:$0x1FB50];
	_ =	sdelay $0x2  }
0x417: {  	v6 =	vadd.f32 v31, v6;
	_ =	sdelay $0x1  }
0x418: {  	v6 =	vadd.f32 v12, v6;
	v12 =	vld [tilespmem:$0x1FB60];
	_ =	sdelay $0x2  }
0x419: {  	v5 =	vadd.f32 v32, v5;
	_ =	sdelay $0x1  }
0x41a: {  	v5 =	vadd.f32 v12, v5;
	v12 =	vld [tilespmem:$0x1FB70];
	_ =	sdelay $0x4  }
0x41b: {  	v8 =	vadd.f32 v12, v8;
	v12 =	vld [tilespmem:$0x1FB80];
	_ =	sdelay $0x4  }
0x41c: {  	v7 =	vadd.f32 v12, v7;
	v12 =	vld [tilespmem:$0x1FB90];
	_ =	sdelay $0x4  }
0x41d: {  	v6 =	vadd.f32 v12, v6;
	v12 =	vld [tilespmem:$0x1FBA0];
	_ =	sdelay $0x4  }
0x41e: {  	v5 =	vadd.f32 v12, v5;
	v12 =	vld [tilespmem:$0x1FBB0];
	_ =	sdelay $0x4  }
0x41f: {  	v11 =	vadd.f32 v12, v11;
	v12 =	vld [tilespmem:$0x1FBC0];
	_ =	sdelay $0x4  }
0x420: {  	v7 =	vadd.f32 v12, v7;
	v12 =	vld [tilespmem:$0x1FBD0];
	_ =	sdelay $0x4  }
0x421: {  	v6 =	vadd.f32 v12, v6;
	v12 =	vld [tilespmem:$0x1FBE0];
	_ =	sdelay $0x4  }
0x422: {  	v5 =	vadd.f32 v12, v5;
	v12 =	vld [tilespmem:$0x1FBF0];
	_ =	sdelay $0x4  }
0x423: {  	v12 =	vadd.f32 v12, v9;
	v9 =	vld [tilespmem:$0x1FC00];
	_ =	sdelay $0x4  }
0x424: {  	v7 =	vadd.f32 v9, v7;
	v9 =	vld [tilespmem:$0x30E0];
	_ =	sdelay $0x4  }
0x425: {  	[tilespmem:$0x1FF80] =	vst v9;
	v9 =	vld [tilespmem:$0x1FC10];
	_ =	sdelay $0x4  }
0x426: {  	v6 =	vadd.f32 v9, v6;
	v9 =	vld [tilespmem:$0x1FC20];
	_ =	sdelay $0x4  }
0x427: {  	v5 =	vadd.f32 v9, v5;
	v9 =	vld [tilespmem:$0x1FC30];
	_ =	sdelay $0x4  }
0x428: {  	v25 =	vadd.f32 v9, v8;
	v8 =	vld [tilespmem:$0x1FC40];
	_ =	sdelay $0x4  }
0x429: {  	v7 =	vadd.f32 v8, v7;
	v8 =	vld [tilespmem:$0x1FC50];
	_ =	sdelay $0x4  }
0x42a: {  	v6 =	vadd.f32 v8, v6;
	v8 =	vld [tilespmem:$0x1FC60];
	_ =	sdelay $0x4  }
0x42b: {  	v5 =	vadd.f32 v8, v5;
	v8 =	vld [tilespmem:$0x3260];
	_ =	sdelay $0x4  }
0x42c: {  	[tilespmem:$0x1FFA0] =	vst v8;
	v8 =	vld [tilespmem:$0x1FC70];
	_ =	sdelay $0x4  }
0x42d: {  	v24 =	vadd.f32 v8, v11;
	v8 =	vld [tilespmem:$0x1FC80];
	_ =	sdelay $0x4  }
0x42e: {  	v7 =	vadd.f32 v8, v7;
	v8 =	vld [tilespmem:$0x1FC90];
	_ =	sdelay $0x4  }
0x42f: {  	v8 =	vadd.f32 v8, v6;
	v6 =	vld [tilespmem:$0x1FCA0];
	_ =	sdelay $0x4  }
0x430: {  	v9 =	vadd.f32 v6, v5;
	v5 =	vld [tilespmem:$0x1FCB0];
	_ =	sdelay $0x1  }
0x431: {  	v17 =	vld [tilespmem:$0x1FCF0];
	_ =	sdelay $0x1  }
0x432: {  	v11 =	vld [tilespmem:$0x33E0]  }
0x433: {  	v6 =	vld [tilespmem:$0x1FCC0];
	v5 =	vadd.f32 $0.0e+00, v5;
	_ =	sdelay $0x1  }
0x434: {  	v5 =	vadd.f32 v17, v5;
	v17 =	vld [tilespmem:$0x1FD00]  }
0x435: {  	v63 =	vld [tilespmem:$0x32D0]  }
0x436: {  	v58 =	vld [tilespmem:$0x3350]  }
0x437: {  	[tilespmem:$0x1FFC0] =	vst v11;
	v11 =	vld [tilespmem:$0x1FCD0];
	v6 =	vadd.f32 $0.0e+00, v6  }
0x438: {  	v61 =	vld [tilespmem:$0x33D0]  }
0x439: {  	v6 =	vadd.f32 v17, v6;
	v17 =	vld [tilespmem:$0x1FD10]  }
0x43a: {  	v59 =	vld [tilespmem:$0x3450]  }
0x43b: {  	v53 =	vld [tilespmem:$0x34D0]  }
0x43c: {  	v11 =	vadd.f32 v11, v7;
	v7 =	vld [tilespmem:$0x1FCE0]  }
0x43d: {  	v55 =	vld [tilespmem:$0x3550]  }
0x43e: {  	v8 =	vadd.f32 v17, v8;
	v17 =	vld [tilespmem:$0x1FD20]  }
0x43f: {  	v54 =	vld [tilespmem:$0x35D0]  }
0x440: {  	v50 =	vld [tilespmem:$0x3650]  }
0x441: {  	v49 =	vld [tilespmem:$0x36D0];
	v7 =	vadd.f32 $0.0e+00, v7  }
0x442: {  	v48 =	vld [tilespmem:$0x3750]  }
0x443: {  	v7 =	vadd.f32 v17, v7;
	v17 =	vld [tilespmem:$0x3560]  }
0x444: {  	v44 =	vld [tilespmem:$0x37D0]  }
0x445: {  	v45 =	vld [tilespmem:$0x3850]  }
0x446: {  	v43 =	vld [tilespmem:$0x38D0]  }
0x447: {  	v47 =	vld [tilespmem:$0x3950]  }
0x448: {  	[tilespmem:$0x1FFD0] =	vst v17;
	v17 =	vld [tilespmem:$0x1FD30]  }
0x449: {  	v46 =	vld [tilespmem:$0x39D0]  }
0x44a: {  	v29 =	vld [tilespmem:$0x1FD60]  }
0x44b: {  	v51 =	vld [tilespmem:$0x3A50]  }
0x44c: {  	v52 =	vld [tilespmem:$0x3AD0]  }
0x44d: {  	v5 =	vadd.f32 v17, v5;
	v17 =	vld [tilespmem:$0x1FD40]  }
0x44e: {  	v56 =	vld [tilespmem:$0x3B50]  }
0x44f: {  	v7 =	vadd.f32 v29, v7;
	v29 =	vld [tilespmem:$0x1FD80]  }
0x450: {  	v60 =	vld [tilespmem:$0x3BD0]  }
0x451: {  	v62 =	vld [tilespmem:$0x3C50]  }
0x452: {  	v37 =	vld [tilespmem:$0x41D0];
	v6 =	vadd.f32 v17, v6  }
0x453: {  	v36 =	vld [tilespmem:$0x2A60]  }
0x454: {  	v6 =	vadd.f32 v29, v6;
	v29 =	vld [tilespmem:$0x1FD90]  }
0x455: {  	v33 =	vld [tilespmem:$0x2BE0]  }
0x456: {  	v14 =	vld [tilespmem:$0x2FE0]  }
0x457: {  	v27 =	vld [tilespmem:$0x1FD70]  }
0x458: {  	v42 =	vld [tilespmem:$0x2AE0]  }
0x459: {  	v11 =	vadd.f32 v29, v11;
	v29 =	vld [tilespmem:$0x1FDB0]  }
0x45a: {  	v15 =	vld [tilespmem:$0x32E0]  }
0x45b: {  	v40 =	vld [tilespmem:$0x2C60]  }
0x45c: {  	v5 =	vadd.f32 v27, v5;
	v27 =	vld [tilespmem:$0x36E0]  }
0x45d: {  	v18 =	vld [tilespmem:$0x3760]  }
0x45e: {  	v42 =	vadd.f32 $0.0e+00, v42;
	v5 =	vadd.f32 v29, v5;
	v29 =	vld [tilespmem:$0x1FDD0]  }
0x45f: {  	v20 =	vld [tilespmem:$0x2E60]  }
0x460: {  	v40 =	vadd.f32 v40, v42;
	v42 =	vld [tilespmem:$0x2D70]  }
0x461: {  	[tilespmem:$0x1FFE0] =	vst v27;
	v27 =	vld [tilespmem:$0x1FDA0]  }
0x462: {  	v13 =	vld [tilespmem:$0x3160]  }
0x463: {  	v8 =	vadd.f32 v29, v8;
	v29 =	vld [tilespmem:$0x1FDE0]  }
0x464: {  	v16 =	vld [tilespmem:$0x3460]  }
0x465: {  	v19 =	vld [tilespmem:$0x38E0]  }
0x466: {  	v22 =	vld [tilespmem:$0x2B60];
	v7 =	vadd.f32 v27, v7  }
0x467: {  	v41 =	vld [tilespmem:$0x2DE0]  }
0x468: {  	v7 =	vadd.f32 v29, v7;
	v29 =	vld [tilespmem:$0x3860]  }
0x469: {  	v21 =	vld [tilespmem:$0x2CE0]  }
0x46a: {  	v28 =	vld [tilespmem:$0x1FD50]  }
0x46b: {  	v35 =	vld [tilespmem:$0x2EE0]  }
0x46c: {  	v31 =	vld [tilespmem:$0x2D60]  }
0x46d: {  	[tilespmem:$0x1FFF0] =	vst v29;
	v29 =	vld [tilespmem:$0x1FDF0]  }
0x46e: {  	v23 =	vld [tilespmem:$0x29E0]  }
0x46f: {  	v34 =	vld [tilespmem:$0x31E0]  }
0x470: {  	v27 =	vld [tilespmem:$0x1FDC0]  }
0x471: {  	v30 =	vld [tilespmem:$0x3360]  }
0x472: {  	v5 =	vadd.f32 v29, v5;
	v29 =	vld [tilespmem:$0x1FE00]  }
0x473: {  	v39 =	vld [tilespmem:$0x2F60]  }
0x474: {  	v5 =	vadd.f32 v63, v5;
	v63 =	vld [tilespmem:$0x1FE30]  }
0x475: {  	v26 =	vld [tilespmem:$0x34E0];
	v6 =	vadd.f32 v27, v6  }
0x476: {  	v32 =	vld [tilespmem:$0x3060]  }
0x477: {  	v6 =	vadd.f32 v29, v6;
	v29 =	vld [tilespmem:$0x1FE10]  }
0x478: {  	v9 =	vadd.f32 v28, v9;
	v28 =	vld [tilespmem:$0x3660]  }
0x479: {  	(erf) = vrcp.f32 v63;
	v63 =	vld [tilespmem:$0x1FE40]  }
0x47a: {  	v17 =	vld [tilespmem:$0x35E0]  }
0x47b: {  	v27 =	vld [tilespmem:$0x37E0];
	v5 =	vadd.f32 v59, v5  }
0x47c: {  	v9 =	vadd.f32 v29, v9;
	v29 =	vld [tilespmem:$0x1FE20]  }
0x47d: {  	v5 =	vadd.f32 v54, v5;
	v6 =	vadd.f32 v58, v6;
	v58 =	vld [tilespmem:$0x39E0]  }
0x47e: {  	v63 =	vadd.f32 v63, v11;
	v11 =	vld [tilespmem:$0x1FE50]  }
0x47f: {  	v5 =	vadd.f32 v48, v5;
	v48 =	vld [tilespmem:$0x1FE70];
	v6 =	vadd.f32 v53, v6  }
0x480: {  	v53 =	vld [tilespmem:$0x3AE0]  }
0x481: {  	v6 =	vadd.f32 v50, v6;
	v50 =	vld [tilespmem:$0x3BE0];
	v7 =	vadd.f32 v29, v7  }
0x482: {  	v29 =	vld [tilespmem:$0x3960]  }
0x483: {  	v7 =	vadd.f32 v61, v7;
	v61 =	vld [tilespmem:$0x3A60];
	(erf) = vrcp.f32 v11;
	v11 =	vadd.f32 $0.0e+00, v23  }
0x484: {  	v23 =	vld [tilespmem:$0x3B60]  }
0x485: {  	v6 =	vadd.f32 v44, v6;
	(erf) = vrcp.f32 v38;
	v11 =	vadd.f32 v22, v11;
	v22 =	vld [tilespmem:$0x3CE0]  }
0x486: {  	v7 =	vadd.f32 v55, v7;
	(erf) = vrcp.f32 v12;
	v55 =	vadd.f32 v43, v5;
	v5 =	vld [tilespmem:$0x3DE0]  }
0x487: {  	(erf) = vrcp.f32 v8;
	v8 =	vadd.f32 v47, v6;
	v6 =	vld [tilespmem:$0x3E60]  }
0x488: {  	v54 =	vadd.f32 v49, v7;
	v7 =	vld [tilespmem:$0x3C60]  }
0x489: {  	v11 =	vadd.f32 v21, v11;
	v21 =	vld [tilespmem:$0x3D60]  }
0x48a: {  	v38 =	vadd.f32 v51, v55;
	v55 =	vld [tilespmem:$0x1FEB0]  }
0x48b: {  	v36 =	vadd.f32 $0.0e+00, v36;
	v49 =	vadd.f32 v52, v8;
	v8 =	vld [tilespmem:$0x3FE0]  }
0x48c: {  	v52 =	vld [tilespmem:$0x1FE90]  }
0x48d: {  	v11 =	vadd.f32 v20, v11;
	v20 =	vadd.f32 v33, v36;
	v36 =	vld [tilespmem:$0x3EE0]  }
0x48e: {  	v59 =	vpop (erf);
	v12 =	vadd.f32 v45, v54;
	v45 =	vld [tilespmem:$0x4060]  }
0x48f: {  	v33 =	vmul.f32 v48, v59;
	v48 =	vld [tilespmem:$0x41E0]  }
0x490: {  	v44 =	vadd.f32 v62, v49;
	v62 =	vld [tilespmem:$0x1FEE0]  }
0x491: {  	v14 =	vadd.f32 v14, v11;
	v11 =	vld [tilespmem:$0x1FE60]  }
0x492: {  	v12 =	vadd.f32 v46, v12;
	v46 =	vld [tilespmem:$0x40E0]  }
0x493: {  	v20 =	vadd.f32 v31, v20;
	v51 =	vpop (erf);
	v13 =	vadd.f32 v13, v14;
	v14 =	vld [tilespmem:$0x1FE80]  }
0x494: {  	v31 =	vmul.f32 v52, v51;
	v54 =	vpop (erf);
	v52 =	vld [tilespmem:$0x1FEF0]  }
0x495: {  	v12 =	vadd.f32 v56, v12;
	v20 =	vadd.f32 v35, v20;
	v35 =	vmul.f32 v57, v54;
	v57 =	vld [tilespmem:$0x1FEC0]  }
0x496: {  	v15 =	vadd.f32 v15, v13;
	v13 =	vld [tilespmem:$0x1FEA0]  }
0x497: {  	v12 =	vadd.f32 v55, v12;
	v55 =	vld [tilespmem:$0x1FF10]  }
0x498: {  	v43 =	vmul.f32 v59, v11;
	v11 =	vld [tilespmem:$0x3F60]  }
0x499: {  	v56 =	vpop (erf);
	v59 =	vld [tilespmem:$0x1FED0]  }
0x49a: {  	v15 =	vadd.f32 v16, v15;
	v16 =	vmul.f32 v56, v25;
	v25 =	vld [tilespmem:$0x29F0]  }
0x49b: {  	v38 =	vadd.f32 v60, v38;
	v20 =	vadd.f32 v32, v20;
	v24 =	vmul.f32 v24, v56;
	v60 =	vpop (erf);
	v56 =	vld [tilespmem:$0x1FF20]  }
0x49c: {  	v9 =	vmul.f32 v60, v9;
	v12 =	vadd.f32 v62, v12;
	v62 =	vld [tilespmem:$0x1FF40]  }
0x49d: {  	v20 =	vadd.f32 v34, v20;
	v34 =	vmul.f32 v63, v60;
	v63 =	vld [tilespmem:$0x1FF50]  }
0x49e: {  	[tilespmem:$0x42C0] =	vst v9;
	v9 =	vld [tilespmem:$0x1FFD0]  }
0x49f: {  	[tilespmem:$0x4280] =	vst v43;
	v43 =	vld [tilespmem:$0x3A70]  }
0x4a0: {  	v15 =	vadd.f32 v17, v15;
	v17 =	vld [tilespmem:$0x2AF0]  }
0x4a1: {  	v20 =	vadd.f32 v30, v20;
	v30 =	vld [tilespmem:$0x2B70]  }
0x4a2: {  	v38 =	vadd.f32 v57, v38;
	v57 =	vld [tilespmem:$0x1FF30]  }
0x4a3: {  	v14 =	vmul.f32 v51, v14;
	v47 =	vmul.f32 v54, v13;
	v13 =	vld [tilespmem:$0x4160]  }
0x4a4: {  	v54 =	vld [tilespmem:$0x1FF00]  }
0x4a5: {  	[tilespmem:$0x4290] =	vst v14;
	v14 =	vld [tilespmem:$0x1FFB0]  }
0x4a6: {  	v32 =	vadd.f32 v59, v44;
	v44 =	vld [tilespmem:$0x2A70]  }
0x4a7: {  	v15 =	vadd.f32 v18, v15;
	v18 =	vld [tilespmem:$0x2BF0]  }
0x4a8: {  	v20 =	vadd.f32 v26, v20;
	v26 =	vld [tilespmem:$0x2C70]  }
0x4a9: {  	vm4 =	vgt.f32 v55, $1.000000050e-03;
	v38 =	vadd.f32 v52, v38;
	v52 =	vld [tilespmem:$0x1FF60]  }
0x4aa: {  	vm6 =	vgt.f32 v37, $1.000000050e-03;
	v49 =	vnsel vm4, $0x0, v55;
	v12 =	vadd.f32 v56, v12;
	v56 =	vld [tilespmem:$0x1FF70]  }
0x4ab: {  	v37 =	vnsel vm6, $0x0, v37;
	[tilespmem:$0x4380] =	vst v49;
	v15 =	vadd.f32 v19, v15;
	v19 =	vld [tilespmem:$0x2CF0]  }
0x4ac: {  	[tilespmem:$0x43D0] =	vst v37;
	v60 =	vld [tilespmem:$0x4380];
	v38 =	vadd.f32 v62, v38  }
0x4ad: {  	v62 =	vld [tilespmem:$0x43D0]  }
0x4ae: {  	vm4 =	vgt.f32 v57, $1.000000050e-03;
	(erf) = vrcp.f32 v38;
	v38 =	vld [tilespmem:$0x2DF0]  }
0x4af: {  	v59 =	vnsel vm4, $0x0, v57;
	vm4 =	vgt.f32 v63, $1.000000050e-03;
	v15 =	vadd.f32 v61, v15;
	v61 =	vld [tilespmem:$0x2F70]  }
0x4b0: {  	v40 =	vadd.f32 v41, v40;
	v20 =	vadd.f32 v28, v20;
	[tilespmem:$0x4390] =	vst v59;
	v49 =	vnsel vm4, $0x0, v63;
	v63 =	vld [tilespmem:$0x1FF80]  }
0x4b1: {  	v51 =	vld [tilespmem:$0x4390]  }
0x4b2: {  	vm7 =	vmmov $0xf;
	v39 =	vadd.f32 v39, v40;
	v20 =	vadd.f32 v27, v20;
	[tilespmem:$0x43A0] =	vst v49;
	v49 =	vld [tilespmem:$0x3070]  }
0x4b3: {  	vm13 =	vgt.f32 v48, $1.000000050e-03;
	vm4 =	vgt.f32 v52, $1.000000050e-03;
	v15 =	vadd.f32 v50, v15;
	v50 =	vld [tilespmem:$0x1FFA0]  }
0x4b4: {  	v32 =	vadd.f32 v54, v32;
	v54 =	vnsel vm4, $0x0, v52;
	v20 =	vadd.f32 v29, v20;
	v55 =	vld [tilespmem:$0x43A0]  }
0x4b5: {  	vm5 =	vgt.f32 v56, $1.000000050e-03;
	v52 =	vld [tilespmem:$0x1FFC0];
	[tilespmem:$0x43B0] =	vst v54;
	vm4 =	vgt.f32 v60, $-3.000000010e+38;
	v15 =	vadd.f32 v21, v15  }
0x4b6: {  	v40 =	vnsel vm5, $0x0, v56;
	v20 =	vadd.f32 v53, v20;
	v28 =	vnsel vm4, $0xFF61B1E6, v60;
	v57 =	vld [tilespmem:$0x43B0]  }
0x4b7: {  	v54 =	vld [tilespmem:$0x31F0];
	[tilespmem:$0x43C0] =	vst v40;
	v60 =	vnsel vm13, $0x0, v48;
	v15 =	vadd.f32 v36, v15;
	vm5 =	vgt.f32 v51, v28  }
0x4b8: {  	v25 =	vadd.f32 $0.0e+00, v25;
	v59 =	vld [tilespmem:$0x43C0];
	v37 =	vnsel vm7, $0xFF61B1E6, v60;
	v27 =	vsel vm5, v51, v28  }
0x4b9: {  	v21 =	vld [tilespmem:$0x2E70];
	v7 =	vadd.f32 v7, v20;
	v15 =	vadd.f32 v45, v15;
	vm14 =	vgt.f32 v55, v27  }
0x4ba: {  	v25 =	vadd.f32 v30, v25;
	v48 =	vld [tilespmem:$0x1FF90];
	[tilespmem:$0x43E0] =	vst v37;
	v27 =	vsel vm14, v55, v27  }
0x4bb: {  	v20 =	vld [tilespmem:$0x43E0];
	v5 =	vadd.f32 v5, v7;
	(erf) = vrcp.f32 v15;
	vm15 =	vgt.f32 v57, v27  }
0x4bc: {  	v17 =	vadd.f32 $0.0e+00, v17;
	v12 =	vadd.f32 v14, v12;
	v45 =	vld [tilespmem:$0x2FF0];
	v15 =	vsel vm15, v57, v27  }
0x4bd: {  	[tilespmem:$0x43F0] =	vst v10;
	v14 =	vadd.f32 v19, v25;
	v5 =	vadd.f32 v11, v5;
	v11 =	vld [tilespmem:$0x3170];
	vm8 =	vgt.f32 v59, v15  }
0x4be: {  	v17 =	vadd.f32 v26, v17;
	v53 =	vadd.f32 $0.0e+00, v44;
	v7 =	vsel vm8, v59, v15;
	v15 =	vld [tilespmem:$0x43F0]  }
0x4bf: {  	v40 =	vld [tilespmem:$0x38F0];
	v39 =	vadd.f32 v63, v39;
	v14 =	vadd.f32 v21, v14;
	vm9 =	vgt.f32 v62, v7  }
0x4c0: {  	[tilespmem:$0x42B0] =	vst v16;
	v36 =	vld [tilespmem:$0x2EF0];
	v16 =	vadd.f32 v18, v53;
	v27 =	vadd.f32 v48, v32;
	v7 =	vsel vm9, v62, v7  }
0x4c1: {  	[tilespmem:$0x4300] =	vst v33;
	v21 =	vld [tilespmem:$0x32F0];
	v32 =	vadd.f32 v50, v39;
	v14 =	vadd.f32 v45, v14;
	vm10 =	vgt.f32 v20, v7  }
0x4c2: {  	[tilespmem:$0x4310] =	vst v31;
	v44 =	vimm.s32 $0x0;
	v63 =	vld [tilespmem:$0x3570];
	v5 =	vadd.f32 v46, v5;
	v7 =	vsel vm10, v20, v7  }
0x4c3: {  	[tilespmem:$0x4320] =	vst v35;
	v53 =	vld [tilespmem:$0x3870];
	v25 =	vadd.f32 v52, v32;
	v11 =	vadd.f32 v11, v14;
	v20 =	vpop (erf);
	vm11 =	vgt.f32 v15, v7  }
0x4c4: {  	[tilespmem:$0x4330] =	vst v24;
	v57 =	vsel vm11, v15, v7;
	v7 =	vld [tilespmem:$0x3470];
	v15 =	vmul.f32 v12, v20;
	v12 =	vadd.f32 v42, v16;
	v16 =	vpop (erf)  }
0x4c5: {  	v51 =	vld [tilespmem:$0x30F0];
	v25 =	vadd.f32 v9, v25;
	(xrf0) =	vmax.scan.msk.f32 $0xffff, v57;
	v14 =	vmul.f32 v16, v5;
	v5 =	vadd.f32 v38, v17  }
0x4c6: {  	[tilespmem:$0x4340] =	vst v34;
	v9 =	vld [tilespmem:$0x35F0];
	v21 =	vadd.f32 v21, v11;
	v11 =	vor.u32 $0x80000000, v2;
	v17 =	vadd.f32 v36, v12  }
0x4c7: {  	[tilespmem:$0x42A0] =	vst v47;
	v56 =	vmul.f32 v20, v27;
	v20 =	vld [tilespmem:$0x3370];
	v12 =	vor.u32 $0x80000010, v2;
	v60 =	vadd.f32 v61, v5  }
0x4c8: {  	v61 =	vld [tilespmem:$0x3770];
	v5 =	vnsel vm4, $0x80000000, v11;
	[tilespmem:$0x42E0] =	vst v14;
	v14 =	vor.u32 $0x80000050, v2;
	v17 =	vadd.f32 v49, v17  }
0x4c9: {  	[tilespmem:$0x4580] =	vst v44;
	v55 =	vld [tilespmem:$0x3270];
	v21 =	vadd.f32 v7, v21;
	v7 =	vsel vm5, v12, v5;
	v5 =	vor.u32 $0x80000020, v2  }
0x4ca: {  	[tilespmem:$0x4590] =	vst v44;
	v48 =	vld [tilespmem:$0x3BF0];
	v39 =	vsel vm14, v5, v7;
	v7 =	vor.u32 $0x80000030, v2;
	v17 =	vadd.f32 v54, v17  }
0x4cb: {  	[tilespmem:$0x4350] =	vst v15;
	v49 =	vld [tilespmem:$0x1FFE0];
	v15 =	vadd.f32 v9, v21;
	v21 =	vsel vm15, v7, v39;
	v9 =	vor.u32 $0x80000040, v2;
	v41, _, _ =	vpop (xrf0)  }
0x4cc: {  	[tilespmem:$0x45A0] =	vst v44;
	v59 =	vld [tilespmem:$0x33F0];
	v21 =	vsel vm8, v9, v21;
	v32 =	vbroadcast v41, $0xF;
	v17 =	vadd.f32 v20, v17  }
0x4cd: {  	[tilespmem:$0x45B0] =	vst v44;
	v20 =	vld [tilespmem:$0x1FFF0];
	v28 =	vadd.f32 v61, v15;
	v21 =	vsel vm9, v14, v21;
	v15 =	vor.u32 $0x80000060, v2  }
0x4ce: {  	[tilespmem:$0x45C0] =	vst v44;
	v62 =	vld [tilespmem:$0x34F0];
	v46 =	vsel vm10, v15, v21;
	v21 =	vor.u32 $0x80000070, v2  }
0x4cf: {  	[tilespmem:$0x45D0] =	vst v44;
	v50 =	vld [tilespmem:$0x37F0];
	v19 =	vadd.f32 v51, v60;
	vm4 =	veq.f32 v57, v32;
	v47 =	vsel vm11, v21, v46  }
0x4d0: {  	[tilespmem:$0x45E0] =	vst v44;
	v42 =	vld [tilespmem:$0x3670];
	v25 =	vadd.f32 v49, v25;
	v28 =	vadd.f32 v40, v28;
	v24 =	vnsel vm4, $0xC0000000, v47  }
0x4d1: {  	[tilespmem:$0x45F0] =	vst v44;
	v51 =	vld [tilespmem:$0x3D70];
	v18 =	vadd.f32 v55, v19;
	(xrf0) =	vmin.scan.msk.u32 $0xffff, v24  }
0x4d2: {  	v45 =	vld [tilespmem:$0x36F0];
	[tilespmem:$0x42D0] =	vst v56;
	v36 =	vimm.f32 $0.0e+00;
	v20 =	vadd.f32 v20, v25;
	v52 =	vadd.f32 v43, v28  }
0x4d3: {  	[tilespmem:$0x4400] =	vst v36;
	v54 =	vld [tilespmem:$0x3EF0];
	v18 =	vadd.f32 v59, v18;
	v17 =	vadd.f32 v62, v17  }
0x4d4: {  	v56 =	vld [tilespmem:$0x4070];
	[tilespmem:$0x4480] =	vst v36;
	v20 =	vadd.f32 v58, v20;
	v24 =	vadd.f32 v48, v52  }
0x4d5: {  	[tilespmem:$0x4500] =	vst v36;
	v55 =	vld [tilespmem:$0x3970];
	v18 =	vadd.f32 v63, v18;
	v17 =	vadd.f32 v42, v17  }
0x4d6: {  	[tilespmem:$0x4410] =	vst v36;
	v20 =	vadd.f32 v23, v20;
	v19 =	vadd.f32 v51, v24;
	v23 =	vld [tilespmem:$0x39F0]  }
0x4d7: {  	[tilespmem:$0x4490] =	vst v36;
	v57 =	vld [tilespmem:$0x3AF0];
	v18 =	vadd.f32 v45, v18;
	v17 =	vadd.f32 v50, v17;
	v58, _, _ =	vpop (xrf0)  }
0x4d8: {  	[tilespmem:$0x4510] =	vst v36;
	v59 =	vld [tilespmem:$0x3B70];
	v19 =	vadd.f32 v54, v19;
	(v2sf) =	vpush v58, $0xF  }
0x4d9: {  	[tilespmem:$0x4420] =	vst v36;
	v18 =	vadd.f32 v53, v18;
	v20 =	vadd.f32 v22, v20;
	v22 =	vld [tilespmem:$0x3C70]  }
0x4da: {  	[tilespmem:$0x44A0] =	vst v36;
	v60 =	vld [tilespmem:$0x3CF0];
	v17 =	vadd.f32 v55, v17;
	v19 =	vadd.f32 v56, v19  }
0x4db: {  	[tilespmem:$0x4520] =	vst v36;
	v6 =	vadd.f32 v6, v20;
	v20 =	vld [tilespmem:$0x3DF0];
	v18 =	vadd.f32 v23, v18  }
0x4dc: {  	[tilespmem:$0x4430] =	vst v36;
	v61 =	vld [tilespmem:$0x3E70];
	v17 =	vadd.f32 v57, v17  }
0x4dd: {  	[tilespmem:$0x44B0] =	vst v36;
	(erf) = vrcp.f32 v19;
	v6 =	vadd.f32 v8, v6;
	v8 =	vadd.f32 v59, v18  }
0x4de: {  	[tilespmem:$0x4530] =	vst v36;
	v17 =	vadd.f32 v22, v17;
	v22 =	vld [tilespmem:$0x3FF0]  }
0x4df: {  	[tilespmem:$0x4440] =	vst v36;
	v62 =	vld [tilespmem:$0x3F70];
	v6 =	vadd.f32 v13, v6;
	v8 =	vadd.f32 v60, v8  }
0x4e0: {  	[tilespmem:$0x44C0] =	vst v36;
	v17 =	vadd.f32 v20, v17;
	v20 =	vld [tilespmem:$0x4170]  }
0x4e1: {  	[tilespmem:$0x4540] =	vst v36;
	v13 =	vld [tilespmem:$0x40F0];
	v6 =	vmul.f32 v6, v16;
	v8 =	vadd.f32 v61, v8  }
0x4e2: {  	[tilespmem:$0x4450] =	vst v36  }
0x4e3: {  	[tilespmem:$0x4360] =	vst v6;
	v6 =	vadd.f32 v22, v8  }
0x4e4: {  	[tilespmem:$0x44D0] =	vst v36;
	v16 =	vadd.f32 v62, v17  }
0x4e5: {  	[tilespmem:$0x4550] =	vst v36;
	v6 =	vadd.f32 v20, v6  }
0x4e6: {  	[tilespmem:$0x4460] =	vst v36;
	v8 =	vadd.f32 v13, v16;
	v13 =	vpop (erf)  }
0x4e7: {  	[tilespmem:$0x44E0] =	vst v36;
	v6 =	vmul.f32 v6, v13;
	s20 =	spop (v2sf)  }
0x4e8: {  	[tilespmem:$0x4560] =	vst v36;
	s1 =	sxor.u32 $0x80000000, s20  }
0x4e9: {  	[tilespmem:$0x4370] =	vst v6;
	v6 =	vmov s1  }
0x4ea: {  	[tilespmem:$0x4470] =	vst v36  }
0x4eb: {  	[tilespmem:$0x44F0] =	vst v36;
	v8 =	vmul.f32 v13, v8  }
0x4ec: {  	[tilespmem:$0x4570] =	vst v36  }
0x4ed: {  	s21 =	simm.s32 $0x0;
	[tilespmem:$0x42F0] =	vst v8  }
0x4ee: {  	v13 =	vmov s21;
	v8 =	vld.idx.msk [tilespmem:v6+s7+$0x0], $0xffff  }
0x4ef: {  	v16 =	vld.idx.msk [tilespmem:v6+s10+$0x0], $0xffff  }
0x4f0: {  	v17 =	vld.idx.msk [tilespmem:v6+s24+$0x0], $0xffff  }
0x4f1: {  	v63 =	vld.idx.msk [tilespmem:v6+s3+$0x0], $0xffff;
	_ =	sdelay $0x1  }
0x4f2: {  	[tilespmem:v13+s11+$0x0] =	vst.idx.msk $0x1, v8  }
0x4f3: {  	[tilespmem:v13+s12+$0x0] =	vst.idx.msk $0x1, v16  }
0x4f4: {  	[tilespmem:v13+s14+$0x0] =	vst.idx.msk $0x1, v17  }
0x4f5: {  	s5 =	simm.s32 $0x1;
	[tilespmem:v13+s15+$0x0] =	vst.idx.msk $0x1, v63  }
.LBB2_13:
0x4f6: {  	p1 =	sne.s32 s5, $0x63;
	[tilespmem:v6+s24+$0x0] =	vst.idx.msk $0x1, v10;
	s6 =	smov.u32 s5;
	s5 =	sadd.s32 $0x1, s5  }
0x4f7: {  	v6 =	vld [tilespmem:$0x4380];
	_ =	sdelay $0x1  }
0x4f8: {  	v8 =	vld [tilespmem:$0x4390];
	_ =	sdelay $0x1  }
0x4f9: {  	v13 =	vld [tilespmem:$0x43A0]  }
0x4fa: {  	vm4 =	vgt.f32 v6, $-3.000000010e+38  }
0x4fb: {  	v6 =	vnsel vm4, $0xFF61B1E6, v6;
	v16 =	vld [tilespmem:$0x43B0]  }
0x4fc: {  	vm5 =	vgt.f32 v8, v6  }
0x4fd: {  	v6 =	vsel vm5, v8, v6;
	v8 =	vld [tilespmem:$0x43C0]  }
0x4fe: {  	vm6 =	vgt.f32 v13, v6  }
0x4ff: {  	v6 =	vsel vm6, v13, v6;
	v13 =	vld [tilespmem:$0x43D0]  }
0x500: {  	vm7 =	vgt.f32 v16, v6  }
0x501: {  	v6 =	vsel vm7, v16, v6;
	v16 =	vld [tilespmem:$0x43E0]  }
0x502: {  	vm8 =	vgt.f32 v8, v6  }
0x503: {  	v6 =	vsel vm8, v8, v6;
	v8 =	vld [tilespmem:$0x43F0]  }
0x504: {  	vm9 =	vgt.f32 v13, v6  }
0x505: {  	v6 =	vsel vm9, v13, v6  }
0x506: {  	vm10 =	vgt.f32 v16, v6  }
0x507: {  	v6 =	vsel vm10, v16, v6  }
0x508: {  	vm11 =	vgt.f32 v8, v6  }
0x509: {  	v6 =	vsel vm11, v8, v6  }
0x50a: {  	(xrf0) =	vmax.scan.msk.f32 $0xffff, v6;
	_ =	sdelay $0x1  }
0x50b: {  	v8 =	vnsel vm4, $0x80000000, v11  }
0x50c: {  	v8 =	vsel vm5, v12, v8  }
0x50d: {  	v8 =	vsel vm6, v5, v8  }
0x50e: {  	v8 =	vsel vm7, v7, v8  }
0x50f: {  	v8 =	vsel vm8, v9, v8;
	v13, _, _ =	vpop (xrf0)  }
0x510: {  	v8 =	vsel vm9, v14, v8;
	v13 =	vbroadcast v13, $0xF  }
0x511: {  	v8 =	vsel vm10, v15, v8  }
0x512: {  	vm4 =	veq.f32 v6, v13;
	v6 =	vsel vm11, v21, v8  }
0x513: {  	v6 =	vnsel vm4, $0xC0000000, v6  }
0x514: {  	(xrf0) =	vmin.scan.msk.u32 $0xffff, v6;
	_ =	sdelay $0x5  }
0x515: {  	v6, _, _ =	vpop (xrf0)  }
0x516: {  	(v2sf) =	vpush v6, $0xF;
	_ =	sdelay $0xe  }
0x517: {  	s1 =	spop (v2sf)  }
0x518: {  	s1 =	sxor.u32 $0x80000000, s1  }
0x519: {  	v6 =	vmov s1;
	_ =	sdelay $0x4  }
0x51a: {  	v8 =	vld.idx.msk [tilespmem:v6+s7+$0x0], $0xffff  }
0x51b: {  	v16 =	vmov s6;
	v13 =	vld.idx.msk [tilespmem:v6+s10+$0x0], $0xffff  }
0x51c: {  	v17 =	vld.idx.msk [tilespmem:v6+s24+$0x0], $0xffff  }
0x51d: {  	v18 =	vld.idx.msk [tilespmem:v6+s3+$0x0], $0xffff;
	_ =	sdelay $0x1  }
.Ltmp8:
0x51e: {  	(pc) =	sbr.rel @p1 .LBB2_13-.Ltmp8, $4  }
0x51f: {  	[tilespmem:v16+s11+$0x0] =	vst.idx.msk $0x1, v8  }
0x520: {  	[tilespmem:v16+s12+$0x0] =	vst.idx.msk $0x1, v13  }
0x521: {  	[tilespmem:v16+s14+$0x0] =	vst.idx.msk $0x1, v17  }
0x522: {  	[tilespmem:v16+s15+$0x0] =	vst.idx.msk $0x1, v18  }
0x523: {  	_ =	sdelay $0x3  }
0x524: {  	[tilespmem:v6+s24+$0x0] =	vst.idx.msk $0x1, v10;
	s1 =	rddreg [dreg:$0x1];
	s5 =	simm.s32 $0x0  }
0x525: {  	[hbm4b:s1+s5] =	stream.linear.scatter [tilespmem:s11], [sflag:$0x2], $0x80, $0x38;
	[tilespmem:$0x4790] =	vst v63  }
0x526: {  	_ =	swait.ge [sflag:s22], $0x80  }
0x527: {  	[sflag:s22] =	ssyncset.done $0x0  }
0x528: {  	s19 =	rddreg [dreg:$0x8];
	[sflag:s22] =	ssyncadd.s32 $0xFFFFFF80  }
0x529: {  	[hbm4b:s19+s5] =	stream.linear.scatter [tilespmem:s12], [sflag:$0x2], $0x80, $0x38;
	[tilespmem:$0x4790] =	vst v63  }
0x52a: {  	_ =	swait.ge [sflag:s22], $0x80  }
0x52b: {  	[sflag:s22] =	ssyncset.done $0x0  }
0x52c: {  	[sflag:s22] =	ssyncadd.s32 $0xFFFFFF80  }
0x52d: {  	s20 =	rddreg [dreg:$0x2]  }
0x52e: {  	[hbm4b:s20+s5] =	stream.linear.scatter [tilespmem:s14], [sflag:$0x2], $0x80, $0x38;
	[tilespmem:$0x4790] =	vst v63  }
0x52f: {  	_ =	swait.ge [sflag:s22], $0x80  }
0x530: {  	[sflag:s22] =	ssyncset.done $0x0  }
0x531: {  	[sflag:s22] =	ssyncadd.s32 $0xFFFFFF80  }
.Ltmp9:
0x532: {  	s21 =	rddreg [dreg:$0x3];
	(pc) =	sbr.rel .LBB2_15-.Ltmp9, $4  }
0x533: {  	[hbm4b:s21+s5] =	stream.linear.scatter [tilespmem:s15], [sflag:$0x2], $0x80, $0x38;
	[tilespmem:$0x4790] =	vst v63  }
0x534: {  	_ =	swait.ge [sflag:s22], $0x80  }
0x535: {  	[sflag:s22] =	ssyncset.done $0x0  }
0x536: {  	v52 =	vimm.s32 $0x63;
	v53 =	vimm.s32 $0xE3;
	v54 =	vimm.s32 $0x163;
	s5 =	rddreg [dreg:$0x13];
	[sflag:s22] =	ssyncadd.s32 $0xFFFFFF80  }
.LBB2_16:
0x537: {  	_ =	sfence.sel $0x180000  }
0x538: {  	[bflag:$0x0] =	sbarrier.arrive $0xFFFF  }
0x539: {  	_ =	strace $0x90000047  }
0x53a: {  	s0 =	stileid.u32;
	[bflag:$0x2] =	sbarrier.arrive $0xFFFF  }
0x53b: {  	p0 =	sne.s32 s0, $0x0;
	s0 =	rddreg [dreg:$0x7]  }
0x53c: {  	s0 =	sadd.s32 @!p0 $0x100000, s0  }
0x53d: {  	[sflag:s0] =	ssyncadd.tile.s32 @!p0 $0x1;
	_ =	shalt  }
.Lfunc_end2:
_tile_overlayer_lowered:
.L_overlay_start_2:
0x53e: {  	(tag) =	ssettag $0x2  }
0x53f: {  	s0 =	rddreg [dreg:$0x0];
	s2 =	stileid.u32  }
0x540: {  	s1 =	rddreg [dreg:$0x1];
	p0 =	sne.s32 s2, $0x0  }
0x541: {  	s3 =	rddreg [dreg:$0x2];
	[bflag:$0x3] =	sbarrier.arrive $0xFFFF;
	s2 =	simm.s32 @!p0 $0x1C02  }
0x542: {  	[timem:s3], [sflag:s2] =	dma.local @!p0 [hbm:s0], s1  }
0x543: {  	s0 =	simm.s32 @!p0 $0x2  }
0x544: {  	_ =	swait.ge @!p0 [sflag:s0], s1  }
0x545: {  	s1 =	ssub.s32 @!p0 $0x0, s1;
	[sflag:s0] =	ssyncset.done @!p0 $0x0  }
0x546: {  	[sflag:s0] =	ssyncadd.s32 @!p0 s1  }
0x547: {  	[bflag:$0x3] =	sbarrier.arrive $0xFFFF  }
0x548: {  	_ =	shalt  }

</sc_bundles>
